<compile_context>
chip_gen: v7x
topology: tpu7x:2x2x1
jax: 0.10.2.dev20260603
libtpu: 0.0.44.dev20260713+nightly
codegen_flags: <defaults>
</compile_context>

<pallas_src>
import functools

import jax
import jax.numpy as jnp
from jax import lax
from jax.experimental import pallas as pl
from jax.experimental.pallas import tpu as pltpu
from jax.experimental.pallas import tpu_sc as plsc

D = 64
DP = 128
SCALE = 8.0
NC = 2
NS = 16
NW = NC * NS
NBUF = 8
AHEAD = 6
CH = 128
NQ = 4


@functools.lru_cache(maxsize=None)
def _make(S: int, L: int, V: int):
    LP = -(-L // 8) * 8
    SPW = S // NW
    G = SPW // 2
    W = 2 * LP
    GQ = G // NQ
    assert S % (2 * NW) == 0 and W <= CH and GQ % NBUF == 0
    mesh = plsc.VectorSubcoreMesh(core_axis_name="c", subcore_axis_name="s")

    @functools.partial(
        pl.kernel,
        mesh=mesh,
        out_type=jax.ShapeDtypeStruct((S * LP, DP), jnp.float32),
        compiler_params=pltpu.CompilerParams(use_tc_tiling_on_sc=False),
        scratch_types=[
            pltpu.VMEM((GQ, CH), jnp.int32),
            *[pltpu.VMEM((W, DP), jnp.float32) for _ in range(NBUF)],
            *[pltpu.SemaphoreType.DMA for _ in range(2 * NBUF)],
        ],
    )
    def emb(x_hbm, lut_hbm, out_hbm, idx_v, *bs):
        bufs, gsem, ssem = bs[:NBUF], bs[NBUF:2 * NBUF], bs[2 * NBUF:]
        wid = lax.axis_index("s") * NC + lax.axis_index("c")
        base = wid * SPW * LP

        def start_gather(q, c, b):
            pltpu.async_copy(lut_hbm.at[idx_v.at[c, pl.ds(0, W)]], bufs[b],
                             gsem[b])

        def wait_gather(q, c, b):
            pltpu.make_async_copy(lut_hbm.at[idx_v.at[c, pl.ds(0, W)]],
                                  bufs[b], gsem[b]).wait()

        def start_scatter(q, c, b):
            pltpu.async_copy(
                bufs[b], out_hbm.at[pl.ds(base + (q * GQ + c) * W, W)],
                ssem[b])

        def wait_scatter(q, c, b):
            pltpu.make_async_copy(
                bufs[b], out_hbm.at[pl.ds(base + (q * GQ + c) * W, W)],
                ssem[b]).wait()

        for q in range(NQ):
            pltpu.sync_copy(x_hbm.at[wid, pl.ds(q * GQ, GQ)], idx_v)
            for c in range(AHEAD):
                start_gather(q, c, c)

            def body(i, carry, q=q):
                for b in range(NBUF):
                    c = i * NBUF + b
                    bn = (b + AHEAD) % NBUF
                    pl.when(c >= 2)(lambda: wait_scatter(q, c - 2, bn))
                    pl.when(c + AHEAD < GQ)(
                        lambda: start_gather(q, c + AHEAD, bn))
                    wait_gather(q, c, b)
                    start_scatter(q, c, b)
                return carry

            lax.fori_loop(0, GQ // NBUF, body, 0)

            for c in range(GQ - 2, GQ):
                wait_scatter(q, c, c % NBUF)

    return emb


def kernel(x, lut):
    S, L = x.shape
    V = lut.shape[0]
    LP = -(-L // 8) * 8
    lutp = jnp.pad(lut, ((0, 0), (0, DP - lut.shape[1]))) * SCALE
    x3 = jnp.pad(x.astype(jnp.int32).reshape(NW, S // NW, L),
                 ((0, 0), (0, 0), (0, LP - L)), mode="edge")
    x3 = x3.reshape(NW, S // NW // 2, 2 * LP)
    x3 = jnp.pad(x3, ((0, 0), (0, 0), (0, CH - 2 * LP)), mode="edge")
    out = _make(S, L, V)(x3, lutp)
    return out.reshape(S, LP, DP)[:, :L, :D]

# --- scband reference (transcript-rebuilt; emitter-appended) ---
"""Pipeline reference for scband-embeddings-53154515256250 (READ-ONLY COPY).

The authoritative reference and input builder live on the scoring server;
editing this copy changes nothing except your own understanding.
"""

import math
import jax, jax.numpy as jnp
import numpy as np

MODEL_DIM = 64
VOCAB = 1000000

def setup_inputs(seed: int = 0) -> dict:
    key = jax.random.key(seed)
    k1, k2 = jax.random.split(key)
    x = jax.random.randint(k1, (16384, 50), 0, VOCAB, dtype=jnp.int64 if jax.config.jax_enable_x64 else jnp.int32)
    lut = jax.random.normal(k2, (VOCAB, MODEL_DIM), dtype=jnp.float32)
    return {"x": x, "lut": lut}

def reference(x, lut):
    # Embeddings.forward: self.lut(x) * sqrt(model_dimension)
    emb = jnp.take(lut, x, axis=0)
    return emb * math.sqrt(MODEL_DIM)

if __name__ == "__main__":
    import jax
    _d = setup_inputs()
    print(jax.jit(kernel)(*tuple(_d.values())))

</pallas_src>

<mosaic_0001>
#map = affine_map<(d0, d1) -> (0, 0, 0)>
#map1 = affine_map<(d0, d1) -> (0, 0)>
module attributes {stable_mosaic.version = 14 : i64} {
  func.func @emb(%arg0: i32, %arg1: i32, %arg2: memref<32x256x128xi32, #tpu.memory_space<hbm>>, %arg3: memref<1000000x128xf32, #tpu.memory_space<hbm>>, %arg4: memref<917504x128xf32, #tpu.memory_space<hbm>>, %arg5: memref<64x128xi32, #tpu.memory_space<vmem>>, %arg6: memref<112x128xf32, #tpu.memory_space<vmem>>, %arg7: memref<112x128xf32, #tpu.memory_space<vmem>>, %arg8: memref<112x128xf32, #tpu.memory_space<vmem>>, %arg9: memref<112x128xf32, #tpu.memory_space<vmem>>, %arg10: memref<112x128xf32, #tpu.memory_space<vmem>>, %arg11: memref<112x128xf32, #tpu.memory_space<vmem>>, %arg12: memref<112x128xf32, #tpu.memory_space<vmem>>, %arg13: memref<112x128xf32, #tpu.memory_space<vmem>>, %arg14: memref<!tpu.dma_semaphore, #tpu.memory_space<semaphore_mem>>, %arg15: memref<!tpu.dma_semaphore, #tpu.memory_space<semaphore_mem>>, %arg16: memref<!tpu.dma_semaphore, #tpu.memory_space<semaphore_mem>>, %arg17: memref<!tpu.dma_semaphore, #tpu.memory_space<semaphore_mem>>, %arg18: memref<!tpu.dma_semaphore, #tpu.memory_space<semaphore_mem>>, %arg19: memref<!tpu.dma_semaphore, #tpu.memory_space<semaphore_mem>>, %arg20: memref<!tpu.dma_semaphore, #tpu.memory_space<semaphore_mem>>, %arg21: memref<!tpu.dma_semaphore, #tpu.memory_space<semaphore_mem>>, %arg22: memref<!tpu.dma_semaphore, #tpu.memory_space<semaphore_mem>>, %arg23: memref<!tpu.dma_semaphore, #tpu.memory_space<semaphore_mem>>, %arg24: memref<!tpu.dma_semaphore, #tpu.memory_space<semaphore_mem>>, %arg25: memref<!tpu.dma_semaphore, #tpu.memory_space<semaphore_mem>>, %arg26: memref<!tpu.dma_semaphore, #tpu.memory_space<semaphore_mem>>, %arg27: memref<!tpu.dma_semaphore, #tpu.memory_space<semaphore_mem>>, %arg28: memref<!tpu.dma_semaphore, #tpu.memory_space<semaphore_mem>>, %arg29: memref<!tpu.dma_semaphore, #tpu.memory_space<semaphore_mem>>) attributes {dimension_semantics = [#tpu.dimension_semantics<core_parallel>, #tpu.dimension_semantics<subcore_parallel>], iteration_bounds = array<i64: 2, 16>, scalar_prefetch = 0 : i64, scratch_operands = 25 : i64, tpu.core_type = #tpu.core_type<sc_vector_subcore>, window_params = [{transform_indices = #map}, {transform_indices = #map1}, {transform_indices = #map1}]} {
    %mul3A = arith.constant 2 : i32
    %mul3A_0 = arith.muli %arg1, %mul3A : i32
    %add3A = arith.addi %mul3A_0, %arg0 : i32
    %mul3A_1 = arith.constant 512 : i32
    %mul3A_2 = arith.muli %add3A, %mul3A_1 : i32
    %mul3A_3 = arith.constant 56 : i32
    %mul3A_4 = arith.muli %mul3A_2, %mul3A_3 : i32
    "tpu.region"() ({
      %run_scoped3A = tpu.sem_alloc : memref<!tpu.dma_semaphore, #tpu.memory_space<semaphore_mem>>
      %dma_start3A_242 = arith.constant 0 : i32
      %dma_start3A_243 = arith.constant 0 : i32
      %dma_start3A_244 = tpu.memref_slice %arg2[%add3A, %dma_start3A_242, %dma_start3A_243] : memref<32x256x128xi32, #tpu.memory_space<hbm>> -> memref<1x64x128xi32, #tpu.memory_space<hbm>>
      %dma_start3A_245 = tpu.memref_squeeze %dma_start3A_244 : memref<1x64x128xi32, #tpu.memory_space<hbm>> -> memref<64x128xi32, #tpu.memory_space<hbm>>
      %dma_start3A_246 = arith.constant 0 : i32
      %dma_start3A_247 = arith.constant 0 : i32
      %dma_start3A_248 = tpu.memref_slice %arg2[%add3A, %dma_start3A_246, %dma_start3A_247] : memref<32x256x128xi32, #tpu.memory_space<hbm>> -> memref<1x64x128xi32, #tpu.memory_space<hbm>>
      %dma_start3A_249 = tpu.memref_squeeze %dma_start3A_248 : memref<1x64x128xi32, #tpu.memory_space<hbm>> -> memref<64x128xi32, #tpu.memory_space<hbm>>
      tpu.enqueue_dma source(%dma_start3A_249 : memref<64x128xi32, #tpu.memory_space<hbm>>) target(%arg5 : memref<64x128xi32, #tpu.memory_space<vmem>>) target_semaphore(%run_scoped3A : memref<!tpu.dma_semaphore, #tpu.memory_space<semaphore_mem>>)
      %dma_wait3A_250 = arith.constant 0 : i32
      %dma_wait3A_251 = arith.constant 0 : i32
      %dma_wait3A_252 = tpu.memref_slice %arg2[%add3A, %dma_wait3A_250, %dma_wait3A_251] : memref<32x256x128xi32, #tpu.memory_space<hbm>> -> memref<1x64x128xi32, #tpu.memory_space<hbm>>
      %dma_wait3A_253 = tpu.memref_squeeze %dma_wait3A_252 : memref<1x64x128xi32, #tpu.memory_space<hbm>> -> memref<64x128xi32, #tpu.memory_space<hbm>>
      %dma_wait3A_254 = arith.constant 0 : i32
      %dma_wait3A_255 = arith.constant 0 : i32
      %dma_wait3A_256 = tpu.memref_slice %arg2[%add3A, %dma_wait3A_254, %dma_wait3A_255] : memref<32x256x128xi32, #tpu.memory_space<hbm>> -> memref<1x64x128xi32, #tpu.memory_space<hbm>>
      %dma_wait3A_257 = tpu.memref_squeeze %dma_wait3A_256 : memref<1x64x128xi32, #tpu.memory_space<hbm>> -> memref<64x128xi32, #tpu.memory_space<hbm>>
      tpu.wait_dma2 semaphore(%run_scoped3A : memref<!tpu.dma_semaphore, #tpu.memory_space<semaphore_mem>>) src(%dma_wait3A_257 : memref<64x128xi32, #tpu.memory_space<hbm>>) dst(%arg5 : memref<64x128xi32, #tpu.memory_space<vmem>>)
      tpu.yield
    }) : () -> ()
    %dma_start3A = arith.constant 0 : i32
    %dma_start3A_5 = arith.constant 0 : i32
    %dma_start3A_6 = tpu.memref_slice %arg5[%dma_start3A, %dma_start3A_5] : memref<64x128xi32, #tpu.memory_space<vmem>> -> memref<1x112xi32, #tpu.memory_space<vmem>>
    %dma_start3A_7 = tpu.memref_squeeze %dma_start3A_6 : memref<1x112xi32, #tpu.memory_space<vmem>> -> memref<112xi32, #tpu.memory_space<vmem>>
    %dma_start3A_8 = arith.constant 0 : i32
    %dma_start3A_9 = arith.constant 0 : i32
    %dma_start3A_10 = tpu.memref_slice %arg3[%dma_start3A_8, %dma_start3A_9] : memref<1000000x128xf32, #tpu.memory_space<hbm>> -> memref<1000000x128xf32, #tpu.memory_space<hbm>>
    tpu.enqueue_indirect_dma source(%dma_start3A_10 : memref<1000000x128xf32, #tpu.memory_space<hbm>>) target(%arg6 : memref<112x128xf32, #tpu.memory_space<vmem>>) offsets(%dma_start3A_7 : memref<112xi32, #tpu.memory_space<vmem>>) semaphore(%arg14 : memref<!tpu.dma_semaphore, #tpu.memory_space<semaphore_mem>>)
    %dma_start3A_11 = arith.constant 1 : i32
    %dma_start3A_12 = arith.constant 0 : i32
    %dma_start3A_13 = tpu.memref_slice %arg5[%dma_start3A_11, %dma_start3A_12] : memref<64x128xi32, #tpu.memory_space<vmem>> -> memref<1x112xi32, #tpu.memory_space<vmem>>
    %dma_start3A_14 = tpu.memref_squeeze %dma_start3A_13 : memref<1x112xi32, #tpu.memory_space<vmem>> -> memref<112xi32, #tpu.memory_space<vmem>>
    %dma_start3A_15 = arith.constant 0 : i32
    %dma_start3A_16 = arith.constant 0 : i32
    %dma_start3A_17 = tpu.memref_slice %arg3[%dma_start3A_15, %dma_start3A_16] : memref<1000000x128xf32, #tpu.memory_space<hbm>> -> memref<1000000x128xf32, #tpu.memory_space<hbm>>
    tpu.enqueue_indirect_dma source(%dma_start3A_17 : memref<1000000x128xf32, #tpu.memory_space<hbm>>) target(%arg7 : memref<112x128xf32, #tpu.memory_space<vmem>>) offsets(%dma_start3A_14 : memref<112xi32, #tpu.memory_space<vmem>>) semaphore(%arg15 : memref<!tpu.dma_semaphore, #tpu.memory_space<semaphore_mem>>)
    %dma_start3A_18 = arith.constant 2 : i32
    %dma_start3A_19 = arith.constant 0 : i32
    %dma_start3A_20 = tpu.memref_slice %arg5[%dma_start3A_18, %dma_start3A_19] : memref<64x128xi32, #tpu.memory_space<vmem>> -> memref<1x112xi32, #tpu.memory_space<vmem>>
    %dma_start3A_21 = tpu.memref_squeeze %dma_start3A_20 : memref<1x112xi32, #tpu.memory_space<vmem>> -> memref<112xi32, #tpu.memory_space<vmem>>
    %dma_start3A_22 = arith.constant 0 : i32
    %dma_start3A_23 = arith.constant 0 : i32
    %dma_start3A_24 = tpu.memref_slice %arg3[%dma_start3A_22, %dma_start3A_23] : memref<1000000x128xf32, #tpu.memory_space<hbm>> -> memref<1000000x128xf32, #tpu.memory_space<hbm>>
    tpu.enqueue_indirect_dma source(%dma_start3A_24 : memref<1000000x128xf32, #tpu.memory_space<hbm>>) target(%arg8 : memref<112x128xf32, #tpu.memory_space<vmem>>) offsets(%dma_start3A_21 : memref<112xi32, #tpu.memory_space<vmem>>) semaphore(%arg16 : memref<!tpu.dma_semaphore, #tpu.memory_space<semaphore_mem>>)
    %dma_start3A_25 = arith.constant 3 : i32
    %dma_start3A_26 = arith.constant 0 : i32
    %dma_start3A_27 = tpu.memref_slice %arg5[%dma_start3A_25, %dma_start3A_26] : memref<64x128xi32, #tpu.memory_space<vmem>> -> memref<1x112xi32, #tpu.memory_space<vmem>>
    %dma_start3A_28 = tpu.memref_squeeze %dma_start3A_27 : memref<1x112xi32, #tpu.memory_space<vmem>> -> memref<112xi32, #tpu.memory_space<vmem>>
    %dma_start3A_29 = arith.constant 0 : i32
    %dma_start3A_30 = arith.constant 0 : i32
    %dma_start3A_31 = tpu.memref_slice %arg3[%dma_start3A_29, %dma_start3A_30] : memref<1000000x128xf32, #tpu.memory_space<hbm>> -> memref<1000000x128xf32, #tpu.memory_space<hbm>>
    tpu.enqueue_indirect_dma source(%dma_start3A_31 : memref<1000000x128xf32, #tpu.memory_space<hbm>>) target(%arg9 : memref<112x128xf32, #tpu.memory_space<vmem>>) offsets(%dma_start3A_28 : memref<112xi32, #tpu.memory_space<vmem>>) semaphore(%arg17 : memref<!tpu.dma_semaphore, #tpu.memory_space<semaphore_mem>>)
    %dma_start3A_32 = arith.constant 4 : i32
    %dma_start3A_33 = arith.constant 0 : i32
    %dma_start3A_34 = tpu.memref_slice %arg5[%dma_start3A_32, %dma_start3A_33] : memref<64x128xi32, #tpu.memory_space<vmem>> -> memref<1x112xi32, #tpu.memory_space<vmem>>
    %dma_start3A_35 = tpu.memref_squeeze %dma_start3A_34 : memref<1x112xi32, #tpu.memory_space<vmem>> -> memref<112xi32, #tpu.memory_space<vmem>>
    %dma_start3A_36 = arith.constant 0 : i32
    %dma_start3A_37 = arith.constant 0 : i32
    %dma_start3A_38 = tpu.memref_slice %arg3[%dma_start3A_36, %dma_start3A_37] : memref<1000000x128xf32, #tpu.memory_space<hbm>> -> memref<1000000x128xf32, #tpu.memory_space<hbm>>
    tpu.enqueue_indirect_dma source(%dma_start3A_38 : memref<1000000x128xf32, #tpu.memory_space<hbm>>) target(%arg10 : memref<112x128xf32, #tpu.memory_space<vmem>>) offsets(%dma_start3A_35 : memref<112xi32, #tpu.memory_space<vmem>>) semaphore(%arg18 : memref<!tpu.dma_semaphore, #tpu.memory_space<semaphore_mem>>)
    %dma_start3A_39 = arith.constant 5 : i32
    %dma_start3A_40 = arith.constant 0 : i32
    %dma_start3A_41 = tpu.memref_slice %arg5[%dma_start3A_39, %dma_start3A_40] : memref<64x128xi32, #tpu.memory_space<vmem>> -> memref<1x112xi32, #tpu.memory_space<vmem>>
    %dma_start3A_42 = tpu.memref_squeeze %dma_start3A_41 : memref<1x112xi32, #tpu.memory_space<vmem>> -> memref<112xi32, #tpu.memory_space<vmem>>
    %dma_start3A_43 = arith.constant 0 : i32
    %dma_start3A_44 = arith.constant 0 : i32
    %dma_start3A_45 = tpu.memref_slice %arg3[%dma_start3A_43, %dma_start3A_44] : memref<1000000x128xf32, #tpu.memory_space<hbm>> -> memref<1000000x128xf32, #tpu.memory_space<hbm>>
    tpu.enqueue_indirect_dma source(%dma_start3A_45 : memref<1000000x128xf32, #tpu.memory_space<hbm>>) target(%arg11 : memref<112x128xf32, #tpu.memory_space<vmem>>) offsets(%dma_start3A_42 : memref<112xi32, #tpu.memory_space<vmem>>) semaphore(%arg19 : memref<!tpu.dma_semaphore, #tpu.memory_space<semaphore_mem>>)
    %scan3A = arith.constant 0 : i32
    %scan3A_46 = arith.constant 0 : i32
    %scan3A_47 = arith.constant 8 : i32
    %scan3A_48 = arith.addi %scan3A_46, %scan3A_47 : i32
    %scan3A_49 = arith.constant 1 : i32
    scf.for %scan3A_242 = %scan3A_46 to %scan3A_48 step %scan3A_49  : i32 {
      %mul3A_243 = arith.constant 8 : i32
      %mul3A_244 = arith.muli %scan3A_242, %mul3A_243 : i32
      %add3A_245 = arith.constant 0 : i32
      %add3A_246 = arith.addi %mul3A_244, %add3A_245 : i32
      %ge3A = arith.constant 2 : i32
      %ge3A_247 = arith.cmpi sge, %add3A_246, %ge3A : i32
      %convert_element_type3A = arith.extui %ge3A_247 : i1 to i32
      %cond3A = arith.constant 0 : i32
      %cond3A_248 = arith.cmpi ne, %convert_element_type3A, %cond3A : i32
      scf.if %cond3A_248 {
        %sub3A = arith.constant 2 : i32
        %sub3A_487 = arith.subi %add3A_246, %sub3A : i32
        %add3A_488 = arith.constant 0 : i32
        %add3A_489 = arith.addi %add3A_488, %sub3A_487 : i32
        %mul3A_490 = arith.constant 112 : i32
        %mul3A_491 = arith.muli %add3A_489, %mul3A_490 : i32
        %add3A_492 = arith.addi %mul3A_4, %mul3A_491 : i32
        %dma_wait3A_493 = arith.constant 0 : i32
        %dma_wait3A_494 = tpu.memref_slice %arg4[%add3A_492, %dma_wait3A_493] : memref<917504x128xf32, #tpu.memory_space<hbm>> -> memref<112x128xf32, #tpu.memory_space<hbm>>
        %dma_wait3A_495 = arith.constant 0 : i32
        %dma_wait3A_496 = tpu.memref_slice %arg4[%add3A_492, %dma_wait3A_495] : memref<917504x128xf32, #tpu.memory_space<hbm>> -> memref<112x128xf32, #tpu.memory_space<hbm>>
        tpu.wait_dma2 semaphore(%arg28 : memref<!tpu.dma_semaphore, #tpu.memory_space<semaphore_mem>>) src(%arg12 : memref<112x128xf32, #tpu.memory_space<vmem>>) dst(%dma_wait3A_496 : memref<112x128xf32, #tpu.memory_space<hbm>>)
      } else {
      }
      %add3A_249 = arith.constant 6 : i32
      %add3A_250 = arith.addi %add3A_246, %add3A_249 : i32
      %lt3A = arith.constant 64 : i32
      %lt3A_251 = arith.cmpi slt, %add3A_250, %lt3A : i32
      %convert_element_type3A_252 = arith.extui %lt3A_251 : i1 to i32
      %cond3A_253 = arith.constant 0 : i32
      %cond3A_254 = arith.cmpi ne, %convert_element_type3A_252, %cond3A_253 : i32
      scf.if %cond3A_254 {
        %add3A_487 = arith.constant 6 : i32
        %add3A_488 = arith.addi %add3A_246, %add3A_487 : i32
        %dma_start3A_489 = arith.constant 0 : i32
        %dma_start3A_490 = tpu.memref_slice %arg5[%add3A_488, %dma_start3A_489] : memref<64x128xi32, #tpu.memory_space<vmem>> -> memref<1x112xi32, #tpu.memory_space<vmem>>
        %dma_start3A_491 = tpu.memref_squeeze %dma_start3A_490 : memref<1x112xi32, #tpu.memory_space<vmem>> -> memref<112xi32, #tpu.memory_space<vmem>>
        %dma_start3A_492 = arith.constant 0 : i32
        %dma_start3A_493 = arith.constant 0 : i32
        %dma_start3A_494 = tpu.memref_slice %arg3[%dma_start3A_492, %dma_start3A_493] : memref<1000000x128xf32, #tpu.memory_space<hbm>> -> memref<1000000x128xf32, #tpu.memory_space<hbm>>
        tpu.enqueue_indirect_dma source(%dma_start3A_494 : memref<1000000x128xf32, #tpu.memory_space<hbm>>) target(%arg12 : memref<112x128xf32, #tpu.memory_space<vmem>>) offsets(%dma_start3A_491 : memref<112xi32, #tpu.memory_space<vmem>>) semaphore(%arg20 : memref<!tpu.dma_semaphore, #tpu.memory_space<semaphore_mem>>)
      } else {
      }
      %dma_wait3A_255 = arith.constant 0 : i32
      %dma_wait3A_256 = tpu.memref_slice %arg5[%add3A_246, %dma_wait3A_255] : memref<64x128xi32, #tpu.memory_space<vmem>> -> memref<1x112xi32, #tpu.memory_space<vmem>>
      %dma_wait3A_257 = tpu.memref_squeeze %dma_wait3A_256 : memref<1x112xi32, #tpu.memory_space<vmem>> -> memref<112xi32, #tpu.memory_space<vmem>>
      %dma_wait3A_258 = arith.constant 0 : i32
      %dma_wait3A_259 = arith.constant 0 : i32
      %dma_wait3A_260 = tpu.memref_slice %arg3[%dma_wait3A_258, %dma_wait3A_259] : memref<1000000x128xf32, #tpu.memory_space<hbm>> -> memref<1000000x128xf32, #tpu.memory_space<hbm>>
      tpu.wait_indirect_dma semaphore(%arg14 : memref<!tpu.dma_semaphore, #tpu.memory_space<semaphore_mem>>) src(%dma_wait3A_260 : memref<1000000x128xf32, #tpu.memory_space<hbm>>) dst(%arg6 : memref<112x128xf32, #tpu.memory_space<vmem>>)
      %add3A_261 = arith.constant 0 : i32
      %add3A_262 = arith.addi %add3A_261, %add3A_246 : i32
      %mul3A_263 = arith.constant 112 : i32
      %mul3A_264 = arith.muli %add3A_262, %mul3A_263 : i32
      %add3A_265 = arith.addi %mul3A_4, %mul3A_264 : i32
      %dma_start3A_266 = arith.constant 0 : i32
      %dma_start3A_267 = tpu.memref_slice %arg4[%add3A_265, %dma_start3A_266] : memref<917504x128xf32, #tpu.memory_space<hbm>> -> memref<112x128xf32, #tpu.memory_space<hbm>>
      %dma_start3A_268 = arith.constant 0 : i32
      %dma_start3A_269 = tpu.memref_slice %arg4[%add3A_265, %dma_start3A_268] : memref<917504x128xf32, #tpu.memory_space<hbm>> -> memref<112x128xf32, #tpu.memory_space<hbm>>
      tpu.enqueue_dma source(%arg6 : memref<112x128xf32, #tpu.memory_space<vmem>>) target(%dma_start3A_269 : memref<112x128xf32, #tpu.memory_space<hbm>>) target_semaphore(%arg22 : memref<!tpu.dma_semaphore, #tpu.memory_space<semaphore_mem>>)
      %mul3A_270 = arith.constant 8 : i32
      %mul3A_271 = arith.muli %scan3A_242, %mul3A_270 : i32
      %add3A_272 = arith.constant 1 : i32
      %add3A_273 = arith.addi %mul3A_271, %add3A_272 : i32
      %ge3A_274 = arith.constant 2 : i32
      %ge3A_275 = arith.cmpi sge, %add3A_273, %ge3A_274 : i32
      %convert_element_type3A_276 = arith.extui %ge3A_275 : i1 to i32
      %cond3A_277 = arith.constant 0 : i32
      %cond3A_278 = arith.cmpi ne, %convert_element_type3A_276, %cond3A_277 : i32
      scf.if %cond3A_278 {
        %sub3A = arith.constant 2 : i32
        %sub3A_487 = arith.subi %add3A_273, %sub3A : i32
        %add3A_488 = arith.constant 0 : i32
        %add3A_489 = arith.addi %add3A_488, %sub3A_487 : i32
        %mul3A_490 = arith.constant 112 : i32
        %mul3A_491 = arith.muli %add3A_489, %mul3A_490 : i32
        %add3A_492 = arith.addi %mul3A_4, %mul3A_491 : i32
        %dma_wait3A_493 = arith.constant 0 : i32
        %dma_wait3A_494 = tpu.memref_slice %arg4[%add3A_492, %dma_wait3A_493] : memref<917504x128xf32, #tpu.memory_space<hbm>> -> memref<112x128xf32, #tpu.memory_space<hbm>>
        %dma_wait3A_495 = arith.constant 0 : i32
        %dma_wait3A_496 = tpu.memref_slice %arg4[%add3A_492, %dma_wait3A_495] : memref<917504x128xf32, #tpu.memory_space<hbm>> -> memref<112x128xf32, #tpu.memory_space<hbm>>
        tpu.wait_dma2 semaphore(%arg29 : memref<!tpu.dma_semaphore, #tpu.memory_space<semaphore_mem>>) src(%arg13 : memref<112x128xf32, #tpu.memory_space<vmem>>) dst(%dma_wait3A_496 : memref<112x128xf32, #tpu.memory_space<hbm>>)
      } else {
      }
      %add3A_279 = arith.constant 6 : i32
      %add3A_280 = arith.addi %add3A_273, %add3A_279 : i32
      %lt3A_281 = arith.constant 64 : i32
      %lt3A_282 = arith.cmpi slt, %add3A_280, %lt3A_281 : i32
      %convert_element_type3A_283 = arith.extui %lt3A_282 : i1 to i32
      %cond3A_284 = arith.constant 0 : i32
      %cond3A_285 = arith.cmpi ne, %convert_element_type3A_283, %cond3A_284 : i32
      scf.if %cond3A_285 {
        %add3A_487 = arith.constant 6 : i32
        %add3A_488 = arith.addi %add3A_273, %add3A_487 : i32
        %dma_start3A_489 = arith.constant 0 : i32
        %dma_start3A_490 = tpu.memref_slice %arg5[%add3A_488, %dma_start3A_489] : memref<64x128xi32, #tpu.memory_space<vmem>> -> memref<1x112xi32, #tpu.memory_space<vmem>>
        %dma_start3A_491 = tpu.memref_squeeze %dma_start3A_490 : memref<1x112xi32, #tpu.memory_space<vmem>> -> memref<112xi32, #tpu.memory_space<vmem>>
        %dma_start3A_492 = arith.constant 0 : i32
        %dma_start3A_493 = arith.constant 0 : i32
        %dma_start3A_494 = tpu.memref_slice %arg3[%dma_start3A_492, %dma_start3A_493] : memref<1000000x128xf32, #tpu.memory_space<hbm>> -> memref<1000000x128xf32, #tpu.memory_space<hbm>>
        tpu.enqueue_indirect_dma source(%dma_start3A_494 : memref<1000000x128xf32, #tpu.memory_space<hbm>>) target(%arg13 : memref<112x128xf32, #tpu.memory_space<vmem>>) offsets(%dma_start3A_491 : memref<112xi32, #tpu.memory_space<vmem>>) semaphore(%arg21 : memref<!tpu.dma_semaphore, #tpu.memory_space<semaphore_mem>>)
      } else {
      }
      %dma_wait3A_286 = arith.constant 0 : i32
      %dma_wait3A_287 = tpu.memref_slice %arg5[%add3A_273, %dma_wait3A_286] : memref<64x128xi32, #tpu.memory_space<vmem>> -> memref<1x112xi32, #tpu.memory_space<vmem>>
      %dma_wait3A_288 = tpu.memref_squeeze %dma_wait3A_287 : memref<1x112xi32, #tpu.memory_space<vmem>> -> memref<112xi32, #tpu.memory_space<vmem>>
      %dma_wait3A_289 = arith.constant 0 : i32
      %dma_wait3A_290 = arith.constant 0 : i32
      %dma_wait3A_291 = tpu.memref_slice %arg3[%dma_wait3A_289, %dma_wait3A_290] : memref<1000000x128xf32, #tpu.memory_space<hbm>> -> memref<1000000x128xf32, #tpu.memory_space<hbm>>
      tpu.wait_indirect_dma semaphore(%arg15 : memref<!tpu.dma_semaphore, #tpu.memory_space<semaphore_mem>>) src(%dma_wait3A_291 : memref<1000000x128xf32, #tpu.memory_space<hbm>>) dst(%arg7 : memref<112x128xf32, #tpu.memory_space<vmem>>)
      %add3A_292 = arith.constant 0 : i32
      %add3A_293 = arith.addi %add3A_292, %add3A_273 : i32
      %mul3A_294 = arith.constant 112 : i32
      %mul3A_295 = arith.muli %add3A_293, %mul3A_294 : i32
      %add3A_296 = arith.addi %mul3A_4, %mul3A_295 : i32
      %dma_start3A_297 = arith.constant 0 : i32
      %dma_start3A_298 = tpu.memref_slice %arg4[%add3A_296, %dma_start3A_297] : memref<917504x128xf32, #tpu.memory_space<hbm>> -> memref<112x128xf32, #tpu.memory_space<hbm>>
      %dma_start3A_299 = arith.constant 0 : i32
      %dma_start3A_300 = tpu.memref_slice %arg4[%add3A_296, %dma_start3A_299] : memref<917504x128xf32, #tpu.memory_space<hbm>> -> memref<112x128xf32, #tpu.memory_space<hbm>>
      tpu.enqueue_dma source(%arg7 : memref<112x128xf32, #tpu.memory_space<vmem>>) target(%dma_start3A_300 : memref<112x128xf32, #tpu.memory_space<hbm>>) target_semaphore(%arg23 : memref<!tpu.dma_semaphore, #tpu.memory_space<semaphore_mem>>)
      %mul3A_301 = arith.constant 8 : i32
      %mul3A_302 = arith.muli %scan3A_242, %mul3A_301 : i32
      %add3A_303 = arith.constant 2 : i32
      %add3A_304 = arith.addi %mul3A_302, %add3A_303 : i32
      %ge3A_305 = arith.constant 2 : i32
      %ge3A_306 = arith.cmpi sge, %add3A_304, %ge3A_305 : i32
      %convert_element_type3A_307 = arith.extui %ge3A_306 : i1 to i32
      %cond3A_308 = arith.constant 0 : i32
      %cond3A_309 = arith.cmpi ne, %convert_element_type3A_307, %cond3A_308 : i32
      scf.if %cond3A_309 {
        %sub3A = arith.constant 2 : i32
        %sub3A_487 = arith.subi %add3A_304, %sub3A : i32
        %add3A_488 = arith.constant 0 : i32
        %add3A_489 = arith.addi %add3A_488, %sub3A_487 : i32
        %mul3A_490 = arith.constant 112 : i32
        %mul3A_491 = arith.muli %add3A_489, %mul3A_490 : i32
        %add3A_492 = arith.addi %mul3A_4, %mul3A_491 : i32
        %dma_wait3A_493 = arith.constant 0 : i32
        %dma_wait3A_494 = tpu.memref_slice %arg4[%add3A_492, %dma_wait3A_493] : memref<917504x128xf32, #tpu.memory_space<hbm>> -> memref<112x128xf32, #tpu.memory_space<hbm>>
        %dma_wait3A_495 = arith.constant 0 : i32
        %dma_wait3A_496 = tpu.memref_slice %arg4[%add3A_492, %dma_wait3A_495] : memref<917504x128xf32, #tpu.memory_space<hbm>> -> memref<112x128xf32, #tpu.memory_space<hbm>>
        tpu.wait_dma2 semaphore(%arg22 : memref<!tpu.dma_semaphore, #tpu.memory_space<semaphore_mem>>) src(%arg6 : memref<112x128xf32, #tpu.memory_space<vmem>>) dst(%dma_wait3A_496 : memref<112x128xf32, #tpu.memory_space<hbm>>)
      } else {
      }
      %add3A_310 = arith.constant 6 : i32
      %add3A_311 = arith.addi %add3A_304, %add3A_310 : i32
      %lt3A_312 = arith.constant 64 : i32
      %lt3A_313 = arith.cmpi slt, %add3A_311, %lt3A_312 : i32
      %convert_element_type3A_314 = arith.extui %lt3A_313 : i1 to i32
      %cond3A_315 = arith.constant 0 : i32
      %cond3A_316 = arith.cmpi ne, %convert_element_type3A_314, %cond3A_315 : i32
      scf.if %cond3A_316 {
        %add3A_487 = arith.constant 6 : i32
        %add3A_488 = arith.addi %add3A_304, %add3A_487 : i32
        %dma_start3A_489 = arith.constant 0 : i32
        %dma_start3A_490 = tpu.memref_slice %arg5[%add3A_488, %dma_start3A_489] : memref<64x128xi32, #tpu.memory_space<vmem>> -> memref<1x112xi32, #tpu.memory_space<vmem>>
        %dma_start3A_491 = tpu.memref_squeeze %dma_start3A_490 : memref<1x112xi32, #tpu.memory_space<vmem>> -> memref<112xi32, #tpu.memory_space<vmem>>
        %dma_start3A_492 = arith.constant 0 : i32
        %dma_start3A_493 = arith.constant 0 : i32
        %dma_start3A_494 = tpu.memref_slice %arg3[%dma_start3A_492, %dma_start3A_493] : memref<1000000x128xf32, #tpu.memory_space<hbm>> -> memref<1000000x128xf32, #tpu.memory_space<hbm>>
        tpu.enqueue_indirect_dma source(%dma_start3A_494 : memref<1000000x128xf32, #tpu.memory_space<hbm>>) target(%arg6 : memref<112x128xf32, #tpu.memory_space<vmem>>) offsets(%dma_start3A_491 : memref<112xi32, #tpu.memory_space<vmem>>) semaphore(%arg14 : memref<!tpu.dma_semaphore, #tpu.memory_space<semaphore_mem>>)
      } else {
      }
      %dma_wait3A_317 = arith.constant 0 : i32
      %dma_wait3A_318 = tpu.memref_slice %arg5[%add3A_304, %dma_wait3A_317] : memref<64x128xi32, #tpu.memory_space<vmem>> -> memref<1x112xi32, #tpu.memory_space<vmem>>
      %dma_wait3A_319 = tpu.memref_squeeze %dma_wait3A_318 : memref<1x112xi32, #tpu.memory_space<vmem>> -> memref<112xi32, #tpu.memory_space<vmem>>
      %dma_wait3A_320 = arith.constant 0 : i32
      %dma_wait3A_321 = arith.constant 0 : i32
      %dma_wait3A_322 = tpu.memref_slice %arg3[%dma_wait3A_320, %dma_wait3A_321] : memref<1000000x128xf32, #tpu.memory_space<hbm>> -> memref<1000000x128xf32, #tpu.memory_space<hbm>>
      tpu.wait_indirect_dma semaphore(%arg16 : memref<!tpu.dma_semaphore, #tpu.memory_space<semaphore_mem>>) src(%dma_wait3A_322 : memref<1000000x128xf32, #tpu.memory_space<hbm>>) dst(%arg8 : memref<112x128xf32, #tpu.memory_space<vmem>>)
      %add3A_323 = arith.constant 0 : i32
      %add3A_324 = arith.addi %add3A_323, %add3A_304 : i32
      %mul3A_325 = arith.constant 112 : i32
      %mul3A_326 = arith.muli %add3A_324, %mul3A_325 : i32
      %add3A_327 = arith.addi %mul3A_4, %mul3A_326 : i32
      %dma_start3A_328 = arith.constant 0 : i32
      %dma_start3A_329 = tpu.memref_slice %arg4[%add3A_327, %dma_start3A_328] : memref<917504x128xf32, #tpu.memory_space<hbm>> -> memref<112x128xf32, #tpu.memory_space<hbm>>
      %dma_start3A_330 = arith.constant 0 : i32
      %dma_start3A_331 = tpu.memref_slice %arg4[%add3A_327, %dma_start3A_330] : memref<917504x128xf32, #tpu.memory_space<hbm>> -> memref<112x128xf32, #tpu.memory_space<hbm>>
      tpu.enqueue_dma source(%arg8 : memref<112x128xf32, #tpu.memory_space<vmem>>) target(%dma_start3A_331 : memref<112x128xf32, #tpu.memory_space<hbm>>) target_semaphore(%arg24 : memref<!tpu.dma_semaphore, #tpu.memory_space<semaphore_mem>>)
      %mul3A_332 = arith.constant 8 : i32
      %mul3A_333 = arith.muli %scan3A_242, %mul3A_332 : i32
      %add3A_334 = arith.constant 3 : i32
      %add3A_335 = arith.addi %mul3A_333, %add3A_334 : i32
      %ge3A_336 = arith.constant 2 : i32
      %ge3A_337 = arith.cmpi sge, %add3A_335, %ge3A_336 : i32
      %convert_element_type3A_338 = arith.extui %ge3A_337 : i1 to i32
      %cond3A_339 = arith.constant 0 : i32
      %cond3A_340 = arith.cmpi ne, %convert_element_type3A_338, %cond3A_339 : i32
      scf.if %cond3A_340 {
        %sub3A = arith.constant 2 : i32
        %sub3A_487 = arith.subi %add3A_335, %sub3A : i32
        %add3A_488 = arith.constant 0 : i32
        %add3A_489 = arith.addi %add3A_488, %sub3A_487 : i32
        %mul3A_490 = arith.constant 112 : i32
        %mul3A_491 = arith.muli %add3A_489, %mul3A_490 : i32
        %add3A_492 = arith.addi %mul3A_4, %mul3A_491 : i32
        %dma_wait3A_493 = arith.constant 0 : i32
        %dma_wait3A_494 = tpu.memref_slice %arg4[%add3A_492, %dma_wait3A_493] : memref<917504x128xf32, #tpu.memory_space<hbm>> -> memref<112x128xf32, #tpu.memory_space<hbm>>
        %dma_wait3A_495 = arith.constant 0 : i32
        %dma_wait3A_496 = tpu.memref_slice %arg4[%add3A_492, %dma_wait3A_495] : memref<917504x128xf32, #tpu.memory_space<hbm>> -> memref<112x128xf32, #tpu.memory_space<hbm>>
        tpu.wait_dma2 semaphore(%arg23 : memref<!tpu.dma_semaphore, #tpu.memory_space<semaphore_mem>>) src(%arg7 : memref<112x128xf32, #tpu.memory_space<vmem>>) dst(%dma_wait3A_496 : memref<112x128xf32, #tpu.memory_space<hbm>>)
      } else {
      }
      %add3A_341 = arith.constant 6 : i32
      %add3A_342 = arith.addi %add3A_335, %add3A_341 : i32
      %lt3A_343 = arith.constant 64 : i32
      %lt3A_344 = arith.cmpi slt, %add3A_342, %lt3A_343 : i32
      %convert_element_type3A_345 = arith.extui %lt3A_344 : i1 to i32
      %cond3A_346 = arith.constant 0 : i32
      %cond3A_347 = arith.cmpi ne, %convert_element_type3A_345, %cond3A_346 : i32
      scf.if %cond3A_347 {
        %add3A_487 = arith.constant 6 : i32
        %add3A_488 = arith.addi %add3A_335, %add3A_487 : i32
        %dma_start3A_489 = arith.constant 0 : i32
        %dma_start3A_490 = tpu.memref_slice %arg5[%add3A_488, %dma_start3A_489] : memref<64x128xi32, #tpu.memory_space<vmem>> -> memref<1x112xi32, #tpu.memory_space<vmem>>
        %dma_start3A_491 = tpu.memref_squeeze %dma_start3A_490 : memref<1x112xi32, #tpu.memory_space<vmem>> -> memref<112xi32, #tpu.memory_space<vmem>>
        %dma_start3A_492 = arith.constant 0 : i32
        %dma_start3A_493 = arith.constant 0 : i32
        %dma_start3A_494 = tpu.memref_slice %arg3[%dma_start3A_492, %dma_start3A_493] : memref<1000000x128xf32, #tpu.memory_space<hbm>> -> memref<1000000x128xf32, #tpu.memory_space<hbm>>
        tpu.enqueue_indirect_dma source(%dma_start3A_494 : memref<1000000x128xf32, #tpu.memory_space<hbm>>) target(%arg7 : memref<112x128xf32, #tpu.memory_space<vmem>>) offsets(%dma_start3A_491 : memref<112xi32, #tpu.memory_space<vmem>>) semaphore(%arg15 : memref<!tpu.dma_semaphore, #tpu.memory_space<semaphore_mem>>)
      } else {
      }
      %dma_wait3A_348 = arith.constant 0 : i32
      %dma_wait3A_349 = tpu.memref_slice %arg5[%add3A_335, %dma_wait3A_348] : memref<64x128xi32, #tpu.memory_space<vmem>> -> memref<1x112xi32, #tpu.memory_space<vmem>>
      %dma_wait3A_350 = tpu.memref_squeeze %dma_wait3A_349 : memref<1x112xi32, #tpu.memory_space<vmem>> -> memref<112xi32, #tpu.memory_space<vmem>>
      %dma_wait3A_351 = arith.constant 0 : i32
      %dma_wait3A_352 = arith.constant 0 : i32
      %dma_wait3A_353 = tpu.memref_slice %arg3[%dma_wait3A_351, %dma_wait3A_352] : memref<1000000x128xf32, #tpu.memory_space<hbm>> -> memref<1000000x128xf32, #tpu.memory_space<hbm>>
      tpu.wait_indirect_dma semaphore(%arg17 : memref<!tpu.dma_semaphore, #tpu.memory_space<semaphore_mem>>) src(%dma_wait3A_353 : memref<1000000x128xf32, #tpu.memory_space<hbm>>) dst(%arg9 : memref<112x128xf32, #tpu.memory_space<vmem>>)
      %add3A_354 = arith.constant 0 : i32
      %add3A_355 = arith.addi %add3A_354, %add3A_335 : i32
      %mul3A_356 = arith.constant 112 : i32
      %mul3A_357 = arith.muli %add3A_355, %mul3A_356 : i32
      %add3A_358 = arith.addi %mul3A_4, %mul3A_357 : i32
      %dma_start3A_359 = arith.constant 0 : i32
      %dma_start3A_360 = tpu.memref_slice %arg4[%add3A_358, %dma_start3A_359] : memref<917504x128xf32, #tpu.memory_space<hbm>> -> memref<112x128xf32, #tpu.memory_space<hbm>>
      %dma_start3A_361 = arith.constant 0 : i32
      %dma_start3A_362 = tpu.memref_slice %arg4[%add3A_358, %dma_start3A_361] : memref<917504x128xf32, #tpu.memory_space<hbm>> -> memref<112x128xf32, #tpu.memory_space<hbm>>
      tpu.enqueue_dma source(%arg9 : memref<112x128xf32, #tpu.memory_space<vmem>>) target(%dma_start3A_362 : memref<112x128xf32, #tpu.memory_space<hbm>>) target_semaphore(%arg25 : memref<!tpu.dma_semaphore, #tpu.memory_space<semaphore_mem>>)
      %mul3A_363 = arith.constant 8 : i32
      %mul3A_364 = arith.muli %scan3A_242, %mul3A_363 : i32
      %add3A_365 = arith.constant 4 : i32
      %add3A_366 = arith.addi %mul3A_364, %add3A_365 : i32
      %ge3A_367 = arith.constant 2 : i32
      %ge3A_368 = arith.cmpi sge, %add3A_366, %ge3A_367 : i32
      %convert_element_type3A_369 = arith.extui %ge3A_368 : i1 to i32
      %cond3A_370 = arith.constant 0 : i32
      %cond3A_371 = arith.cmpi ne, %convert_element_type3A_369, %cond3A_370 : i32
      scf.if %cond3A_371 {
        %sub3A = arith.constant 2 : i32
        %sub3A_487 = arith.subi %add3A_366, %sub3A : i32
        %add3A_488 = arith.constant 0 : i32
        %add3A_489 = arith.addi %add3A_488, %sub3A_487 : i32
        %mul3A_490 = arith.constant 112 : i32
        %mul3A_491 = arith.muli %add3A_489, %mul3A_490 : i32
        %add3A_492 = arith.addi %mul3A_4, %mul3A_491 : i32
        %dma_wait3A_493 = arith.constant 0 : i32
        %dma_wait3A_494 = tpu.memref_slice %arg4[%add3A_492, %dma_wait3A_493] : memref<917504x128xf32, #tpu.memory_space<hbm>> -> memref<112x128xf32, #tpu.memory_space<hbm>>
        %dma_wait3A_495 = arith.constant 0 : i32
        %dma_wait3A_496 = tpu.memref_slice %arg4[%add3A_492, %dma_wait3A_495] : memref<917504x128xf32, #tpu.memory_space<hbm>> -> memref<112x128xf32, #tpu.memory_space<hbm>>
        tpu.wait_dma2 semaphore(%arg24 : memref<!tpu.dma_semaphore, #tpu.memory_space<semaphore_mem>>) src(%arg8 : memref<112x128xf32, #tpu.memory_space<vmem>>) dst(%dma_wait3A_496 : memref<112x128xf32, #tpu.memory_space<hbm>>)
      } else {
      }
      %add3A_372 = arith.constant 6 : i32
      %add3A_373 = arith.addi %add3A_366, %add3A_372 : i32
      %lt3A_374 = arith.constant 64 : i32
      %lt3A_375 = arith.cmpi slt, %add3A_373, %lt3A_374 : i32
      %convert_element_type3A_376 = arith.extui %lt3A_375 : i1 to i32
      %cond3A_377 = arith.constant 0 : i32
      %cond3A_378 = arith.cmpi ne, %convert_element_type3A_376, %cond3A_377 : i32
      scf.if %cond3A_378 {
        %add3A_487 = arith.constant 6 : i32
        %add3A_488 = arith.addi %add3A_366, %add3A_487 : i32
        %dma_start3A_489 = arith.constant 0 : i32
        %dma_start3A_490 = tpu.memref_slice %arg5[%add3A_488, %dma_start3A_489] : memref<64x128xi32, #tpu.memory_space<vmem>> -> memref<1x112xi32, #tpu.memory_space<vmem>>
        %dma_start3A_491 = tpu.memref_squeeze %dma_start3A_490 : memref<1x112xi32, #tpu.memory_space<vmem>> -> memref<112xi32, #tpu.memory_space<vmem>>
        %dma_start3A_492 = arith.constant 0 : i32
        %dma_start3A_493 = arith.constant 0 : i32
        %dma_start3A_494 = tpu.memref_slice %arg3[%dma_start3A_492, %dma_start3A_493] : memref<1000000x128xf32, #tpu.memory_space<hbm>> -> memref<1000000x128xf32, #tpu.memory_space<hbm>>
        tpu.enqueue_indirect_dma source(%dma_start3A_494 : memref<1000000x128xf32, #tpu.memory_space<hbm>>) target(%arg8 : memref<112x128xf32, #tpu.memory_space<vmem>>) offsets(%dma_start3A_491 : memref<112xi32, #tpu.memory_space<vmem>>) semaphore(%arg16 : memref<!tpu.dma_semaphore, #tpu.memory_space<semaphore_mem>>)
      } else {
      }
      %dma_wait3A_379 = arith.constant 0 : i32
      %dma_wait3A_380 = tpu.memref_slice %arg5[%add3A_366, %dma_wait3A_379] : memref<64x128xi32, #tpu.memory_space<vmem>> -> memref<1x112xi32, #tpu.memory_space<vmem>>
      %dma_wait3A_381 = tpu.memref_squeeze %dma_wait3A_380 : memref<1x112xi32, #tpu.memory_space<vmem>> -> memref<112xi32, #tpu.memory_space<vmem>>
      %dma_wait3A_382 = arith.constant 0 : i32
      %dma_wait3A_383 = arith.constant 0 : i32
      %dma_wait3A_384 = tpu.memref_slice %arg3[%dma_wait3A_382, %dma_wait3A_383] : memref<1000000x128xf32, #tpu.memory_space<hbm>> -> memref<1000000x128xf32, #tpu.memory_space<hbm>>
      tpu.wait_indirect_dma semaphore(%arg18 : memref<!tpu.dma_semaphore, #tpu.memory_space<semaphore_mem>>) src(%dma_wait3A_384 : memref<1000000x128xf32, #tpu.memory_space<hbm>>) dst(%arg10 : memref<112x128xf32, #tpu.memory_space<vmem>>)
      %add3A_385 = arith.constant 0 : i32
      %add3A_386 = arith.addi %add3A_385, %add3A_366 : i32
      %mul3A_387 = arith.constant 112 : i32
      %mul3A_388 = arith.muli %add3A_386, %mul3A_387 : i32
      %add3A_389 = arith.addi %mul3A_4, %mul3A_388 : i32
      %dma_start3A_390 = arith.constant 0 : i32
      %dma_start3A_391 = tpu.memref_slice %arg4[%add3A_389, %dma_start3A_390] : memref<917504x128xf32, #tpu.memory_space<hbm>> -> memref<112x128xf32, #tpu.memory_space<hbm>>
      %dma_start3A_392 = arith.constant 0 : i32
      %dma_start3A_393 = tpu.memref_slice %arg4[%add3A_389, %dma_start3A_392] : memref<917504x128xf32, #tpu.memory_space<hbm>> -> memref<112x128xf32, #tpu.memory_space<hbm>>
      tpu.enqueue_dma source(%arg10 : memref<112x128xf32, #tpu.memory_space<vmem>>) target(%dma_start3A_393 : memref<112x128xf32, #tpu.memory_space<hbm>>) target_semaphore(%arg26 : memref<!tpu.dma_semaphore, #tpu.memory_space<semaphore_mem>>)
      %mul3A_394 = arith.constant 8 : i32
      %mul3A_395 = arith.muli %scan3A_242, %mul3A_394 : i32
      %add3A_396 = arith.constant 5 : i32
      %add3A_397 = arith.addi %mul3A_395, %add3A_396 : i32
      %ge3A_398 = arith.constant 2 : i32
      %ge3A_399 = arith.cmpi sge, %add3A_397, %ge3A_398 : i32
      %convert_element_type3A_400 = arith.extui %ge3A_399 : i1 to i32
      %cond3A_401 = arith.constant 0 : i32
      %cond3A_402 = arith.cmpi ne, %convert_element_type3A_400, %cond3A_401 : i32
      scf.if %cond3A_402 {
        %sub3A = arith.constant 2 : i32
        %sub3A_487 = arith.subi %add3A_397, %sub3A : i32
        %add3A_488 = arith.constant 0 : i32
        %add3A_489 = arith.addi %add3A_488, %sub3A_487 : i32
        %mul3A_490 = arith.constant 112 : i32
        %mul3A_491 = arith.muli %add3A_489, %mul3A_490 : i32
        %add3A_492 = arith.addi %mul3A_4, %mul3A_491 : i32
        %dma_wait3A_493 = arith.constant 0 : i32
        %dma_wait3A_494 = tpu.memref_slice %arg4[%add3A_492, %dma_wait3A_493] : memref<917504x128xf32, #tpu.memory_space<hbm>> -> memref<112x128xf32, #tpu.memory_space<hbm>>
        %dma_wait3A_495 = arith.constant 0 : i32
        %dma_wait3A_496 = tpu.memref_slice %arg4[%add3A_492, %dma_wait3A_495] : memref<917504x128xf32, #tpu.memory_space<hbm>> -> memref<112x128xf32, #tpu.memory_space<hbm>>
        tpu.wait_dma2 semaphore(%arg25 : memref<!tpu.dma_semaphore, #tpu.memory_space<semaphore_mem>>) src(%arg9 : memref<112x128xf32, #tpu.memory_space<vmem>>) dst(%dma_wait3A_496 : memref<112x128xf32, #tpu.memory_space<hbm>>)
      } else {
      }
      %add3A_403 = arith.constant 6 : i32
      %add3A_404 = arith.addi %add3A_397, %add3A_403 : i32
      %lt3A_405 = arith.constant 64 : i32
      %lt3A_406 = arith.cmpi slt, %add3A_404, %lt3A_405 : i32
      %convert_element_type3A_407 = arith.extui %lt3A_406 : i1 to i32
      %cond3A_408 = arith.constant 0 : i32
      %cond3A_409 = arith.cmpi ne, %convert_element_type3A_407, %cond3A_408 : i32
      scf.if %cond3A_409 {
        %add3A_487 = arith.constant 6 : i32
        %add3A_488 = arith.addi %add3A_397, %add3A_487 : i32
        %dma_start3A_489 = arith.constant 0 : i32
        %dma_start3A_490 = tpu.memref_slice %arg5[%add3A_488, %dma_start3A_489] : memref<64x128xi32, #tpu.memory_space<vmem>> -> memref<1x112xi32, #tpu.memory_space<vmem>>
        %dma_start3A_491 = tpu.memref_squeeze %dma_start3A_490 : memref<1x112xi32, #tpu.memory_space<vmem>> -> memref<112xi32, #tpu.memory_space<vmem>>
        %dma_start3A_492 = arith.constant 0 : i32
        %dma_start3A_493 = arith.constant 0 : i32
        %dma_start3A_494 = tpu.memref_slice %arg3[%dma_start3A_492, %dma_start3A_493] : memref<1000000x128xf32, #tpu.memory_space<hbm>> -> memref<1000000x128xf32, #tpu.memory_space<hbm>>
        tpu.enqueue_indirect_dma source(%dma_start3A_494 : memref<1000000x128xf32, #tpu.memory_space<hbm>>) target(%arg9 : memref<112x128xf32, #tpu.memory_space<vmem>>) offsets(%dma_start3A_491 : memref<112xi32, #tpu.memory_space<vmem>>) semaphore(%arg17 : memref<!tpu.dma_semaphore, #tpu.memory_space<semaphore_mem>>)
      } else {
      }
      %dma_wait3A_410 = arith.constant 0 : i32
      %dma_wait3A_411 = tpu.memref_slice %arg5[%add3A_397, %dma_wait3A_410] : memref<64x128xi32, #tpu.memory_space<vmem>> -> memref<1x112xi32, #tpu.memory_space<vmem>>
      %dma_wait3A_412 = tpu.memref_squeeze %dma_wait3A_411 : memref<1x112xi32, #tpu.memory_space<vmem>> -> memref<112xi32, #tpu.memory_space<vmem>>
      %dma_wait3A_413 = arith.constant 0 : i32
      %dma_wait3A_414 = arith.constant 0 : i32
      %dma_wait3A_415 = tpu.memref_slice %arg3[%dma_wait3A_413, %dma_wait3A_414] : memref<1000000x128xf32, #tpu.memory_space<hbm>> -> memref<1000000x128xf32, #tpu.memory_space<hbm>>
      tpu.wait_indirect_dma semaphore(%arg19 : memref<!tpu.dma_semaphore, #tpu.memory_space<semaphore_mem>>) src(%dma_wait3A_415 : memref<1000000x128xf32, #tpu.memory_space<hbm>>) dst(%arg11 : memref<112x128xf32, #tpu.memory_space<vmem>>)
      %add3A_416 = arith.constant 0 : i32
      %add3A_417 = arith.addi %add3A_416, %add3A_397 : i32
      %mul3A_418 = arith.constant 112 : i32
      %mul3A_419 = arith.muli %add3A_417, %mul3A_418 : i32
      %add3A_420 = arith.addi %mul3A_4, %mul3A_419 : i32
      %dma_start3A_421 = arith.constant 0 : i32
      %dma_start3A_422 = tpu.memref_slice %arg4[%add3A_420, %dma_start3A_421] : memref<917504x128xf32, #tpu.memory_space<hbm>> -> memref<112x128xf32, #tpu.memory_space<hbm>>
      %dma_start3A_423 = arith.constant 0 : i32
      %dma_start3A_424 = tpu.memref_slice %arg4[%add3A_420, %dma_start3A_423] : memref<917504x128xf32, #tpu.memory_space<hbm>> -> memref<112x128xf32, #tpu.memory_space<hbm>>
      tpu.enqueue_dma source(%arg11 : memref<112x128xf32, #tpu.memory_space<vmem>>) target(%dma_start3A_424 : memref<112x128xf32, #tpu.memory_space<hbm>>) target_semaphore(%arg27 : memref<!tpu.dma_semaphore, #tpu.memory_space<semaphore_mem>>)
      %mul3A_425 = arith.constant 8 : i32
      %mul3A_426 = arith.muli %scan3A_242, %mul3A_425 : i32
      %add3A_427 = arith.constant 6 : i32
      %add3A_428 = arith.addi %mul3A_426, %add3A_427 : i32
      %ge3A_429 = arith.constant 2 : i32
      %ge3A_430 = arith.cmpi sge, %add3A_428, %ge3A_429 : i32
      %convert_element_type3A_431 = arith.extui %ge3A_430 : i1 to i32
      %cond3A_432 = arith.constant 0 : i32
      %cond3A_433 = arith.cmpi ne, %convert_element_type3A_431, %cond3A_432 : i32
      scf.if %cond3A_433 {
        %sub3A = arith.constant 2 : i32
        %sub3A_487 = arith.subi %add3A_428, %sub3A : i32
        %add3A_488 = arith.constant 0 : i32
        %add3A_489 = arith.addi %add3A_488, %sub3A_487 : i32
        %mul3A_490 = arith.constant 112 : i32
        %mul3A_491 = arith.muli %add3A_489, %mul3A_490 : i32
        %add3A_492 = arith.addi %mul3A_4, %mul3A_491 : i32
        %dma_wait3A_493 = arith.constant 0 : i32
        %dma_wait3A_494 = tpu.memref_slice %arg4[%add3A_492, %dma_wait3A_493] : memref<917504x128xf32, #tpu.memory_space<hbm>> -> memref<112x128xf32, #tpu.memory_space<hbm>>
        %dma_wait3A_495 = arith.constant 0 : i32
        %dma_wait3A_496 = tpu.memref_slice %arg4[%add3A_492, %dma_wait3A_495] : memref<917504x128xf32, #tpu.memory_space<hbm>> -> memref<112x128xf32, #tpu.memory_space<hbm>>
        tpu.wait_dma2 semaphore(%arg26 : memref<!tpu.dma_semaphore, #tpu.memory_space<semaphore_mem>>) src(%arg10 : memref<112x128xf32, #tpu.memory_space<vmem>>) dst(%dma_wait3A_496 : memref<112x128xf32, #tpu.memory_space<hbm>>)
      } else {
      }
      %add3A_434 = arith.constant 6 : i32
      %add3A_435 = arith.addi %add3A_428, %add3A_434 : i32
      %lt3A_436 = arith.constant 64 : i32
      %lt3A_437 = arith.cmpi slt, %add3A_435, %lt3A_436 : i32
      %convert_element_type3A_438 = arith.extui %lt3A_437 : i1 to i32
      %cond3A_439 = arith.constant 0 : i32
      %cond3A_440 = arith.cmpi ne, %convert_element_type3A_438, %cond3A_439 : i32
      scf.if %cond3A_440 {
        %add3A_487 = arith.constant 6 : i32
        %add3A_488 = arith.addi %add3A_428, %add3A_487 : i32
        %dma_start3A_489 = arith.constant 0 : i32
        %dma_start3A_490 = tpu.memref_slice %arg5[%add3A_488, %dma_start3A_489] : memref<64x128xi32, #tpu.memory_space<vmem>> -> memref<1x112xi32, #tpu.memory_space<vmem>>
        %dma_start3A_491 = tpu.memref_squeeze %dma_start3A_490 : memref<1x112xi32, #tpu.memory_space<vmem>> -> memref<112xi32, #tpu.memory_space<vmem>>
        %dma_start3A_492 = arith.constant 0 : i32
        %dma_start3A_493 = arith.constant 0 : i32
        %dma_start3A_494 = tpu.memref_slice %arg3[%dma_start3A_492, %dma_start3A_493] : memref<1000000x128xf32, #tpu.memory_space<hbm>> -> memref<1000000x128xf32, #tpu.memory_space<hbm>>
        tpu.enqueue_indirect_dma source(%dma_start3A_494 : memref<1000000x128xf32, #tpu.memory_space<hbm>>) target(%arg10 : memref<112x128xf32, #tpu.memory_space<vmem>>) offsets(%dma_start3A_491 : memref<112xi32, #tpu.memory_space<vmem>>) semaphore(%arg18 : memref<!tpu.dma_semaphore, #tpu.memory_space<semaphore_mem>>)
      } else {
      }
      %dma_wait3A_441 = arith.constant 0 : i32
      %dma_wait3A_442 = tpu.memref_slice %arg5[%add3A_428, %dma_wait3A_441] : memref<64x128xi32, #tpu.memory_space<vmem>> -> memref<1x112xi32, #tpu.memory_space<vmem>>
      %dma_wait3A_443 = tpu.memref_squeeze %dma_wait3A_442 : memref<1x112xi32, #tpu.memory_space<vmem>> -> memref<112xi32, #tpu.memory_space<vmem>>
      %dma_wait3A_444 = arith.constant 0 : i32
      %dma_wait3A_445 = arith.constant 0 : i32
      %dma_wait3A_446 = tpu.memref_slice %arg3[%dma_wait3A_444, %dma_wait3A_445] : memref<1000000x128xf32, #tpu.memory_space<hbm>> -> memref<1000000x128xf32, #tpu.memory_space<hbm>>
      tpu.wait_indirect_dma semaphore(%arg20 : memref<!tpu.dma_semaphore, #tpu.memory_space<semaphore_mem>>) src(%dma_wait3A_446 : memref<1000000x128xf32, #tpu.memory_space<hbm>>) dst(%arg12 : memref<112x128xf32, #tpu.memory_space<vmem>>)
      %add3A_447 = arith.constant 0 : i32
      %add3A_448 = arith.addi %add3A_447, %add3A_428 : i32
      %mul3A_449 = arith.constant 112 : i32
      %mul3A_450 = arith.muli %add3A_448, %mul3A_449 : i32
      %add3A_451 = arith.addi %mul3A_4, %mul3A_450 : i32
      %dma_start3A_452 = arith.constant 0 : i32
      %dma_start3A_453 = tpu.memref_slice %arg4[%add3A_451, %dma_start3A_452] : memref<917504x128xf32, #tpu.memory_space<hbm>> -> memref<112x128xf32, #tpu.memory_space<hbm>>
      %dma_start3A_454 = arith.constant 0 : i32
      %dma_start3A_455 = tpu.memref_slice %arg4[%add3A_451, %dma_start3A_454] : memref<917504x128xf32, #tpu.memory_space<hbm>> -> memref<112x128xf32, #tpu.memory_space<hbm>>
      tpu.enqueue_dma source(%arg12 : memref<112x128xf32, #tpu.memory_space<vmem>>) target(%dma_start3A_455 : memref<112x128xf32, #tpu.memory_space<hbm>>) target_semaphore(%arg28 : memref<!tpu.dma_semaphore, #tpu.memory_space<semaphore_mem>>)
      %mul3A_456 = arith.constant 8 : i32
      %mul3A_457 = arith.muli %scan3A_242, %mul3A_456 : i32
      %add3A_458 = arith.constant 7 : i32
      %add3A_459 = arith.addi %mul3A_457, %add3A_458 : i32
      %ge3A_460 = arith.constant 2 : i32
      %ge3A_461 = arith.cmpi sge, %add3A_459, %ge3A_460 : i32
      %convert_element_type3A_462 = arith.extui %ge3A_461 : i1 to i32
      %cond3A_463 = arith.constant 0 : i32
      %cond3A_464 = arith.cmpi ne, %convert_element_type3A_462, %cond3A_463 : i32
      scf.if %cond3A_464 {
        %sub3A = arith.constant 2 : i32
        %sub3A_487 = arith.subi %add3A_459, %sub3A : i32
        %add3A_488 = arith.constant 0 : i32
        %add3A_489 = arith.addi %add3A_488, %sub3A_487 : i32
        %mul3A_490 = arith.constant 112 : i32
        %mul3A_491 = arith.muli %add3A_489, %mul3A_490 : i32
        %add3A_492 = arith.addi %mul3A_4, %mul3A_491 : i32
        %dma_wait3A_493 = arith.constant 0 : i32
        %dma_wait3A_494 = tpu.memref_slice %arg4[%add3A_492, %dma_wait3A_493] : memref<917504x128xf32, #tpu.memory_space<hbm>> -> memref<112x128xf32, #tpu.memory_space<hbm>>
        %dma_wait3A_495 = arith.constant 0 : i32
        %dma_wait3A_496 = tpu.memref_slice %arg4[%add3A_492, %dma_wait3A_495] : memref<917504x128xf32, #tpu.memory_space<hbm>> -> memref<112x128xf32, #tpu.memory_space<hbm>>
        tpu.wait_dma2 semaphore(%arg27 : memref<!tpu.dma_semaphore, #tpu.memory_space<semaphore_mem>>) src(%arg11 : memref<112x128xf32, #tpu.memory_space<vmem>>) dst(%dma_wait3A_496 : memref<112x128xf32, #tpu.memory_space<hbm>>)
      } else {
      }
      %add3A_465 = arith.constant 6 : i32
      %add3A_466 = arith.addi %add3A_459, %add3A_465 : i32
      %lt3A_467 = arith.constant 64 : i32
      %lt3A_468 = arith.cmpi slt, %add3A_466, %lt3A_467 : i32
      %convert_element_type3A_469 = arith.extui %lt3A_468 : i1 to i32
      %cond3A_470 = arith.constant 0 : i32
      %cond3A_471 = arith.cmpi ne, %convert_element_type3A_469, %cond3A_470 : i32
      scf.if %cond3A_471 {
        %add3A_487 = arith.constant 6 : i32
        %add3A_488 = arith.addi %add3A_459, %add3A_487 : i32
        %dma_start3A_489 = arith.constant 0 : i32
        %dma_start3A_490 = tpu.memref_slice %arg5[%add3A_488, %dma_start3A_489] : memref<64x128xi32, #tpu.memory_space<vmem>> -> memref<1x112xi32, #tpu.memory_space<vmem>>
        %dma_start3A_491 = tpu.memref_squeeze %dma_start3A_490 : memref<1x112xi32, #tpu.memory_space<vmem>> -> memref<112xi32, #tpu.memory_space<vmem>>
        %dma_start3A_492 = arith.constant 0 : i32
        %dma_start3A_493 = arith.constant 0 : i32
        %dma_start3A_494 = tpu.memref_slice %arg3[%dma_start3A_492, %dma_start3A_493] : memref<1000000x128xf32, #tpu.memory_space<hbm>> -> memref<1000000x128xf32, #tpu.memory_space<hbm>>
        tpu.enqueue_indirect_dma source(%dma_start3A_494 : memref<1000000x128xf32, #tpu.memory_space<hbm>>) target(%arg11 : memref<112x128xf32, #tpu.memory_space<vmem>>) offsets(%dma_start3A_491 : memref<112xi32, #tpu.memory_space<vmem>>) semaphore(%arg19 : memref<!tpu.dma_semaphore, #tpu.memory_space<semaphore_mem>>)
      } else {
      }
      %dma_wait3A_472 = arith.constant 0 : i32
      %dma_wait3A_473 = tpu.memref_slice %arg5[%add3A_459, %dma_wait3A_472] : memref<64x128xi32, #tpu.memory_space<vmem>> -> memref<1x112xi32, #tpu.memory_space<vmem>>
      %dma_wait3A_474 = tpu.memref_squeeze %dma_wait3A_473 : memref<1x112xi32, #tpu.memory_space<vmem>> -> memref<112xi32, #tpu.memory_space<vmem>>
      %dma_wait3A_475 = arith.constant 0 : i32
      %dma_wait3A_476 = arith.constant 0 : i32
      %dma_wait3A_477 = tpu.memref_slice %arg3[%dma_wait3A_475, %dma_wait3A_476] : memref<1000000x128xf32, #tpu.memory_space<hbm>> -> memref<1000000x128xf32, #tpu.memory_space<hbm>>
      tpu.wait_indirect_dma semaphore(%arg21 : memref<!tpu.dma_semaphore, #tpu.memory_space<semaphore_mem>>) src(%dma_wait3A_477 : memref<1000000x128xf32, #tpu.memory_space<hbm>>) dst(%arg13 : memref<112x128xf32, #tpu.memory_space<vmem>>)
      %add3A_478 = arith.constant 0 : i32
      %add3A_479 = arith.addi %add3A_478, %add3A_459 : i32
      %mul3A_480 = arith.constant 112 : i32
      %mul3A_481 = arith.muli %add3A_479, %mul3A_480 : i32
      %add3A_482 = arith.addi %mul3A_4, %mul3A_481 : i32
      %dma_start3A_483 = arith.constant 0 : i32
      %dma_start3A_484 = tpu.memref_slice %arg4[%add3A_482, %dma_start3A_483] : memref<917504x128xf32, #tpu.memory_space<hbm>> -> memref<112x128xf32, #tpu.memory_space<hbm>>
      %dma_start3A_485 = arith.constant 0 : i32
      %dma_start3A_486 = tpu.memref_slice %arg4[%add3A_482, %dma_start3A_485] : memref<917504x128xf32, #tpu.memory_space<hbm>> -> memref<112x128xf32, #tpu.memory_space<hbm>>
      tpu.enqueue_dma source(%arg13 : memref<112x128xf32, #tpu.memory_space<vmem>>) target(%dma_start3A_486 : memref<112x128xf32, #tpu.memory_space<hbm>>) target_semaphore(%arg29 : memref<!tpu.dma_semaphore, #tpu.memory_space<semaphore_mem>>)
    }
    %scan3A_50 = arith.constant 8 : i32
    %add3A_51 = arith.constant 6944 : i32
    %add3A_52 = arith.addi %mul3A_4, %add3A_51 : i32
    %dma_wait3A = arith.constant 0 : i32
    %dma_wait3A_53 = tpu.memref_slice %arg4[%add3A_52, %dma_wait3A] : memref<917504x128xf32, #tpu.memory_space<hbm>> -> memref<112x128xf32, #tpu.memory_space<hbm>>
    %dma_wait3A_54 = arith.constant 0 : i32
    %dma_wait3A_55 = tpu.memref_slice %arg4[%add3A_52, %dma_wait3A_54] : memref<917504x128xf32, #tpu.memory_space<hbm>> -> memref<112x128xf32, #tpu.memory_space<hbm>>
    tpu.wait_dma2 semaphore(%arg28 : memref<!tpu.dma_semaphore, #tpu.memory_space<semaphore_mem>>) src(%arg12 : memref<112x128xf32, #tpu.memory_space<vmem>>) dst(%dma_wait3A_55 : memref<112x128xf32, #tpu.memory_space<hbm>>)
    %add3A_56 = arith.constant 7056 : i32
    %add3A_57 = arith.addi %mul3A_4, %add3A_56 : i32
    %dma_wait3A_58 = arith.constant 0 : i32
    %dma_wait3A_59 = tpu.memref_slice %arg4[%add3A_57, %dma_wait3A_58] : memref<917504x128xf32, #tpu.memory_space<hbm>> -> memref<112x128xf32, #tpu.memory_space<hbm>>
    %dma_wait3A_60 = arith.constant 0 : i32
    %dma_wait3A_61 = tpu.memref_slice %arg4[%add3A_57, %dma_wait3A_60] : memref<917504x128xf32, #tpu.memory_space<hbm>> -> memref<112x128xf32, #tpu.memory_space<hbm>>
    tpu.wait_dma2 semaphore(%arg29 : memref<!tpu.dma_semaphore, #tpu.memory_space<semaphore_mem>>) src(%arg13 : memref<112x128xf32, #tpu.memory_space<vmem>>) dst(%dma_wait3A_61 : memref<112x128xf32, #tpu.memory_space<hbm>>)
    "tpu.region"() ({
      %run_scoped3A = tpu.sem_alloc : memref<!tpu.dma_semaphore, #tpu.memory_space<semaphore_mem>>
      %dma_start3A_242 = arith.constant 64 : i32
      %dma_start3A_243 = arith.constant 0 : i32
      %dma_start3A_244 = tpu.memref_slice %arg2[%add3A, %dma_start3A_242, %dma_start3A_243] : memref<32x256x128xi32, #tpu.memory_space<hbm>> -> memref<1x64x128xi32, #tpu.memory_space<hbm>>
      %dma_start3A_245 = tpu.memref_squeeze %dma_start3A_244 : memref<1x64x128xi32, #tpu.memory_space<hbm>> -> memref<64x128xi32, #tpu.memory_space<hbm>>
      %dma_start3A_246 = arith.constant 64 : i32
      %dma_start3A_247 = arith.constant 0 : i32
      %dma_start3A_248 = tpu.memref_slice %arg2[%add3A, %dma_start3A_246, %dma_start3A_247] : memref<32x256x128xi32, #tpu.memory_space<hbm>> -> memref<1x64x128xi32, #tpu.memory_space<hbm>>
      %dma_start3A_249 = tpu.memref_squeeze %dma_start3A_248 : memref<1x64x128xi32, #tpu.memory_space<hbm>> -> memref<64x128xi32, #tpu.memory_space<hbm>>
      tpu.enqueue_dma source(%dma_start3A_249 : memref<64x128xi32, #tpu.memory_space<hbm>>) target(%arg5 : memref<64x128xi32, #tpu.memory_space<vmem>>) target_semaphore(%run_scoped3A : memref<!tpu.dma_semaphore, #tpu.memory_space<semaphore_mem>>)
      %dma_wait3A_250 = arith.constant 64 : i32
      %dma_wait3A_251 = arith.constant 0 : i32
      %dma_wait3A_252 = tpu.memref_slice %arg2[%add3A, %dma_wait3A_250, %dma_wait3A_251] : memref<32x256x128xi32, #tpu.memory_space<hbm>> -> memref<1x64x128xi32, #tpu.memory_space<hbm>>
      %dma_wait3A_253 = tpu.memref_squeeze %dma_wait3A_252 : memref<1x64x128xi32, #tpu.memory_space<hbm>> -> memref<64x128xi32, #tpu.memory_space<hbm>>
      %dma_wait3A_254 = arith.constant 64 : i32
      %dma_wait3A_255 = arith.constant 0 : i32
      %dma_wait3A_256 = tpu.memref_slice %arg2[%add3A, %dma_wait3A_254, %dma_wait3A_255] : memref<32x256x128xi32, #tpu.memory_space<hbm>> -> memref<1x64x128xi32, #tpu.memory_space<hbm>>
      %dma_wait3A_257 = tpu.memref_squeeze %dma_wait3A_256 : memref<1x64x128xi32, #tpu.memory_space<hbm>> -> memref<64x128xi32, #tpu.memory_space<hbm>>
      tpu.wait_dma2 semaphore(%run_scoped3A : memref<!tpu.dma_semaphore, #tpu.memory_space<semaphore_mem>>) src(%dma_wait3A_257 : memref<64x128xi32, #tpu.memory_space<hbm>>) dst(%arg5 : memref<64x128xi32, #tpu.memory_space<vmem>>)
      tpu.yield
    }) : () -> ()
    %dma_start3A_62 = arith.constant 0 : i32
    %dma_start3A_63 = arith.constant 0 : i32
    %dma_start3A_64 = tpu.memref_slice %arg5[%dma_start3A_62, %dma_start3A_63] : memref<64x128xi32, #tpu.memory_space<vmem>> -> memref<1x112xi32, #tpu.memory_space<vmem>>
    %dma_start3A_65 = tpu.memref_squeeze %dma_start3A_64 : memref<1x112xi32, #tpu.memory_space<vmem>> -> memref<112xi32, #tpu.memory_space<vmem>>
    %dma_start3A_66 = arith.constant 0 : i32
    %dma_start3A_67 = arith.constant 0 : i32
    %dma_start3A_68 = tpu.memref_slice %arg3[%dma_start3A_66, %dma_start3A_67] : memref<1000000x128xf32, #tpu.memory_space<hbm>> -> memref<1000000x128xf32, #tpu.memory_space<hbm>>
    tpu.enqueue_indirect_dma source(%dma_start3A_68 : memref<1000000x128xf32, #tpu.memory_space<hbm>>) target(%arg6 : memref<112x128xf32, #tpu.memory_space<vmem>>) offsets(%dma_start3A_65 : memref<112xi32, #tpu.memory_space<vmem>>) semaphore(%arg14 : memref<!tpu.dma_semaphore, #tpu.memory_space<semaphore_mem>>)
    %dma_start3A_69 = arith.constant 1 : i32
    %dma_start3A_70 = arith.constant 0 : i32
    %dma_start3A_71 = tpu.memref_slice %arg5[%dma_start3A_69, %dma_start3A_70] : memref<64x128xi32, #tpu.memory_space<vmem>> -> memref<1x112xi32, #tpu.memory_space<vmem>>
    %dma_start3A_72 = tpu.memref_squeeze %dma_start3A_71 : memref<1x112xi32, #tpu.memory_space<vmem>> -> memref<112xi32, #tpu.memory_space<vmem>>
    %dma_start3A_73 = arith.constant 0 : i32
    %dma_start3A_74 = arith.constant 0 : i32
    %dma_start3A_75 = tpu.memref_slice %arg3[%dma_start3A_73, %dma_start3A_74] : memref<1000000x128xf32, #tpu.memory_space<hbm>> -> memref<1000000x128xf32, #tpu.memory_space<hbm>>
    tpu.enqueue_indirect_dma source(%dma_start3A_75 : memref<1000000x128xf32, #tpu.memory_space<hbm>>) target(%arg7 : memref<112x128xf32, #tpu.memory_space<vmem>>) offsets(%dma_start3A_72 : memref<112xi32, #tpu.memory_space<vmem>>) semaphore(%arg15 : memref<!tpu.dma_semaphore, #tpu.memory_space<semaphore_mem>>)
    %dma_start3A_76 = arith.constant 2 : i32
    %dma_start3A_77 = arith.constant 0 : i32
    %dma_start3A_78 = tpu.memref_slice %arg5[%dma_start3A_76, %dma_start3A_77] : memref<64x128xi32, #tpu.memory_space<vmem>> -> memref<1x112xi32, #tpu.memory_space<vmem>>
    %dma_start3A_79 = tpu.memref_squeeze %dma_start3A_78 : memref<1x112xi32, #tpu.memory_space<vmem>> -> memref<112xi32, #tpu.memory_space<vmem>>
    %dma_start3A_80 = arith.constant 0 : i32
    %dma_start3A_81 = arith.constant 0 : i32
    %dma_start3A_82 = tpu.memref_slice %arg3[%dma_start3A_80, %dma_start3A_81] : memref<1000000x128xf32, #tpu.memory_space<hbm>> -> memref<1000000x128xf32, #tpu.memory_space<hbm>>
    tpu.enqueue_indirect_dma source(%dma_start3A_82 : memref<1000000x128xf32, #tpu.memory_space<hbm>>) target(%arg8 : memref<112x128xf32, #tpu.memory_space<vmem>>) offsets(%dma_start3A_79 : memref<112xi32, #tpu.memory_space<vmem>>) semaphore(%arg16 : memref<!tpu.dma_semaphore, #tpu.memory_space<semaphore_mem>>)
    %dma_start3A_83 = arith.constant 3 : i32
    %dma_start3A_84 = arith.constant 0 : i32
    %dma_start3A_85 = tpu.memref_slice %arg5[%dma_start3A_83, %dma_start3A_84] : memref<64x128xi32, #tpu.memory_space<vmem>> -> memref<1x112xi32, #tpu.memory_space<vmem>>
    %dma_start3A_86 = tpu.memref_squeeze %dma_start3A_85 : memref<1x112xi32, #tpu.memory_space<vmem>> -> memref<112xi32, #tpu.memory_space<vmem>>
    %dma_start3A_87 = arith.constant 0 : i32
    %dma_start3A_88 = arith.constant 0 : i32
    %dma_start3A_89 = tpu.memref_slice %arg3[%dma_start3A_87, %dma_start3A_88] : memref<1000000x128xf32, #tpu.memory_space<hbm>> -> memref<1000000x128xf32, #tpu.memory_space<hbm>>
    tpu.enqueue_indirect_dma source(%dma_start3A_89 : memref<1000000x128xf32, #tpu.memory_space<hbm>>) target(%arg9 : memref<112x128xf32, #tpu.memory_space<vmem>>) offsets(%dma_start3A_86 : memref<112xi32, #tpu.memory_space<vmem>>) semaphore(%arg17 : memref<!tpu.dma_semaphore, #tpu.memory_space<semaphore_mem>>)
    %dma_start3A_90 = arith.constant 4 : i32
    %dma_start3A_91 = arith.constant 0 : i32
    %dma_start3A_92 = tpu.memref_slice %arg5[%dma_start3A_90, %dma_start3A_91] : memref<64x128xi32, #tpu.memory_space<vmem>> -> memref<1x112xi32, #tpu.memory_space<vmem>>
    %dma_start3A_93 = tpu.memref_squeeze %dma_start3A_92 : memref<1x112xi32, #tpu.memory_space<vmem>> -> memref<112xi32, #tpu.memory_space<vmem>>
    %dma_start3A_94 = arith.constant 0 : i32
    %dma_start3A_95 = arith.constant 0 : i32
    %dma_start3A_96 = tpu.memref_slice %arg3[%dma_start3A_94, %dma_start3A_95] : memref<1000000x128xf32, #tpu.memory_space<hbm>> -> memref<1000000x128xf32, #tpu.memory_space<hbm>>
    tpu.enqueue_indirect_dma source(%dma_start3A_96 : memref<1000000x128xf32, #tpu.memory_space<hbm>>) target(%arg10 : memref<112x128xf32, #tpu.memory_space<vmem>>) offsets(%dma_start3A_93 : memref<112xi32, #tpu.memory_space<vmem>>) semaphore(%arg18 : memref<!tpu.dma_semaphore, #tpu.memory_space<semaphore_mem>>)
    %dma_start3A_97 = arith.constant 5 : i32
    %dma_start3A_98 = arith.constant 0 : i32
    %dma_start3A_99 = tpu.memref_slice %arg5[%dma_start3A_97, %dma_start3A_98] : memref<64x128xi32, #tpu.memory_space<vmem>> -> memref<1x112xi32, #tpu.memory_space<vmem>>
    %dma_start3A_100 = tpu.memref_squeeze %dma_start3A_99 : memref<1x112xi32, #tpu.memory_space<vmem>> -> memref<112xi32, #tpu.memory_space<vmem>>
    %dma_start3A_101 = arith.constant 0 : i32
    %dma_start3A_102 = arith.constant 0 : i32
    %dma_start3A_103 = tpu.memref_slice %arg3[%dma_start3A_101, %dma_start3A_102] : memref<1000000x128xf32, #tpu.memory_space<hbm>> -> memref<1000000x128xf32, #tpu.memory_space<hbm>>
    tpu.enqueue_indirect_dma source(%dma_start3A_103 : memref<1000000x128xf32, #tpu.memory_space<hbm>>) target(%arg11 : memref<112x128xf32, #tpu.memory_space<vmem>>) offsets(%dma_start3A_100 : memref<112xi32, #tpu.memory_space<vmem>>) semaphore(%arg19 : memref<!tpu.dma_semaphore, #tpu.memory_space<semaphore_mem>>)
    %scan3A_104 = arith.constant 0 : i32
    %scan3A_105 = arith.constant 0 : i32
    %scan3A_106 = arith.constant 8 : i32
    %scan3A_107 = arith.addi %scan3A_105, %scan3A_106 : i32
    %scan3A_108 = arith.constant 1 : i32
    scf.for %scan3A_242 = %scan3A_105 to %scan3A_107 step %scan3A_108  : i32 {
      %mul3A_243 = arith.constant 8 : i32
      %mul3A_244 = arith.muli %scan3A_242, %mul3A_243 : i32
      %add3A_245 = arith.constant 0 : i32
      %add3A_246 = arith.addi %mul3A_244, %add3A_245 : i32
      %ge3A = arith.constant 2 : i32
      %ge3A_247 = arith.cmpi sge, %add3A_246, %ge3A : i32
      %convert_element_type3A = arith.extui %ge3A_247 : i1 to i32
      %cond3A = arith.constant 0 : i32
      %cond3A_248 = arith.cmpi ne, %convert_element_type3A, %cond3A : i32
      scf.if %cond3A_248 {
        %sub3A = arith.constant 2 : i32
        %sub3A_487 = arith.subi %add3A_246, %sub3A : i32
        %add3A_488 = arith.constant 64 : i32
        %add3A_489 = arith.addi %add3A_488, %sub3A_487 : i32
        %mul3A_490 = arith.constant 112 : i32
        %mul3A_491 = arith.muli %add3A_489, %mul3A_490 : i32
        %add3A_492 = arith.addi %mul3A_4, %mul3A_491 : i32
        %dma_wait3A_493 = arith.constant 0 : i32
        %dma_wait3A_494 = tpu.memref_slice %arg4[%add3A_492, %dma_wait3A_493] : memref<917504x128xf32, #tpu.memory_space<hbm>> -> memref<112x128xf32, #tpu.memory_space<hbm>>
        %dma_wait3A_495 = arith.constant 0 : i32
        %dma_wait3A_496 = tpu.memref_slice %arg4[%add3A_492, %dma_wait3A_495] : memref<917504x128xf32, #tpu.memory_space<hbm>> -> memref<112x128xf32, #tpu.memory_space<hbm>>
        tpu.wait_dma2 semaphore(%arg28 : memref<!tpu.dma_semaphore, #tpu.memory_space<semaphore_mem>>) src(%arg12 : memref<112x128xf32, #tpu.memory_space<vmem>>) dst(%dma_wait3A_496 : memref<112x128xf32, #tpu.memory_space<hbm>>)
      } else {
      }
      %add3A_249 = arith.constant 6 : i32
      %add3A_250 = arith.addi %add3A_246, %add3A_249 : i32
      %lt3A = arith.constant 64 : i32
      %lt3A_251 = arith.cmpi slt, %add3A_250, %lt3A : i32
      %convert_element_type3A_252 = arith.extui %lt3A_251 : i1 to i32
      %cond3A_253 = arith.constant 0 : i32
      %cond3A_254 = arith.cmpi ne, %convert_element_type3A_252, %cond3A_253 : i32
      scf.if %cond3A_254 {
        %add3A_487 = arith.constant 6 : i32
        %add3A_488 = arith.addi %add3A_246, %add3A_487 : i32
        %dma_start3A_489 = arith.constant 0 : i32
        %dma_start3A_490 = tpu.memref_slice %arg5[%add3A_488, %dma_start3A_489] : memref<64x128xi32, #tpu.memory_space<vmem>> -> memref<1x112xi32, #tpu.memory_space<vmem>>
        %dma_start3A_491 = tpu.memref_squeeze %dma_start3A_490 : memref<1x112xi32, #tpu.memory_space<vmem>> -> memref<112xi32, #tpu.memory_space<vmem>>
        %dma_start3A_492 = arith.constant 0 : i32
        %dma_start3A_493 = arith.constant 0 : i32
        %dma_start3A_494 = tpu.memref_slice %arg3[%dma_start3A_492, %dma_start3A_493] : memref<1000000x128xf32, #tpu.memory_space<hbm>> -> memref<1000000x128xf32, #tpu.memory_space<hbm>>
        tpu.enqueue_indirect_dma source(%dma_start3A_494 : memref<1000000x128xf32, #tpu.memory_space<hbm>>) target(%arg12 : memref<112x128xf32, #tpu.memory_space<vmem>>) offsets(%dma_start3A_491 : memref<112xi32, #tpu.memory_space<vmem>>) semaphore(%arg20 : memref<!tpu.dma_semaphore, #tpu.memory_space<semaphore_mem>>)
      } else {
      }
      %dma_wait3A_255 = arith.constant 0 : i32
      %dma_wait3A_256 = tpu.memref_slice %arg5[%add3A_246, %dma_wait3A_255] : memref<64x128xi32, #tpu.memory_space<vmem>> -> memref<1x112xi32, #tpu.memory_space<vmem>>
      %dma_wait3A_257 = tpu.memref_squeeze %dma_wait3A_256 : memref<1x112xi32, #tpu.memory_space<vmem>> -> memref<112xi32, #tpu.memory_space<vmem>>
      %dma_wait3A_258 = arith.constant 0 : i32
      %dma_wait3A_259 = arith.constant 0 : i32
      %dma_wait3A_260 = tpu.memref_slice %arg3[%dma_wait3A_258, %dma_wait3A_259] : memref<1000000x128xf32, #tpu.memory_space<hbm>> -> memref<1000000x128xf32, #tpu.memory_space<hbm>>
      tpu.wait_indirect_dma semaphore(%arg14 : memref<!tpu.dma_semaphore, #tpu.memory_space<semaphore_mem>>) src(%dma_wait3A_260 : memref<1000000x128xf32, #tpu.memory_space<hbm>>) dst(%arg6 : memref<112x128xf32, #tpu.memory_space<vmem>>)
      %add3A_261 = arith.constant 64 : i32
      %add3A_262 = arith.addi %add3A_261, %add3A_246 : i32
      %mul3A_263 = arith.constant 112 : i32
      %mul3A_264 = arith.muli %add3A_262, %mul3A_263 : i32
      %add3A_265 = arith.addi %mul3A_4, %mul3A_264 : i32
      %dma_start3A_266 = arith.constant 0 : i32
      %dma_start3A_267 = tpu.memref_slice %arg4[%add3A_265, %dma_start3A_266] : memref<917504x128xf32, #tpu.memory_space<hbm>> -> memref<112x128xf32, #tpu.memory_space<hbm>>
      %dma_start3A_268 = arith.constant 0 : i32
      %dma_start3A_269 = tpu.memref_slice %arg4[%add3A_265, %dma_start3A_268] : memref<917504x128xf32, #tpu.memory_space<hbm>> -> memref<112x128xf32, #tpu.memory_space<hbm>>
      tpu.enqueue_dma source(%arg6 : memref<112x128xf32, #tpu.memory_space<vmem>>) target(%dma_start3A_269 : memref<112x128xf32, #tpu.memory_space<hbm>>) target_semaphore(%arg22 : memref<!tpu.dma_semaphore, #tpu.memory_space<semaphore_mem>>)
      %mul3A_270 = arith.constant 8 : i32
      %mul3A_271 = arith.muli %scan3A_242, %mul3A_270 : i32
      %add3A_272 = arith.constant 1 : i32
      %add3A_273 = arith.addi %mul3A_271, %add3A_272 : i32
      %ge3A_274 = arith.constant 2 : i32
      %ge3A_275 = arith.cmpi sge, %add3A_273, %ge3A_274 : i32
      %convert_element_type3A_276 = arith.extui %ge3A_275 : i1 to i32
      %cond3A_277 = arith.constant 0 : i32
      %cond3A_278 = arith.cmpi ne, %convert_element_type3A_276, %cond3A_277 : i32
      scf.if %cond3A_278 {
        %sub3A = arith.constant 2 : i32
        %sub3A_487 = arith.subi %add3A_273, %sub3A : i32
        %add3A_488 = arith.constant 64 : i32
        %add3A_489 = arith.addi %add3A_488, %sub3A_487 : i32
        %mul3A_490 = arith.constant 112 : i32
        %mul3A_491 = arith.muli %add3A_489, %mul3A_490 : i32
        %add3A_492 = arith.addi %mul3A_4, %mul3A_491 : i32
        %dma_wait3A_493 = arith.constant 0 : i32
        %dma_wait3A_494 = tpu.memref_slice %arg4[%add3A_492, %dma_wait3A_493] : memref<917504x128xf32, #tpu.memory_space<hbm>> -> memref<112x128xf32, #tpu.memory_space<hbm>>
        %dma_wait3A_495 = arith.constant 0 : i32
        %dma_wait3A_496 = tpu.memref_slice %arg4[%add3A_492, %dma_wait3A_495] : memref<917504x128xf32, #tpu.memory_space<hbm>> -> memref<112x128xf32, #tpu.memory_space<hbm>>
        tpu.wait_dma2 semaphore(%arg29 : memref<!tpu.dma_semaphore, #tpu.memory_space<semaphore_mem>>) src(%arg13 : memref<112x128xf32, #tpu.memory_space<vmem>>) dst(%dma_wait3A_496 : memref<112x128xf32, #tpu.memory_space<hbm>>)
      } else {
      }
      %add3A_279 = arith.constant 6 : i32
      %add3A_280 = arith.addi %add3A_273, %add3A_279 : i32
      %lt3A_281 = arith.constant 64 : i32
      %lt3A_282 = arith.cmpi slt, %add3A_280, %lt3A_281 : i32
      %convert_element_type3A_283 = arith.extui %lt3A_282 : i1 to i32
      %cond3A_284 = arith.constant 0 : i32
      %cond3A_285 = arith.cmpi ne, %convert_element_type3A_283, %cond3A_284 : i32
      scf.if %cond3A_285 {
        %add3A_487 = arith.constant 6 : i32
        %add3A_488 = arith.addi %add3A_273, %add3A_487 : i32
        %dma_start3A_489 = arith.constant 0 : i32
        %dma_start3A_490 = tpu.memref_slice %arg5[%add3A_488, %dma_start3A_489] : memref<64x128xi32, #tpu.memory_space<vmem>> -> memref<1x112xi32, #tpu.memory_space<vmem>>
        %dma_start3A_491 = tpu.memref_squeeze %dma_start3A_490 : memref<1x112xi32, #tpu.memory_space<vmem>> -> memref<112xi32, #tpu.memory_space<vmem>>
        %dma_start3A_492 = arith.constant 0 : i32
        %dma_start3A_493 = arith.constant 0 : i32
        %dma_start3A_494 = tpu.memref_slice %arg3[%dma_start3A_492, %dma_start3A_493] : memref<1000000x128xf32, #tpu.memory_space<hbm>> -> memref<1000000x128xf32, #tpu.memory_space<hbm>>
        tpu.enqueue_indirect_dma source(%dma_start3A_494 : memref<1000000x128xf32, #tpu.memory_space<hbm>>) target(%arg13 : memref<112x128xf32, #tpu.memory_space<vmem>>) offsets(%dma_start3A_491 : memref<112xi32, #tpu.memory_space<vmem>>) semaphore(%arg21 : memref<!tpu.dma_semaphore, #tpu.memory_space<semaphore_mem>>)
      } else {
      }
      %dma_wait3A_286 = arith.constant 0 : i32
      %dma_wait3A_287 = tpu.memref_slice %arg5[%add3A_273, %dma_wait3A_286] : memref<64x128xi32, #tpu.memory_space<vmem>> -> memref<1x112xi32, #tpu.memory_space<vmem>>
      %dma_wait3A_288 = tpu.memref_squeeze %dma_wait3A_287 : memref<1x112xi32, #tpu.memory_space<vmem>> -> memref<112xi32, #tpu.memory_space<vmem>>
      %dma_wait3A_289 = arith.constant 0 : i32
      %dma_wait3A_290 = arith.constant 0 : i32
      %dma_wait3A_291 = tpu.memref_slice %arg3[%dma_wait3A_289, %dma_wait3A_290] : memref<1000000x128xf32, #tpu.memory_space<hbm>> -> memref<1000000x128xf32, #tpu.memory_space<hbm>>
      tpu.wait_indirect_dma semaphore(%arg15 : memref<!tpu.dma_semaphore, #tpu.memory_space<semaphore_mem>>) src(%dma_wait3A_291 : memref<1000000x128xf32, #tpu.memory_space<hbm>>) dst(%arg7 : memref<112x128xf32, #tpu.memory_space<vmem>>)
      %add3A_292 = arith.constant 64 : i32
      %add3A_293 = arith.addi %add3A_292, %add3A_273 : i32
      %mul3A_294 = arith.constant 112 : i32
      %mul3A_295 = arith.muli %add3A_293, %mul3A_294 : i32
      %add3A_296 = arith.addi %mul3A_4, %mul3A_295 : i32
      %dma_start3A_297 = arith.constant 0 : i32
      %dma_start3A_298 = tpu.memref_slice %arg4[%add3A_296, %dma_start3A_297] : memref<917504x128xf32, #tpu.memory_space<hbm>> -> memref<112x128xf32, #tpu.memory_space<hbm>>
      %dma_start3A_299 = arith.constant 0 : i32
      %dma_start3A_300 = tpu.memref_slice %arg4[%add3A_296, %dma_start3A_299] : memref<917504x128xf32, #tpu.memory_space<hbm>> -> memref<112x128xf32, #tpu.memory_space<hbm>>
      tpu.enqueue_dma source(%arg7 : memref<112x128xf32, #tpu.memory_space<vmem>>) target(%dma_start3A_300 : memref<112x128xf32, #tpu.memory_space<hbm>>) target_semaphore(%arg23 : memref<!tpu.dma_semaphore, #tpu.memory_space<semaphore_mem>>)
      %mul3A_301 = arith.constant 8 : i32
      %mul3A_302 = arith.muli %scan3A_242, %mul3A_301 : i32
      %add3A_303 = arith.constant 2 : i32
      %add3A_304 = arith.addi %mul3A_302, %add3A_303 : i32
      %ge3A_305 = arith.constant 2 : i32
      %ge3A_306 = arith.cmpi sge, %add3A_304, %ge3A_305 : i32
      %convert_element_type3A_307 = arith.extui %ge3A_306 : i1 to i32
      %cond3A_308 = arith.constant 0 : i32
      %cond3A_309 = arith.cmpi ne, %convert_element_type3A_307, %cond3A_308 : i32
      scf.if %cond3A_309 {
        %sub3A = arith.constant 2 : i32
        %sub3A_487 = arith.subi %add3A_304, %sub3A : i32
        %add3A_488 = arith.constant 64 : i32
        %add3A_489 = arith.addi %add3A_488, %sub3A_487 : i32
        %mul3A_490 = arith.constant 112 : i32
        %mul3A_491 = arith.muli %add3A_489, %mul3A_490 : i32
        %add3A_492 = arith.addi %mul3A_4, %mul3A_491 : i32
        %dma_wait3A_493 = arith.constant 0 : i32
        %dma_wait3A_494 = tpu.memref_slice %arg4[%add3A_492, %dma_wait3A_493] : memref<917504x128xf32, #tpu.memory_space<hbm>> -> memref<112x128xf32, #tpu.memory_space<hbm>>
        %dma_wait3A_495 = arith.constant 0 : i32
        %dma_wait3A_496 = tpu.memref_slice %arg4[%add3A_492, %dma_wait3A_495] : memref<917504x128xf32, #tpu.memory_space<hbm>> -> memref<112x128xf32, #tpu.memory_space<hbm>>
        tpu.wait_dma2 semaphore(%arg22 : memref<!tpu.dma_semaphore, #tpu.memory_space<semaphore_mem>>) src(%arg6 : memref<112x128xf32, #tpu.memory_space<vmem>>) dst(%dma_wait3A_496 : memref<112x128xf32, #tpu.memory_space<hbm>>)
      } else {
      }
      %add3A_310 = arith.constant 6 : i32
      %add3A_311 = arith.addi %add3A_304, %add3A_310 : i32
      %lt3A_312 = arith.constant 64 : i32
      %lt3A_313 = arith.cmpi slt, %add3A_311, %lt3A_312 : i32
      %convert_element_type3A_314 = arith.extui %lt3A_313 : i1 to i32
      %cond3A_315 = arith.constant 0 : i32
      %cond3A_316 = arith.cmpi ne, %convert_element_type3A_314, %cond3A_315 : i32
      scf.if %cond3A_316 {
        %add3A_487 = arith.constant 6 : i32
        %add3A_488 = arith.addi %add3A_304, %add3A_487 : i32
        %dma_start3A_489 = arith.constant 0 : i32
        %dma_start3A_490 = tpu.memref_slice %arg5[%add3A_488, %dma_start3A_489] : memref<64x128xi32, #tpu.memory_space<vmem>> -> memref<1x112xi32, #tpu.memory_space<vmem>>
        %dma_start3A_491 = tpu.memref_squeeze %dma_start3A_490 : memref<1x112xi32, #tpu.memory_space<vmem>> -> memref<112xi32, #tpu.memory_space<vmem>>
        %dma_start3A_492 = arith.constant 0 : i32
        %dma_start3A_493 = arith.constant 0 : i32
        %dma_start3A_494 = tpu.memref_slice %arg3[%dma_start3A_492, %dma_start3A_493] : memref<1000000x128xf32, #tpu.memory_space<hbm>> -> memref<1000000x128xf32, #tpu.memory_space<hbm>>
        tpu.enqueue_indirect_dma source(%dma_start3A_494 : memref<1000000x128xf32, #tpu.memory_space<hbm>>) target(%arg6 : memref<112x128xf32, #tpu.memory_space<vmem>>) offsets(%dma_start3A_491 : memref<112xi32, #tpu.memory_space<vmem>>) semaphore(%arg14 : memref<!tpu.dma_semaphore, #tpu.memory_space<semaphore_mem>>)
      } else {
      }
      %dma_wait3A_317 = arith.constant 0 : i32
      %dma_wait3A_318 = tpu.memref_slice %arg5[%add3A_304, %dma_wait3A_317] : memref<64x128xi32, #tpu.memory_space<vmem>> -> memref<1x112xi32, #tpu.memory_space<vmem>>
      %dma_wait3A_319 = tpu.memref_squeeze %dma_wait3A_318 : memref<1x112xi32, #tpu.memory_space<vmem>> -> memref<112xi32, #tpu.memory_space<vmem>>
      %dma_wait3A_320 = arith.constant 0 : i32
      %dma_wait3A_321 = arith.constant 0 : i32
      %dma_wait3A_322 = tpu.memref_slice %arg3[%dma_wait3A_320, %dma_wait3A_321] : memref<1000000x128xf32, #tpu.memory_space<hbm>> -> memref<1000000x128xf32, #tpu.memory_space<hbm>>
      tpu.wait_indirect_dma semaphore(%arg16 : memref<!tpu.dma_semaphore, #tpu.memory_space<semaphore_mem>>) src(%dma_wait3A_322 : memref<1000000x128xf32, #tpu.memory_space<hbm>>) dst(%arg8 : memref<112x128xf32, #tpu.memory_space<vmem>>)
      %add3A_323 = arith.constant 64 : i32
      %add3A_324 = arith.addi %add3A_323, %add3A_304 : i32
      %mul3A_325 = arith.constant 112 : i32
      %mul3A_326 = arith.muli %add3A_324, %mul3A_325 : i32
      %add3A_327 = arith.addi %mul3A_4, %mul3A_326 : i32
      %dma_start3A_328 = arith.constant 0 : i32
      %dma_start3A_329 = tpu.memref_slice %arg4[%add3A_327, %dma_start3A_328] : memref<917504x128xf32, #tpu.memory_space<hbm>> -> memref<112x128xf32, #tpu.memory_space<hbm>>
      %dma_start3A_330 = arith.constant 0 : i32
      %dma_start3A_331 = tpu.memref_slice %arg4[%add3A_327, %dma_start3A_330] : memref<917504x128xf32, #tpu.memory_space<hbm>> -> memref<112x128xf32, #tpu.memory_space<hbm>>
      tpu.enqueue_dma source(%arg8 : memref<112x128xf32, #tpu.memory_space<vmem>>) target(%dma_start3A_331 : memref<112x128xf32, #tpu.memory_space<hbm>>) target_semaphore(%arg24 : memref<!tpu.dma_semaphore, #tpu.memory_space<semaphore_mem>>)
      %mul3A_332 = arith.constant 8 : i32
      %mul3A_333 = arith.muli %scan3A_242, %mul3A_332 : i32
      %add3A_334 = arith.constant 3 : i32
      %add3A_335 = arith.addi %mul3A_333, %add3A_334 : i32
      %ge3A_336 = arith.constant 2 : i32
      %ge3A_337 = arith.cmpi sge, %add3A_335, %ge3A_336 : i32
      %convert_element_type3A_338 = arith.extui %ge3A_337 : i1 to i32
      %cond3A_339 = arith.constant 0 : i32
      %cond3A_340 = arith.cmpi ne, %convert_element_type3A_338, %cond3A_339 : i32
      scf.if %cond3A_340 {
        %sub3A = arith.constant 2 : i32
        %sub3A_487 = arith.subi %add3A_335, %sub3A : i32
        %add3A_488 = arith.constant 64 : i32
        %add3A_489 = arith.addi %add3A_488, %sub3A_487 : i32
        %mul3A_490 = arith.constant 112 : i32
        %mul3A_491 = arith.muli %add3A_489, %mul3A_490 : i32
        %add3A_492 = arith.addi %mul3A_4, %mul3A_491 : i32
        %dma_wait3A_493 = arith.constant 0 : i32
        %dma_wait3A_494 = tpu.memref_slice %arg4[%add3A_492, %dma_wait3A_493] : memref<917504x128xf32, #tpu.memory_space<hbm>> -> memref<112x128xf32, #tpu.memory_space<hbm>>
        %dma_wait3A_495 = arith.constant 0 : i32
        %dma_wait3A_496 = tpu.memref_slice %arg4[%add3A_492, %dma_wait3A_495] : memref<917504x128xf32, #tpu.memory_space<hbm>> -> memref<112x128xf32, #tpu.memory_space<hbm>>
        tpu.wait_dma2 semaphore(%arg23 : memref<!tpu.dma_semaphore, #tpu.memory_space<semaphore_mem>>) src(%arg7 : memref<112x128xf32, #tpu.memory_space<vmem>>) dst(%dma_wait3A_496 : memref<112x128xf32, #tpu.memory_space<hbm>>)
      } else {
      }
      %add3A_341 = arith.constant 6 : i32
      %add3A_342 = arith.addi %add3A_335, %add3A_341 : i32
      %lt3A_343 = arith.constant 64 : i32
      %lt3A_344 = arith.cmpi slt, %add3A_342, %lt3A_343 : i32
      %convert_element_type3A_345 = arith.extui %lt3A_344 : i1 to i32
      %cond3A_346 = arith.constant 0 : i32
      %cond3A_347 = arith.cmpi ne, %convert_element_type3A_345, %cond3A_346 : i32
      scf.if %cond3A_347 {
        %add3A_487 = arith.constant 6 : i32
        %add3A_488 = arith.addi %add3A_335, %add3A_487 : i32
        %dma_start3A_489 = arith.constant 0 : i32
        %dma_start3A_490 = tpu.memref_slice %arg5[%add3A_488, %dma_start3A_489] : memref<64x128xi32, #tpu.memory_space<vmem>> -> memref<1x112xi32, #tpu.memory_space<vmem>>
        %dma_start3A_491 = tpu.memref_squeeze %dma_start3A_490 : memref<1x112xi32, #tpu.memory_space<vmem>> -> memref<112xi32, #tpu.memory_space<vmem>>
        %dma_start3A_492 = arith.constant 0 : i32
        %dma_start3A_493 = arith.constant 0 : i32
        %dma_start3A_494 = tpu.memref_slice %arg3[%dma_start3A_492, %dma_start3A_493] : memref<1000000x128xf32, #tpu.memory_space<hbm>> -> memref<1000000x128xf32, #tpu.memory_space<hbm>>
        tpu.enqueue_indirect_dma source(%dma_start3A_494 : memref<1000000x128xf32, #tpu.memory_space<hbm>>) target(%arg7 : memref<112x128xf32, #tpu.memory_space<vmem>>) offsets(%dma_start3A_491 : memref<112xi32, #tpu.memory_space<vmem>>) semaphore(%arg15 : memref<!tpu.dma_semaphore, #tpu.memory_space<semaphore_mem>>)
      } else {
      }
      %dma_wait3A_348 = arith.constant 0 : i32
      %dma_wait3A_349 = tpu.memref_slice %arg5[%add3A_335, %dma_wait3A_348] : memref<64x128xi32, #tpu.memory_space<vmem>> -> memref<1x112xi32, #tpu.memory_space<vmem>>
      %dma_wait3A_350 = tpu.memref_squeeze %dma_wait3A_349 : memref<1x112xi32, #tpu.memory_space<vmem>> -> memref<112xi32, #tpu.memory_space<vmem>>
      %dma_wait3A_351 = arith.constant 0 : i32
      %dma_wait3A_352 = arith.constant 0 : i32
      %dma_wait3A_353 = tpu.memref_slice %arg3[%dma_wait3A_351, %dma_wait3A_352] : memref<1000000x128xf32, #tpu.memory_space<hbm>> -> memref<1000000x128xf32, #tpu.memory_space<hbm>>
      tpu.wait_indirect_dma semaphore(%arg17 : memref<!tpu.dma_semaphore, #tpu.memory_space<semaphore_mem>>) src(%dma_wait3A_353 : memref<1000000x128xf32, #tpu.memory_space<hbm>>) dst(%arg9 : memref<112x128xf32, #tpu.memory_space<vmem>>)
      %add3A_354 = arith.constant 64 : i32
      %add3A_355 = arith.addi %add3A_354, %add3A_335 : i32
      %mul3A_356 = arith.constant 112 : i32
      %mul3A_357 = arith.muli %add3A_355, %mul3A_356 : i32
      %add3A_358 = arith.addi %mul3A_4, %mul3A_357 : i32
      %dma_start3A_359 = arith.constant 0 : i32
      %dma_start3A_360 = tpu.memref_slice %arg4[%add3A_358, %dma_start3A_359] : memref<917504x128xf32, #tpu.memory_space<hbm>> -> memref<112x128xf32, #tpu.memory_space<hbm>>
      %dma_start3A_361 = arith.constant 0 : i32
      %dma_start3A_362 = tpu.memref_slice %arg4[%add3A_358, %dma_start3A_361] : memref<917504x128xf32, #tpu.memory_space<hbm>> -> memref<112x128xf32, #tpu.memory_space<hbm>>
      tpu.enqueue_dma source(%arg9 : memref<112x128xf32, #tpu.memory_space<vmem>>) target(%dma_start3A_362 : memref<112x128xf32, #tpu.memory_space<hbm>>) target_semaphore(%arg25 : memref<!tpu.dma_semaphore, #tpu.memory_space<semaphore_mem>>)
      %mul3A_363 = arith.constant 8 : i32
      %mul3A_364 = arith.muli %scan3A_242, %mul3A_363 : i32
      %add3A_365 = arith.constant 4 : i32
      %add3A_366 = arith.addi %mul3A_364, %add3A_365 : i32
      %ge3A_367 = arith.constant 2 : i32
      %ge3A_368 = arith.cmpi sge, %add3A_366, %ge3A_367 : i32
      %convert_element_type3A_369 = arith.extui %ge3A_368 : i1 to i32
      %cond3A_370 = arith.constant 0 : i32
      %cond3A_371 = arith.cmpi ne, %convert_element_type3A_369, %cond3A_370 : i32
      scf.if %cond3A_371 {
        %sub3A = arith.constant 2 : i32
        %sub3A_487 = arith.subi %add3A_366, %sub3A : i32
        %add3A_488 = arith.constant 64 : i32
        %add3A_489 = arith.addi %add3A_488, %sub3A_487 : i32
        %mul3A_490 = arith.constant 112 : i32
        %mul3A_491 = arith.muli %add3A_489, %mul3A_490 : i32
        %add3A_492 = arith.addi %mul3A_4, %mul3A_491 : i32
        %dma_wait3A_493 = arith.constant 0 : i32
        %dma_wait3A_494 = tpu.memref_slice %arg4[%add3A_492, %dma_wait3A_493] : memref<917504x128xf32, #tpu.memory_space<hbm>> -> memref<112x128xf32, #tpu.memory_space<hbm>>
        %dma_wait3A_495 = arith.constant 0 : i32
        %dma_wait3A_496 = tpu.memref_slice %arg4[%add3A_492, %dma_wait3A_495] : memref<917504x128xf32, #tpu.memory_space<hbm>> -> memref<112x128xf32, #tpu.memory_space<hbm>>
        tpu.wait_dma2 semaphore(%arg24 : memref<!tpu.dma_semaphore, #tpu.memory_space<semaphore_mem>>) src(%arg8 : memref<112x128xf32, #tpu.memory_space<vmem>>) dst(%dma_wait3A_496 : memref<112x128xf32, #tpu.memory_space<hbm>>)
      } else {
      }
      %add3A_372 = arith.constant 6 : i32
      %add3A_373 = arith.addi %add3A_366, %add3A_372 : i32
      %lt3A_374 = arith.constant 64 : i32
      %lt3A_375 = arith.cmpi slt, %add3A_373, %lt3A_374 : i32
      %convert_element_type3A_376 = arith.extui %lt3A_375 : i1 to i32
      %cond3A_377 = arith.constant 0 : i32
      %cond3A_378 = arith.cmpi ne, %convert_element_type3A_376, %cond3A_377 : i32
      scf.if %cond3A_378 {
        %add3A_487 = arith.constant 6 : i32
        %add3A_488 = arith.addi %add3A_366, %add3A_487 : i32
        %dma_start3A_489 = arith.constant 0 : i32
        %dma_start3A_490 = tpu.memref_slice %arg5[%add3A_488, %dma_start3A_489] : memref<64x128xi32, #tpu.memory_space<vmem>> -> memref<1x112xi32, #tpu.memory_space<vmem>>
        %dma_start3A_491 = tpu.memref_squeeze %dma_start3A_490 : memref<1x112xi32, #tpu.memory_space<vmem>> -> memref<112xi32, #tpu.memory_space<vmem>>
        %dma_start3A_492 = arith.constant 0 : i32
        %dma_start3A_493 = arith.constant 0 : i32
        %dma_start3A_494 = tpu.memref_slice %arg3[%dma_start3A_492, %dma_start3A_493] : memref<1000000x128xf32, #tpu.memory_space<hbm>> -> memref<1000000x128xf32, #tpu.memory_space<hbm>>
        tpu.enqueue_indirect_dma source(%dma_start3A_494 : memref<1000000x128xf32, #tpu.memory_space<hbm>>) target(%arg8 : memref<112x128xf32, #tpu.memory_space<vmem>>) offsets(%dma_start3A_491 : memref<112xi32, #tpu.memory_space<vmem>>) semaphore(%arg16 : memref<!tpu.dma_semaphore, #tpu.memory_space<semaphore_mem>>)
      } else {
      }
      %dma_wait3A_379 = arith.constant 0 : i32
      %dma_wait3A_380 = tpu.memref_slice %arg5[%add3A_366, %dma_wait3A_379] : memref<64x128xi32, #tpu.memory_space<vmem>> -> memref<1x112xi32, #tpu.memory_space<vmem>>
      %dma_wait3A_381 = tpu.memref_squeeze %dma_wait3A_380 : memref<1x112xi32, #tpu.memory_space<vmem>> -> memref<112xi32, #tpu.memory_space<vmem>>
      %dma_wait3A_382 = arith.constant 0 : i32
      %dma_wait3A_383 = arith.constant 0 : i32
      %dma_wait3A_384 = tpu.memref_slice %arg3[%dma_wait3A_382, %dma_wait3A_383] : memref<1000000x128xf32, #tpu.memory_space<hbm>> -> memref<1000000x128xf32, #tpu.memory_space<hbm>>
      tpu.wait_indirect_dma semaphore(%arg18 : memref<!tpu.dma_semaphore, #tpu.memory_space<semaphore_mem>>) src(%dma_wait3A_384 : memref<1000000x128xf32, #tpu.memory_space<hbm>>) dst(%arg10 : memref<112x128xf32, #tpu.memory_space<vmem>>)
      %add3A_385 = arith.constant 64 : i32
      %add3A_386 = arith.addi %add3A_385, %add3A_366 : i32
      %mul3A_387 = arith.constant 112 : i32
      %mul3A_388 = arith.muli %add3A_386, %mul3A_387 : i32
      %add3A_389 = arith.addi %mul3A_4, %mul3A_388 : i32
      %dma_start3A_390 = arith.constant 0 : i32
      %dma_start3A_391 = tpu.memref_slice %arg4[%add3A_389, %dma_start3A_390] : memref<917504x128xf32, #tpu.memory_space<hbm>> -> memref<112x128xf32, #tpu.memory_space<hbm>>
      %dma_start3A_392 = arith.constant 0 : i32
      %dma_start3A_393 = tpu.memref_slice %arg4[%add3A_389, %dma_start3A_392] : memref<917504x128xf32, #tpu.memory_space<hbm>> -> memref<112x128xf32, #tpu.memory_space<hbm>>
      tpu.enqueue_dma source(%arg10 : memref<112x128xf32, #tpu.memory_space<vmem>>) target(%dma_start3A_393 : memref<112x128xf32, #tpu.memory_space<hbm>>) target_semaphore(%arg26 : memref<!tpu.dma_semaphore, #tpu.memory_space<semaphore_mem>>)
      %mul3A_394 = arith.constant 8 : i32
      %mul3A_395 = arith.muli %scan3A_242, %mul3A_394 : i32
      %add3A_396 = arith.constant 5 : i32
      %add3A_397 = arith.addi %mul3A_395, %add3A_396 : i32
      %ge3A_398 = arith.constant 2 : i32
      %ge3A_399 = arith.cmpi sge, %add3A_397, %ge3A_398 : i32
      %convert_element_type3A_400 = arith.extui %ge3A_399 : i1 to i32
      %cond3A_401 = arith.constant 0 : i32
      %cond3A_402 = arith.cmpi ne, %convert_element_type3A_400, %cond3A_401 : i32
      scf.if %cond3A_402 {
        %sub3A = arith.constant 2 : i32
        %sub3A_487 = arith.subi %add3A_397, %sub3A : i32
        %add3A_488 = arith.constant 64 : i32
        %add3A_489 = arith.addi %add3A_488, %sub3A_487 : i32
        %mul3A_490 = arith.constant 112 : i32
        %mul3A_491 = arith.muli %add3A_489, %mul3A_490 : i32
        %add3A_492 = arith.addi %mul3A_4, %mul3A_491 : i32
        %dma_wait3A_493 = arith.constant 0 : i32
        %dma_wait3A_494 = tpu.memref_slice %arg4[%add3A_492, %dma_wait3A_493] : memref<917504x128xf32, #tpu.memory_space<hbm>> -> memref<112x128xf32, #tpu.memory_space<hbm>>
        %dma_wait3A_495 = arith.constant 0 : i32
        %dma_wait3A_496 = tpu.memref_slice %arg4[%add3A_492, %dma_wait3A_495] : memref<917504x128xf32, #tpu.memory_space<hbm>> -> memref<112x128xf32, #tpu.memory_space<hbm>>
        tpu.wait_dma2 semaphore(%arg25 : memref<!tpu.dma_semaphore, #tpu.memory_space<semaphore_mem>>) src(%arg9 : memref<112x128xf32, #tpu.memory_space<vmem>>) dst(%dma_wait3A_496 : memref<112x128xf32, #tpu.memory_space<hbm>>)
      } else {
      }
      %add3A_403 = arith.constant 6 : i32
      %add3A_404 = arith.addi %add3A_397, %add3A_403 : i32
      %lt3A_405 = arith.constant 64 : i32
      %lt3A_406 = arith.cmpi slt, %add3A_404, %lt3A_405 : i32
      %convert_element_type3A_407 = arith.extui %lt3A_406 : i1 to i32
      %cond3A_408 = arith.constant 0 : i32
      %cond3A_409 = arith.cmpi ne, %convert_element_type3A_407, %cond3A_408 : i32
      scf.if %cond3A_409 {
        %add3A_487 = arith.constant 6 : i32
        %add3A_488 = arith.addi %add3A_397, %add3A_487 : i32
        %dma_start3A_489 = arith.constant 0 : i32
        %dma_start3A_490 = tpu.memref_slice %arg5[%add3A_488, %dma_start3A_489] : memref<64x128xi32, #tpu.memory_space<vmem>> -> memref<1x112xi32, #tpu.memory_space<vmem>>
        %dma_start3A_491 = tpu.memref_squeeze %dma_start3A_490 : memref<1x112xi32, #tpu.memory_space<vmem>> -> memref<112xi32, #tpu.memory_space<vmem>>
        %dma_start3A_492 = arith.constant 0 : i32
        %dma_start3A_493 = arith.constant 0 : i32
        %dma_start3A_494 = tpu.memref_slice %arg3[%dma_start3A_492, %dma_start3A_493] : memref<1000000x128xf32, #tpu.memory_space<hbm>> -> memref<1000000x128xf32, #tpu.memory_space<hbm>>
        tpu.enqueue_indirect_dma source(%dma_start3A_494 : memref<1000000x128xf32, #tpu.memory_space<hbm>>) target(%arg9 : memref<112x128xf32, #tpu.memory_space<vmem>>) offsets(%dma_start3A_491 : memref<112xi32, #tpu.memory_space<vmem>>) semaphore(%arg17 : memref<!tpu.dma_semaphore, #tpu.memory_space<semaphore_mem>>)
      } else {
      }
      %dma_wait3A_410 = arith.constant 0 : i32
      %dma_wait3A_411 = tpu.memref_slice %arg5[%add3A_397, %dma_wait3A_410] : memref<64x128xi32, #tpu.memory_space<vmem>> -> memref<1x112xi32, #tpu.memory_space<vmem>>
      %dma_wait3A_412 = tpu.memref_squeeze %dma_wait3A_411 : memref<1x112xi32, #tpu.memory_space<vmem>> -> memref<112xi32, #tpu.memory_space<vmem>>
      %dma_wait3A_413 = arith.constant 0 : i32
      %dma_wait3A_414 = arith.constant 0 : i32
      %dma_wait3A_415 = tpu.memref_slice %arg3[%dma_wait3A_413, %dma_wait3A_414] : memref<1000000x128xf32, #tpu.memory_space<hbm>> -> memref<1000000x128xf32, #tpu.memory_space<hbm>>
      tpu.wait_indirect_dma semaphore(%arg19 : memref<!tpu.dma_semaphore, #tpu.memory_space<semaphore_mem>>) src(%dma_wait3A_415 : memref<1000000x128xf32, #tpu.memory_space<hbm>>) dst(%arg11 : memref<112x128xf32, #tpu.memory_space<vmem>>)
      %add3A_416 = arith.constant 64 : i32
      %add3A_417 = arith.addi %add3A_416, %add3A_397 : i32
      %mul3A_418 = arith.constant 112 : i32
      %mul3A_419 = arith.muli %add3A_417, %mul3A_418 : i32
      %add3A_420 = arith.addi %mul3A_4, %mul3A_419 : i32
      %dma_start3A_421 = arith.constant 0 : i32
      %dma_start3A_422 = tpu.memref_slice %arg4[%add3A_420, %dma_start3A_421] : memref<917504x128xf32, #tpu.memory_space<hbm>> -> memref<112x128xf32, #tpu.memory_space<hbm>>
      %dma_start3A_423 = arith.constant 0 : i32
      %dma_start3A_424 = tpu.memref_slice %arg4[%add3A_420, %dma_start3A_423] : memref<917504x128xf32, #tpu.memory_space<hbm>> -> memref<112x128xf32, #tpu.memory_space<hbm>>
      tpu.enqueue_dma source(%arg11 : memref<112x128xf32, #tpu.memory_space<vmem>>) target(%dma_start3A_424 : memref<112x128xf32, #tpu.memory_space<hbm>>) target_semaphore(%arg27 : memref<!tpu.dma_semaphore, #tpu.memory_space<semaphore_mem>>)
      %mul3A_425 = arith.constant 8 : i32
      %mul3A_426 = arith.muli %scan3A_242, %mul3A_425 : i32
      %add3A_427 = arith.constant 6 : i32
      %add3A_428 = arith.addi %mul3A_426, %add3A_427 : i32
      %ge3A_429 = arith.constant 2 : i32
      %ge3A_430 = arith.cmpi sge, %add3A_428, %ge3A_429 : i32
      %convert_element_type3A_431 = arith.extui %ge3A_430 : i1 to i32
      %cond3A_432 = arith.constant 0 : i32
      %cond3A_433 = arith.cmpi ne, %convert_element_type3A_431, %cond3A_432 : i32
      scf.if %cond3A_433 {
        %sub3A = arith.constant 2 : i32
        %sub3A_487 = arith.subi %add3A_428, %sub3A : i32
        %add3A_488 = arith.constant 64 : i32
        %add3A_489 = arith.addi %add3A_488, %sub3A_487 : i32
        %mul3A_490 = arith.constant 112 : i32
        %mul3A_491 = arith.muli %add3A_489, %mul3A_490 : i32
        %add3A_492 = arith.addi %mul3A_4, %mul3A_491 : i32
        %dma_wait3A_493 = arith.constant 0 : i32
        %dma_wait3A_494 = tpu.memref_slice %arg4[%add3A_492, %dma_wait3A_493] : memref<917504x128xf32, #tpu.memory_space<hbm>> -> memref<112x128xf32, #tpu.memory_space<hbm>>
        %dma_wait3A_495 = arith.constant 0 : i32
        %dma_wait3A_496 = tpu.memref_slice %arg4[%add3A_492, %dma_wait3A_495] : memref<917504x128xf32, #tpu.memory_space<hbm>> -> memref<112x128xf32, #tpu.memory_space<hbm>>
        tpu.wait_dma2 semaphore(%arg26 : memref<!tpu.dma_semaphore, #tpu.memory_space<semaphore_mem>>) src(%arg10 : memref<112x128xf32, #tpu.memory_space<vmem>>) dst(%dma_wait3A_496 : memref<112x128xf32, #tpu.memory_space<hbm>>)
      } else {
      }
      %add3A_434 = arith.constant 6 : i32
      %add3A_435 = arith.addi %add3A_428, %add3A_434 : i32
      %lt3A_436 = arith.constant 64 : i32
      %lt3A_437 = arith.cmpi slt, %add3A_435, %lt3A_436 : i32
      %convert_element_type3A_438 = arith.extui %lt3A_437 : i1 to i32
      %cond3A_439 = arith.constant 0 : i32
      %cond3A_440 = arith.cmpi ne, %convert_element_type3A_438, %cond3A_439 : i32
      scf.if %cond3A_440 {
        %add3A_487 = arith.constant 6 : i32
        %add3A_488 = arith.addi %add3A_428, %add3A_487 : i32
        %dma_start3A_489 = arith.constant 0 : i32
        %dma_start3A_490 = tpu.memref_slice %arg5[%add3A_488, %dma_start3A_489] : memref<64x128xi32, #tpu.memory_space<vmem>> -> memref<1x112xi32, #tpu.memory_space<vmem>>
        %dma_start3A_491 = tpu.memref_squeeze %dma_start3A_490 : memref<1x112xi32, #tpu.memory_space<vmem>> -> memref<112xi32, #tpu.memory_space<vmem>>
        %dma_start3A_492 = arith.constant 0 : i32
        %dma_start3A_493 = arith.constant 0 : i32
        %dma_start3A_494 = tpu.memref_slice %arg3[%dma_start3A_492, %dma_start3A_493] : memref<1000000x128xf32, #tpu.memory_space<hbm>> -> memref<1000000x128xf32, #tpu.memory_space<hbm>>
        tpu.enqueue_indirect_dma source(%dma_start3A_494 : memref<1000000x128xf32, #tpu.memory_space<hbm>>) target(%arg10 : memref<112x128xf32, #tpu.memory_space<vmem>>) offsets(%dma_start3A_491 : memref<112xi32, #tpu.memory_space<vmem>>) semaphore(%arg18 : memref<!tpu.dma_semaphore, #tpu.memory_space<semaphore_mem>>)
      } else {
      }
      %dma_wait3A_441 = arith.constant 0 : i32
      %dma_wait3A_442 = tpu.memref_slice %arg5[%add3A_428, %dma_wait3A_441] : memref<64x128xi32, #tpu.memory_space<vmem>> -> memref<1x112xi32, #tpu.memory_space<vmem>>
      %dma_wait3A_443 = tpu.memref_squeeze %dma_wait3A_442 : memref<1x112xi32, #tpu.memory_space<vmem>> -> memref<112xi32, #tpu.memory_space<vmem>>
      %dma_wait3A_444 = arith.constant 0 : i32
      %dma_wait3A_445 = arith.constant 0 : i32
      %dma_wait3A_446 = tpu.memref_slice %arg3[%dma_wait3A_444, %dma_wait3A_445] : memref<1000000x128xf32, #tpu.memory_space<hbm>> -> memref<1000000x128xf32, #tpu.memory_space<hbm>>
      tpu.wait_indirect_dma semaphore(%arg20 : memref<!tpu.dma_semaphore, #tpu.memory_space<semaphore_mem>>) src(%dma_wait3A_446 : memref<1000000x128xf32, #tpu.memory_space<hbm>>) dst(%arg12 : memref<112x128xf32, #tpu.memory_space<vmem>>)
      %add3A_447 = arith.constant 64 : i32
      %add3A_448 = arith.addi %add3A_447, %add3A_428 : i32
      %mul3A_449 = arith.constant 112 : i32
      %mul3A_450 = arith.muli %add3A_448, %mul3A_449 : i32
      %add3A_451 = arith.addi %mul3A_4, %mul3A_450 : i32
      %dma_start3A_452 = arith.constant 0 : i32
      %dma_start3A_453 = tpu.memref_slice %arg4[%add3A_451, %dma_start3A_452] : memref<917504x128xf32, #tpu.memory_space<hbm>> -> memref<112x128xf32, #tpu.memory_space<hbm>>
      %dma_start3A_454 = arith.constant 0 : i32
      %dma_start3A_455 = tpu.memref_slice %arg4[%add3A_451, %dma_start3A_454] : memref<917504x128xf32, #tpu.memory_space<hbm>> -> memref<112x128xf32, #tpu.memory_space<hbm>>
      tpu.enqueue_dma source(%arg12 : memref<112x128xf32, #tpu.memory_space<vmem>>) target(%dma_start3A_455 : memref<112x128xf32, #tpu.memory_space<hbm>>) target_semaphore(%arg28 : memref<!tpu.dma_semaphore, #tpu.memory_space<semaphore_mem>>)
      %mul3A_456 = arith.constant 8 : i32
      %mul3A_457 = arith.muli %scan3A_242, %mul3A_456 : i32
      %add3A_458 = arith.constant 7 : i32
      %add3A_459 = arith.addi %mul3A_457, %add3A_458 : i32
      %ge3A_460 = arith.constant 2 : i32
      %ge3A_461 = arith.cmpi sge, %add3A_459, %ge3A_460 : i32
      %convert_element_type3A_462 = arith.extui %ge3A_461 : i1 to i32
      %cond3A_463 = arith.constant 0 : i32
      %cond3A_464 = arith.cmpi ne, %convert_element_type3A_462, %cond3A_463 : i32
      scf.if %cond3A_464 {
        %sub3A = arith.constant 2 : i32
        %sub3A_487 = arith.subi %add3A_459, %sub3A : i32
        %add3A_488 = arith.constant 64 : i32
        %add3A_489 = arith.addi %add3A_488, %sub3A_487 : i32
        %mul3A_490 = arith.constant 112 : i32
        %mul3A_491 = arith.muli %add3A_489, %mul3A_490 : i32
        %add3A_492 = arith.addi %mul3A_4, %mul3A_491 : i32
        %dma_wait3A_493 = arith.constant 0 : i32
        %dma_wait3A_494 = tpu.memref_slice %arg4[%add3A_492, %dma_wait3A_493] : memref<917504x128xf32, #tpu.memory_space<hbm>> -> memref<112x128xf32, #tpu.memory_space<hbm>>
        %dma_wait3A_495 = arith.constant 0 : i32
        %dma_wait3A_496 = tpu.memref_slice %arg4[%add3A_492, %dma_wait3A_495] : memref<917504x128xf32, #tpu.memory_space<hbm>> -> memref<112x128xf32, #tpu.memory_space<hbm>>
        tpu.wait_dma2 semaphore(%arg27 : memref<!tpu.dma_semaphore, #tpu.memory_space<semaphore_mem>>) src(%arg11 : memref<112x128xf32, #tpu.memory_space<vmem>>) dst(%dma_wait3A_496 : memref<112x128xf32, #tpu.memory_space<hbm>>)
      } else {
      }
      %add3A_465 = arith.constant 6 : i32
      %add3A_466 = arith.addi %add3A_459, %add3A_465 : i32
      %lt3A_467 = arith.constant 64 : i32
      %lt3A_468 = arith.cmpi slt, %add3A_466, %lt3A_467 : i32
      %convert_element_type3A_469 = arith.extui %lt3A_468 : i1 to i32
      %cond3A_470 = arith.constant 0 : i32
      %cond3A_471 = arith.cmpi ne, %convert_element_type3A_469, %cond3A_470 : i32
      scf.if %cond3A_471 {
        %add3A_487 = arith.constant 6 : i32
        %add3A_488 = arith.addi %add3A_459, %add3A_487 : i32
        %dma_start3A_489 = arith.constant 0 : i32
        %dma_start3A_490 = tpu.memref_slice %arg5[%add3A_488, %dma_start3A_489] : memref<64x128xi32, #tpu.memory_space<vmem>> -> memref<1x112xi32, #tpu.memory_space<vmem>>
        %dma_start3A_491 = tpu.memref_squeeze %dma_start3A_490 : memref<1x112xi32, #tpu.memory_space<vmem>> -> memref<112xi32, #tpu.memory_space<vmem>>
        %dma_start3A_492 = arith.constant 0 : i32
        %dma_start3A_493 = arith.constant 0 : i32
        %dma_start3A_494 = tpu.memref_slice %arg3[%dma_start3A_492, %dma_start3A_493] : memref<1000000x128xf32, #tpu.memory_space<hbm>> -> memref<1000000x128xf32, #tpu.memory_space<hbm>>
        tpu.enqueue_indirect_dma source(%dma_start3A_494 : memref<1000000x128xf32, #tpu.memory_space<hbm>>) target(%arg11 : memref<112x128xf32, #tpu.memory_space<vmem>>) offsets(%dma_start3A_491 : memref<112xi32, #tpu.memory_space<vmem>>) semaphore(%arg19 : memref<!tpu.dma_semaphore, #tpu.memory_space<semaphore_mem>>)
      } else {
      }
      %dma_wait3A_472 = arith.constant 0 : i32
      %dma_wait3A_473 = tpu.memref_slice %arg5[%add3A_459, %dma_wait3A_472] : memref<64x128xi32, #tpu.memory_space<vmem>> -> memref<1x112xi32, #tpu.memory_space<vmem>>
      %dma_wait3A_474 = tpu.memref_squeeze %dma_wait3A_473 : memref<1x112xi32, #tpu.memory_space<vmem>> -> memref<112xi32, #tpu.memory_space<vmem>>
      %dma_wait3A_475 = arith.constant 0 : i32
      %dma_wait3A_476 = arith.constant 0 : i32
      %dma_wait3A_477 = tpu.memref_slice %arg3[%dma_wait3A_475, %dma_wait3A_476] : memref<1000000x128xf32, #tpu.memory_space<hbm>> -> memref<1000000x128xf32, #tpu.memory_space<hbm>>
      tpu.wait_indirect_dma semaphore(%arg21 : memref<!tpu.dma_semaphore, #tpu.memory_space<semaphore_mem>>) src(%dma_wait3A_477 : memref<1000000x128xf32, #tpu.memory_space<hbm>>) dst(%arg13 : memref<112x128xf32, #tpu.memory_space<vmem>>)
      %add3A_478 = arith.constant 64 : i32
      %add3A_479 = arith.addi %add3A_478, %add3A_459 : i32
      %mul3A_480 = arith.constant 112 : i32
      %mul3A_481 = arith.muli %add3A_479, %mul3A_480 : i32
      %add3A_482 = arith.addi %mul3A_4, %mul3A_481 : i32
      %dma_start3A_483 = arith.constant 0 : i32
      %dma_start3A_484 = tpu.memref_slice %arg4[%add3A_482, %dma_start3A_483] : memref<917504x128xf32, #tpu.memory_space<hbm>> -> memref<112x128xf32, #tpu.memory_space<hbm>>
      %dma_start3A_485 = arith.constant 0 : i32
      %dma_start3A_486 = tpu.memref_slice %arg4[%add3A_482, %dma_start3A_485] : memref<917504x128xf32, #tpu.memory_space<hbm>> -> memref<112x128xf32, #tpu.memory_space<hbm>>
      tpu.enqueue_dma source(%arg13 : memref<112x128xf32, #tpu.memory_space<vmem>>) target(%dma_start3A_486 : memref<112x128xf32, #tpu.memory_space<hbm>>) target_semaphore(%arg29 : memref<!tpu.dma_semaphore, #tpu.memory_space<semaphore_mem>>)
    }
    %scan3A_109 = arith.constant 8 : i32
    %add3A_110 = arith.constant 14112 : i32
    %add3A_111 = arith.addi %mul3A_4, %add3A_110 : i32
    %dma_wait3A_112 = arith.constant 0 : i32
    %dma_wait3A_113 = tpu.memref_slice %arg4[%add3A_111, %dma_wait3A_112] : memref<917504x128xf32, #tpu.memory_space<hbm>> -> memref<112x128xf32, #tpu.memory_space<hbm>>
    %dma_wait3A_114 = arith.constant 0 : i32
    %dma_wait3A_115 = tpu.memref_slice %arg4[%add3A_111, %dma_wait3A_114] : memref<917504x128xf32, #tpu.memory_space<hbm>> -> memref<112x128xf32, #tpu.memory_space<hbm>>
    tpu.wait_dma2 semaphore(%arg28 : memref<!tpu.dma_semaphore, #tpu.memory_space<semaphore_mem>>) src(%arg12 : memref<112x128xf32, #tpu.memory_space<vmem>>) dst(%dma_wait3A_115 : memref<112x128xf32, #tpu.memory_space<hbm>>)
    %add3A_116 = arith.constant 14224 : i32
    %add3A_117 = arith.addi %mul3A_4, %add3A_116 : i32
    %dma_wait3A_118 = arith.constant 0 : i32
    %dma_wait3A_119 = tpu.memref_slice %arg4[%add3A_117, %dma_wait3A_118] : memref<917504x128xf32, #tpu.memory_space<hbm>> -> memref<112x128xf32, #tpu.memory_space<hbm>>
    %dma_wait3A_120 = arith.constant 0 : i32
    %dma_wait3A_121 = tpu.memref_slice %arg4[%add3A_117, %dma_wait3A_120] : memref<917504x128xf32, #tpu.memory_space<hbm>> -> memref<112x128xf32, #tpu.memory_space<hbm>>
    tpu.wait_dma2 semaphore(%arg29 : memref<!tpu.dma_semaphore, #tpu.memory_space<semaphore_mem>>) src(%arg13 : memref<112x128xf32, #tpu.memory_space<vmem>>) dst(%dma_wait3A_121 : memref<112x128xf32, #tpu.memory_space<hbm>>)
    "tpu.region"() ({
      %run_scoped3A = tpu.sem_alloc : memref<!tpu.dma_semaphore, #tpu.memory_space<semaphore_mem>>
      %dma_start3A_242 = arith.constant 128 : i32
      %dma_start3A_243 = arith.constant 0 : i32
      %dma_start3A_244 = tpu.memref_slice %arg2[%add3A, %dma_start3A_242, %dma_start3A_243] : memref<32x256x128xi32, #tpu.memory_space<hbm>> -> memref<1x64x128xi32, #tpu.memory_space<hbm>>
      %dma_start3A_245 = tpu.memref_squeeze %dma_start3A_244 : memref<1x64x128xi32, #tpu.memory_space<hbm>> -> memref<64x128xi32, #tpu.memory_space<hbm>>
      %dma_start3A_246 = arith.constant 128 : i32
      %dma_start3A_247 = arith.constant 0 : i32
      %dma_start3A_248 = tpu.memref_slice %arg2[%add3A, %dma_start3A_246, %dma_start3A_247] : memref<32x256x128xi32, #tpu.memory_space<hbm>> -> memref<1x64x128xi32, #tpu.memory_space<hbm>>
      %dma_start3A_249 = tpu.memref_squeeze %dma_start3A_248 : memref<1x64x128xi32, #tpu.memory_space<hbm>> -> memref<64x128xi32, #tpu.memory_space<hbm>>
      tpu.enqueue_dma source(%dma_start3A_249 : memref<64x128xi32, #tpu.memory_space<hbm>>) target(%arg5 : memref<64x128xi32, #tpu.memory_space<vmem>>) target_semaphore(%run_scoped3A : memref<!tpu.dma_semaphore, #tpu.memory_space<semaphore_mem>>)
      %dma_wait3A_250 = arith.constant 128 : i32
      %dma_wait3A_251 = arith.constant 0 : i32
      %dma_wait3A_252 = tpu.memref_slice %arg2[%add3A, %dma_wait3A_250, %dma_wait3A_251] : memref<32x256x128xi32, #tpu.memory_space<hbm>> -> memref<1x64x128xi32, #tpu.memory_space<hbm>>
      %dma_wait3A_253 = tpu.memref_squeeze %dma_wait3A_252 : memref<1x64x128xi32, #tpu.memory_space<hbm>> -> memref<64x128xi32, #tpu.memory_space<hbm>>
      %dma_wait3A_254 = arith.constant 128 : i32
      %dma_wait3A_255 = arith.constant 0 : i32
      %dma_wait3A_256 = tpu.memref_slice %arg2[%add3A, %dma_wait3A_254, %dma_wait3A_255] : memref<32x256x128xi32, #tpu.memory_space<hbm>> -> memref<1x64x128xi32, #tpu.memory_space<hbm>>
      %dma_wait3A_257 = tpu.memref_squeeze %dma_wait3A_256 : memref<1x64x128xi32, #tpu.memory_space<hbm>> -> memref<64x128xi32, #tpu.memory_space<hbm>>
      tpu.wait_dma2 semaphore(%run_scoped3A : memref<!tpu.dma_semaphore, #tpu.memory_space<semaphore_mem>>) src(%dma_wait3A_257 : memref<64x128xi32, #tpu.memory_space<hbm>>) dst(%arg5 : memref<64x128xi32, #tpu.memory_space<vmem>>)
      tpu.yield
    }) : () -> ()
    %dma_start3A_122 = arith.constant 0 : i32
    %dma_start3A_123 = arith.constant 0 : i32
    %dma_start3A_124 = tpu.memref_slice %arg5[%dma_start3A_122, %dma_start3A_123] : memref<64x128xi32, #tpu.memory_space<vmem>> -> memref<1x112xi32, #tpu.memory_space<vmem>>
    %dma_start3A_125 = tpu.memref_squeeze %dma_start3A_124 : memref<1x112xi32, #tpu.memory_space<vmem>> -> memref<112xi32, #tpu.memory_space<vmem>>
    %dma_start3A_126 = arith.constant 0 : i32
    %dma_start3A_127 = arith.constant 0 : i32
    %dma_start3A_128 = tpu.memref_slice %arg3[%dma_start3A_126, %dma_start3A_127] : memref<1000000x128xf32, #tpu.memory_space<hbm>> -> memref<1000000x128xf32, #tpu.memory_space<hbm>>
    tpu.enqueue_indirect_dma source(%dma_start3A_128 : memref<1000000x128xf32, #tpu.memory_space<hbm>>) target(%arg6 : memref<112x128xf32, #tpu.memory_space<vmem>>) offsets(%dma_start3A_125 : memref<112xi32, #tpu.memory_space<vmem>>) semaphore(%arg14 : memref<!tpu.dma_semaphore, #tpu.memory_space<semaphore_mem>>)
    %dma_start3A_129 = arith.constant 1 : i32
    %dma_start3A_130 = arith.constant 0 : i32
    %dma_start3A_131 = tpu.memref_slice %arg5[%dma_start3A_129, %dma_start3A_130] : memref<64x128xi32, #tpu.memory_space<vmem>> -> memref<1x112xi32, #tpu.memory_space<vmem>>
    %dma_start3A_132 = tpu.memref_squeeze %dma_start3A_131 : memref<1x112xi32, #tpu.memory_space<vmem>> -> memref<112xi32, #tpu.memory_space<vmem>>
    %dma_start3A_133 = arith.constant 0 : i32
    %dma_start3A_134 = arith.constant 0 : i32
    %dma_start3A_135 = tpu.memref_slice %arg3[%dma_start3A_133, %dma_start3A_134] : memref<1000000x128xf32, #tpu.memory_space<hbm>> -> memref<1000000x128xf32, #tpu.memory_space<hbm>>
    tpu.enqueue_indirect_dma source(%dma_start3A_135 : memref<1000000x128xf32, #tpu.memory_space<hbm>>) target(%arg7 : memref<112x128xf32, #tpu.memory_space<vmem>>) offsets(%dma_start3A_132 : memref<112xi32, #tpu.memory_space<vmem>>) semaphore(%arg15 : memref<!tpu.dma_semaphore, #tpu.memory_space<semaphore_mem>>)
    %dma_start3A_136 = arith.constant 2 : i32
    %dma_start3A_137 = arith.constant 0 : i32
    %dma_start3A_138 = tpu.memref_slice %arg5[%dma_start3A_136, %dma_start3A_137] : memref<64x128xi32, #tpu.memory_space<vmem>> -> memref<1x112xi32, #tpu.memory_space<vmem>>
    %dma_start3A_139 = tpu.memref_squeeze %dma_start3A_138 : memref<1x112xi32, #tpu.memory_space<vmem>> -> memref<112xi32, #tpu.memory_space<vmem>>
    %dma_start3A_140 = arith.constant 0 : i32
    %dma_start3A_141 = arith.constant 0 : i32
    %dma_start3A_142 = tpu.memref_slice %arg3[%dma_start3A_140, %dma_start3A_141] : memref<1000000x128xf32, #tpu.memory_space<hbm>> -> memref<1000000x128xf32, #tpu.memory_space<hbm>>
    tpu.enqueue_indirect_dma source(%dma_start3A_142 : memref<1000000x128xf32, #tpu.memory_space<hbm>>) target(%arg8 : memref<112x128xf32, #tpu.memory_space<vmem>>) offsets(%dma_start3A_139 : memref<112xi32, #tpu.memory_space<vmem>>) semaphore(%arg16 : memref<!tpu.dma_semaphore, #tpu.memory_space<semaphore_mem>>)
    %dma_start3A_143 = arith.constant 3 : i32
    %dma_start3A_144 = arith.constant 0 : i32
    %dma_start3A_145 = tpu.memref_slice %arg5[%dma_start3A_143, %dma_start3A_144] : memref<64x128xi32, #tpu.memory_space<vmem>> -> memref<1x112xi32, #tpu.memory_space<vmem>>
    %dma_start3A_146 = tpu.memref_squeeze %dma_start3A_145 : memref<1x112xi32, #tpu.memory_space<vmem>> -> memref<112xi32, #tpu.memory_space<vmem>>
    %dma_start3A_147 = arith.constant 0 : i32
    %dma_start3A_148 = arith.constant 0 : i32
    %dma_start3A_149 = tpu.memref_slice %arg3[%dma_start3A_147, %dma_start3A_148] : memref<1000000x128xf32, #tpu.memory_space<hbm>> -> memref<1000000x128xf32, #tpu.memory_space<hbm>>
    tpu.enqueue_indirect_dma source(%dma_start3A_149 : memref<1000000x128xf32, #tpu.memory_space<hbm>>) target(%arg9 : memref<112x128xf32, #tpu.memory_space<vmem>>) offsets(%dma_start3A_146 : memref<112xi32, #tpu.memory_space<vmem>>) semaphore(%arg17 : memref<!tpu.dma_semaphore, #tpu.memory_space<semaphore_mem>>)
    %dma_start3A_150 = arith.constant 4 : i32
    %dma_start3A_151 = arith.constant 0 : i32
    %dma_start3A_152 = tpu.memref_slice %arg5[%dma_start3A_150, %dma_start3A_151] : memref<64x128xi32, #tpu.memory_space<vmem>> -> memref<1x112xi32, #tpu.memory_space<vmem>>
    %dma_start3A_153 = tpu.memref_squeeze %dma_start3A_152 : memref<1x112xi32, #tpu.memory_space<vmem>> -> memref<112xi32, #tpu.memory_space<vmem>>
    %dma_start3A_154 = arith.constant 0 : i32
    %dma_start3A_155 = arith.constant 0 : i32
    %dma_start3A_156 = tpu.memref_slice %arg3[%dma_start3A_154, %dma_start3A_155] : memref<1000000x128xf32, #tpu.memory_space<hbm>> -> memref<1000000x128xf32, #tpu.memory_space<hbm>>
    tpu.enqueue_indirect_dma source(%dma_start3A_156 : memref<1000000x128xf32, #tpu.memory_space<hbm>>) target(%arg10 : memref<112x128xf32, #tpu.memory_space<vmem>>) offsets(%dma_start3A_153 : memref<112xi32, #tpu.memory_space<vmem>>) semaphore(%arg18 : memref<!tpu.dma_semaphore, #tpu.memory_space<semaphore_mem>>)
    %dma_start3A_157 = arith.constant 5 : i32
    %dma_start3A_158 = arith.constant 0 : i32
    %dma_start3A_159 = tpu.memref_slice %arg5[%dma_start3A_157, %dma_start3A_158] : memref<64x128xi32, #tpu.memory_space<vmem>> -> memref<1x112xi32, #tpu.memory_space<vmem>>
    %dma_start3A_160 = tpu.memref_squeeze %dma_start3A_159 : memref<1x112xi32, #tpu.memory_space<vmem>> -> memref<112xi32, #tpu.memory_space<vmem>>
    %dma_start3A_161 = arith.constant 0 : i32
    %dma_start3A_162 = arith.constant 0 : i32
    %dma_start3A_163 = tpu.memref_slice %arg3[%dma_start3A_161, %dma_start3A_162] : memref<1000000x128xf32, #tpu.memory_space<hbm>> -> memref<1000000x128xf32, #tpu.memory_space<hbm>>
    tpu.enqueue_indirect_dma source(%dma_start3A_163 : memref<1000000x128xf32, #tpu.memory_space<hbm>>) target(%arg11 : memref<112x128xf32, #tpu.memory_space<vmem>>) offsets(%dma_start3A_160 : memref<112xi32, #tpu.memory_space<vmem>>) semaphore(%arg19 : memref<!tpu.dma_semaphore, #tpu.memory_space<semaphore_mem>>)
    %scan3A_164 = arith.constant 0 : i32
    %scan3A_165 = arith.constant 0 : i32
    %scan3A_166 = arith.constant 8 : i32
    %scan3A_167 = arith.addi %scan3A_165, %scan3A_166 : i32
    %scan3A_168 = arith.constant 1 : i32
    scf.for %scan3A_242 = %scan3A_165 to %scan3A_167 step %scan3A_168  : i32 {
      %mul3A_243 = arith.constant 8 : i32
      %mul3A_244 = arith.muli %scan3A_242, %mul3A_243 : i32
      %add3A_245 = arith.constant 0 : i32
      %add3A_246 = arith.addi %mul3A_244, %add3A_245 : i32
      %ge3A = arith.constant 2 : i32
      %ge3A_247 = arith.cmpi sge, %add3A_246, %ge3A : i32
      %convert_element_type3A = arith.extui %ge3A_247 : i1 to i32
      %cond3A = arith.constant 0 : i32
      %cond3A_248 = arith.cmpi ne, %convert_element_type3A, %cond3A : i32
      scf.if %cond3A_248 {
        %sub3A = arith.constant 2 : i32
        %sub3A_487 = arith.subi %add3A_246, %sub3A : i32
        %add3A_488 = arith.constant 128 : i32
        %add3A_489 = arith.addi %add3A_488, %sub3A_487 : i32
        %mul3A_490 = arith.constant 112 : i32
        %mul3A_491 = arith.muli %add3A_489, %mul3A_490 : i32
        %add3A_492 = arith.addi %mul3A_4, %mul3A_491 : i32
        %dma_wait3A_493 = arith.constant 0 : i32
        %dma_wait3A_494 = tpu.memref_slice %arg4[%add3A_492, %dma_wait3A_493] : memref<917504x128xf32, #tpu.memory_space<hbm>> -> memref<112x128xf32, #tpu.memory_space<hbm>>
        %dma_wait3A_495 = arith.constant 0 : i32
        %dma_wait3A_496 = tpu.memref_slice %arg4[%add3A_492, %dma_wait3A_495] : memref<917504x128xf32, #tpu.memory_space<hbm>> -> memref<112x128xf32, #tpu.memory_space<hbm>>
        tpu.wait_dma2 semaphore(%arg28 : memref<!tpu.dma_semaphore, #tpu.memory_space<semaphore_mem>>) src(%arg12 : memref<112x128xf32, #tpu.memory_space<vmem>>) dst(%dma_wait3A_496 : memref<112x128xf32, #tpu.memory_space<hbm>>)
      } else {
      }
      %add3A_249 = arith.constant 6 : i32
      %add3A_250 = arith.addi %add3A_246, %add3A_249 : i32
      %lt3A = arith.constant 64 : i32
      %lt3A_251 = arith.cmpi slt, %add3A_250, %lt3A : i32
      %convert_element_type3A_252 = arith.extui %lt3A_251 : i1 to i32
      %cond3A_253 = arith.constant 0 : i32
      %cond3A_254 = arith.cmpi ne, %convert_element_type3A_252, %cond3A_253 : i32
      scf.if %cond3A_254 {
        %add3A_487 = arith.constant 6 : i32
        %add3A_488 = arith.addi %add3A_246, %add3A_487 : i32
        %dma_start3A_489 = arith.constant 0 : i32
        %dma_start3A_490 = tpu.memref_slice %arg5[%add3A_488, %dma_start3A_489] : memref<64x128xi32, #tpu.memory_space<vmem>> -> memref<1x112xi32, #tpu.memory_space<vmem>>
        %dma_start3A_491 = tpu.memref_squeeze %dma_start3A_490 : memref<1x112xi32, #tpu.memory_space<vmem>> -> memref<112xi32, #tpu.memory_space<vmem>>
        %dma_start3A_492 = arith.constant 0 : i32
        %dma_start3A_493 = arith.constant 0 : i32
        %dma_start3A_494 = tpu.memref_slice %arg3[%dma_start3A_492, %dma_start3A_493] : memref<1000000x128xf32, #tpu.memory_space<hbm>> -> memref<1000000x128xf32, #tpu.memory_space<hbm>>
        tpu.enqueue_indirect_dma source(%dma_start3A_494 : memref<1000000x128xf32, #tpu.memory_space<hbm>>) target(%arg12 : memref<112x128xf32, #tpu.memory_space<vmem>>) offsets(%dma_start3A_491 : memref<112xi32, #tpu.memory_space<vmem>>) semaphore(%arg20 : memref<!tpu.dma_semaphore, #tpu.memory_space<semaphore_mem>>)
      } else {
      }
      %dma_wait3A_255 = arith.constant 0 : i32
      %dma_wait3A_256 = tpu.memref_slice %arg5[%add3A_246, %dma_wait3A_255] : memref<64x128xi32, #tpu.memory_space<vmem>> -> memref<1x112xi32, #tpu.memory_space<vmem>>
      %dma_wait3A_257 = tpu.memref_squeeze %dma_wait3A_256 : memref<1x112xi32, #tpu.memory_space<vmem>> -> memref<112xi32, #tpu.memory_space<vmem>>
      %dma_wait3A_258 = arith.constant 0 : i32
      %dma_wait3A_259 = arith.constant 0 : i32
      %dma_wait3A_260 = tpu.memref_slice %arg3[%dma_wait3A_258, %dma_wait3A_259] : memref<1000000x128xf32, #tpu.memory_space<hbm>> -> memref<1000000x128xf32, #tpu.memory_space<hbm>>
      tpu.wait_indirect_dma semaphore(%arg14 : memref<!tpu.dma_semaphore, #tpu.memory_space<semaphore_mem>>) src(%dma_wait3A_260 : memref<1000000x128xf32, #tpu.memory_space<hbm>>) dst(%arg6 : memref<112x128xf32, #tpu.memory_space<vmem>>)
      %add3A_261 = arith.constant 128 : i32
      %add3A_262 = arith.addi %add3A_261, %add3A_246 : i32
      %mul3A_263 = arith.constant 112 : i32
      %mul3A_264 = arith.muli %add3A_262, %mul3A_263 : i32
      %add3A_265 = arith.addi %mul3A_4, %mul3A_264 : i32
      %dma_start3A_266 = arith.constant 0 : i32
      %dma_start3A_267 = tpu.memref_slice %arg4[%add3A_265, %dma_start3A_266] : memref<917504x128xf32, #tpu.memory_space<hbm>> -> memref<112x128xf32, #tpu.memory_space<hbm>>
      %dma_start3A_268 = arith.constant 0 : i32
      %dma_start3A_269 = tpu.memref_slice %arg4[%add3A_265, %dma_start3A_268] : memref<917504x128xf32, #tpu.memory_space<hbm>> -> memref<112x128xf32, #tpu.memory_space<hbm>>
      tpu.enqueue_dma source(%arg6 : memref<112x128xf32, #tpu.memory_space<vmem>>) target(%dma_start3A_269 : memref<112x128xf32, #tpu.memory_space<hbm>>) target_semaphore(%arg22 : memref<!tpu.dma_semaphore, #tpu.memory_space<semaphore_mem>>)
      %mul3A_270 = arith.constant 8 : i32
      %mul3A_271 = arith.muli %scan3A_242, %mul3A_270 : i32
      %add3A_272 = arith.constant 1 : i32
      %add3A_273 = arith.addi %mul3A_271, %add3A_272 : i32
      %ge3A_274 = arith.constant 2 : i32
      %ge3A_275 = arith.cmpi sge, %add3A_273, %ge3A_274 : i32
      %convert_element_type3A_276 = arith.extui %ge3A_275 : i1 to i32
      %cond3A_277 = arith.constant 0 : i32
      %cond3A_278 = arith.cmpi ne, %convert_element_type3A_276, %cond3A_277 : i32
      scf.if %cond3A_278 {
        %sub3A = arith.constant 2 : i32
        %sub3A_487 = arith.subi %add3A_273, %sub3A : i32
        %add3A_488 = arith.constant 128 : i32
        %add3A_489 = arith.addi %add3A_488, %sub3A_487 : i32
        %mul3A_490 = arith.constant 112 : i32
        %mul3A_491 = arith.muli %add3A_489, %mul3A_490 : i32
        %add3A_492 = arith.addi %mul3A_4, %mul3A_491 : i32
        %dma_wait3A_493 = arith.constant 0 : i32
        %dma_wait3A_494 = tpu.memref_slice %arg4[%add3A_492, %dma_wait3A_493] : memref<917504x128xf32, #tpu.memory_space<hbm>> -> memref<112x128xf32, #tpu.memory_space<hbm>>
        %dma_wait3A_495 = arith.constant 0 : i32
        %dma_wait3A_496 = tpu.memref_slice %arg4[%add3A_492, %dma_wait3A_495] : memref<917504x128xf32, #tpu.memory_space<hbm>> -> memref<112x128xf32, #tpu.memory_space<hbm>>
        tpu.wait_dma2 semaphore(%arg29 : memref<!tpu.dma_semaphore, #tpu.memory_space<semaphore_mem>>) src(%arg13 : memref<112x128xf32, #tpu.memory_space<vmem>>) dst(%dma_wait3A_496 : memref<112x128xf32, #tpu.memory_space<hbm>>)
      } else {
      }
      %add3A_279 = arith.constant 6 : i32
      %add3A_280 = arith.addi %add3A_273, %add3A_279 : i32
      %lt3A_281 = arith.constant 64 : i32
      %lt3A_282 = arith.cmpi slt, %add3A_280, %lt3A_281 : i32
      %convert_element_type3A_283 = arith.extui %lt3A_282 : i1 to i32
      %cond3A_284 = arith.constant 0 : i32
      %cond3A_285 = arith.cmpi ne, %convert_element_type3A_283, %cond3A_284 : i32
      scf.if %cond3A_285 {
        %add3A_487 = arith.constant 6 : i32
        %add3A_488 = arith.addi %add3A_273, %add3A_487 : i32
        %dma_start3A_489 = arith.constant 0 : i32
        %dma_start3A_490 = tpu.memref_slice %arg5[%add3A_488, %dma_start3A_489] : memref<64x128xi32, #tpu.memory_space<vmem>> -> memref<1x112xi32, #tpu.memory_space<vmem>>
        %dma_start3A_491 = tpu.memref_squeeze %dma_start3A_490 : memref<1x112xi32, #tpu.memory_space<vmem>> -> memref<112xi32, #tpu.memory_space<vmem>>
        %dma_start3A_492 = arith.constant 0 : i32
        %dma_start3A_493 = arith.constant 0 : i32
        %dma_start3A_494 = tpu.memref_slice %arg3[%dma_start3A_492, %dma_start3A_493] : memref<1000000x128xf32, #tpu.memory_space<hbm>> -> memref<1000000x128xf32, #tpu.memory_space<hbm>>
        tpu.enqueue_indirect_dma source(%dma_start3A_494 : memref<1000000x128xf32, #tpu.memory_space<hbm>>) target(%arg13 : memref<112x128xf32, #tpu.memory_space<vmem>>) offsets(%dma_start3A_491 : memref<112xi32, #tpu.memory_space<vmem>>) semaphore(%arg21 : memref<!tpu.dma_semaphore, #tpu.memory_space<semaphore_mem>>)
      } else {
      }
      %dma_wait3A_286 = arith.constant 0 : i32
      %dma_wait3A_287 = tpu.memref_slice %arg5[%add3A_273, %dma_wait3A_286] : memref<64x128xi32, #tpu.memory_space<vmem>> -> memref<1x112xi32, #tpu.memory_space<vmem>>
      %dma_wait3A_288 = tpu.memref_squeeze %dma_wait3A_287 : memref<1x112xi32, #tpu.memory_space<vmem>> -> memref<112xi32, #tpu.memory_space<vmem>>
      %dma_wait3A_289 = arith.constant 0 : i32
      %dma_wait3A_290 = arith.constant 0 : i32
      %dma_wait3A_291 = tpu.memref_slice %arg3[%dma_wait3A_289, %dma_wait3A_290] : memref<1000000x128xf32, #tpu.memory_space<hbm>> -> memref<1000000x128xf32, #tpu.memory_space<hbm>>
      tpu.wait_indirect_dma semaphore(%arg15 : memref<!tpu.dma_semaphore, #tpu.memory_space<semaphore_mem>>) src(%dma_wait3A_291 : memref<1000000x128xf32, #tpu.memory_space<hbm>>) dst(%arg7 : memref<112x128xf32, #tpu.memory_space<vmem>>)
      %add3A_292 = arith.constant 128 : i32
      %add3A_293 = arith.addi %add3A_292, %add3A_273 : i32
      %mul3A_294 = arith.constant 112 : i32
      %mul3A_295 = arith.muli %add3A_293, %mul3A_294 : i32
      %add3A_296 = arith.addi %mul3A_4, %mul3A_295 : i32
      %dma_start3A_297 = arith.constant 0 : i32
      %dma_start3A_298 = tpu.memref_slice %arg4[%add3A_296, %dma_start3A_297] : memref<917504x128xf32, #tpu.memory_space<hbm>> -> memref<112x128xf32, #tpu.memory_space<hbm>>
      %dma_start3A_299 = arith.constant 0 : i32
      %dma_start3A_300 = tpu.memref_slice %arg4[%add3A_296, %dma_start3A_299] : memref<917504x128xf32, #tpu.memory_space<hbm>> -> memref<112x128xf32, #tpu.memory_space<hbm>>
      tpu.enqueue_dma source(%arg7 : memref<112x128xf32, #tpu.memory_space<vmem>>) target(%dma_start3A_300 : memref<112x128xf32, #tpu.memory_space<hbm>>) target_semaphore(%arg23 : memref<!tpu.dma_semaphore, #tpu.memory_space<semaphore_mem>>)
      %mul3A_301 = arith.constant 8 : i32
      %mul3A_302 = arith.muli %scan3A_242, %mul3A_301 : i32
      %add3A_303 = arith.constant 2 : i32
      %add3A_304 = arith.addi %mul3A_302, %add3A_303 : i32
      %ge3A_305 = arith.constant 2 : i32
      %ge3A_306 = arith.cmpi sge, %add3A_304, %ge3A_305 : i32
      %convert_element_type3A_307 = arith.extui %ge3A_306 : i1 to i32
      %cond3A_308 = arith.constant 0 : i32
      %cond3A_309 = arith.cmpi ne, %convert_element_type3A_307, %cond3A_308 : i32
      scf.if %cond3A_309 {
        %sub3A = arith.constant 2 : i32
        %sub3A_487 = arith.subi %add3A_304, %sub3A : i32
        %add3A_488 = arith.constant 128 : i32
        %add3A_489 = arith.addi %add3A_488, %sub3A_487 : i32
        %mul3A_490 = arith.constant 112 : i32
        %mul3A_491 = arith.muli %add3A_489, %mul3A_490 : i32
        %add3A_492 = arith.addi %mul3A_4, %mul3A_491 : i32
        %dma_wait3A_493 = arith.constant 0 : i32
        %dma_wait3A_494 = tpu.memref_slice %arg4[%add3A_492, %dma_wait3A_493] : memref<917504x128xf32, #tpu.memory_space<hbm>> -> memref<112x128xf32, #tpu.memory_space<hbm>>
        %dma_wait3A_495 = arith.constant 0 : i32
        %dma_wait3A_496 = tpu.memref_slice %arg4[%add3A_492, %dma_wait3A_495] : memref<917504x128xf32, #tpu.memory_space<hbm>> -> memref<112x128xf32, #tpu.memory_space<hbm>>
        tpu.wait_dma2 semaphore(%arg22 : memref<!tpu.dma_semaphore, #tpu.memory_space<semaphore_mem>>) src(%arg6 : memref<112x128xf32, #tpu.memory_space<vmem>>) dst(%dma_wait3A_496 : memref<112x128xf32, #tpu.memory_space<hbm>>)
      } else {
      }
      %add3A_310 = arith.constant 6 : i32
      %add3A_311 = arith.addi %add3A_304, %add3A_310 : i32
      %lt3A_312 = arith.constant 64 : i32
      %lt3A_313 = arith.cmpi slt, %add3A_311, %lt3A_312 : i32
      %convert_element_type3A_314 = arith.extui %lt3A_313 : i1 to i32
      %cond3A_315 = arith.constant 0 : i32
      %cond3A_316 = arith.cmpi ne, %convert_element_type3A_314, %cond3A_315 : i32
      scf.if %cond3A_316 {
        %add3A_487 = arith.constant 6 : i32
        %add3A_488 = arith.addi %add3A_304, %add3A_487 : i32
        %dma_start3A_489 = arith.constant 0 : i32
        %dma_start3A_490 = tpu.memref_slice %arg5[%add3A_488, %dma_start3A_489] : memref<64x128xi32, #tpu.memory_space<vmem>> -> memref<1x112xi32, #tpu.memory_space<vmem>>
        %dma_start3A_491 = tpu.memref_squeeze %dma_start3A_490 : memref<1x112xi32, #tpu.memory_space<vmem>> -> memref<112xi32, #tpu.memory_space<vmem>>
        %dma_start3A_492 = arith.constant 0 : i32
        %dma_start3A_493 = arith.constant 0 : i32
        %dma_start3A_494 = tpu.memref_slice %arg3[%dma_start3A_492, %dma_start3A_493] : memref<1000000x128xf32, #tpu.memory_space<hbm>> -> memref<1000000x128xf32, #tpu.memory_space<hbm>>
        tpu.enqueue_indirect_dma source(%dma_start3A_494 : memref<1000000x128xf32, #tpu.memory_space<hbm>>) target(%arg6 : memref<112x128xf32, #tpu.memory_space<vmem>>) offsets(%dma_start3A_491 : memref<112xi32, #tpu.memory_space<vmem>>) semaphore(%arg14 : memref<!tpu.dma_semaphore, #tpu.memory_space<semaphore_mem>>)
      } else {
      }
      %dma_wait3A_317 = arith.constant 0 : i32
      %dma_wait3A_318 = tpu.memref_slice %arg5[%add3A_304, %dma_wait3A_317] : memref<64x128xi32, #tpu.memory_space<vmem>> -> memref<1x112xi32, #tpu.memory_space<vmem>>
      %dma_wait3A_319 = tpu.memref_squeeze %dma_wait3A_318 : memref<1x112xi32, #tpu.memory_space<vmem>> -> memref<112xi32, #tpu.memory_space<vmem>>
      %dma_wait3A_320 = arith.constant 0 : i32
      %dma_wait3A_321 = arith.constant 0 : i32
      %dma_wait3A_322 = tpu.memref_slice %arg3[%dma_wait3A_320, %dma_wait3A_321] : memref<1000000x128xf32, #tpu.memory_space<hbm>> -> memref<1000000x128xf32, #tpu.memory_space<hbm>>
      tpu.wait_indirect_dma semaphore(%arg16 : memref<!tpu.dma_semaphore, #tpu.memory_space<semaphore_mem>>) src(%dma_wait3A_322 : memref<1000000x128xf32, #tpu.memory_space<hbm>>) dst(%arg8 : memref<112x128xf32, #tpu.memory_space<vmem>>)
      %add3A_323 = arith.constant 128 : i32
      %add3A_324 = arith.addi %add3A_323, %add3A_304 : i32
      %mul3A_325 = arith.constant 112 : i32
      %mul3A_326 = arith.muli %add3A_324, %mul3A_325 : i32
      %add3A_327 = arith.addi %mul3A_4, %mul3A_326 : i32
      %dma_start3A_328 = arith.constant 0 : i32
      %dma_start3A_329 = tpu.memref_slice %arg4[%add3A_327, %dma_start3A_328] : memref<917504x128xf32, #tpu.memory_space<hbm>> -> memref<112x128xf32, #tpu.memory_space<hbm>>
      %dma_start3A_330 = arith.constant 0 : i32
      %dma_start3A_331 = tpu.memref_slice %arg4[%add3A_327, %dma_start3A_330] : memref<917504x128xf32, #tpu.memory_space<hbm>> -> memref<112x128xf32, #tpu.memory_space<hbm>>
      tpu.enqueue_dma source(%arg8 : memref<112x128xf32, #tpu.memory_space<vmem>>) target(%dma_start3A_331 : memref<112x128xf32, #tpu.memory_space<hbm>>) target_semaphore(%arg24 : memref<!tpu.dma_semaphore, #tpu.memory_space<semaphore_mem>>)
      %mul3A_332 = arith.constant 8 : i32
      %mul3A_333 = arith.muli %scan3A_242, %mul3A_332 : i32
      %add3A_334 = arith.constant 3 : i32
      %add3A_335 = arith.addi %mul3A_333, %add3A_334 : i32
      %ge3A_336 = arith.constant 2 : i32
      %ge3A_337 = arith.cmpi sge, %add3A_335, %ge3A_336 : i32
      %convert_element_type3A_338 = arith.extui %ge3A_337 : i1 to i32
      %cond3A_339 = arith.constant 0 : i32
      %cond3A_340 = arith.cmpi ne, %convert_element_type3A_338, %cond3A_339 : i32
      scf.if %cond3A_340 {
        %sub3A = arith.constant 2 : i32
        %sub3A_487 = arith.subi %add3A_335, %sub3A : i32
        %add3A_488 = arith.constant 128 : i32
        %add3A_489 = arith.addi %add3A_488, %sub3A_487 : i32
        %mul3A_490 = arith.constant 112 : i32
        %mul3A_491 = arith.muli %add3A_489, %mul3A_490 : i32
        %add3A_492 = arith.addi %mul3A_4, %mul3A_491 : i32
        %dma_wait3A_493 = arith.constant 0 : i32
        %dma_wait3A_494 = tpu.memref_slice %arg4[%add3A_492, %dma_wait3A_493] : memref<917504x128xf32, #tpu.memory_space<hbm>> -> memref<112x128xf32, #tpu.memory_space<hbm>>
        %dma_wait3A_495 = arith.constant 0 : i32
        %dma_wait3A_496 = tpu.memref_slice %arg4[%add3A_492, %dma_wait3A_495] : memref<917504x128xf32, #tpu.memory_space<hbm>> -> memref<112x128xf32, #tpu.memory_space<hbm>>
        tpu.wait_dma2 semaphore(%arg23 : memref<!tpu.dma_semaphore, #tpu.memory_space<semaphore_mem>>) src(%arg7 : memref<112x128xf32, #tpu.memory_space<vmem>>) dst(%dma_wait3A_496 : memref<112x128xf32, #tpu.memory_space<hbm>>)
      } else {
      }
      %add3A_341 = arith.constant 6 : i32
      %add3A_342 = arith.addi %add3A_335, %add3A_341 : i32
      %lt3A_343 = arith.constant 64 : i32
      %lt3A_344 = arith.cmpi slt, %add3A_342, %lt3A_343 : i32
      %convert_element_type3A_345 = arith.extui %lt3A_344 : i1 to i32
      %cond3A_346 = arith.constant 0 : i32
      %cond3A_347 = arith.cmpi ne, %convert_element_type3A_345, %cond3A_346 : i32
      scf.if %cond3A_347 {
        %add3A_487 = arith.constant 6 : i32
        %add3A_488 = arith.addi %add3A_335, %add3A_487 : i32
        %dma_start3A_489 = arith.constant 0 : i32
        %dma_start3A_490 = tpu.memref_slice %arg5[%add3A_488, %dma_start3A_489] : memref<64x128xi32, #tpu.memory_space<vmem>> -> memref<1x112xi32, #tpu.memory_space<vmem>>
        %dma_start3A_491 = tpu.memref_squeeze %dma_start3A_490 : memref<1x112xi32, #tpu.memory_space<vmem>> -> memref<112xi32, #tpu.memory_space<vmem>>
        %dma_start3A_492 = arith.constant 0 : i32
        %dma_start3A_493 = arith.constant 0 : i32
        %dma_start3A_494 = tpu.memref_slice %arg3[%dma_start3A_492, %dma_start3A_493] : memref<1000000x128xf32, #tpu.memory_space<hbm>> -> memref<1000000x128xf32, #tpu.memory_space<hbm>>
        tpu.enqueue_indirect_dma source(%dma_start3A_494 : memref<1000000x128xf32, #tpu.memory_space<hbm>>) target(%arg7 : memref<112x128xf32, #tpu.memory_space<vmem>>) offsets(%dma_start3A_491 : memref<112xi32, #tpu.memory_space<vmem>>) semaphore(%arg15 : memref<!tpu.dma_semaphore, #tpu.memory_space<semaphore_mem>>)
      } else {
      }
      %dma_wait3A_348 = arith.constant 0 : i32
      %dma_wait3A_349 = tpu.memref_slice %arg5[%add3A_335, %dma_wait3A_348] : memref<64x128xi32, #tpu.memory_space<vmem>> -> memref<1x112xi32, #tpu.memory_space<vmem>>
      %dma_wait3A_350 = tpu.memref_squeeze %dma_wait3A_349 : memref<1x112xi32, #tpu.memory_space<vmem>> -> memref<112xi32, #tpu.memory_space<vmem>>
      %dma_wait3A_351 = arith.constant 0 : i32
      %dma_wait3A_352 = arith.constant 0 : i32
      %dma_wait3A_353 = tpu.memref_slice %arg3[%dma_wait3A_351, %dma_wait3A_352] : memref<1000000x128xf32, #tpu.memory_space<hbm>> -> memref<1000000x128xf32, #tpu.memory_space<hbm>>
      tpu.wait_indirect_dma semaphore(%arg17 : memref<!tpu.dma_semaphore, #tpu.memory_space<semaphore_mem>>) src(%dma_wait3A_353 : memref<1000000x128xf32, #tpu.memory_space<hbm>>) dst(%arg9 : memref<112x128xf32, #tpu.memory_space<vmem>>)
      %add3A_354 = arith.constant 128 : i32
      %add3A_355 = arith.addi %add3A_354, %add3A_335 : i32
      %mul3A_356 = arith.constant 112 : i32
      %mul3A_357 = arith.muli %add3A_355, %mul3A_356 : i32
      %add3A_358 = arith.addi %mul3A_4, %mul3A_357 : i32
      %dma_start3A_359 = arith.constant 0 : i32
      %dma_start3A_360 = tpu.memref_slice %arg4[%add3A_358, %dma_start3A_359] : memref<917504x128xf32, #tpu.memory_space<hbm>> -> memref<112x128xf32, #tpu.memory_space<hbm>>
      %dma_start3A_361 = arith.constant 0 : i32
      %dma_start3A_362 = tpu.memref_slice %arg4[%add3A_358, %dma_start3A_361] : memref<917504x128xf32, #tpu.memory_space<hbm>> -> memref<112x128xf32, #tpu.memory_space<hbm>>
      tpu.enqueue_dma source(%arg9 : memref<112x128xf32, #tpu.memory_space<vmem>>) target(%dma_start3A_362 : memref<112x128xf32, #tpu.memory_space<hbm>>) target_semaphore(%arg25 : memref<!tpu.dma_semaphore, #tpu.memory_space<semaphore_mem>>)
      %mul3A_363 = arith.constant 8 : i32
      %mul3A_364 = arith.muli %scan3A_242, %mul3A_363 : i32
      %add3A_365 = arith.constant 4 : i32
      %add3A_366 = arith.addi %mul3A_364, %add3A_365 : i32
      %ge3A_367 = arith.constant 2 : i32
      %ge3A_368 = arith.cmpi sge, %add3A_366, %ge3A_367 : i32
      %convert_element_type3A_369 = arith.extui %ge3A_368 : i1 to i32
      %cond3A_370 = arith.constant 0 : i32
      %cond3A_371 = arith.cmpi ne, %convert_element_type3A_369, %cond3A_370 : i32
      scf.if %cond3A_371 {
        %sub3A = arith.constant 2 : i32
        %sub3A_487 = arith.subi %add3A_366, %sub3A : i32
        %add3A_488 = arith.constant 128 : i32
        %add3A_489 = arith.addi %add3A_488, %sub3A_487 : i32
        %mul3A_490 = arith.constant 112 : i32
        %mul3A_491 = arith.muli %add3A_489, %mul3A_490 : i32
        %add3A_492 = arith.addi %mul3A_4, %mul3A_491 : i32
        %dma_wait3A_493 = arith.constant 0 : i32
        %dma_wait3A_494 = tpu.memref_slice %arg4[%add3A_492, %dma_wait3A_493] : memref<917504x128xf32, #tpu.memory_space<hbm>> -> memref<112x128xf32, #tpu.memory_space<hbm>>
        %dma_wait3A_495 = arith.constant 0 : i32
        %dma_wait3A_496 = tpu.memref_slice %arg4[%add3A_492, %dma_wait3A_495] : memref<917504x128xf32, #tpu.memory_space<hbm>> -> memref<112x128xf32, #tpu.memory_space<hbm>>
        tpu.wait_dma2 semaphore(%arg24 : memref<!tpu.dma_semaphore, #tpu.memory_space<semaphore_mem>>) src(%arg8 : memref<112x128xf32, #tpu.memory_space<vmem>>) dst(%dma_wait3A_496 : memref<112x128xf32, #tpu.memory_space<hbm>>)
      } else {
      }
      %add3A_372 = arith.constant 6 : i32
      %add3A_373 = arith.addi %add3A_366, %add3A_372 : i32
      %lt3A_374 = arith.constant 64 : i32
      %lt3A_375 = arith.cmpi slt, %add3A_373, %lt3A_374 : i32
      %convert_element_type3A_376 = arith.extui %lt3A_375 : i1 to i32
      %cond3A_377 = arith.constant 0 : i32
      %cond3A_378 = arith.cmpi ne, %convert_element_type3A_376, %cond3A_377 : i32
      scf.if %cond3A_378 {
        %add3A_487 = arith.constant 6 : i32
        %add3A_488 = arith.addi %add3A_366, %add3A_487 : i32
        %dma_start3A_489 = arith.constant 0 : i32
        %dma_start3A_490 = tpu.memref_slice %arg5[%add3A_488, %dma_start3A_489] : memref<64x128xi32, #tpu.memory_space<vmem>> -> memref<1x112xi32, #tpu.memory_space<vmem>>
        %dma_start3A_491 = tpu.memref_squeeze %dma_start3A_490 : memref<1x112xi32, #tpu.memory_space<vmem>> -> memref<112xi32, #tpu.memory_space<vmem>>
        %dma_start3A_492 = arith.constant 0 : i32
        %dma_start3A_493 = arith.constant 0 : i32
        %dma_start3A_494 = tpu.memref_slice %arg3[%dma_start3A_492, %dma_start3A_493] : memref<1000000x128xf32, #tpu.memory_space<hbm>> -> memref<1000000x128xf32, #tpu.memory_space<hbm>>
        tpu.enqueue_indirect_dma source(%dma_start3A_494 : memref<1000000x128xf32, #tpu.memory_space<hbm>>) target(%arg8 : memref<112x128xf32, #tpu.memory_space<vmem>>) offsets(%dma_start3A_491 : memref<112xi32, #tpu.memory_space<vmem>>) semaphore(%arg16 : memref<!tpu.dma_semaphore, #tpu.memory_space<semaphore_mem>>)
      } else {
      }
      %dma_wait3A_379 = arith.constant 0 : i32
      %dma_wait3A_380 = tpu.memref_slice %arg5[%add3A_366, %dma_wait3A_379] : memref<64x128xi32, #tpu.memory_space<vmem>> -> memref<1x112xi32, #tpu.memory_space<vmem>>
      %dma_wait3A_381 = tpu.memref_squeeze %dma_wait3A_380 : memref<1x112xi32, #tpu.memory_space<vmem>> -> memref<112xi32, #tpu.memory_space<vmem>>
      %dma_wait3A_382 = arith.constant 0 : i32
      %dma_wait3A_383 = arith.constant 0 : i32
      %dma_wait3A_384 = tpu.memref_slice %arg3[%dma_wait3A_382, %dma_wait3A_383] : memref<1000000x128xf32, #tpu.memory_space<hbm>> -> memref<1000000x128xf32, #tpu.memory_space<hbm>>
      tpu.wait_indirect_dma semaphore(%arg18 : memref<!tpu.dma_semaphore, #tpu.memory_space<semaphore_mem>>) src(%dma_wait3A_384 : memref<1000000x128xf32, #tpu.memory_space<hbm>>) dst(%arg10 : memref<112x128xf32, #tpu.memory_space<vmem>>)
      %add3A_385 = arith.constant 128 : i32
      %add3A_386 = arith.addi %add3A_385, %add3A_366 : i32
      %mul3A_387 = arith.constant 112 : i32
      %mul3A_388 = arith.muli %add3A_386, %mul3A_387 : i32
      %add3A_389 = arith.addi %mul3A_4, %mul3A_388 : i32
      %dma_start3A_390 = arith.constant 0 : i32
      %dma_start3A_391 = tpu.memref_slice %arg4[%add3A_389, %dma_start3A_390] : memref<917504x128xf32, #tpu.memory_space<hbm>> -> memref<112x128xf32, #tpu.memory_space<hbm>>
      %dma_start3A_392 = arith.constant 0 : i32
      %dma_start3A_393 = tpu.memref_slice %arg4[%add3A_389, %dma_start3A_392] : memref<917504x128xf32, #tpu.memory_space<hbm>> -> memref<112x128xf32, #tpu.memory_space<hbm>>
      tpu.enqueue_dma source(%arg10 : memref<112x128xf32, #tpu.memory_space<vmem>>) target(%dma_start3A_393 : memref<112x128xf32, #tpu.memory_space<hbm>>) target_semaphore(%arg26 : memref<!tpu.dma_semaphore, #tpu.memory_space<semaphore_mem>>)
      %mul3A_394 = arith.constant 8 : i32
      %mul3A_395 = arith.muli %scan3A_242, %mul3A_394 : i32
      %add3A_396 = arith.constant 5 : i32
      %add3A_397 = arith.addi %mul3A_395, %add3A_396 : i32
      %ge3A_398 = arith.constant 2 : i32
      %ge3A_399 = arith.cmpi sge, %add3A_397, %ge3A_398 : i32
      %convert_element_type3A_400 = arith.extui %ge3A_399 : i1 to i32
      %cond3A_401 = arith.constant 0 : i32
      %cond3A_402 = arith.cmpi ne, %convert_element_type3A_400, %cond3A_401 : i32
      scf.if %cond3A_402 {
        %sub3A = arith.constant 2 : i32
        %sub3A_487 = arith.subi %add3A_397, %sub3A : i32
        %add3A_488 = arith.constant 128 : i32
        %add3A_489 = arith.addi %add3A_488, %sub3A_487 : i32
        %mul3A_490 = arith.constant 112 : i32
        %mul3A_491 = arith.muli %add3A_489, %mul3A_490 : i32
        %add3A_492 = arith.addi %mul3A_4, %mul3A_491 : i32
        %dma_wait3A_493 = arith.constant 0 : i32
        %dma_wait3A_494 = tpu.memref_slice %arg4[%add3A_492, %dma_wait3A_493] : memref<917504x128xf32, #tpu.memory_space<hbm>> -> memref<112x128xf32, #tpu.memory_space<hbm>>
        %dma_wait3A_495 = arith.constant 0 : i32
        %dma_wait3A_496 = tpu.memref_slice %arg4[%add3A_492, %dma_wait3A_495] : memref<917504x128xf32, #tpu.memory_space<hbm>> -> memref<112x128xf32, #tpu.memory_space<hbm>>
        tpu.wait_dma2 semaphore(%arg25 : memref<!tpu.dma_semaphore, #tpu.memory_space<semaphore_mem>>) src(%arg9 : memref<112x128xf32, #tpu.memory_space<vmem>>) dst(%dma_wait3A_496 : memref<112x128xf32, #tpu.memory_space<hbm>>)
      } else {
      }
      %add3A_403 = arith.constant 6 : i32
      %add3A_404 = arith.addi %add3A_397, %add3A_403 : i32
      %lt3A_405 = arith.constant 64 : i32
      %lt3A_406 = arith.cmpi slt, %add3A_404, %lt3A_405 : i32
      %convert_element_type3A_407 = arith.extui %lt3A_406 : i1 to i32
      %cond3A_408 = arith.constant 0 : i32
      %cond3A_409 = arith.cmpi ne, %convert_element_type3A_407, %cond3A_408 : i32
      scf.if %cond3A_409 {
        %add3A_487 = arith.constant 6 : i32
        %add3A_488 = arith.addi %add3A_397, %add3A_487 : i32
        %dma_start3A_489 = arith.constant 0 : i32
        %dma_start3A_490 = tpu.memref_slice %arg5[%add3A_488, %dma_start3A_489] : memref<64x128xi32, #tpu.memory_space<vmem>> -> memref<1x112xi32, #tpu.memory_space<vmem>>
        %dma_start3A_491 = tpu.memref_squeeze %dma_start3A_490 : memref<1x112xi32, #tpu.memory_space<vmem>> -> memref<112xi32, #tpu.memory_space<vmem>>
        %dma_start3A_492 = arith.constant 0 : i32
        %dma_start3A_493 = arith.constant 0 : i32
        %dma_start3A_494 = tpu.memref_slice %arg3[%dma_start3A_492, %dma_start3A_493] : memref<1000000x128xf32, #tpu.memory_space<hbm>> -> memref<1000000x128xf32, #tpu.memory_space<hbm>>
        tpu.enqueue_indirect_dma source(%dma_start3A_494 : memref<1000000x128xf32, #tpu.memory_space<hbm>>) target(%arg9 : memref<112x128xf32, #tpu.memory_space<vmem>>) offsets(%dma_start3A_491 : memref<112xi32, #tpu.memory_space<vmem>>) semaphore(%arg17 : memref<!tpu.dma_semaphore, #tpu.memory_space<semaphore_mem>>)
      } else {
      }
      %dma_wait3A_410 = arith.constant 0 : i32
      %dma_wait3A_411 = tpu.memref_slice %arg5[%add3A_397, %dma_wait3A_410] : memref<64x128xi32, #tpu.memory_space<vmem>> -> memref<1x112xi32, #tpu.memory_space<vmem>>
      %dma_wait3A_412 = tpu.memref_squeeze %dma_wait3A_411 : memref<1x112xi32, #tpu.memory_space<vmem>> -> memref<112xi32, #tpu.memory_space<vmem>>
      %dma_wait3A_413 = arith.constant 0 : i32
      %dma_wait3A_414 = arith.constant 0 : i32
      %dma_wait3A_415 = tpu.memref_slice %arg3[%dma_wait3A_413, %dma_wait3A_414] : memref<1000000x128xf32, #tpu.memory_space<hbm>> -> memref<1000000x128xf32, #tpu.memory_space<hbm>>
      tpu.wait_indirect_dma semaphore(%arg19 : memref<!tpu.dma_semaphore, #tpu.memory_space<semaphore_mem>>) src(%dma_wait3A_415 : memref<1000000x128xf32, #tpu.memory_space<hbm>>) dst(%arg11 : memref<112x128xf32, #tpu.memory_space<vmem>>)
      %add3A_416 = arith.constant 128 : i32
      %add3A_417 = arith.addi %add3A_416, %add3A_397 : i32
      %mul3A_418 = arith.constant 112 : i32
      %mul3A_419 = arith.muli %add3A_417, %mul3A_418 : i32
      %add3A_420 = arith.addi %mul3A_4, %mul3A_419 : i32
      %dma_start3A_421 = arith.constant 0 : i32
      %dma_start3A_422 = tpu.memref_slice %arg4[%add3A_420, %dma_start3A_421] : memref<917504x128xf32, #tpu.memory_space<hbm>> -> memref<112x128xf32, #tpu.memory_space<hbm>>
      %dma_start3A_423 = arith.constant 0 : i32
      %dma_start3A_424 = tpu.memref_slice %arg4[%add3A_420, %dma_start3A_423] : memref<917504x128xf32, #tpu.memory_space<hbm>> -> memref<112x128xf32, #tpu.memory_space<hbm>>
      tpu.enqueue_dma source(%arg11 : memref<112x128xf32, #tpu.memory_space<vmem>>) target(%dma_start3A_424 : memref<112x128xf32, #tpu.memory_space<hbm>>) target_semaphore(%arg27 : memref<!tpu.dma_semaphore, #tpu.memory_space<semaphore_mem>>)
      %mul3A_425 = arith.constant 8 : i32
      %mul3A_426 = arith.muli %scan3A_242, %mul3A_425 : i32
      %add3A_427 = arith.constant 6 : i32
      %add3A_428 = arith.addi %mul3A_426, %add3A_427 : i32
      %ge3A_429 = arith.constant 2 : i32
      %ge3A_430 = arith.cmpi sge, %add3A_428, %ge3A_429 : i32
      %convert_element_type3A_431 = arith.extui %ge3A_430 : i1 to i32
      %cond3A_432 = arith.constant 0 : i32
      %cond3A_433 = arith.cmpi ne, %convert_element_type3A_431, %cond3A_432 : i32
      scf.if %cond3A_433 {
        %sub3A = arith.constant 2 : i32
        %sub3A_487 = arith.subi %add3A_428, %sub3A : i32
        %add3A_488 = arith.constant 128 : i32
        %add3A_489 = arith.addi %add3A_488, %sub3A_487 : i32
        %mul3A_490 = arith.constant 112 : i32
        %mul3A_491 = arith.muli %add3A_489, %mul3A_490 : i32
        %add3A_492 = arith.addi %mul3A_4, %mul3A_491 : i32
        %dma_wait3A_493 = arith.constant 0 : i32
        %dma_wait3A_494 = tpu.memref_slice %arg4[%add3A_492, %dma_wait3A_493] : memref<917504x128xf32, #tpu.memory_space<hbm>> -> memref<112x128xf32, #tpu.memory_space<hbm>>
        %dma_wait3A_495 = arith.constant 0 : i32
        %dma_wait3A_496 = tpu.memref_slice %arg4[%add3A_492, %dma_wait3A_495] : memref<917504x128xf32, #tpu.memory_space<hbm>> -> memref<112x128xf32, #tpu.memory_space<hbm>>
        tpu.wait_dma2 semaphore(%arg26 : memref<!tpu.dma_semaphore, #tpu.memory_space<semaphore_mem>>) src(%arg10 : memref<112x128xf32, #tpu.memory_space<vmem>>) dst(%dma_wait3A_496 : memref<112x128xf32, #tpu.memory_space<hbm>>)
      } else {
      }
      %add3A_434 = arith.constant 6 : i32
      %add3A_435 = arith.addi %add3A_428, %add3A_434 : i32
      %lt3A_436 = arith.constant 64 : i32
      %lt3A_437 = arith.cmpi slt, %add3A_435, %lt3A_436 : i32
      %convert_element_type3A_438 = arith.extui %lt3A_437 : i1 to i32
      %cond3A_439 = arith.constant 0 : i32
      %cond3A_440 = arith.cmpi ne, %convert_element_type3A_438, %cond3A_439 : i32
      scf.if %cond3A_440 {
        %add3A_487 = arith.constant 6 : i32
        %add3A_488 = arith.addi %add3A_428, %add3A_487 : i32
        %dma_start3A_489 = arith.constant 0 : i32
        %dma_start3A_490 = tpu.memref_slice %arg5[%add3A_488, %dma_start3A_489] : memref<64x128xi32, #tpu.memory_space<vmem>> -> memref<1x112xi32, #tpu.memory_space<vmem>>
        %dma_start3A_491 = tpu.memref_squeeze %dma_start3A_490 : memref<1x112xi32, #tpu.memory_space<vmem>> -> memref<112xi32, #tpu.memory_space<vmem>>
        %dma_start3A_492 = arith.constant 0 : i32
        %dma_start3A_493 = arith.constant 0 : i32
        %dma_start3A_494 = tpu.memref_slice %arg3[%dma_start3A_492, %dma_start3A_493] : memref<1000000x128xf32, #tpu.memory_space<hbm>> -> memref<1000000x128xf32, #tpu.memory_space<hbm>>
        tpu.enqueue_indirect_dma source(%dma_start3A_494 : memref<1000000x128xf32, #tpu.memory_space<hbm>>) target(%arg10 : memref<112x128xf32, #tpu.memory_space<vmem>>) offsets(%dma_start3A_491 : memref<112xi32, #tpu.memory_space<vmem>>) semaphore(%arg18 : memref<!tpu.dma_semaphore, #tpu.memory_space<semaphore_mem>>)
      } else {
      }
      %dma_wait3A_441 = arith.constant 0 : i32
      %dma_wait3A_442 = tpu.memref_slice %arg5[%add3A_428, %dma_wait3A_441] : memref<64x128xi32, #tpu.memory_space<vmem>> -> memref<1x112xi32, #tpu.memory_space<vmem>>
      %dma_wait3A_443 = tpu.memref_squeeze %dma_wait3A_442 : memref<1x112xi32, #tpu.memory_space<vmem>> -> memref<112xi32, #tpu.memory_space<vmem>>
      %dma_wait3A_444 = arith.constant 0 : i32
      %dma_wait3A_445 = arith.constant 0 : i32
      %dma_wait3A_446 = tpu.memref_slice %arg3[%dma_wait3A_444, %dma_wait3A_445] : memref<1000000x128xf32, #tpu.memory_space<hbm>> -> memref<1000000x128xf32, #tpu.memory_space<hbm>>
      tpu.wait_indirect_dma semaphore(%arg20 : memref<!tpu.dma_semaphore, #tpu.memory_space<semaphore_mem>>) src(%dma_wait3A_446 : memref<1000000x128xf32, #tpu.memory_space<hbm>>) dst(%arg12 : memref<112x128xf32, #tpu.memory_space<vmem>>)
      %add3A_447 = arith.constant 128 : i32
      %add3A_448 = arith.addi %add3A_447, %add3A_428 : i32
      %mul3A_449 = arith.constant 112 : i32
      %mul3A_450 = arith.muli %add3A_448, %mul3A_449 : i32
      %add3A_451 = arith.addi %mul3A_4, %mul3A_450 : i32
      %dma_start3A_452 = arith.constant 0 : i32
      %dma_start3A_453 = tpu.memref_slice %arg4[%add3A_451, %dma_start3A_452] : memref<917504x128xf32, #tpu.memory_space<hbm>> -> memref<112x128xf32, #tpu.memory_space<hbm>>
      %dma_start3A_454 = arith.constant 0 : i32
      %dma_start3A_455 = tpu.memref_slice %arg4[%add3A_451, %dma_start3A_454] : memref<917504x128xf32, #tpu.memory_space<hbm>> -> memref<112x128xf32, #tpu.memory_space<hbm>>
      tpu.enqueue_dma source(%arg12 : memref<112x128xf32, #tpu.memory_space<vmem>>) target(%dma_start3A_455 : memref<112x128xf32, #tpu.memory_space<hbm>>) target_semaphore(%arg28 : memref<!tpu.dma_semaphore, #tpu.memory_space<semaphore_mem>>)
      %mul3A_456 = arith.constant 8 : i32
      %mul3A_457 = arith.muli %scan3A_242, %mul3A_456 : i32
      %add3A_458 = arith.constant 7 : i32
      %add3A_459 = arith.addi %mul3A_457, %add3A_458 : i32
      %ge3A_460 = arith.constant 2 : i32
      %ge3A_461 = arith.cmpi sge, %add3A_459, %ge3A_460 : i32
      %convert_element_type3A_462 = arith.extui %ge3A_461 : i1 to i32
      %cond3A_463 = arith.constant 0 : i32
      %cond3A_464 = arith.cmpi ne, %convert_element_type3A_462, %cond3A_463 : i32
      scf.if %cond3A_464 {
        %sub3A = arith.constant 2 : i32
        %sub3A_487 = arith.subi %add3A_459, %sub3A : i32
        %add3A_488 = arith.constant 128 : i32
        %add3A_489 = arith.addi %add3A_488, %sub3A_487 : i32
        %mul3A_490 = arith.constant 112 : i32
        %mul3A_491 = arith.muli %add3A_489, %mul3A_490 : i32
        %add3A_492 = arith.addi %mul3A_4, %mul3A_491 : i32
        %dma_wait3A_493 = arith.constant 0 : i32
        %dma_wait3A_494 = tpu.memref_slice %arg4[%add3A_492, %dma_wait3A_493] : memref<917504x128xf32, #tpu.memory_space<hbm>> -> memref<112x128xf32, #tpu.memory_space<hbm>>
        %dma_wait3A_495 = arith.constant 0 : i32
        %dma_wait3A_496 = tpu.memref_slice %arg4[%add3A_492, %dma_wait3A_495] : memref<917504x128xf32, #tpu.memory_space<hbm>> -> memref<112x128xf32, #tpu.memory_space<hbm>>
        tpu.wait_dma2 semaphore(%arg27 : memref<!tpu.dma_semaphore, #tpu.memory_space<semaphore_mem>>) src(%arg11 : memref<112x128xf32, #tpu.memory_space<vmem>>) dst(%dma_wait3A_496 : memref<112x128xf32, #tpu.memory_space<hbm>>)
      } else {
      }
      %add3A_465 = arith.constant 6 : i32
      %add3A_466 = arith.addi %add3A_459, %add3A_465 : i32
      %lt3A_467 = arith.constant 64 : i32
      %lt3A_468 = arith.cmpi slt, %add3A_466, %lt3A_467 : i32
      %convert_element_type3A_469 = arith.extui %lt3A_468 : i1 to i32
      %cond3A_470 = arith.constant 0 : i32
      %cond3A_471 = arith.cmpi ne, %convert_element_type3A_469, %cond3A_470 : i32
      scf.if %cond3A_471 {
        %add3A_487 = arith.constant 6 : i32
        %add3A_488 = arith.addi %add3A_459, %add3A_487 : i32
        %dma_start3A_489 = arith.constant 0 : i32
        %dma_start3A_490 = tpu.memref_slice %arg5[%add3A_488, %dma_start3A_489] : memref<64x128xi32, #tpu.memory_space<vmem>> -> memref<1x112xi32, #tpu.memory_space<vmem>>
        %dma_start3A_491 = tpu.memref_squeeze %dma_start3A_490 : memref<1x112xi32, #tpu.memory_space<vmem>> -> memref<112xi32, #tpu.memory_space<vmem>>
        %dma_start3A_492 = arith.constant 0 : i32
        %dma_start3A_493 = arith.constant 0 : i32
        %dma_start3A_494 = tpu.memref_slice %arg3[%dma_start3A_492, %dma_start3A_493] : memref<1000000x128xf32, #tpu.memory_space<hbm>> -> memref<1000000x128xf32, #tpu.memory_space<hbm>>
        tpu.enqueue_indirect_dma source(%dma_start3A_494 : memref<1000000x128xf32, #tpu.memory_space<hbm>>) target(%arg11 : memref<112x128xf32, #tpu.memory_space<vmem>>) offsets(%dma_start3A_491 : memref<112xi32, #tpu.memory_space<vmem>>) semaphore(%arg19 : memref<!tpu.dma_semaphore, #tpu.memory_space<semaphore_mem>>)
      } else {
      }
      %dma_wait3A_472 = arith.constant 0 : i32
      %dma_wait3A_473 = tpu.memref_slice %arg5[%add3A_459, %dma_wait3A_472] : memref<64x128xi32, #tpu.memory_space<vmem>> -> memref<1x112xi32, #tpu.memory_space<vmem>>
      %dma_wait3A_474 = tpu.memref_squeeze %dma_wait3A_473 : memref<1x112xi32, #tpu.memory_space<vmem>> -> memref<112xi32, #tpu.memory_space<vmem>>
      %dma_wait3A_475 = arith.constant 0 : i32
      %dma_wait3A_476 = arith.constant 0 : i32
      %dma_wait3A_477 = tpu.memref_slice %arg3[%dma_wait3A_475, %dma_wait3A_476] : memref<1000000x128xf32, #tpu.memory_space<hbm>> -> memref<1000000x128xf32, #tpu.memory_space<hbm>>
      tpu.wait_indirect_dma semaphore(%arg21 : memref<!tpu.dma_semaphore, #tpu.memory_space<semaphore_mem>>) src(%dma_wait3A_477 : memref<1000000x128xf32, #tpu.memory_space<hbm>>) dst(%arg13 : memref<112x128xf32, #tpu.memory_space<vmem>>)
      %add3A_478 = arith.constant 128 : i32
      %add3A_479 = arith.addi %add3A_478, %add3A_459 : i32
      %mul3A_480 = arith.constant 112 : i32
      %mul3A_481 = arith.muli %add3A_479, %mul3A_480 : i32
      %add3A_482 = arith.addi %mul3A_4, %mul3A_481 : i32
      %dma_start3A_483 = arith.constant 0 : i32
      %dma_start3A_484 = tpu.memref_slice %arg4[%add3A_482, %dma_start3A_483] : memref<917504x128xf32, #tpu.memory_space<hbm>> -> memref<112x128xf32, #tpu.memory_space<hbm>>
      %dma_start3A_485 = arith.constant 0 : i32
      %dma_start3A_486 = tpu.memref_slice %arg4[%add3A_482, %dma_start3A_485] : memref<917504x128xf32, #tpu.memory_space<hbm>> -> memref<112x128xf32, #tpu.memory_space<hbm>>
      tpu.enqueue_dma source(%arg13 : memref<112x128xf32, #tpu.memory_space<vmem>>) target(%dma_start3A_486 : memref<112x128xf32, #tpu.memory_space<hbm>>) target_semaphore(%arg29 : memref<!tpu.dma_semaphore, #tpu.memory_space<semaphore_mem>>)
    }
    %scan3A_169 = arith.constant 8 : i32
    %add3A_170 = arith.constant 21280 : i32
    %add3A_171 = arith.addi %mul3A_4, %add3A_170 : i32
    %dma_wait3A_172 = arith.constant 0 : i32
    %dma_wait3A_173 = tpu.memref_slice %arg4[%add3A_171, %dma_wait3A_172] : memref<917504x128xf32, #tpu.memory_space<hbm>> -> memref<112x128xf32, #tpu.memory_space<hbm>>
    %dma_wait3A_174 = arith.constant 0 : i32
    %dma_wait3A_175 = tpu.memref_slice %arg4[%add3A_171, %dma_wait3A_174] : memref<917504x128xf32, #tpu.memory_space<hbm>> -> memref<112x128xf32, #tpu.memory_space<hbm>>
    tpu.wait_dma2 semaphore(%arg28 : memref<!tpu.dma_semaphore, #tpu.memory_space<semaphore_mem>>) src(%arg12 : memref<112x128xf32, #tpu.memory_space<vmem>>) dst(%dma_wait3A_175 : memref<112x128xf32, #tpu.memory_space<hbm>>)
    %add3A_176 = arith.constant 21392 : i32
    %add3A_177 = arith.addi %mul3A_4, %add3A_176 : i32
    %dma_wait3A_178 = arith.constant 0 : i32
    %dma_wait3A_179 = tpu.memref_slice %arg4[%add3A_177, %dma_wait3A_178] : memref<917504x128xf32, #tpu.memory_space<hbm>> -> memref<112x128xf32, #tpu.memory_space<hbm>>
    %dma_wait3A_180 = arith.constant 0 : i32
    %dma_wait3A_181 = tpu.memref_slice %arg4[%add3A_177, %dma_wait3A_180] : memref<917504x128xf32, #tpu.memory_space<hbm>> -> memref<112x128xf32, #tpu.memory_space<hbm>>
    tpu.wait_dma2 semaphore(%arg29 : memref<!tpu.dma_semaphore, #tpu.memory_space<semaphore_mem>>) src(%arg13 : memref<112x128xf32, #tpu.memory_space<vmem>>) dst(%dma_wait3A_181 : memref<112x128xf32, #tpu.memory_space<hbm>>)
    "tpu.region"() ({
      %run_scoped3A = tpu.sem_alloc : memref<!tpu.dma_semaphore, #tpu.memory_space<semaphore_mem>>
      %dma_start3A_242 = arith.constant 192 : i32
      %dma_start3A_243 = arith.constant 0 : i32
      %dma_start3A_244 = tpu.memref_slice %arg2[%add3A, %dma_start3A_242, %dma_start3A_243] : memref<32x256x128xi32, #tpu.memory_space<hbm>> -> memref<1x64x128xi32, #tpu.memory_space<hbm>>
      %dma_start3A_245 = tpu.memref_squeeze %dma_start3A_244 : memref<1x64x128xi32, #tpu.memory_space<hbm>> -> memref<64x128xi32, #tpu.memory_space<hbm>>
      %dma_start3A_246 = arith.constant 192 : i32
      %dma_start3A_247 = arith.constant 0 : i32
      %dma_start3A_248 = tpu.memref_slice %arg2[%add3A, %dma_start3A_246, %dma_start3A_247] : memref<32x256x128xi32, #tpu.memory_space<hbm>> -> memref<1x64x128xi32, #tpu.memory_space<hbm>>
      %dma_start3A_249 = tpu.memref_squeeze %dma_start3A_248 : memref<1x64x128xi32, #tpu.memory_space<hbm>> -> memref<64x128xi32, #tpu.memory_space<hbm>>
      tpu.enqueue_dma source(%dma_start3A_249 : memref<64x128xi32, #tpu.memory_space<hbm>>) target(%arg5 : memref<64x128xi32, #tpu.memory_space<vmem>>) target_semaphore(%run_scoped3A : memref<!tpu.dma_semaphore, #tpu.memory_space<semaphore_mem>>)
      %dma_wait3A_250 = arith.constant 192 : i32
      %dma_wait3A_251 = arith.constant 0 : i32
      %dma_wait3A_252 = tpu.memref_slice %arg2[%add3A, %dma_wait3A_250, %dma_wait3A_251] : memref<32x256x128xi32, #tpu.memory_space<hbm>> -> memref<1x64x128xi32, #tpu.memory_space<hbm>>
      %dma_wait3A_253 = tpu.memref_squeeze %dma_wait3A_252 : memref<1x64x128xi32, #tpu.memory_space<hbm>> -> memref<64x128xi32, #tpu.memory_space<hbm>>
      %dma_wait3A_254 = arith.constant 192 : i32
      %dma_wait3A_255 = arith.constant 0 : i32
      %dma_wait3A_256 = tpu.memref_slice %arg2[%add3A, %dma_wait3A_254, %dma_wait3A_255] : memref<32x256x128xi32, #tpu.memory_space<hbm>> -> memref<1x64x128xi32, #tpu.memory_space<hbm>>
      %dma_wait3A_257 = tpu.memref_squeeze %dma_wait3A_256 : memref<1x64x128xi32, #tpu.memory_space<hbm>> -> memref<64x128xi32, #tpu.memory_space<hbm>>
      tpu.wait_dma2 semaphore(%run_scoped3A : memref<!tpu.dma_semaphore, #tpu.memory_space<semaphore_mem>>) src(%dma_wait3A_257 : memref<64x128xi32, #tpu.memory_space<hbm>>) dst(%arg5 : memref<64x128xi32, #tpu.memory_space<vmem>>)
      tpu.yield
    }) : () -> ()
    %dma_start3A_182 = arith.constant 0 : i32
    %dma_start3A_183 = arith.constant 0 : i32
    %dma_start3A_184 = tpu.memref_slice %arg5[%dma_start3A_182, %dma_start3A_183] : memref<64x128xi32, #tpu.memory_space<vmem>> -> memref<1x112xi32, #tpu.memory_space<vmem>>
    %dma_start3A_185 = tpu.memref_squeeze %dma_start3A_184 : memref<1x112xi32, #tpu.memory_space<vmem>> -> memref<112xi32, #tpu.memory_space<vmem>>
    %dma_start3A_186 = arith.constant 0 : i32
    %dma_start3A_187 = arith.constant 0 : i32
    %dma_start3A_188 = tpu.memref_slice %arg3[%dma_start3A_186, %dma_start3A_187] : memref<1000000x128xf32, #tpu.memory_space<hbm>> -> memref<1000000x128xf32, #tpu.memory_space<hbm>>
    tpu.enqueue_indirect_dma source(%dma_start3A_188 : memref<1000000x128xf32, #tpu.memory_space<hbm>>) target(%arg6 : memref<112x128xf32, #tpu.memory_space<vmem>>) offsets(%dma_start3A_185 : memref<112xi32, #tpu.memory_space<vmem>>) semaphore(%arg14 : memref<!tpu.dma_semaphore, #tpu.memory_space<semaphore_mem>>)
    %dma_start3A_189 = arith.constant 1 : i32
    %dma_start3A_190 = arith.constant 0 : i32
    %dma_start3A_191 = tpu.memref_slice %arg5[%dma_start3A_189, %dma_start3A_190] : memref<64x128xi32, #tpu.memory_space<vmem>> -> memref<1x112xi32, #tpu.memory_space<vmem>>
    %dma_start3A_192 = tpu.memref_squeeze %dma_start3A_191 : memref<1x112xi32, #tpu.memory_space<vmem>> -> memref<112xi32, #tpu.memory_space<vmem>>
    %dma_start3A_193 = arith.constant 0 : i32
    %dma_start3A_194 = arith.constant 0 : i32
    %dma_start3A_195 = tpu.memref_slice %arg3[%dma_start3A_193, %dma_start3A_194] : memref<1000000x128xf32, #tpu.memory_space<hbm>> -> memref<1000000x128xf32, #tpu.memory_space<hbm>>
    tpu.enqueue_indirect_dma source(%dma_start3A_195 : memref<1000000x128xf32, #tpu.memory_space<hbm>>) target(%arg7 : memref<112x128xf32, #tpu.memory_space<vmem>>) offsets(%dma_start3A_192 : memref<112xi32, #tpu.memory_space<vmem>>) semaphore(%arg15 : memref<!tpu.dma_semaphore, #tpu.memory_space<semaphore_mem>>)
    %dma_start3A_196 = arith.constant 2 : i32
    %dma_start3A_197 = arith.constant 0 : i32
    %dma_start3A_198 = tpu.memref_slice %arg5[%dma_start3A_196, %dma_start3A_197] : memref<64x128xi32, #tpu.memory_space<vmem>> -> memref<1x112xi32, #tpu.memory_space<vmem>>
    %dma_start3A_199 = tpu.memref_squeeze %dma_start3A_198 : memref<1x112xi32, #tpu.memory_space<vmem>> -> memref<112xi32, #tpu.memory_space<vmem>>
    %dma_start3A_200 = arith.constant 0 : i32
    %dma_start3A_201 = arith.constant 0 : i32
    %dma_start3A_202 = tpu.memref_slice %arg3[%dma_start3A_200, %dma_start3A_201] : memref<1000000x128xf32, #tpu.memory_space<hbm>> -> memref<1000000x128xf32, #tpu.memory_space<hbm>>
    tpu.enqueue_indirect_dma source(%dma_start3A_202 : memref<1000000x128xf32, #tpu.memory_space<hbm>>) target(%arg8 : memref<112x128xf32, #tpu.memory_space<vmem>>) offsets(%dma_start3A_199 : memref<112xi32, #tpu.memory_space<vmem>>) semaphore(%arg16 : memref<!tpu.dma_semaphore, #tpu.memory_space<semaphore_mem>>)
    %dma_start3A_203 = arith.constant 3 : i32
    %dma_start3A_204 = arith.constant 0 : i32
    %dma_start3A_205 = tpu.memref_slice %arg5[%dma_start3A_203, %dma_start3A_204] : memref<64x128xi32, #tpu.memory_space<vmem>> -> memref<1x112xi32, #tpu.memory_space<vmem>>
    %dma_start3A_206 = tpu.memref_squeeze %dma_start3A_205 : memref<1x112xi32, #tpu.memory_space<vmem>> -> memref<112xi32, #tpu.memory_space<vmem>>
    %dma_start3A_207 = arith.constant 0 : i32
    %dma_start3A_208 = arith.constant 0 : i32
    %dma_start3A_209 = tpu.memref_slice %arg3[%dma_start3A_207, %dma_start3A_208] : memref<1000000x128xf32, #tpu.memory_space<hbm>> -> memref<1000000x128xf32, #tpu.memory_space<hbm>>
    tpu.enqueue_indirect_dma source(%dma_start3A_209 : memref<1000000x128xf32, #tpu.memory_space<hbm>>) target(%arg9 : memref<112x128xf32, #tpu.memory_space<vmem>>) offsets(%dma_start3A_206 : memref<112xi32, #tpu.memory_space<vmem>>) semaphore(%arg17 : memref<!tpu.dma_semaphore, #tpu.memory_space<semaphore_mem>>)
    %dma_start3A_210 = arith.constant 4 : i32
    %dma_start3A_211 = arith.constant 0 : i32
    %dma_start3A_212 = tpu.memref_slice %arg5[%dma_start3A_210, %dma_start3A_211] : memref<64x128xi32, #tpu.memory_space<vmem>> -> memref<1x112xi32, #tpu.memory_space<vmem>>
    %dma_start3A_213 = tpu.memref_squeeze %dma_start3A_212 : memref<1x112xi32, #tpu.memory_space<vmem>> -> memref<112xi32, #tpu.memory_space<vmem>>
    %dma_start3A_214 = arith.constant 0 : i32
    %dma_start3A_215 = arith.constant 0 : i32
    %dma_start3A_216 = tpu.memref_slice %arg3[%dma_start3A_214, %dma_start3A_215] : memref<1000000x128xf32, #tpu.memory_space<hbm>> -> memref<1000000x128xf32, #tpu.memory_space<hbm>>
    tpu.enqueue_indirect_dma source(%dma_start3A_216 : memref<1000000x128xf32, #tpu.memory_space<hbm>>) target(%arg10 : memref<112x128xf32, #tpu.memory_space<vmem>>) offsets(%dma_start3A_213 : memref<112xi32, #tpu.memory_space<vmem>>) semaphore(%arg18 : memref<!tpu.dma_semaphore, #tpu.memory_space<semaphore_mem>>)
    %dma_start3A_217 = arith.constant 5 : i32
    %dma_start3A_218 = arith.constant 0 : i32
    %dma_start3A_219 = tpu.memref_slice %arg5[%dma_start3A_217, %dma_start3A_218] : memref<64x128xi32, #tpu.memory_space<vmem>> -> memref<1x112xi32, #tpu.memory_space<vmem>>
    %dma_start3A_220 = tpu.memref_squeeze %dma_start3A_219 : memref<1x112xi32, #tpu.memory_space<vmem>> -> memref<112xi32, #tpu.memory_space<vmem>>
    %dma_start3A_221 = arith.constant 0 : i32
    %dma_start3A_222 = arith.constant 0 : i32
    %dma_start3A_223 = tpu.memref_slice %arg3[%dma_start3A_221, %dma_start3A_222] : memref<1000000x128xf32, #tpu.memory_space<hbm>> -> memref<1000000x128xf32, #tpu.memory_space<hbm>>
    tpu.enqueue_indirect_dma source(%dma_start3A_223 : memref<1000000x128xf32, #tpu.memory_space<hbm>>) target(%arg11 : memref<112x128xf32, #tpu.memory_space<vmem>>) offsets(%dma_start3A_220 : memref<112xi32, #tpu.memory_space<vmem>>) semaphore(%arg19 : memref<!tpu.dma_semaphore, #tpu.memory_space<semaphore_mem>>)
    %scan3A_224 = arith.constant 0 : i32
    %scan3A_225 = arith.constant 0 : i32
    %scan3A_226 = arith.constant 8 : i32
    %scan3A_227 = arith.addi %scan3A_225, %scan3A_226 : i32
    %scan3A_228 = arith.constant 1 : i32
    scf.for %scan3A_242 = %scan3A_225 to %scan3A_227 step %scan3A_228  : i32 {
      %mul3A_243 = arith.constant 8 : i32
      %mul3A_244 = arith.muli %scan3A_242, %mul3A_243 : i32
      %add3A_245 = arith.constant 0 : i32
      %add3A_246 = arith.addi %mul3A_244, %add3A_245 : i32
      %ge3A = arith.constant 2 : i32
      %ge3A_247 = arith.cmpi sge, %add3A_246, %ge3A : i32
      %convert_element_type3A = arith.extui %ge3A_247 : i1 to i32
      %cond3A = arith.constant 0 : i32
      %cond3A_248 = arith.cmpi ne, %convert_element_type3A, %cond3A : i32
      scf.if %cond3A_248 {
        %sub3A = arith.constant 2 : i32
        %sub3A_487 = arith.subi %add3A_246, %sub3A : i32
        %add3A_488 = arith.constant 192 : i32
        %add3A_489 = arith.addi %add3A_488, %sub3A_487 : i32
        %mul3A_490 = arith.constant 112 : i32
        %mul3A_491 = arith.muli %add3A_489, %mul3A_490 : i32
        %add3A_492 = arith.addi %mul3A_4, %mul3A_491 : i32
        %dma_wait3A_493 = arith.constant 0 : i32
        %dma_wait3A_494 = tpu.memref_slice %arg4[%add3A_492, %dma_wait3A_493] : memref<917504x128xf32, #tpu.memory_space<hbm>> -> memref<112x128xf32, #tpu.memory_space<hbm>>
        %dma_wait3A_495 = arith.constant 0 : i32
        %dma_wait3A_496 = tpu.memref_slice %arg4[%add3A_492, %dma_wait3A_495] : memref<917504x128xf32, #tpu.memory_space<hbm>> -> memref<112x128xf32, #tpu.memory_space<hbm>>
        tpu.wait_dma2 semaphore(%arg28 : memref<!tpu.dma_semaphore, #tpu.memory_space<semaphore_mem>>) src(%arg12 : memref<112x128xf32, #tpu.memory_space<vmem>>) dst(%dma_wait3A_496 : memref<112x128xf32, #tpu.memory_space<hbm>>)
      } else {
      }
      %add3A_249 = arith.constant 6 : i32
      %add3A_250 = arith.addi %add3A_246, %add3A_249 : i32
      %lt3A = arith.constant 64 : i32
      %lt3A_251 = arith.cmpi slt, %add3A_250, %lt3A : i32
      %convert_element_type3A_252 = arith.extui %lt3A_251 : i1 to i32
      %cond3A_253 = arith.constant 0 : i32
      %cond3A_254 = arith.cmpi ne, %convert_element_type3A_252, %cond3A_253 : i32
      scf.if %cond3A_254 {
        %add3A_487 = arith.constant 6 : i32
        %add3A_488 = arith.addi %add3A_246, %add3A_487 : i32
        %dma_start3A_489 = arith.constant 0 : i32
        %dma_start3A_490 = tpu.memref_slice %arg5[%add3A_488, %dma_start3A_489] : memref<64x128xi32, #tpu.memory_space<vmem>> -> memref<1x112xi32, #tpu.memory_space<vmem>>
        %dma_start3A_491 = tpu.memref_squeeze %dma_start3A_490 : memref<1x112xi32, #tpu.memory_space<vmem>> -> memref<112xi32, #tpu.memory_space<vmem>>
        %dma_start3A_492 = arith.constant 0 : i32
        %dma_start3A_493 = arith.constant 0 : i32
        %dma_start3A_494 = tpu.memref_slice %arg3[%dma_start3A_492, %dma_start3A_493] : memref<1000000x128xf32, #tpu.memory_space<hbm>> -> memref<1000000x128xf32, #tpu.memory_space<hbm>>
        tpu.enqueue_indirect_dma source(%dma_start3A_494 : memref<1000000x128xf32, #tpu.memory_space<hbm>>) target(%arg12 : memref<112x128xf32, #tpu.memory_space<vmem>>) offsets(%dma_start3A_491 : memref<112xi32, #tpu.memory_space<vmem>>) semaphore(%arg20 : memref<!tpu.dma_semaphore, #tpu.memory_space<semaphore_mem>>)
      } else {
      }
      %dma_wait3A_255 = arith.constant 0 : i32
      %dma_wait3A_256 = tpu.memref_slice %arg5[%add3A_246, %dma_wait3A_255] : memref<64x128xi32, #tpu.memory_space<vmem>> -> memref<1x112xi32, #tpu.memory_space<vmem>>
      %dma_wait3A_257 = tpu.memref_squeeze %dma_wait3A_256 : memref<1x112xi32, #tpu.memory_space<vmem>> -> memref<112xi32, #tpu.memory_space<vmem>>
      %dma_wait3A_258 = arith.constant 0 : i32
      %dma_wait3A_259 = arith.constant 0 : i32
      %dma_wait3A_260 = tpu.memref_slice %arg3[%dma_wait3A_258, %dma_wait3A_259] : memref<1000000x128xf32, #tpu.memory_space<hbm>> -> memref<1000000x128xf32, #tpu.memory_space<hbm>>
      tpu.wait_indirect_dma semaphore(%arg14 : memref<!tpu.dma_semaphore, #tpu.memory_space<semaphore_mem>>) src(%dma_wait3A_260 : memref<1000000x128xf32, #tpu.memory_space<hbm>>) dst(%arg6 : memref<112x128xf32, #tpu.memory_space<vmem>>)
      %add3A_261 = arith.constant 192 : i32
      %add3A_262 = arith.addi %add3A_261, %add3A_246 : i32
      %mul3A_263 = arith.constant 112 : i32
      %mul3A_264 = arith.muli %add3A_262, %mul3A_263 : i32
      %add3A_265 = arith.addi %mul3A_4, %mul3A_264 : i32
      %dma_start3A_266 = arith.constant 0 : i32
      %dma_start3A_267 = tpu.memref_slice %arg4[%add3A_265, %dma_start3A_266] : memref<917504x128xf32, #tpu.memory_space<hbm>> -> memref<112x128xf32, #tpu.memory_space<hbm>>
      %dma_start3A_268 = arith.constant 0 : i32
      %dma_start3A_269 = tpu.memref_slice %arg4[%add3A_265, %dma_start3A_268] : memref<917504x128xf32, #tpu.memory_space<hbm>> -> memref<112x128xf32, #tpu.memory_space<hbm>>
      tpu.enqueue_dma source(%arg6 : memref<112x128xf32, #tpu.memory_space<vmem>>) target(%dma_start3A_269 : memref<112x128xf32, #tpu.memory_space<hbm>>) target_semaphore(%arg22 : memref<!tpu.dma_semaphore, #tpu.memory_space<semaphore_mem>>)
      %mul3A_270 = arith.constant 8 : i32
      %mul3A_271 = arith.muli %scan3A_242, %mul3A_270 : i32
      %add3A_272 = arith.constant 1 : i32
      %add3A_273 = arith.addi %mul3A_271, %add3A_272 : i32
      %ge3A_274 = arith.constant 2 : i32
      %ge3A_275 = arith.cmpi sge, %add3A_273, %ge3A_274 : i32
      %convert_element_type3A_276 = arith.extui %ge3A_275 : i1 to i32
      %cond3A_277 = arith.constant 0 : i32
      %cond3A_278 = arith.cmpi ne, %convert_element_type3A_276, %cond3A_277 : i32
      scf.if %cond3A_278 {
        %sub3A = arith.constant 2 : i32
        %sub3A_487 = arith.subi %add3A_273, %sub3A : i32
        %add3A_488 = arith.constant 192 : i32
        %add3A_489 = arith.addi %add3A_488, %sub3A_487 : i32
        %mul3A_490 = arith.constant 112 : i32
        %mul3A_491 = arith.muli %add3A_489, %mul3A_490 : i32
        %add3A_492 = arith.addi %mul3A_4, %mul3A_491 : i32
        %dma_wait3A_493 = arith.constant 0 : i32
        %dma_wait3A_494 = tpu.memref_slice %arg4[%add3A_492, %dma_wait3A_493] : memref<917504x128xf32, #tpu.memory_space<hbm>> -> memref<112x128xf32, #tpu.memory_space<hbm>>
        %dma_wait3A_495 = arith.constant 0 : i32
        %dma_wait3A_496 = tpu.memref_slice %arg4[%add3A_492, %dma_wait3A_495] : memref<917504x128xf32, #tpu.memory_space<hbm>> -> memref<112x128xf32, #tpu.memory_space<hbm>>
        tpu.wait_dma2 semaphore(%arg29 : memref<!tpu.dma_semaphore, #tpu.memory_space<semaphore_mem>>) src(%arg13 : memref<112x128xf32, #tpu.memory_space<vmem>>) dst(%dma_wait3A_496 : memref<112x128xf32, #tpu.memory_space<hbm>>)
      } else {
      }
      %add3A_279 = arith.constant 6 : i32
      %add3A_280 = arith.addi %add3A_273, %add3A_279 : i32
      %lt3A_281 = arith.constant 64 : i32
      %lt3A_282 = arith.cmpi slt, %add3A_280, %lt3A_281 : i32
      %convert_element_type3A_283 = arith.extui %lt3A_282 : i1 to i32
      %cond3A_284 = arith.constant 0 : i32
      %cond3A_285 = arith.cmpi ne, %convert_element_type3A_283, %cond3A_284 : i32
      scf.if %cond3A_285 {
        %add3A_487 = arith.constant 6 : i32
        %add3A_488 = arith.addi %add3A_273, %add3A_487 : i32
        %dma_start3A_489 = arith.constant 0 : i32
        %dma_start3A_490 = tpu.memref_slice %arg5[%add3A_488, %dma_start3A_489] : memref<64x128xi32, #tpu.memory_space<vmem>> -> memref<1x112xi32, #tpu.memory_space<vmem>>
        %dma_start3A_491 = tpu.memref_squeeze %dma_start3A_490 : memref<1x112xi32, #tpu.memory_space<vmem>> -> memref<112xi32, #tpu.memory_space<vmem>>
        %dma_start3A_492 = arith.constant 0 : i32
        %dma_start3A_493 = arith.constant 0 : i32
        %dma_start3A_494 = tpu.memref_slice %arg3[%dma_start3A_492, %dma_start3A_493] : memref<1000000x128xf32, #tpu.memory_space<hbm>> -> memref<1000000x128xf32, #tpu.memory_space<hbm>>
        tpu.enqueue_indirect_dma source(%dma_start3A_494 : memref<1000000x128xf32, #tpu.memory_space<hbm>>) target(%arg13 : memref<112x128xf32, #tpu.memory_space<vmem>>) offsets(%dma_start3A_491 : memref<112xi32, #tpu.memory_space<vmem>>) semaphore(%arg21 : memref<!tpu.dma_semaphore, #tpu.memory_space<semaphore_mem>>)
      } else {
      }
      %dma_wait3A_286 = arith.constant 0 : i32
      %dma_wait3A_287 = tpu.memref_slice %arg5[%add3A_273, %dma_wait3A_286] : memref<64x128xi32, #tpu.memory_space<vmem>> -> memref<1x112xi32, #tpu.memory_space<vmem>>
      %dma_wait3A_288 = tpu.memref_squeeze %dma_wait3A_287 : memref<1x112xi32, #tpu.memory_space<vmem>> -> memref<112xi32, #tpu.memory_space<vmem>>
      %dma_wait3A_289 = arith.constant 0 : i32
      %dma_wait3A_290 = arith.constant 0 : i32
      %dma_wait3A_291 = tpu.memref_slice %arg3[%dma_wait3A_289, %dma_wait3A_290] : memref<1000000x128xf32, #tpu.memory_space<hbm>> -> memref<1000000x128xf32, #tpu.memory_space<hbm>>
      tpu.wait_indirect_dma semaphore(%arg15 : memref<!tpu.dma_semaphore, #tpu.memory_space<semaphore_mem>>) src(%dma_wait3A_291 : memref<1000000x128xf32, #tpu.memory_space<hbm>>) dst(%arg7 : memref<112x128xf32, #tpu.memory_space<vmem>>)
      %add3A_292 = arith.constant 192 : i32
      %add3A_293 = arith.addi %add3A_292, %add3A_273 : i32
      %mul3A_294 = arith.constant 112 : i32
      %mul3A_295 = arith.muli %add3A_293, %mul3A_294 : i32
      %add3A_296 = arith.addi %mul3A_4, %mul3A_295 : i32
      %dma_start3A_297 = arith.constant 0 : i32
      %dma_start3A_298 = tpu.memref_slice %arg4[%add3A_296, %dma_start3A_297] : memref<917504x128xf32, #tpu.memory_space<hbm>> -> memref<112x128xf32, #tpu.memory_space<hbm>>
      %dma_start3A_299 = arith.constant 0 : i32
      %dma_start3A_300 = tpu.memref_slice %arg4[%add3A_296, %dma_start3A_299] : memref<917504x128xf32, #tpu.memory_space<hbm>> -> memref<112x128xf32, #tpu.memory_space<hbm>>
      tpu.enqueue_dma source(%arg7 : memref<112x128xf32, #tpu.memory_space<vmem>>) target(%dma_start3A_300 : memref<112x128xf32, #tpu.memory_space<hbm>>) target_semaphore(%arg23 : memref<!tpu.dma_semaphore, #tpu.memory_space<semaphore_mem>>)
      %mul3A_301 = arith.constant 8 : i32
      %mul3A_302 = arith.muli %scan3A_242, %mul3A_301 : i32
      %add3A_303 = arith.constant 2 : i32
      %add3A_304 = arith.addi %mul3A_302, %add3A_303 : i32
      %ge3A_305 = arith.constant 2 : i32
      %ge3A_306 = arith.cmpi sge, %add3A_304, %ge3A_305 : i32
      %convert_element_type3A_307 = arith.extui %ge3A_306 : i1 to i32
      %cond3A_308 = arith.constant 0 : i32
      %cond3A_309 = arith.cmpi ne, %convert_element_type3A_307, %cond3A_308 : i32
      scf.if %cond3A_309 {
        %sub3A = arith.constant 2 : i32
        %sub3A_487 = arith.subi %add3A_304, %sub3A : i32
        %add3A_488 = arith.constant 192 : i32
        %add3A_489 = arith.addi %add3A_488, %sub3A_487 : i32
        %mul3A_490 = arith.constant 112 : i32
        %mul3A_491 = arith.muli %add3A_489, %mul3A_490 : i32
        %add3A_492 = arith.addi %mul3A_4, %mul3A_491 : i32
        %dma_wait3A_493 = arith.constant 0 : i32
        %dma_wait3A_494 = tpu.memref_slice %arg4[%add3A_492, %dma_wait3A_493] : memref<917504x128xf32, #tpu.memory_space<hbm>> -> memref<112x128xf32, #tpu.memory_space<hbm>>
        %dma_wait3A_495 = arith.constant 0 : i32
        %dma_wait3A_496 = tpu.memref_slice %arg4[%add3A_492, %dma_wait3A_495] : memref<917504x128xf32, #tpu.memory_space<hbm>> -> memref<112x128xf32, #tpu.memory_space<hbm>>
        tpu.wait_dma2 semaphore(%arg22 : memref<!tpu.dma_semaphore, #tpu.memory_space<semaphore_mem>>) src(%arg6 : memref<112x128xf32, #tpu.memory_space<vmem>>) dst(%dma_wait3A_496 : memref<112x128xf32, #tpu.memory_space<hbm>>)
      } else {
      }
      %add3A_310 = arith.constant 6 : i32
      %add3A_311 = arith.addi %add3A_304, %add3A_310 : i32
      %lt3A_312 = arith.constant 64 : i32
      %lt3A_313 = arith.cmpi slt, %add3A_311, %lt3A_312 : i32
      %convert_element_type3A_314 = arith.extui %lt3A_313 : i1 to i32
      %cond3A_315 = arith.constant 0 : i32
      %cond3A_316 = arith.cmpi ne, %convert_element_type3A_314, %cond3A_315 : i32
      scf.if %cond3A_316 {
        %add3A_487 = arith.constant 6 : i32
        %add3A_488 = arith.addi %add3A_304, %add3A_487 : i32
        %dma_start3A_489 = arith.constant 0 : i32
        %dma_start3A_490 = tpu.memref_slice %arg5[%add3A_488, %dma_start3A_489] : memref<64x128xi32, #tpu.memory_space<vmem>> -> memref<1x112xi32, #tpu.memory_space<vmem>>
        %dma_start3A_491 = tpu.memref_squeeze %dma_start3A_490 : memref<1x112xi32, #tpu.memory_space<vmem>> -> memref<112xi32, #tpu.memory_space<vmem>>
        %dma_start3A_492 = arith.constant 0 : i32
        %dma_start3A_493 = arith.constant 0 : i32
        %dma_start3A_494 = tpu.memref_slice %arg3[%dma_start3A_492, %dma_start3A_493] : memref<1000000x128xf32, #tpu.memory_space<hbm>> -> memref<1000000x128xf32, #tpu.memory_space<hbm>>
        tpu.enqueue_indirect_dma source(%dma_start3A_494 : memref<1000000x128xf32, #tpu.memory_space<hbm>>) target(%arg6 : memref<112x128xf32, #tpu.memory_space<vmem>>) offsets(%dma_start3A_491 : memref<112xi32, #tpu.memory_space<vmem>>) semaphore(%arg14 : memref<!tpu.dma_semaphore, #tpu.memory_space<semaphore_mem>>)
      } else {
      }
      %dma_wait3A_317 = arith.constant 0 : i32
      %dma_wait3A_318 = tpu.memref_slice %arg5[%add3A_304, %dma_wait3A_317] : memref<64x128xi32, #tpu.memory_space<vmem>> -> memref<1x112xi32, #tpu.memory_space<vmem>>
      %dma_wait3A_319 = tpu.memref_squeeze %dma_wait3A_318 : memref<1x112xi32, #tpu.memory_space<vmem>> -> memref<112xi32, #tpu.memory_space<vmem>>
      %dma_wait3A_320 = arith.constant 0 : i32
      %dma_wait3A_321 = arith.constant 0 : i32
      %dma_wait3A_322 = tpu.memref_slice %arg3[%dma_wait3A_320, %dma_wait3A_321] : memref<1000000x128xf32, #tpu.memory_space<hbm>> -> memref<1000000x128xf32, #tpu.memory_space<hbm>>
      tpu.wait_indirect_dma semaphore(%arg16 : memref<!tpu.dma_semaphore, #tpu.memory_space<semaphore_mem>>) src(%dma_wait3A_322 : memref<1000000x128xf32, #tpu.memory_space<hbm>>) dst(%arg8 : memref<112x128xf32, #tpu.memory_space<vmem>>)
      %add3A_323 = arith.constant 192 : i32
      %add3A_324 = arith.addi %add3A_323, %add3A_304 : i32
      %mul3A_325 = arith.constant 112 : i32
      %mul3A_326 = arith.muli %add3A_324, %mul3A_325 : i32
      %add3A_327 = arith.addi %mul3A_4, %mul3A_326 : i32
      %dma_start3A_328 = arith.constant 0 : i32
      %dma_start3A_329 = tpu.memref_slice %arg4[%add3A_327, %dma_start3A_328] : memref<917504x128xf32, #tpu.memory_space<hbm>> -> memref<112x128xf32, #tpu.memory_space<hbm>>
      %dma_start3A_330 = arith.constant 0 : i32
      %dma_start3A_331 = tpu.memref_slice %arg4[%add3A_327, %dma_start3A_330] : memref<917504x128xf32, #tpu.memory_space<hbm>> -> memref<112x128xf32, #tpu.memory_space<hbm>>
      tpu.enqueue_dma source(%arg8 : memref<112x128xf32, #tpu.memory_space<vmem>>) target(%dma_start3A_331 : memref<112x128xf32, #tpu.memory_space<hbm>>) target_semaphore(%arg24 : memref<!tpu.dma_semaphore, #tpu.memory_space<semaphore_mem>>)
      %mul3A_332 = arith.constant 8 : i32
      %mul3A_333 = arith.muli %scan3A_242, %mul3A_332 : i32
      %add3A_334 = arith.constant 3 : i32
      %add3A_335 = arith.addi %mul3A_333, %add3A_334 : i32
      %ge3A_336 = arith.constant 2 : i32
      %ge3A_337 = arith.cmpi sge, %add3A_335, %ge3A_336 : i32
      %convert_element_type3A_338 = arith.extui %ge3A_337 : i1 to i32
      %cond3A_339 = arith.constant 0 : i32
      %cond3A_340 = arith.cmpi ne, %convert_element_type3A_338, %cond3A_339 : i32
      scf.if %cond3A_340 {
        %sub3A = arith.constant 2 : i32
        %sub3A_487 = arith.subi %add3A_335, %sub3A : i32
        %add3A_488 = arith.constant 192 : i32
        %add3A_489 = arith.addi %add3A_488, %sub3A_487 : i32
        %mul3A_490 = arith.constant 112 : i32
        %mul3A_491 = arith.muli %add3A_489, %mul3A_490 : i32
        %add3A_492 = arith.addi %mul3A_4, %mul3A_491 : i32
        %dma_wait3A_493 = arith.constant 0 : i32
        %dma_wait3A_494 = tpu.memref_slice %arg4[%add3A_492, %dma_wait3A_493] : memref<917504x128xf32, #tpu.memory_space<hbm>> -> memref<112x128xf32, #tpu.memory_space<hbm>>
        %dma_wait3A_495 = arith.constant 0 : i32
        %dma_wait3A_496 = tpu.memref_slice %arg4[%add3A_492, %dma_wait3A_495] : memref<917504x128xf32, #tpu.memory_space<hbm>> -> memref<112x128xf32, #tpu.memory_space<hbm>>
        tpu.wait_dma2 semaphore(%arg23 : memref<!tpu.dma_semaphore, #tpu.memory_space<semaphore_mem>>) src(%arg7 : memref<112x128xf32, #tpu.memory_space<vmem>>) dst(%dma_wait3A_496 : memref<112x128xf32, #tpu.memory_space<hbm>>)
      } else {
      }
      %add3A_341 = arith.constant 6 : i32
      %add3A_342 = arith.addi %add3A_335, %add3A_341 : i32
      %lt3A_343 = arith.constant 64 : i32
      %lt3A_344 = arith.cmpi slt, %add3A_342, %lt3A_343 : i32
      %convert_element_type3A_345 = arith.extui %lt3A_344 : i1 to i32
      %cond3A_346 = arith.constant 0 : i32
      %cond3A_347 = arith.cmpi ne, %convert_element_type3A_345, %cond3A_346 : i32
      scf.if %cond3A_347 {
        %add3A_487 = arith.constant 6 : i32
        %add3A_488 = arith.addi %add3A_335, %add3A_487 : i32
        %dma_start3A_489 = arith.constant 0 : i32
        %dma_start3A_490 = tpu.memref_slice %arg5[%add3A_488, %dma_start3A_489] : memref<64x128xi32, #tpu.memory_space<vmem>> -> memref<1x112xi32, #tpu.memory_space<vmem>>
        %dma_start3A_491 = tpu.memref_squeeze %dma_start3A_490 : memref<1x112xi32, #tpu.memory_space<vmem>> -> memref<112xi32, #tpu.memory_space<vmem>>
        %dma_start3A_492 = arith.constant 0 : i32
        %dma_start3A_493 = arith.constant 0 : i32
        %dma_start3A_494 = tpu.memref_slice %arg3[%dma_start3A_492, %dma_start3A_493] : memref<1000000x128xf32, #tpu.memory_space<hbm>> -> memref<1000000x128xf32, #tpu.memory_space<hbm>>
        tpu.enqueue_indirect_dma source(%dma_start3A_494 : memref<1000000x128xf32, #tpu.memory_space<hbm>>) target(%arg7 : memref<112x128xf32, #tpu.memory_space<vmem>>) offsets(%dma_start3A_491 : memref<112xi32, #tpu.memory_space<vmem>>) semaphore(%arg15 : memref<!tpu.dma_semaphore, #tpu.memory_space<semaphore_mem>>)
      } else {
      }
      %dma_wait3A_348 = arith.constant 0 : i32
      %dma_wait3A_349 = tpu.memref_slice %arg5[%add3A_335, %dma_wait3A_348] : memref<64x128xi32, #tpu.memory_space<vmem>> -> memref<1x112xi32, #tpu.memory_space<vmem>>
      %dma_wait3A_350 = tpu.memref_squeeze %dma_wait3A_349 : memref<1x112xi32, #tpu.memory_space<vmem>> -> memref<112xi32, #tpu.memory_space<vmem>>
      %dma_wait3A_351 = arith.constant 0 : i32
      %dma_wait3A_352 = arith.constant 0 : i32
      %dma_wait3A_353 = tpu.memref_slice %arg3[%dma_wait3A_351, %dma_wait3A_352] : memref<1000000x128xf32, #tpu.memory_space<hbm>> -> memref<1000000x128xf32, #tpu.memory_space<hbm>>
      tpu.wait_indirect_dma semaphore(%arg17 : memref<!tpu.dma_semaphore, #tpu.memory_space<semaphore_mem>>) src(%dma_wait3A_353 : memref<1000000x128xf32, #tpu.memory_space<hbm>>) dst(%arg9 : memref<112x128xf32, #tpu.memory_space<vmem>>)
      %add3A_354 = arith.constant 192 : i32
      %add3A_355 = arith.addi %add3A_354, %add3A_335 : i32
      %mul3A_356 = arith.constant 112 : i32
      %mul3A_357 = arith.muli %add3A_355, %mul3A_356 : i32
      %add3A_358 = arith.addi %mul3A_4, %mul3A_357 : i32
      %dma_start3A_359 = arith.constant 0 : i32
      %dma_start3A_360 = tpu.memref_slice %arg4[%add3A_358, %dma_start3A_359] : memref<917504x128xf32, #tpu.memory_space<hbm>> -> memref<112x128xf32, #tpu.memory_space<hbm>>
      %dma_start3A_361 = arith.constant 0 : i32
      %dma_start3A_362 = tpu.memref_slice %arg4[%add3A_358, %dma_start3A_361] : memref<917504x128xf32, #tpu.memory_space<hbm>> -> memref<112x128xf32, #tpu.memory_space<hbm>>
      tpu.enqueue_dma source(%arg9 : memref<112x128xf32, #tpu.memory_space<vmem>>) target(%dma_start3A_362 : memref<112x128xf32, #tpu.memory_space<hbm>>) target_semaphore(%arg25 : memref<!tpu.dma_semaphore, #tpu.memory_space<semaphore_mem>>)
      %mul3A_363 = arith.constant 8 : i32
      %mul3A_364 = arith.muli %scan3A_242, %mul3A_363 : i32
      %add3A_365 = arith.constant 4 : i32
      %add3A_366 = arith.addi %mul3A_364, %add3A_365 : i32
      %ge3A_367 = arith.constant 2 : i32
      %ge3A_368 = arith.cmpi sge, %add3A_366, %ge3A_367 : i32
      %convert_element_type3A_369 = arith.extui %ge3A_368 : i1 to i32
      %cond3A_370 = arith.constant 0 : i32
      %cond3A_371 = arith.cmpi ne, %convert_element_type3A_369, %cond3A_370 : i32
      scf.if %cond3A_371 {
        %sub3A = arith.constant 2 : i32
        %sub3A_487 = arith.subi %add3A_366, %sub3A : i32
        %add3A_488 = arith.constant 192 : i32
        %add3A_489 = arith.addi %add3A_488, %sub3A_487 : i32
        %mul3A_490 = arith.constant 112 : i32
        %mul3A_491 = arith.muli %add3A_489, %mul3A_490 : i32
        %add3A_492 = arith.addi %mul3A_4, %mul3A_491 : i32
        %dma_wait3A_493 = arith.constant 0 : i32
        %dma_wait3A_494 = tpu.memref_slice %arg4[%add3A_492, %dma_wait3A_493] : memref<917504x128xf32, #tpu.memory_space<hbm>> -> memref<112x128xf32, #tpu.memory_space<hbm>>
        %dma_wait3A_495 = arith.constant 0 : i32
        %dma_wait3A_496 = tpu.memref_slice %arg4[%add3A_492, %dma_wait3A_495] : memref<917504x128xf32, #tpu.memory_space<hbm>> -> memref<112x128xf32, #tpu.memory_space<hbm>>
        tpu.wait_dma2 semaphore(%arg24 : memref<!tpu.dma_semaphore, #tpu.memory_space<semaphore_mem>>) src(%arg8 : memref<112x128xf32, #tpu.memory_space<vmem>>) dst(%dma_wait3A_496 : memref<112x128xf32, #tpu.memory_space<hbm>>)
      } else {
      }
      %add3A_372 = arith.constant 6 : i32
      %add3A_373 = arith.addi %add3A_366, %add3A_372 : i32
      %lt3A_374 = arith.constant 64 : i32
      %lt3A_375 = arith.cmpi slt, %add3A_373, %lt3A_374 : i32
      %convert_element_type3A_376 = arith.extui %lt3A_375 : i1 to i32
      %cond3A_377 = arith.constant 0 : i32
      %cond3A_378 = arith.cmpi ne, %convert_element_type3A_376, %cond3A_377 : i32
      scf.if %cond3A_378 {
        %add3A_487 = arith.constant 6 : i32
        %add3A_488 = arith.addi %add3A_366, %add3A_487 : i32
        %dma_start3A_489 = arith.constant 0 : i32
        %dma_start3A_490 = tpu.memref_slice %arg5[%add3A_488, %dma_start3A_489] : memref<64x128xi32, #tpu.memory_space<vmem>> -> memref<1x112xi32, #tpu.memory_space<vmem>>
        %dma_start3A_491 = tpu.memref_squeeze %dma_start3A_490 : memref<1x112xi32, #tpu.memory_space<vmem>> -> memref<112xi32, #tpu.memory_space<vmem>>
        %dma_start3A_492 = arith.constant 0 : i32
        %dma_start3A_493 = arith.constant 0 : i32
        %dma_start3A_494 = tpu.memref_slice %arg3[%dma_start3A_492, %dma_start3A_493] : memref<1000000x128xf32, #tpu.memory_space<hbm>> -> memref<1000000x128xf32, #tpu.memory_space<hbm>>
        tpu.enqueue_indirect_dma source(%dma_start3A_494 : memref<1000000x128xf32, #tpu.memory_space<hbm>>) target(%arg8 : memref<112x128xf32, #tpu.memory_space<vmem>>) offsets(%dma_start3A_491 : memref<112xi32, #tpu.memory_space<vmem>>) semaphore(%arg16 : memref<!tpu.dma_semaphore, #tpu.memory_space<semaphore_mem>>)
      } else {
      }
      %dma_wait3A_379 = arith.constant 0 : i32
      %dma_wait3A_380 = tpu.memref_slice %arg5[%add3A_366, %dma_wait3A_379] : memref<64x128xi32, #tpu.memory_space<vmem>> -> memref<1x112xi32, #tpu.memory_space<vmem>>
      %dma_wait3A_381 = tpu.memref_squeeze %dma_wait3A_380 : memref<1x112xi32, #tpu.memory_space<vmem>> -> memref<112xi32, #tpu.memory_space<vmem>>
      %dma_wait3A_382 = arith.constant 0 : i32
      %dma_wait3A_383 = arith.constant 0 : i32
      %dma_wait3A_384 = tpu.memref_slice %arg3[%dma_wait3A_382, %dma_wait3A_383] : memref<1000000x128xf32, #tpu.memory_space<hbm>> -> memref<1000000x128xf32, #tpu.memory_space<hbm>>
      tpu.wait_indirect_dma semaphore(%arg18 : memref<!tpu.dma_semaphore, #tpu.memory_space<semaphore_mem>>) src(%dma_wait3A_384 : memref<1000000x128xf32, #tpu.memory_space<hbm>>) dst(%arg10 : memref<112x128xf32, #tpu.memory_space<vmem>>)
      %add3A_385 = arith.constant 192 : i32
      %add3A_386 = arith.addi %add3A_385, %add3A_366 : i32
      %mul3A_387 = arith.constant 112 : i32
      %mul3A_388 = arith.muli %add3A_386, %mul3A_387 : i32
      %add3A_389 = arith.addi %mul3A_4, %mul3A_388 : i32
      %dma_start3A_390 = arith.constant 0 : i32
      %dma_start3A_391 = tpu.memref_slice %arg4[%add3A_389, %dma_start3A_390] : memref<917504x128xf32, #tpu.memory_space<hbm>> -> memref<112x128xf32, #tpu.memory_space<hbm>>
      %dma_start3A_392 = arith.constant 0 : i32
      %dma_start3A_393 = tpu.memref_slice %arg4[%add3A_389, %dma_start3A_392] : memref<917504x128xf32, #tpu.memory_space<hbm>> -> memref<112x128xf32, #tpu.memory_space<hbm>>
      tpu.enqueue_dma source(%arg10 : memref<112x128xf32, #tpu.memory_space<vmem>>) target(%dma_start3A_393 : memref<112x128xf32, #tpu.memory_space<hbm>>) target_semaphore(%arg26 : memref<!tpu.dma_semaphore, #tpu.memory_space<semaphore_mem>>)
      %mul3A_394 = arith.constant 8 : i32
      %mul3A_395 = arith.muli %scan3A_242, %mul3A_394 : i32
      %add3A_396 = arith.constant 5 : i32
      %add3A_397 = arith.addi %mul3A_395, %add3A_396 : i32
      %ge3A_398 = arith.constant 2 : i32
      %ge3A_399 = arith.cmpi sge, %add3A_397, %ge3A_398 : i32
      %convert_element_type3A_400 = arith.extui %ge3A_399 : i1 to i32
      %cond3A_401 = arith.constant 0 : i32
      %cond3A_402 = arith.cmpi ne, %convert_element_type3A_400, %cond3A_401 : i32
      scf.if %cond3A_402 {
        %sub3A = arith.constant 2 : i32
        %sub3A_487 = arith.subi %add3A_397, %sub3A : i32
        %add3A_488 = arith.constant 192 : i32
        %add3A_489 = arith.addi %add3A_488, %sub3A_487 : i32
        %mul3A_490 = arith.constant 112 : i32
        %mul3A_491 = arith.muli %add3A_489, %mul3A_490 : i32
        %add3A_492 = arith.addi %mul3A_4, %mul3A_491 : i32
        %dma_wait3A_493 = arith.constant 0 : i32
        %dma_wait3A_494 = tpu.memref_slice %arg4[%add3A_492, %dma_wait3A_493] : memref<917504x128xf32, #tpu.memory_space<hbm>> -> memref<112x128xf32, #tpu.memory_space<hbm>>
        %dma_wait3A_495 = arith.constant 0 : i32
        %dma_wait3A_496 = tpu.memref_slice %arg4[%add3A_492, %dma_wait3A_495] : memref<917504x128xf32, #tpu.memory_space<hbm>> -> memref<112x128xf32, #tpu.memory_space<hbm>>
        tpu.wait_dma2 semaphore(%arg25 : memref<!tpu.dma_semaphore, #tpu.memory_space<semaphore_mem>>) src(%arg9 : memref<112x128xf32, #tpu.memory_space<vmem>>) dst(%dma_wait3A_496 : memref<112x128xf32, #tpu.memory_space<hbm>>)
      } else {
      }
      %add3A_403 = arith.constant 6 : i32
      %add3A_404 = arith.addi %add3A_397, %add3A_403 : i32
      %lt3A_405 = arith.constant 64 : i32
      %lt3A_406 = arith.cmpi slt, %add3A_404, %lt3A_405 : i32
      %convert_element_type3A_407 = arith.extui %lt3A_406 : i1 to i32
      %cond3A_408 = arith.constant 0 : i32
      %cond3A_409 = arith.cmpi ne, %convert_element_type3A_407, %cond3A_408 : i32
      scf.if %cond3A_409 {
        %add3A_487 = arith.constant 6 : i32
        %add3A_488 = arith.addi %add3A_397, %add3A_487 : i32
        %dma_start3A_489 = arith.constant 0 : i32
        %dma_start3A_490 = tpu.memref_slice %arg5[%add3A_488, %dma_start3A_489] : memref<64x128xi32, #tpu.memory_space<vmem>> -> memref<1x112xi32, #tpu.memory_space<vmem>>
        %dma_start3A_491 = tpu.memref_squeeze %dma_start3A_490 : memref<1x112xi32, #tpu.memory_space<vmem>> -> memref<112xi32, #tpu.memory_space<vmem>>
        %dma_start3A_492 = arith.constant 0 : i32
        %dma_start3A_493 = arith.constant 0 : i32
        %dma_start3A_494 = tpu.memref_slice %arg3[%dma_start3A_492, %dma_start3A_493] : memref<1000000x128xf32, #tpu.memory_space<hbm>> -> memref<1000000x128xf32, #tpu.memory_space<hbm>>
        tpu.enqueue_indirect_dma source(%dma_start3A_494 : memref<1000000x128xf32, #tpu.memory_space<hbm>>) target(%arg9 : memref<112x128xf32, #tpu.memory_space<vmem>>) offsets(%dma_start3A_491 : memref<112xi32, #tpu.memory_space<vmem>>) semaphore(%arg17 : memref<!tpu.dma_semaphore, #tpu.memory_space<semaphore_mem>>)
      } else {
      }
      %dma_wait3A_410 = arith.constant 0 : i32
      %dma_wait3A_411 = tpu.memref_slice %arg5[%add3A_397, %dma_wait3A_410] : memref<64x128xi32, #tpu.memory_space<vmem>> -> memref<1x112xi32, #tpu.memory_space<vmem>>
      %dma_wait3A_412 = tpu.memref_squeeze %dma_wait3A_411 : memref<1x112xi32, #tpu.memory_space<vmem>> -> memref<112xi32, #tpu.memory_space<vmem>>
      %dma_wait3A_413 = arith.constant 0 : i32
      %dma_wait3A_414 = arith.constant 0 : i32
      %dma_wait3A_415 = tpu.memref_slice %arg3[%dma_wait3A_413, %dma_wait3A_414] : memref<1000000x128xf32, #tpu.memory_space<hbm>> -> memref<1000000x128xf32, #tpu.memory_space<hbm>>
      tpu.wait_indirect_dma semaphore(%arg19 : memref<!tpu.dma_semaphore, #tpu.memory_space<semaphore_mem>>) src(%dma_wait3A_415 : memref<1000000x128xf32, #tpu.memory_space<hbm>>) dst(%arg11 : memref<112x128xf32, #tpu.memory_space<vmem>>)
      %add3A_416 = arith.constant 192 : i32
      %add3A_417 = arith.addi %add3A_416, %add3A_397 : i32
      %mul3A_418 = arith.constant 112 : i32
      %mul3A_419 = arith.muli %add3A_417, %mul3A_418 : i32
      %add3A_420 = arith.addi %mul3A_4, %mul3A_419 : i32
      %dma_start3A_421 = arith.constant 0 : i32
      %dma_start3A_422 = tpu.memref_slice %arg4[%add3A_420, %dma_start3A_421] : memref<917504x128xf32, #tpu.memory_space<hbm>> -> memref<112x128xf32, #tpu.memory_space<hbm>>
      %dma_start3A_423 = arith.constant 0 : i32
      %dma_start3A_424 = tpu.memref_slice %arg4[%add3A_420, %dma_start3A_423] : memref<917504x128xf32, #tpu.memory_space<hbm>> -> memref<112x128xf32, #tpu.memory_space<hbm>>
      tpu.enqueue_dma source(%arg11 : memref<112x128xf32, #tpu.memory_space<vmem>>) target(%dma_start3A_424 : memref<112x128xf32, #tpu.memory_space<hbm>>) target_semaphore(%arg27 : memref<!tpu.dma_semaphore, #tpu.memory_space<semaphore_mem>>)
      %mul3A_425 = arith.constant 8 : i32
      %mul3A_426 = arith.muli %scan3A_242, %mul3A_425 : i32
      %add3A_427 = arith.constant 6 : i32
      %add3A_428 = arith.addi %mul3A_426, %add3A_427 : i32
      %ge3A_429 = arith.constant 2 : i32
      %ge3A_430 = arith.cmpi sge, %add3A_428, %ge3A_429 : i32
      %convert_element_type3A_431 = arith.extui %ge3A_430 : i1 to i32
      %cond3A_432 = arith.constant 0 : i32
      %cond3A_433 = arith.cmpi ne, %convert_element_type3A_431, %cond3A_432 : i32
      scf.if %cond3A_433 {
        %sub3A = arith.constant 2 : i32
        %sub3A_487 = arith.subi %add3A_428, %sub3A : i32
        %add3A_488 = arith.constant 192 : i32
        %add3A_489 = arith.addi %add3A_488, %sub3A_487 : i32
        %mul3A_490 = arith.constant 112 : i32
        %mul3A_491 = arith.muli %add3A_489, %mul3A_490 : i32
        %add3A_492 = arith.addi %mul3A_4, %mul3A_491 : i32
        %dma_wait3A_493 = arith.constant 0 : i32
        %dma_wait3A_494 = tpu.memref_slice %arg4[%add3A_492, %dma_wait3A_493] : memref<917504x128xf32, #tpu.memory_space<hbm>> -> memref<112x128xf32, #tpu.memory_space<hbm>>
        %dma_wait3A_495 = arith.constant 0 : i32
        %dma_wait3A_496 = tpu.memref_slice %arg4[%add3A_492, %dma_wait3A_495] : memref<917504x128xf32, #tpu.memory_space<hbm>> -> memref<112x128xf32, #tpu.memory_space<hbm>>
        tpu.wait_dma2 semaphore(%arg26 : memref<!tpu.dma_semaphore, #tpu.memory_space<semaphore_mem>>) src(%arg10 : memref<112x128xf32, #tpu.memory_space<vmem>>) dst(%dma_wait3A_496 : memref<112x128xf32, #tpu.memory_space<hbm>>)
      } else {
      }
      %add3A_434 = arith.constant 6 : i32
      %add3A_435 = arith.addi %add3A_428, %add3A_434 : i32
      %lt3A_436 = arith.constant 64 : i32
      %lt3A_437 = arith.cmpi slt, %add3A_435, %lt3A_436 : i32
      %convert_element_type3A_438 = arith.extui %lt3A_437 : i1 to i32
      %cond3A_439 = arith.constant 0 : i32
      %cond3A_440 = arith.cmpi ne, %convert_element_type3A_438, %cond3A_439 : i32
      scf.if %cond3A_440 {
        %add3A_487 = arith.constant 6 : i32
        %add3A_488 = arith.addi %add3A_428, %add3A_487 : i32
        %dma_start3A_489 = arith.constant 0 : i32
        %dma_start3A_490 = tpu.memref_slice %arg5[%add3A_488, %dma_start3A_489] : memref<64x128xi32, #tpu.memory_space<vmem>> -> memref<1x112xi32, #tpu.memory_space<vmem>>
        %dma_start3A_491 = tpu.memref_squeeze %dma_start3A_490 : memref<1x112xi32, #tpu.memory_space<vmem>> -> memref<112xi32, #tpu.memory_space<vmem>>
        %dma_start3A_492 = arith.constant 0 : i32
        %dma_start3A_493 = arith.constant 0 : i32
        %dma_start3A_494 = tpu.memref_slice %arg3[%dma_start3A_492, %dma_start3A_493] : memref<1000000x128xf32, #tpu.memory_space<hbm>> -> memref<1000000x128xf32, #tpu.memory_space<hbm>>
        tpu.enqueue_indirect_dma source(%dma_start3A_494 : memref<1000000x128xf32, #tpu.memory_space<hbm>>) target(%arg10 : memref<112x128xf32, #tpu.memory_space<vmem>>) offsets(%dma_start3A_491 : memref<112xi32, #tpu.memory_space<vmem>>) semaphore(%arg18 : memref<!tpu.dma_semaphore, #tpu.memory_space<semaphore_mem>>)
      } else {
      }
      %dma_wait3A_441 = arith.constant 0 : i32
      %dma_wait3A_442 = tpu.memref_slice %arg5[%add3A_428, %dma_wait3A_441] : memref<64x128xi32, #tpu.memory_space<vmem>> -> memref<1x112xi32, #tpu.memory_space<vmem>>
      %dma_wait3A_443 = tpu.memref_squeeze %dma_wait3A_442 : memref<1x112xi32, #tpu.memory_space<vmem>> -> memref<112xi32, #tpu.memory_space<vmem>>
      %dma_wait3A_444 = arith.constant 0 : i32
      %dma_wait3A_445 = arith.constant 0 : i32
      %dma_wait3A_446 = tpu.memref_slice %arg3[%dma_wait3A_444, %dma_wait3A_445] : memref<1000000x128xf32, #tpu.memory_space<hbm>> -> memref<1000000x128xf32, #tpu.memory_space<hbm>>
      tpu.wait_indirect_dma semaphore(%arg20 : memref<!tpu.dma_semaphore, #tpu.memory_space<semaphore_mem>>) src(%dma_wait3A_446 : memref<1000000x128xf32, #tpu.memory_space<hbm>>) dst(%arg12 : memref<112x128xf32, #tpu.memory_space<vmem>>)
      %add3A_447 = arith.constant 192 : i32
      %add3A_448 = arith.addi %add3A_447, %add3A_428 : i32
      %mul3A_449 = arith.constant 112 : i32
      %mul3A_450 = arith.muli %add3A_448, %mul3A_449 : i32
      %add3A_451 = arith.addi %mul3A_4, %mul3A_450 : i32
      %dma_start3A_452 = arith.constant 0 : i32
      %dma_start3A_453 = tpu.memref_slice %arg4[%add3A_451, %dma_start3A_452] : memref<917504x128xf32, #tpu.memory_space<hbm>> -> memref<112x128xf32, #tpu.memory_space<hbm>>
      %dma_start3A_454 = arith.constant 0 : i32
      %dma_start3A_455 = tpu.memref_slice %arg4[%add3A_451, %dma_start3A_454] : memref<917504x128xf32, #tpu.memory_space<hbm>> -> memref<112x128xf32, #tpu.memory_space<hbm>>
      tpu.enqueue_dma source(%arg12 : memref<112x128xf32, #tpu.memory_space<vmem>>) target(%dma_start3A_455 : memref<112x128xf32, #tpu.memory_space<hbm>>) target_semaphore(%arg28 : memref<!tpu.dma_semaphore, #tpu.memory_space<semaphore_mem>>)
      %mul3A_456 = arith.constant 8 : i32
      %mul3A_457 = arith.muli %scan3A_242, %mul3A_456 : i32
      %add3A_458 = arith.constant 7 : i32
      %add3A_459 = arith.addi %mul3A_457, %add3A_458 : i32
      %ge3A_460 = arith.constant 2 : i32
      %ge3A_461 = arith.cmpi sge, %add3A_459, %ge3A_460 : i32
      %convert_element_type3A_462 = arith.extui %ge3A_461 : i1 to i32
      %cond3A_463 = arith.constant 0 : i32
      %cond3A_464 = arith.cmpi ne, %convert_element_type3A_462, %cond3A_463 : i32
      scf.if %cond3A_464 {
        %sub3A = arith.constant 2 : i32
        %sub3A_487 = arith.subi %add3A_459, %sub3A : i32
        %add3A_488 = arith.constant 192 : i32
        %add3A_489 = arith.addi %add3A_488, %sub3A_487 : i32
        %mul3A_490 = arith.constant 112 : i32
        %mul3A_491 = arith.muli %add3A_489, %mul3A_490 : i32
        %add3A_492 = arith.addi %mul3A_4, %mul3A_491 : i32
        %dma_wait3A_493 = arith.constant 0 : i32
        %dma_wait3A_494 = tpu.memref_slice %arg4[%add3A_492, %dma_wait3A_493] : memref<917504x128xf32, #tpu.memory_space<hbm>> -> memref<112x128xf32, #tpu.memory_space<hbm>>
        %dma_wait3A_495 = arith.constant 0 : i32
        %dma_wait3A_496 = tpu.memref_slice %arg4[%add3A_492, %dma_wait3A_495] : memref<917504x128xf32, #tpu.memory_space<hbm>> -> memref<112x128xf32, #tpu.memory_space<hbm>>
        tpu.wait_dma2 semaphore(%arg27 : memref<!tpu.dma_semaphore, #tpu.memory_space<semaphore_mem>>) src(%arg11 : memref<112x128xf32, #tpu.memory_space<vmem>>) dst(%dma_wait3A_496 : memref<112x128xf32, #tpu.memory_space<hbm>>)
      } else {
      }
      %add3A_465 = arith.constant 6 : i32
      %add3A_466 = arith.addi %add3A_459, %add3A_465 : i32
      %lt3A_467 = arith.constant 64 : i32
      %lt3A_468 = arith.cmpi slt, %add3A_466, %lt3A_467 : i32
      %convert_element_type3A_469 = arith.extui %lt3A_468 : i1 to i32
      %cond3A_470 = arith.constant 0 : i32
      %cond3A_471 = arith.cmpi ne, %convert_element_type3A_469, %cond3A_470 : i32
      scf.if %cond3A_471 {
        %add3A_487 = arith.constant 6 : i32
        %add3A_488 = arith.addi %add3A_459, %add3A_487 : i32
        %dma_start3A_489 = arith.constant 0 : i32
        %dma_start3A_490 = tpu.memref_slice %arg5[%add3A_488, %dma_start3A_489] : memref<64x128xi32, #tpu.memory_space<vmem>> -> memref<1x112xi32, #tpu.memory_space<vmem>>
        %dma_start3A_491 = tpu.memref_squeeze %dma_start3A_490 : memref<1x112xi32, #tpu.memory_space<vmem>> -> memref<112xi32, #tpu.memory_space<vmem>>
        %dma_start3A_492 = arith.constant 0 : i32
        %dma_start3A_493 = arith.constant 0 : i32
        %dma_start3A_494 = tpu.memref_slice %arg3[%dma_start3A_492, %dma_start3A_493] : memref<1000000x128xf32, #tpu.memory_space<hbm>> -> memref<1000000x128xf32, #tpu.memory_space<hbm>>
        tpu.enqueue_indirect_dma source(%dma_start3A_494 : memref<1000000x128xf32, #tpu.memory_space<hbm>>) target(%arg11 : memref<112x128xf32, #tpu.memory_space<vmem>>) offsets(%dma_start3A_491 : memref<112xi32, #tpu.memory_space<vmem>>) semaphore(%arg19 : memref<!tpu.dma_semaphore, #tpu.memory_space<semaphore_mem>>)
      } else {
      }
      %dma_wait3A_472 = arith.constant 0 : i32
      %dma_wait3A_473 = tpu.memref_slice %arg5[%add3A_459, %dma_wait3A_472] : memref<64x128xi32, #tpu.memory_space<vmem>> -> memref<1x112xi32, #tpu.memory_space<vmem>>
      %dma_wait3A_474 = tpu.memref_squeeze %dma_wait3A_473 : memref<1x112xi32, #tpu.memory_space<vmem>> -> memref<112xi32, #tpu.memory_space<vmem>>
      %dma_wait3A_475 = arith.constant 0 : i32
      %dma_wait3A_476 = arith.constant 0 : i32
      %dma_wait3A_477 = tpu.memref_slice %arg3[%dma_wait3A_475, %dma_wait3A_476] : memref<1000000x128xf32, #tpu.memory_space<hbm>> -> memref<1000000x128xf32, #tpu.memory_space<hbm>>
      tpu.wait_indirect_dma semaphore(%arg21 : memref<!tpu.dma_semaphore, #tpu.memory_space<semaphore_mem>>) src(%dma_wait3A_477 : memref<1000000x128xf32, #tpu.memory_space<hbm>>) dst(%arg13 : memref<112x128xf32, #tpu.memory_space<vmem>>)
      %add3A_478 = arith.constant 192 : i32
      %add3A_479 = arith.addi %add3A_478, %add3A_459 : i32
      %mul3A_480 = arith.constant 112 : i32
      %mul3A_481 = arith.muli %add3A_479, %mul3A_480 : i32
      %add3A_482 = arith.addi %mul3A_4, %mul3A_481 : i32
      %dma_start3A_483 = arith.constant 0 : i32
      %dma_start3A_484 = tpu.memref_slice %arg4[%add3A_482, %dma_start3A_483] : memref<917504x128xf32, #tpu.memory_space<hbm>> -> memref<112x128xf32, #tpu.memory_space<hbm>>
      %dma_start3A_485 = arith.constant 0 : i32
      %dma_start3A_486 = tpu.memref_slice %arg4[%add3A_482, %dma_start3A_485] : memref<917504x128xf32, #tpu.memory_space<hbm>> -> memref<112x128xf32, #tpu.memory_space<hbm>>
      tpu.enqueue_dma source(%arg13 : memref<112x128xf32, #tpu.memory_space<vmem>>) target(%dma_start3A_486 : memref<112x128xf32, #tpu.memory_space<hbm>>) target_semaphore(%arg29 : memref<!tpu.dma_semaphore, #tpu.memory_space<semaphore_mem>>)
    }
    %scan3A_229 = arith.constant 8 : i32
    %add3A_230 = arith.constant 28448 : i32
    %add3A_231 = arith.addi %mul3A_4, %add3A_230 : i32
    %dma_wait3A_232 = arith.constant 0 : i32
    %dma_wait3A_233 = tpu.memref_slice %arg4[%add3A_231, %dma_wait3A_232] : memref<917504x128xf32, #tpu.memory_space<hbm>> -> memref<112x128xf32, #tpu.memory_space<hbm>>
    %dma_wait3A_234 = arith.constant 0 : i32
    %dma_wait3A_235 = tpu.memref_slice %arg4[%add3A_231, %dma_wait3A_234] : memref<917504x128xf32, #tpu.memory_space<hbm>> -> memref<112x128xf32, #tpu.memory_space<hbm>>
    tpu.wait_dma2 semaphore(%arg28 : memref<!tpu.dma_semaphore, #tpu.memory_space<semaphore_mem>>) src(%arg12 : memref<112x128xf32, #tpu.memory_space<vmem>>) dst(%dma_wait3A_235 : memref<112x128xf32, #tpu.memory_space<hbm>>)
    %add3A_236 = arith.constant 28560 : i32
    %add3A_237 = arith.addi %mul3A_4, %add3A_236 : i32
    %dma_wait3A_238 = arith.constant 0 : i32
    %dma_wait3A_239 = tpu.memref_slice %arg4[%add3A_237, %dma_wait3A_238] : memref<917504x128xf32, #tpu.memory_space<hbm>> -> memref<112x128xf32, #tpu.memory_space<hbm>>
    %dma_wait3A_240 = arith.constant 0 : i32
    %dma_wait3A_241 = tpu.memref_slice %arg4[%add3A_237, %dma_wait3A_240] : memref<917504x128xf32, #tpu.memory_space<hbm>> -> memref<112x128xf32, #tpu.memory_space<hbm>>
    tpu.wait_dma2 semaphore(%arg29 : memref<!tpu.dma_semaphore, #tpu.memory_space<semaphore_mem>>) src(%arg13 : memref<112x128xf32, #tpu.memory_space<vmem>>) dst(%dma_wait3A_241 : memref<112x128xf32, #tpu.memory_space<hbm>>)
    return
  }
}

</mosaic_0001>

<sc_bundles>
// kernel: kernel.3.cloned.1.call-start
scs
__scs_entry_jumppad:
0x0: {  	(pc) =	sbr.rel $0x88, $3  }
0x1: {  	(tag) =	ssettag $0x0;
	lr =	simm.s32 $0x1  }
0x2: {  	[smem:$0x3F9F] =	sst lr;
	_ =	strace $0xD0000000  }
0x3: {  	_ = 	snop  }
0x4: {  	_ = 	snop  }
0x5: {  	_ = 	snop  }
0x6: {  	_ = 	snop  }
0x7: {  	_ = 	snop  }
__scs_overlays_trampoline_lowered:
0x8: {  	[smem:$0x3FAE] =	sst s0  }
0x9: {  	[smem:$0x3FAF] =	sst s1  }
0xa: {  	[smem:$0x3FB0] =	sst s2  }
0xb: {  	[smem:$0x3FB1] =	sst s3  }
0xc: {  	[smem:$0x3FB2] =	sst s4  }
0xd: {  	[smem:$0x3FB3] =	sst s5  }
0xe: {  	[smem:$0x3FB4] =	sst s6  }
0xf: {  	[smem:$0x3FB5] =	sst s7  }
0x10: {  	[smem:$0x3FB6] =	sst s8  }
0x11: {  	[smem:$0x3FB7] =	sst s9;
	s0 =	simm.s32 @!p0 $0x0  }
0x12: {  	s1 =	sld [smem:$0x3F9D];
	s0 =	simm.s32 @p0 $0x1  }
0x13: {  	[smem:$0x3FB8] =	sst s0;
	s0 =	simm.s32 @!p1 $0x0  }
0x14: {  	s2 =	sld [smem:$0x3F9C];
	s0 =	simm.s32 @p1 $0x1  }
0x15: {  	[smem:$0x3FB9] =	sst s0;
	s0 =	simm.s32 @!p2 $0x0  }
0x16: {  	s3 =	sld [smem:$0x3FDB];
	s0 =	simm.s32 @p2 $0x1  }
0x17: {  	s4 =	simm.s32 $0x1BF5;
	[smem:$0x3FBB] =	sst s0  }
0x18: {  	s0 =	sld [smem:$0x3F9E];
	_ =	swait.ge [sflag:s4], $0x0  }
0x19: {  	s7 =	sld [smem:$0x3F9F]  }
0x1a: {  	s8 =	sadd.s32 $0xFFFFE003, lr  }
0x1b: {  	s9 =	sadd.s32 $0xFFFFFEF7, lr;
	s5 =	simm.s32 $0xFFFFFFFF;
	p2 =	slt.u32 s8, $0xFFFFF086  }
0x1c: {  	p1 =	slt.u32 s9, $0xF7A;
	s5 =	simm.s32 @!p2 $0x0  }
0x1d: {  	s5 =	simm.s32 @p1 $0x1;
	p0 =	seq.s32 s7, s2  }
0x1e: {  	s7 =	smul.u32 @!p0 $0xF7A, s2;
	p2 =	seq.s32 @!p0 s5, $0x0  }
0x1f: {  	s9 =	smul.u32 $0xF7A, s1;
	s8 =	simm.s32 @!p0 $0x1BF5;
	p2 =	por !p2, p0  }
0x20: {  	[sflag:s8] =	ssyncset.s32 @!p0 $0xFFFFF086;
	s6 =	sadd.s32 @!p0 s3, s7;
	s7 =	simm.s32 @!p0 $0x108  }
0x21: {  	s3 =	sadd.s32 s3, s9;
	s6 =	sadd.s32 @!p0 $0x88, s6;
	s7 =	simm.s32 @p2 $0x1082  }
0x22: {  	[simem:s7], [sflag:s8] =	dma.local @!p0 [hbm:s6], $0xF7A  }
0x23: {  	s9 =	sor.u32 $0xD0000000, s2;
	s6 =	simm.s32 $0x108;
	_ =	swait.ge @!p0 [sflag:s8], $0x0  }
0x24: {  	s3 =	sadd.s32 $0x88, s3;
	s6 =	simm.s32 @!p1 $0x1082;
	[sflag:s4] =	ssyncset.s32 $0xFFFFF086  }
0x25: {  	[simem:s6], [sflag:s4] =	dma.local [hbm:s3], $0xF7A  }
0x26: {  	[smem:$0x3F9F] =	sst s1;
	(tag) =	ssettag s2;
	_ =	strace s9  }
0x27: {  	s1 =	sld [smem:$0x3FAF]  }
0x28: {  	s2 =	sld [smem:$0x3FB0]  }
0x29: {  	s4 =	sld [smem:$0x3FB2]  }
0x2a: {  	p0 =	seq.s32 s5, $0x0;
	s5 =	sld [smem:$0x3FB3]  }
0x2b: {  	s6 =	sld [smem:$0x3FB4]  }
0x2c: {  	s7 =	sld [smem:$0x3FB5]  }
0x2d: {  	s3 =	simm.s32 $0x108;
	s8 =	sld [smem:$0x3FB6]  }
0x2e: {  	s3 =	simm.s32 @!p0 $0x1082;
	s9 =	sld [smem:$0x3FB7]  }
0x2f: {  	lr =	sadd.s32 s0, s3;
	s0 =	sld [smem:$0x3FAE]  }
0x30: {  	s3 =	sld [smem:$0x3FB1]  }
0x31: {  	[smem:$0x3FBA] =	sst s10  }
0x32: {  	s10 =	sld [smem:$0x3FB8];
	_ =	sdelay $0x3  }
0x33: {  	p0 =	seq.s32 s10, $0x1;
	s10 =	sld [smem:$0x3FBA];
	_ =	sdelay $0x3  }
0x34: {  	[smem:$0x3FBA] =	sst s10  }
0x35: {  	s10 =	sld [smem:$0x3FB9];
	_ =	sdelay $0x3  }
0x36: {  	p1 =	seq.s32 s10, $0x1;
	s10 =	sld [smem:$0x3FBA];
	_ =	sdelay $0x3  }
0x37: {  	[smem:$0x3FBA] =	sst s10  }
0x38: {  	s10 =	sld [smem:$0x3FBB]  }
0x39: {  	_ = 	snop;
	(pc) =	sbr.ind lr, $3  }
0x3a: {  	_ = 	snop  }
0x3b: {  	_ = 	snop  }
0x3c: {  	p2 =	seq.s32 s10, $0x1;
	s10 =	sld [smem:$0x3FBA]  }
0x3d: {  	_ =	shalt  }
0x3e: {  	_ =	shalt  }
0x3f: {  	_ =	shalt  }
0x40: {  	_ =	shalt  }
0x41: {  	_ =	shalt  }
0x42: {  	_ =	shalt  }
0x43: {  	_ =	shalt  }
0x44: {  	_ =	shalt  }
0x45: {  	_ =	shalt  }
0x46: {  	_ =	shalt  }
0x47: {  	_ =	shalt  }
0x48: {  	_ =	shalt  }
0x49: {  	_ =	shalt  }
0x4a: {  	_ =	shalt  }
0x4b: {  	_ =	shalt  }
0x4c: {  	_ =	shalt  }
0x4d: {  	_ =	shalt  }
0x4e: {  	_ =	shalt  }
0x4f: {  	_ =	shalt  }
0x50: {  	_ =	shalt  }
0x51: {  	_ =	shalt  }
0x52: {  	_ =	shalt  }
0x53: {  	_ =	shalt  }
0x54: {  	_ =	shalt  }
0x55: {  	_ =	shalt  }
0x56: {  	_ =	shalt  }
0x57: {  	_ =	shalt  }
0x58: {  	_ =	shalt  }
0x59: {  	_ =	shalt  }
0x5a: {  	_ =	shalt  }
0x5b: {  	_ =	shalt  }
0x5c: {  	_ =	shalt  }
0x5d: {  	_ =	shalt  }
0x5e: {  	_ =	shalt  }
0x5f: {  	_ =	shalt  }
0x60: {  	_ =	shalt  }
0x61: {  	_ =	shalt  }
0x62: {  	_ =	shalt  }
0x63: {  	_ =	shalt  }
0x64: {  	_ =	shalt  }
0x65: {  	_ =	shalt  }
0x66: {  	_ =	shalt  }
0x67: {  	_ =	shalt  }
0x68: {  	_ =	shalt  }
0x69: {  	_ =	shalt  }
0x6a: {  	_ =	shalt  }
0x6b: {  	_ =	shalt  }
0x6c: {  	_ =	shalt  }
0x6d: {  	_ =	shalt  }
0x6e: {  	_ =	shalt  }
0x6f: {  	_ =	shalt  }
0x70: {  	_ =	shalt  }
0x71: {  	_ =	shalt  }
0x72: {  	_ =	shalt  }
0x73: {  	_ =	shalt  }
0x74: {  	_ =	shalt  }
0x75: {  	_ =	shalt  }
0x76: {  	_ =	shalt  }
0x77: {  	_ =	shalt  }
0x78: {  	_ =	shalt  }
0x79: {  	_ =	shalt  }
0x7a: {  	_ =	shalt  }
0x7b: {  	_ =	shalt  }
0x7c: {  	_ =	shalt  }
0x7d: {  	_ =	shalt  }
0x7e: {  	_ =	shalt  }
0x7f: {  	_ =	shalt  }
0x80: {  	_ =	shalt  }
0x81: {  	_ =	shalt  }
0x82: {  	_ =	shalt  }
0x83: {  	_ =	shalt  }
0x84: {  	_ =	shalt  }
0x85: {  	_ =	shalt  }
0x86: {  	_ =	shalt  }
0x87: {  	_ =	shalt  }
.Lfunc_end0:
.L_simem_size_0:
called_computation.1_lowered:
.L_overlay_start_0:
0x88: {  	s2 =	sld [smem:$0x3FD9]  }
0x89: {  	s3 =	sld [smem:$0x3FFE];
	_ =	sdelay $0x1  }
0x8a: {  	s1 =	srdreg.scid  }
0x8b: {  	s0 =	sand.u32 $0x1, s1  }
0x8c: {  	s17 =	sshll.u32 s0, $0xA;
	s2 =	sadd.s32 s3, s2  }
0x8d: {  	s2 =	sadd.s32 s2, s17  }
0x8e: {  	[smem:$0x3FC6] =	sst s2  }
0x8f: {  	_ = 	snop  }
0x90: {  	s2 =	sld [smem:$0x3FD0];
	(tm) =	ssettm $0x1  }
0x91: {  	s18 =	sld [smem:$0x3FFB];
	_ =	sdelay $0x3  }
0x92: {  	_ =	strace s18  }
0x93: {  	s3 =	sld [smem:$0x3FFC];
	_ =	sdelay $0x3  }
0x94: {  	_ =	strace s3  }
0x95: {  	s3 =	sld [smem:$0x3FFD];
	_ =	sdelay $0x3  }
0x96: {  	_ =	strace s3  }
0x97: {  	_ =	strace $0x8FFFFFFF  }
0x98: {  	s19 =	sld [smem:$0x3FDB];
	_ =	sdelay $0x1  }
0x99: {  	s4 =	simm.s32 $_scs_section_size  }
0x9a: {  	s5 =	simm.s32 $_size__tile_overlayer_lowered;
	s6 =	simm.s32 $_tile_overlayer_lowered  }
0x9b: {  	s22 =	simm.s32 $0x1BFF;
	s21 =	sshll.u32 s6, $0x1;
	s3 =	sadd.s32 s4, s19  }
0x9c: {  	s7 =	simm.s32 $0x0;
	s20 =	sshll.u32 s5, $0x1;
	s5 =	sadd.s32 s21, s3  }
0x9d: {  	[timem:s7], [sflag:s22] =	dma.local [hbm:s5], s20  }
0x9e: {  	_ =	swait.ge [sflag:s22], s20  }
0x9f: {  	s4 =	ssub.s32 $0x0, s20;
	[sflag:s22] =	ssyncset.done $0x0  }
0xa0: {  	[sflag:s22] =	ssyncadd.s32 s4;
	_ =	sdelay $0x1  }
0xa1: {  	s23 =	simm.s32 $0x1B8B  }
0xa2: {  	_ =	swait.ge [sflag:s23], $0x1  }
0xa3: {  	[sflag:s23] =	ssyncset.done $0x0  }
0xa4: {  	s25 =	simm.s32 $0x1B8E;
	s24 =	sld [smem:$0x3FFE];
	[sflag:s23] =	ssyncadd.s32 $0xFFFFFFFF  }
0xa5: {  	s26 =	simm.s32 $execute0_lowered;
	[smem:$0x3FD2] =	sst s25  }
0xa6: {  	s5 =	sshll.u32 s26, $0x1;
	_ =	strace $0x80000046;
	[dreg:$0x1] =	wrdreg $0xFFFFFFFF  }
0xa7: {  	s28 =	simm.s32 $_size_execute0_lowered;
	s3 =	sadd.s32 s3, s5;
	[dreg:$0x0] =	wrdreg $0x0  }
0xa8: {  	s5 =	sshll.u32 s28, $0x1;
	[dreg:$0x2] =	wrdreg s3  }
0xa9: {  	[dreg:$0x3] =	wrdreg s5  }
0xaa: {  	[dreg:$0x4] =	wrdreg $0xC0  }
0xab: {  	_ =	task [dreg:s7], $0x5FFFF  }
0xac: {  	[dreg:$0x1] =	wrdreg $0xFFFFFFFF  }
0xad: {  	[dreg:$0x0] =	wrdreg $0x60  }
0xae: {  	[dreg:$0x2] =	wrdreg s2  }
0xaf: {  	[dreg:$0x3] =	wrdreg s24  }
0xb0: {  	[dreg:$0x4] =	wrdreg $0x9  }
0xb1: {  	_ =	task.clear_ibuf [dreg:s7], $0x5FFFF;
	_ =	strace $0x90000046  }
0xb2: {  	s29 =	simm.s32 $0x9;
	_ =	strace $0x80000048  }
0xb3: {  	_ =	swait.ge [sflag:s29], $0x1  }
0xb4: {  	[sflag:s29] =	ssyncadd.s32 $0xFFFFFFFF  }
0xb5: {  	_ =	strace $0x90000048  }
0xb6: {  	_ =	sfence  }
0xb7: {  	s30 =	sld [smem:$0x0];
	_ =	sdelay $0x2  }
0xb8: {  	s31 =	sshll.u32 s1, $0xD;
	s1 =	sshrl.u32 s1, $0x2  }
0xb9: {  	s3 =	sand.u32 $0x4000, s31;
	s1 =	sadd.s32 s1, s30  }
0xba: {  	s0 =	sor.u32 s3, s0;
	s1 =	sshll.u32 s1, $0x11  }
0xbb: {  	s0 =	sor.u32 s1, s0  }
0xbc: {  	s0 =	sadd.s32 $0x8F2B, s0  }
0xbd: {  	[sflag:s0] =	ssyncadd.remote.s32 $0x1  }
0xbe: {  	_ =	sfence.sel $0xFFFF  }
0xbf: {  	[dreg:$0x0] =	wrdreg $0xFFFFFFFF;
	(pc) =	sbr.abs _section_cstart, $3  }
0xc0: {  	[dreg:$0x1] =	wrdreg $0xFFFFFFFF  }
0xc1: {  	_ =	task.clear_ibuf [dreg:s7], $0x2FFFF;
	_ =	strace $0x9FFFFFFF  }
0xc2: {  	(tm) =	ssettm $0x7FFFFFFF  }
0xc3: {  	_ =	shalt  }
tec
execute0_lowered:
.L_overlay_start_1:
0x0: {  	(tag) =	ssettag $0x1  }
0x1: {  	s0 =	srdreg.scid;
	s10 =	stileid.u32  }
0x2: {  	s1 =	sand.u32 $0x1, s0;
	s3 =	smul.u32 $0xE000, s10  }
0x3: {  	s4 =	smul.u32 $0x7000, s1  }
0x4: {  	s5 =	rddreg [dreg:$0x1]  }
0x5: {  	s2 =	simm.s32 $0x0;
	s0 =	rddreg [dreg:$0x0];
	s3 =	sadd.s32 s4, s3  }
0x6: {  	[smem:$0x7FF] =	sst s2;
	s11 =	sadd.s32 $0x400, s5;
	s3 =	sshll.u32 s3, $0x4  }
0x7: {  	_ =	strace $0x80000047;
	[smem:$0x7F5] =	sst s11;
	s26 =	sor.u32 $0x2300, s3  }
0x8: {  	s6 =	sor.u32 $0x1C00, s3;
	[dreg:$0x3] =	wrdreg s26  }
0x9: {  	s7 =	sor.u32 $0x1500, s3;
	[dreg:$0x4] =	wrdreg s6  }
0xa: {  	s8 =	sor.u32 $0xE00, s3;
	[dreg:$0x5] =	wrdreg s7  }
0xb: {  	s9 =	sor.u32 $0x700, s3;
	[dreg:$0x6] =	wrdreg s8  }
0xc: {  	s12 =	sor.u32 $0x3100, s3;
	[dreg:$0x7] =	wrdreg s9  }
0xd: {  	s13 =	sor.u32 $0x2A00, s3;
	s3 =	sadd.s32 s11, s3;
	[dreg:$0x8] =	wrdreg s12  }
0xe: {  	[dreg:$0x9] =	wrdreg s13;
	s14 =	sadd.s32 $0x1F100, s3  }
0xf: {  	s15 =	sadd.s32 $0x1EA00, s3;
	[dreg:$0xa] =	wrdreg s14  }
0x10: {  	s16 =	sadd.s32 $0x1E300, s3;
	[dreg:$0xb] =	wrdreg s15  }
0x11: {  	s17 =	sadd.s32 $0x1DC00, s3;
	[dreg:$0xc] =	wrdreg s16  }
0x12: {  	s18 =	sadd.s32 $0x1D500, s3;
	[dreg:$0xd] =	wrdreg s17  }
0x13: {  	s19 =	sadd.s32 $0x1CE00, s3;
	[dreg:$0xe] =	wrdreg s18  }
0x14: {  	s28 =	simm.s32 $0x1A800;
	s20 =	sadd.s32 $0x1C700, s3;
	[dreg:$0xf] =	wrdreg s19  }
0x15: {  	s29 =	simm.s32 $0x2;
	s6 =	sadd.s32 $0x1C000, s3;
	[dreg:$0x10] =	wrdreg s20  }
0x16: {  	s30 =	simm.s32 $0x9;
	s21 =	sadd.s32 $0x3B100, s3;
	[dreg:$0x11] =	wrdreg s6  }
0x17: {  	s31 =	simm.s32 $0x3;
	s23 =	sadd.s32 $0x3AA00, s3;
	[dreg:$0x12] =	wrdreg s21  }
0x18: {  	s22 =	ssub.s32 $0x2, s1;
	s24 =	sadd.s32 $0x3A300, s3;
	[dreg:$0x13] =	wrdreg s23  }
0x19: {  	s4 =	sadd.s32 $0xF42800, s5;
	s25 =	sadd.s32 $0x39C00, s3;
	[dreg:$0x14] =	wrdreg s24  }
0x1a: {  	s7 =	smul.u32 $0xE0000, s10;
	s26 =	sadd.s32 $0x39500, s3;
	[dreg:$0x15] =	wrdreg s25  }
0x1b: {  	s8 =	smul.u32 $0x70000, s1;
	s12 =	sadd.s32 $0x38700, s3;
	[dreg:$0x16] =	wrdreg s26  }
0x1c: {  	s9 =	sshrl.u32 s22, $0x1;
	[dreg:$0x18] =	wrdreg s12;
	s15 =	sadd.s32 $0x57100, s3  }
0x1d: {  	s1 =	sshll.u32 s1, $0xC;
	s16 =	sadd.s32 $0x56A00, s3;
	[dreg:$0x1a] =	wrdreg s15  }
0x1e: {  	s6 =	ssub.s32 s22, s9;
	s17 =	sadd.s32 $0x56300, s3;
	[dreg:$0x1b] =	wrdreg s16  }
0x1f: {  	s14 =	sshll.u32 s10, $0xD;
	s19 =	sadd.s32 $0x55C00, s3;
	[dreg:$0x1c] =	wrdreg s17  }
0x20: {  	s21 =	sadd.s32 $0x55500, s3;
	s23 =	sadd.s32 $0x54E00, s3;
	[dreg:$0x1d] =	wrdreg s19  }
0x21: {  	s24 =	sadd.s32 $0x54700, s3;
	s26 =	sadd.s32 $0x54000, s3;
	[dreg:$0x1e] =	wrdreg s21  }
0x22: {  	s9 =	simm.s32 $0x5;
	s10 =	simm.s32 $0xC;
	[dreg:$0x1f] =	wrdreg s23  }
0x23: {  	s12 =	simm.s32 $0x0;
	s18 =	sadd.s32 s8, s7;
	[smem:$0x7FC] =	sst s24  }
0x24: {  	s8 =	sadd.s32 $0x38E00, s3;
	s1 =	sor.u32 s1, s14;
	[smem:$0x7FD] =	sst s26  }
0x25: {  	s25 =	smax.u32 s6, $0x1;
	s26 =	simm.s32 $0x1;
	[dreg:$0x17] =	wrdreg s8  }
0x26: {  	s6 =	simm.s32 $0xD;
	s7 =	sadd.s32 s11, s18;
	[smem:$0x7FB] =	sst s25  }
0x27: {  	s15 =	simm.s32 $0xE;
	s1 =	sadd.s32 s0, s1;
	[smem:$0x7F6] =	sst s7  }
0x28: {  	s17 =	simm.s32 $0x8;
	s13 =	sadd.s32 $0x38000, s7;
	[smem:$0x7F9] =	sst s1  }
0x29: {  	s25 =	simm.s32 $0x17000;
	s20 =	sadd.s32 $0x400, s1;
	[dreg:$0x19] =	wrdreg s13  }
0x2a: {  	s0 =	simm.s32 $0x4;
	s22 =	sadd.s32 $0x800, s1;
	[smem:$0x7F7] =	sst s20  }
0x2b: {  	s8 =	simm.s32 $0xB;
	s1 =	sadd.s32 $0xC00, s1;
	[smem:$0x7F8] =	sst s22  }
0x2c: {  	s11 =	simm.s32 $0x6;
	s7 =	simm.s32 $0x7;
	[smem:$0x7FA] =	sst s1  }
0x2d: {  	s13 =	simm.s32 $0x70;
	s20 =	simm.s32 $0x2000;
	s1 =	simm.s32 $0xA  }
.LBB2_1:
0x2e: {  	s3 =	sld [smem:$0x7F9];
	_ =	sdelay $0x1  }
0x2f: {  	[smem:$0x7F4] =	sst s12;
	s19 =	simm.s32 $0x11  }
0x30: {  	[tilespmem:s2], [sflag:$0x11] =	stream.linear.gather [hbm4b:s3+s2], $0x2000, $0x38;
	[tilespmem:$0x1E000] =	vst v63  }
0x31: {  	_ =	swait.ge [sflag:s19], $0x2000  }
0x32: {  	[sflag:s19] =	ssyncset.done $0x0  }
0x33: {  	[sflag:s19] =	ssyncadd.s32 $0xFFFFE000  }
0x34: {  	[tilespmem:s20], [sflag:$0x1] =	stream.indirect.gather [hbm4b:s4+s13], $0x80, s2, s13, $0xb8;
	[tilespmem:$0x1E000] =	vst v63  }
0x35: {  	s12 =	simm.s32 $0x5800;
	s21 =	simm.s32 $0x80  }
0x36: {  	[tilespmem:s12], [sflag:$0x2] =	stream.indirect.gather [hbm4b:s4+s13], $0x80, s21, s13, $0xb8;
	[tilespmem:$0x1E000] =	vst v63  }
0x37: {  	s16 =	simm.s32 $0x9000;
	s22 =	simm.s32 $0x100  }
0x38: {  	[tilespmem:s16], [sflag:$0x3] =	stream.indirect.gather [hbm4b:s4+s13], $0x80, s22, s13, $0xb8;
	[tilespmem:$0x1E000] =	vst v63  }
0x39: {  	s23 =	simm.s32 $0x180;
	p0 =	por $0x1, $0x1;
	s19 =	simm.s32 $0xC800  }
0x3a: {  	[tilespmem:s19], [sflag:$0x4] =	stream.indirect.gather [hbm4b:s4+s13], $0x80, s23, s13, $0xb8;
	[tilespmem:$0x1E000] =	vst v63  }
0x3b: {  	s24 =	simm.s32 $0x200;
	p0 =	por p0, p0;
	s21 =	simm.s32 $0x10000  }
0x3c: {  	[tilespmem:s21], [sflag:$0x5] =	stream.indirect.gather [hbm4b:s4+s13], $0x80, s24, s13, $0xb8;
	[tilespmem:$0x1E000] =	vst v63  }
0x3d: {  	s5 =	simm.s32 $0x280;
	s3 =	simm.s32 @!p0 $0xF;
	s22 =	simm.s32 $0x13800  }
0x3e: {  	[tilespmem:s22], [sflag:$0x6] =	stream.indirect.gather [hbm4b:s4+s13], $0x80, s5, s13, $0xb8;
	[tilespmem:$0x1E000] =	vst v63  }
0x3f: {  	_ =	swait.ge @!p0 [sflag:s3], $0x3800  }
0x40: {  	[sflag:s3] =	ssyncset.done @!p0 $0x0  }
0x41: {  	s14 =	simm.s32 $0x300;
	[sflag:s3] =	ssyncadd.s32 @!p0 $0xFFFFC800  }
0x42: {  	[tilespmem:s25], [sflag:$0x7] =	stream.indirect.gather [hbm4b:s4+s13], $0x80, s14, s13, $0xb8;
	[tilespmem:$0x1E000] =	vst v63  }
0x43: {  	_ =	swait.ge [sflag:s26], $0x3800  }
0x44: {  	s5 =	sld [smem:$0x7F6]  }
0x45: {  	[sflag:s26] =	ssyncset.done $0x0  }
0x46: {  	s3 =	simm.s32 @!p0 $0x10;
	[sflag:s26] =	ssyncadd.s32 $0xFFFFC800  }
0x47: {  	[hbm4b:s5+s2] =	stream.linear.scatter [tilespmem:s20], [sflag:$0x9], $0x3800, $0x38;
	[tilespmem:$0x1E000] =	vst v63  }
0x48: {  	_ =	swait.ge @!p0 [sflag:s3], $0x3800  }
0x49: {  	[sflag:s3] =	ssyncset.done @!p0 $0x0  }
0x4a: {  	s23 =	simm.s32 $0x380;
	[sflag:s3] =	ssyncadd.s32 @!p0 $0xFFFFC800  }
0x4b: {  	[tilespmem:s28], [sflag:$0x8] =	stream.indirect.gather [hbm4b:s4+s13], $0x80, s23, s13, $0xb8;
	[tilespmem:$0x1E000] =	vst v63  }
0x4c: {  	_ =	swait.ge [sflag:s29], $0x3800  }
0x4d: {  	s14 =	sld [smem:$0x7F5];
	_ =	sdelay $0x1  }
0x4e: {  	s24 =	rddreg [dreg:$0x7];
	[sflag:s29] =	ssyncset.done $0x0  }
0x4f: {  	[sflag:s29] =	ssyncadd.s32 $0xFFFFC800;
	s3 =	sadd.s32 s14, s24  }
0x50: {  	[hbm4b:s3+s2] =	stream.linear.scatter [tilespmem:s12], [sflag:$0xA], $0x3800, $0x38;
	[tilespmem:$0x1E000] =	vst v63  }
0x51: {  	p0 =	por $0x0, $0x0;
	_ =	swait.ge [sflag:s30], $0x3800  }
0x52: {  	s5 =	simm.s32 @!p0 $0x400;
	[sflag:s30] =	ssyncset.done $0x0  }
0x53: {  	s3 =	simm.s32 @!p0 $0x2000;
	s12 =	simm.s32 @!p0 $0x70;
	[sflag:s30] =	ssyncadd.s32 $0xFFFFC800  }
0x54: {  	[tilespmem:s3], [sflag:$0x1] =	stream.indirect.gather @!p0 [hbm4b:s4+s12], $0x80, s5, s12, $0xb8;
	[tilespmem:$0x1E000] =	vst v63  }
0x55: {  	_ =	swait.ge [sflag:s31], $0x3800  }
0x56: {  	s5 =	rddreg [dreg:$0x6];
	[sflag:s31] =	ssyncset.done $0x0  }
0x57: {  	[sflag:s31] =	ssyncadd.s32 $0xFFFFC800;
	s3 =	sadd.s32 s14, s5  }
0x58: {  	[hbm4b:s3+s2] =	stream.linear.scatter [tilespmem:s16], [sflag:$0xB], $0x3800, $0x38;
	[tilespmem:$0x1E000] =	vst v63  }
0x59: {  	_ =	swait.ge [sflag:s1], $0x3800  }
0x5a: {  	[sflag:s1] =	ssyncset.done $0x0  }
0x5b: {  	s5 =	simm.s32 @!p0 $0x5800;
	s3 =	simm.s32 @!p0 $0x480;
	[sflag:s1] =	ssyncadd.s32 $0xFFFFC800  }
0x5c: {  	[tilespmem:s5], [sflag:$0x2] =	stream.indirect.gather @!p0 [hbm4b:s4+s12], $0x80, s3, s12, $0xb8;
	[tilespmem:$0x1E000] =	vst v63  }
0x5d: {  	_ =	swait.ge [sflag:s0], $0x3800  }
0x5e: {  	s16 =	rddreg [dreg:$0x5];
	[sflag:s0] =	ssyncset.done $0x0  }
0x5f: {  	[sflag:s0] =	ssyncadd.s32 $0xFFFFC800;
	s3 =	sadd.s32 s14, s16  }
0x60: {  	[hbm4b:s3+s2] =	stream.linear.scatter [tilespmem:s19], [sflag:$0xC], $0x3800, $0x38;
	[tilespmem:$0x1E000] =	vst v63  }
0x61: {  	_ =	swait.ge [sflag:s8], $0x3800  }
0x62: {  	[sflag:s8] =	ssyncset.done $0x0  }
0x63: {  	s5 =	simm.s32 @!p0 $0x9000;
	s3 =	simm.s32 @!p0 $0x500;
	[sflag:s8] =	ssyncadd.s32 $0xFFFFC800  }
0x64: {  	[tilespmem:s5], [sflag:$0x3] =	stream.indirect.gather @!p0 [hbm4b:s4+s12], $0x80, s3, s12, $0xb8;
	[tilespmem:$0x1E000] =	vst v63  }
0x65: {  	_ =	swait.ge [sflag:s9], $0x3800  }
0x66: {  	s19 =	rddreg [dreg:$0x4];
	[sflag:s9] =	ssyncset.done $0x0  }
0x67: {  	[sflag:s9] =	ssyncadd.s32 $0xFFFFC800;
	s3 =	sadd.s32 s14, s19  }
0x68: {  	[hbm4b:s3+s2] =	stream.linear.scatter [tilespmem:s21], [sflag:$0xD], $0x3800, $0x38;
	[tilespmem:$0x1E000] =	vst v63  }
0x69: {  	_ =	swait.ge [sflag:s10], $0x3800  }
0x6a: {  	[sflag:s10] =	ssyncset.done $0x0  }
0x6b: {  	s5 =	simm.s32 @!p0 $0xC800;
	s3 =	simm.s32 @!p0 $0x580;
	[sflag:s10] =	ssyncadd.s32 $0xFFFFC800  }
0x6c: {  	[tilespmem:s5], [sflag:$0x4] =	stream.indirect.gather @!p0 [hbm4b:s4+s12], $0x80, s3, s12, $0xb8;
	[tilespmem:$0x1E000] =	vst v63  }
0x6d: {  	_ =	swait.ge [sflag:s11], $0x3800  }
0x6e: {  	s21 =	rddreg [dreg:$0x3];
	[sflag:s11] =	ssyncset.done $0x0  }
0x6f: {  	[sflag:s11] =	ssyncadd.s32 $0xFFFFC800;
	s3 =	sadd.s32 s14, s21  }
0x70: {  	[hbm4b:s3+s2] =	stream.linear.scatter [tilespmem:s22], [sflag:$0xE], $0x3800, $0x38;
	[tilespmem:$0x1E000] =	vst v63  }
0x71: {  	_ =	swait.ge [sflag:s6], $0x3800  }
0x72: {  	[sflag:s6] =	ssyncset.done $0x0  }
0x73: {  	s5 =	simm.s32 @!p0 $0x10000;
	s3 =	simm.s32 @!p0 $0x600;
	[sflag:s6] =	ssyncadd.s32 $0xFFFFC800  }
0x74: {  	[tilespmem:s5], [sflag:$0x5] =	stream.indirect.gather @!p0 [hbm4b:s4+s12], $0x80, s3, s12, $0xb8;
	[tilespmem:$0x1E000] =	vst v63  }
0x75: {  	_ =	swait.ge [sflag:s7], $0x3800  }
0x76: {  	s23 =	rddreg [dreg:$0x9];
	[sflag:s7] =	ssyncset.done $0x0  }
0x77: {  	[sflag:s7] =	ssyncadd.s32 $0xFFFFC800;
	s3 =	sadd.s32 s14, s23  }
0x78: {  	[hbm4b:s3+s2] =	stream.linear.scatter [tilespmem:s25], [sflag:$0xF], $0x3800, $0x38;
	[tilespmem:$0x1E000] =	vst v63  }
0x79: {  	_ =	swait.ge [sflag:s15], $0x3800  }
0x7a: {  	p6 =	por $0x0, $0x0;
	[sflag:s15] =	ssyncset.done $0x0  }
0x7b: {  	s5 =	simm.s32 @!p0 $0x13800;
	s3 =	simm.s32 @!p0 $0x680;
	[sflag:s15] =	ssyncadd.s32 $0xFFFFC800  }
0x7c: {  	[tilespmem:s5], [sflag:$0x6] =	stream.indirect.gather @!p0 [hbm4b:s4+s12], $0x80, s3, s12, $0xb8;
	[tilespmem:$0x1E000] =	vst v63  }
0x7d: {  	s19 =	simm.s32 $0x1000;
	s21 =	simm.s32 $0x2000;
	_ =	swait.ge [sflag:s17], $0x3800  }
0x7e: {  	p0 =	por p6, p6;
	s24 =	rddreg [dreg:$0x8];
	[sflag:s17] =	ssyncset.done $0x0  }
0x7f: {  	s12 =	sadd.s32 $0x3800, s14;
	[sflag:s17] =	ssyncadd.s32 $0xFFFFC800;
	s3 =	sadd.s32 s14, s24  }
.LBB2_2:
0x80: {  	[hbm4b:s3+s2] =	stream.linear.scatter [tilespmem:s28], [sflag:$0x10], $0x3800, $0x38;
	[tilespmem:$0x1E000] =	vst v63  }
0x81: {  	s3 =	simm.s32 @!p0 $0xF  }
0x82: {  	_ =	swait.ge @!p0 [sflag:s3], $0x3800  }
0x83: {  	s5 =	sshra.s32 s19, $0x2;
	[sflag:s3] =	ssyncset.done @!p0 $0x0  }
0x84: {  	s24 =	sadd.s32 $0x300, s5;
	[sflag:s3] =	ssyncadd.s32 @!p0 $0xFFFFC800  }
0x85: {  	[tilespmem:s25], [sflag:$0x7] =	stream.indirect.gather [hbm4b:s4+s13], $0x80, s24, s13, $0xb8;
	[tilespmem:$0x1E000] =	vst v63  }
0x86: {  	_ =	swait.ge [sflag:s26], $0x3800  }
0x87: {  	[sflag:s26] =	ssyncset.done $0x0  }
0x88: {  	s16 =	sadd.s32 s12, s18;
	s23 =	simm.s32 @!p0 $0x10;
	[sflag:s26] =	ssyncadd.s32 $0xFFFFC800  }
0x89: {  	[hbm4b:s16+s2] =	stream.linear.scatter [tilespmem:s20], [sflag:$0x9], $0x3800, $0x38;
	[tilespmem:$0x1E000] =	vst v63  }
0x8a: {  	_ =	swait.ge @!p0 [sflag:s23], $0x3800  }
0x8b: {  	s14 =	smov.u32 s21;
	[sflag:s23] =	ssyncset.done @!p0 $0x0  }
0x8c: {  	p2 =	seq.s32 s14, $0x0;
	s20 =	sadd.s32 $0x380, s5;
	[sflag:s23] =	ssyncadd.s32 @!p0 $0xFFFFC800  }
0x8d: {  	[tilespmem:s28], [sflag:$0x8] =	stream.indirect.gather [hbm4b:s4+s13], $0x80, s20, s13, $0xb8;
	[tilespmem:$0x1E000] =	vst v63  }
0x8e: {  	p0 =	por p2, p2;
	_ =	swait.ge [sflag:s29], $0x3800  }
0x8f: {  	s23 =	simm.s32 $0x5800;
	s22 =	rddreg [dreg:$0x7];
	[sflag:s29] =	ssyncset.done $0x0  }
0x90: {  	p2 =	seq.s32 s19, $0x7000;
	[sflag:s29] =	ssyncadd.s32 $0xFFFFC800;
	s3 =	sadd.s32 s12, s22  }
0x91: {  	[hbm4b:s3+s2] =	stream.linear.scatter [tilespmem:s23], [sflag:$0xA], $0x3800, $0x38;
	[tilespmem:$0x1E000] =	vst v63  }
0x92: {  	s5 =	sshra.s32 @!p2 s19, $0x2;
	_ =	swait.ge [sflag:s30], $0x3800  }
0x93: {  	s19 =	sadd.s32 @!p2 $0x400, s5;
	[sflag:s30] =	ssyncset.done $0x0  }
0x94: {  	s3 =	simm.s32 @!p2 $0x2000;
	s23 =	simm.s32 @!p2 $0x70;
	[sflag:s30] =	ssyncadd.s32 $0xFFFFC800  }
0x95: {  	[tilespmem:s3], [sflag:$0x1] =	stream.indirect.gather @!p2 [hbm4b:s4+s23], $0x80, s19, s23, $0xb8;
	[tilespmem:$0x1E000] =	vst v63  }
0x96: {  	_ =	swait.ge [sflag:s31], $0x3800  }
0x97: {  	s19 =	smov.u32 s14;
	s24 =	rddreg [dreg:$0x6];
	[sflag:s31] =	ssyncset.done $0x0  }
0x98: {  	[sflag:s31] =	ssyncadd.s32 $0xFFFFC800;
	s14 =	sadd.s32 s12, s24;
	s24 =	simm.s32 $0x9000  }
0x99: {  	[hbm4b:s14+s2] =	stream.linear.scatter [tilespmem:s24], [sflag:$0xB], $0x3800, $0x38;
	[tilespmem:$0x1E000] =	vst v63  }
0x9a: {  	_ =	swait.ge [sflag:s1], $0x3800  }
0x9b: {  	[sflag:s1] =	ssyncset.done $0x0  }
0x9c: {  	s16 =	sadd.s32 @!p2 $0x480, s5;
	s14 =	simm.s32 @!p2 $0x5800;
	[sflag:s1] =	ssyncadd.s32 $0xFFFFC800  }
0x9d: {  	[tilespmem:s14], [sflag:$0x2] =	stream.indirect.gather @!p2 [hbm4b:s4+s23], $0x80, s16, s23, $0xb8;
	[tilespmem:$0x1E000] =	vst v63  }
0x9e: {  	_ =	swait.ge [sflag:s0], $0x3800  }
0x9f: {  	s16 =	rddreg [dreg:$0x5];
	[sflag:s0] =	ssyncset.done $0x0  }
0xa0: {  	s24 =	simm.s32 $0xC800;
	[sflag:s0] =	ssyncadd.s32 $0xFFFFC800;
	s14 =	sadd.s32 s12, s16  }
0xa1: {  	[hbm4b:s14+s2] =	stream.linear.scatter [tilespmem:s24], [sflag:$0xC], $0x3800, $0x38;
	[tilespmem:$0x1E000] =	vst v63  }
0xa2: {  	_ =	swait.ge [sflag:s8], $0x3800  }
0xa3: {  	s22 =	smov.u32 s18;
	[sflag:s8] =	ssyncset.done $0x0  }
0xa4: {  	s18 =	sadd.s32 @!p2 $0x500, s5;
	s14 =	simm.s32 @!p2 $0x9000;
	[sflag:s8] =	ssyncadd.s32 $0xFFFFC800  }
0xa5: {  	[tilespmem:s14], [sflag:$0x3] =	stream.indirect.gather @!p2 [hbm4b:s4+s23], $0x80, s18, s23, $0xb8;
	[tilespmem:$0x1E000] =	vst v63  }
0xa6: {  	_ =	swait.ge [sflag:s9], $0x3800  }
0xa7: {  	s18 =	smov.u32 s22;
	s22 =	rddreg [dreg:$0x4];
	[sflag:s9] =	ssyncset.done $0x0  }
0xa8: {  	s24 =	simm.s32 $0x10000;
	[sflag:s9] =	ssyncadd.s32 $0xFFFFC800;
	s14 =	sadd.s32 s12, s22  }
0xa9: {  	[hbm4b:s14+s2] =	stream.linear.scatter [tilespmem:s24], [sflag:$0xD], $0x3800, $0x38;
	[tilespmem:$0x1E000] =	vst v63  }
0xaa: {  	_ =	swait.ge [sflag:s10], $0x3800  }
0xab: {  	[sflag:s10] =	ssyncset.done $0x0  }
0xac: {  	s16 =	simm.s32 @!p2 $0xC800;
	s14 =	sadd.s32 @!p2 $0x580, s5;
	[sflag:s10] =	ssyncadd.s32 $0xFFFFC800  }
0xad: {  	[tilespmem:s16], [sflag:$0x4] =	stream.indirect.gather @!p2 [hbm4b:s4+s23], $0x80, s14, s23, $0xb8;
	[tilespmem:$0x1E000] =	vst v63  }
0xae: {  	_ =	swait.ge [sflag:s11], $0x3800  }
0xaf: {  	s22 =	rddreg [dreg:$0x3];
	[sflag:s11] =	ssyncset.done $0x0  }
0xb0: {  	s24 =	simm.s32 $0x13800;
	[sflag:s11] =	ssyncadd.s32 $0xFFFFC800;
	s14 =	sadd.s32 s12, s22  }
0xb1: {  	[hbm4b:s14+s2] =	stream.linear.scatter [tilespmem:s24], [sflag:$0xE], $0x3800, $0x38;
	[tilespmem:$0x1E000] =	vst v63  }
0xb2: {  	_ =	swait.ge [sflag:s6], $0x3800  }
0xb3: {  	s3 =	sadd.s32 @!p2 $0x680, s5;
	[sflag:s6] =	ssyncset.done $0x0  }
0xb4: {  	s5 =	sadd.s32 @!p2 $0x600, s5;
	s14 =	simm.s32 @!p2 $0x10000;
	[sflag:s6] =	ssyncadd.s32 $0xFFFFC800  }
0xb5: {  	[tilespmem:s14], [sflag:$0x5] =	stream.indirect.gather @!p2 [hbm4b:s4+s23], $0x80, s5, s23, $0xb8;
	[tilespmem:$0x1E000] =	vst v63  }
0xb6: {  	_ =	swait.ge [sflag:s7], $0x3800  }
0xb7: {  	s22 =	rddreg [dreg:$0x9];
	[sflag:s7] =	ssyncset.done $0x0  }
0xb8: {  	[sflag:s7] =	ssyncadd.s32 $0xFFFFC800;
	s5 =	sadd.s32 s12, s22  }
0xb9: {  	[hbm4b:s5+s2] =	stream.linear.scatter [tilespmem:s25], [sflag:$0xF], $0x3800, $0x38;
	[tilespmem:$0x1E000] =	vst v63  }
0xba: {  	s21 =	sadd.s32 $0x1000, s21;
	_ =	swait.ge [sflag:s15], $0x3800  }
0xbb: {  	p1 =	sne.s32 s21, $0x8000;
	[sflag:s15] =	ssyncset.done $0x0  }
.Ltmp0:
0xbc: {  	s5 =	simm.s32 @!p2 $0x13800;
	[sflag:s15] =	ssyncadd.s32 $0xFFFFC800;
	(pc) =	sbr.rel @p1 .LBB2_2-.Ltmp0, $4  }
0xbd: {  	[tilespmem:s5], [sflag:$0x6] =	stream.indirect.gather @!p2 [hbm4b:s4+s23], $0x80, s3, s23, $0xb8;
	[tilespmem:$0x1E000] =	vst v63  }
0xbe: {  	_ =	swait.ge [sflag:s17], $0x3800  }
0xbf: {  	s20 =	simm.s32 $0x2000;
	[sflag:s17] =	ssyncset.done $0x0;
	s24 =	rddreg [dreg:$0x8]  }
0xc0: {  	[sflag:s17] =	ssyncadd.s32 $0xFFFFC800;
	s3 =	sadd.s32 s12, s24;
	s12 =	sadd.s32 $0x3800, s12  }
0xc1: {  	[hbm4b:s3+s2] =	stream.linear.scatter [tilespmem:s28], [sflag:$0x10], $0x3800, $0x38;
	[tilespmem:$0x1E000] =	vst v63  }
0xc2: {  	s3 =	simm.s32 @!p0 $0xF  }
0xc3: {  	_ =	swait.ge @!p0 [sflag:s3], $0x3800  }
0xc4: {  	s5 =	sshra.s32 s19, $0x2;
	[sflag:s3] =	ssyncset.done @!p0 $0x0  }
0xc5: {  	s23 =	sadd.s32 $0x300, s5;
	[sflag:s3] =	ssyncadd.s32 @!p0 $0xFFFFC800  }
0xc6: {  	[tilespmem:s25], [sflag:$0x7] =	stream.indirect.gather [hbm4b:s4+s13], $0x80, s23, s13, $0xb8;
	[tilespmem:$0x1E000] =	vst v63  }
0xc7: {  	_ =	swait.ge [sflag:s26], $0x3800  }
0xc8: {  	[sflag:s26] =	ssyncset.done $0x0  }
0xc9: {  	s24 =	sadd.s32 s12, s18;
	s14 =	simm.s32 @!p0 $0x10;
	[sflag:s26] =	ssyncadd.s32 $0xFFFFC800  }
0xca: {  	[hbm4b:s24+s2] =	stream.linear.scatter [tilespmem:s20], [sflag:$0x9], $0x3800, $0x38;
	[tilespmem:$0x1E000] =	vst v63  }
0xcb: {  	_ =	swait.ge @!p0 [sflag:s14], $0x3800  }
0xcc: {  	[sflag:s14] =	ssyncset.done @!p0 $0x0  }
0xcd: {  	[sflag:s14] =	ssyncadd.s32 @!p0 $0xFFFFC800;
	s14 =	sadd.s32 $0x380, s5  }
0xce: {  	[tilespmem:s28], [sflag:$0x8] =	stream.indirect.gather [hbm4b:s4+s13], $0x80, s14, s13, $0xb8;
	[tilespmem:$0x1E000] =	vst v63  }
0xcf: {  	_ =	swait.ge [sflag:s29], $0x3800  }
0xd0: {  	s16 =	rddreg [dreg:$0x7];
	[sflag:s29] =	ssyncset.done $0x0  }
0xd1: {  	s22 =	simm.s32 $0x5800;
	[sflag:s29] =	ssyncadd.s32 $0xFFFFC800;
	s3 =	sadd.s32 s12, s16  }
0xd2: {  	[hbm4b:s3+s2] =	stream.linear.scatter [tilespmem:s22], [sflag:$0xA], $0x3800, $0x38;
	[tilespmem:$0x1E000] =	vst v63  }
0xd3: {  	p0 =	seq.s32 s19, $0x7000;
	_ =	swait.ge [sflag:s30], $0x3800  }
0xd4: {  	s5 =	simm.s32 @!p0 $0x2000;
	s3 =	sshra.s32 @!p0 s19, $0x2;
	[sflag:s30] =	ssyncset.done $0x0  }
0xd5: {  	s16 =	simm.s32 @!p0 $0x70;
	s14 =	sadd.s32 @!p0 $0x400, s3;
	[sflag:s30] =	ssyncadd.s32 $0xFFFFC800  }
0xd6: {  	[tilespmem:s5], [sflag:$0x1] =	stream.indirect.gather @!p0 [hbm4b:s4+s16], $0x80, s14, s16, $0xb8;
	[tilespmem:$0x1E000] =	vst v63  }
0xd7: {  	_ =	swait.ge [sflag:s31], $0x3800  }
0xd8: {  	s21 =	rddreg [dreg:$0x6];
	[sflag:s31] =	ssyncset.done $0x0  }
0xd9: {  	s19 =	simm.s32 $0x9000;
	[sflag:s31] =	ssyncadd.s32 $0xFFFFC800;
	s5 =	sadd.s32 s12, s21  }
0xda: {  	[hbm4b:s5+s2] =	stream.linear.scatter [tilespmem:s19], [sflag:$0xB], $0x3800, $0x38;
	[tilespmem:$0x1E000] =	vst v63  }
0xdb: {  	_ =	swait.ge [sflag:s1], $0x3800  }
0xdc: {  	[sflag:s1] =	ssyncset.done $0x0  }
0xdd: {  	s14 =	simm.s32 @!p0 $0x5800;
	s5 =	sadd.s32 @!p0 $0x480, s3;
	[sflag:s1] =	ssyncadd.s32 $0xFFFFC800  }
0xde: {  	[tilespmem:s14], [sflag:$0x2] =	stream.indirect.gather @!p0 [hbm4b:s4+s16], $0x80, s5, s16, $0xb8;
	[tilespmem:$0x1E000] =	vst v63  }
0xdf: {  	_ =	swait.ge [sflag:s0], $0x3800  }
0xe0: {  	s23 =	rddreg [dreg:$0x5];
	[sflag:s0] =	ssyncset.done $0x0  }
0xe1: {  	[sflag:s0] =	ssyncadd.s32 $0xFFFFC800;
	s5 =	sadd.s32 s12, s23;
	s23 =	simm.s32 $0xC800  }
0xe2: {  	[hbm4b:s5+s2] =	stream.linear.scatter [tilespmem:s23], [sflag:$0xC], $0x3800, $0x38;
	[tilespmem:$0x1E000] =	vst v63  }
0xe3: {  	_ =	swait.ge [sflag:s8], $0x3800  }
0xe4: {  	[sflag:s8] =	ssyncset.done $0x0  }
0xe5: {  	s14 =	simm.s32 @!p0 $0x9000;
	s5 =	sadd.s32 @!p0 $0x500, s3;
	[sflag:s8] =	ssyncadd.s32 $0xFFFFC800  }
0xe6: {  	[tilespmem:s14], [sflag:$0x3] =	stream.indirect.gather @!p0 [hbm4b:s4+s16], $0x80, s5, s16, $0xb8;
	[tilespmem:$0x1E000] =	vst v63  }
0xe7: {  	_ =	swait.ge [sflag:s9], $0x3800  }
0xe8: {  	s24 =	rddreg [dreg:$0x4];
	[sflag:s9] =	ssyncset.done $0x0  }
0xe9: {  	s21 =	simm.s32 $0x10000;
	[sflag:s9] =	ssyncadd.s32 $0xFFFFC800;
	s5 =	sadd.s32 s12, s24  }
0xea: {  	[hbm4b:s5+s2] =	stream.linear.scatter [tilespmem:s21], [sflag:$0xD], $0x3800, $0x38;
	[tilespmem:$0x1E000] =	vst v63  }
0xeb: {  	_ =	swait.ge [sflag:s10], $0x3800  }
0xec: {  	[sflag:s10] =	ssyncset.done $0x0  }
0xed: {  	s14 =	simm.s32 @!p0 $0xC800;
	s5 =	sadd.s32 @!p0 $0x580, s3;
	[sflag:s10] =	ssyncadd.s32 $0xFFFFC800  }
0xee: {  	[tilespmem:s14], [sflag:$0x4] =	stream.indirect.gather @!p0 [hbm4b:s4+s16], $0x80, s5, s16, $0xb8;
	[tilespmem:$0x1E000] =	vst v63  }
0xef: {  	_ =	swait.ge [sflag:s11], $0x3800  }
0xf0: {  	s14 =	rddreg [dreg:$0x3];
	[sflag:s11] =	ssyncset.done $0x0  }
0xf1: {  	s24 =	simm.s32 $0x13800;
	[sflag:s11] =	ssyncadd.s32 $0xFFFFC800;
	s5 =	sadd.s32 s12, s14  }
0xf2: {  	[hbm4b:s5+s2] =	stream.linear.scatter [tilespmem:s24], [sflag:$0xE], $0x3800, $0x38;
	[tilespmem:$0x1E000] =	vst v63  }
0xf3: {  	_ =	swait.ge [sflag:s6], $0x3800  }
0xf4: {  	[sflag:s6] =	ssyncset.done $0x0  }
0xf5: {  	s14 =	simm.s32 @!p0 $0x10000;
	s5 =	sadd.s32 @!p0 $0x600, s3;
	[sflag:s6] =	ssyncadd.s32 $0xFFFFC800  }
0xf6: {  	[tilespmem:s14], [sflag:$0x5] =	stream.indirect.gather @!p0 [hbm4b:s4+s16], $0x80, s5, s16, $0xb8;
	[tilespmem:$0x1E000] =	vst v63  }
0xf7: {  	_ =	swait.ge [sflag:s7], $0x3800  }
0xf8: {  	s14 =	rddreg [dreg:$0x9];
	[sflag:s7] =	ssyncset.done $0x0  }
0xf9: {  	[sflag:s7] =	ssyncadd.s32 $0xFFFFC800;
	s5 =	sadd.s32 s12, s14  }
0xfa: {  	[hbm4b:s5+s2] =	stream.linear.scatter [tilespmem:s25], [sflag:$0xF], $0x3800, $0x38;
	[tilespmem:$0x1E000] =	vst v63  }
0xfb: {  	_ =	swait.ge [sflag:s15], $0x3800  }
0xfc: {  	[sflag:s15] =	ssyncset.done $0x0  }
0xfd: {  	s3 =	sadd.s32 @!p0 $0x680, s3;
	s5 =	simm.s32 @!p0 $0x13800;
	[sflag:s15] =	ssyncadd.s32 $0xFFFFC800  }
0xfe: {  	[tilespmem:s5], [sflag:$0x6] =	stream.indirect.gather @!p0 [hbm4b:s4+s16], $0x80, s3, s16, $0xb8;
	[tilespmem:$0x1E000] =	vst v63  }
0xff: {  	_ =	swait.ge [sflag:s17], $0x3800  }
0x100: {  	s5 =	rddreg [dreg:$0x8];
	[sflag:s17] =	ssyncset.done $0x0  }
0x101: {  	[sflag:s17] =	ssyncadd.s32 $0xFFFFC800;
	s3 =	sadd.s32 s12, s5;
	s12 =	simm.s32 $0xF  }
0x102: {  	[hbm4b:s3+s2] =	stream.linear.scatter [tilespmem:s28], [sflag:$0x10], $0x3800, $0x38;
	[tilespmem:$0x1E000] =	vst v63  }
0x103: {  	_ =	swait.ge [sflag:s12], $0x3800  }
0x104: {  	[sflag:s12] =	ssyncset.done $0x0  }
0x105: {  	s14 =	simm.s32 $0x10;
	[sflag:s12] =	ssyncadd.s32 $0xFFFFC800  }
0x106: {  	_ =	swait.ge [sflag:s14], $0x3800  }
0x107: {  	s16 =	sld [smem:$0x7F7]  }
0x108: {  	[sflag:s14] =	ssyncset.done $0x0  }
0x109: {  	s5 =	simm.s32 $0x11;
	s12 =	simm.s32 $0x0;
	[sflag:s14] =	ssyncadd.s32 $0xFFFFC800  }
0x10a: {  	[tilespmem:s12], [sflag:$0x11] =	stream.linear.gather [hbm4b:s16+s12], $0x2000, $0x38;
	[tilespmem:$0x1E000] =	vst v63  }
0x10b: {  	_ =	swait.ge [sflag:s5], $0x2000  }
0x10c: {  	[sflag:s5] =	ssyncset.done $0x0  }
0x10d: {  	[sflag:s5] =	ssyncadd.s32 $0xFFFFE000  }
0x10e: {  	[tilespmem:s20], [sflag:$0x1] =	stream.indirect.gather [hbm4b:s4+s13], $0x80, s12, s13, $0xb8;
	[tilespmem:$0x1E000] =	vst v63  }
0x10f: {  	s14 =	simm.s32 $0x80  }
0x110: {  	[tilespmem:s22], [sflag:$0x2] =	stream.indirect.gather [hbm4b:s4+s13], $0x80, s14, s13, $0xb8;
	[tilespmem:$0x1E000] =	vst v63  }
0x111: {  	s16 =	simm.s32 $0x100  }
0x112: {  	[tilespmem:s19], [sflag:$0x3] =	stream.indirect.gather [hbm4b:s4+s13], $0x80, s16, s13, $0xb8;
	[tilespmem:$0x1E000] =	vst v63  }
0x113: {  	p5 =	por $0x1, $0x1;
	s5 =	simm.s32 $0x180  }
0x114: {  	[tilespmem:s23], [sflag:$0x4] =	stream.indirect.gather [hbm4b:s4+s13], $0x80, s5, s13, $0xb8;
	[tilespmem:$0x1E000] =	vst v63  }
0x115: {  	p0 =	por p5, p5;
	s14 =	simm.s32 $0x200  }
0x116: {  	[tilespmem:s21], [sflag:$0x5] =	stream.indirect.gather [hbm4b:s4+s13], $0x80, s14, s13, $0xb8;
	[tilespmem:$0x1E000] =	vst v63  }
0x117: {  	s24 =	simm.s32 $0x13800;
	s3 =	simm.s32 @!p0 $0xF;
	s16 =	simm.s32 $0x280  }
0x118: {  	[tilespmem:s24], [sflag:$0x6] =	stream.indirect.gather [hbm4b:s4+s13], $0x80, s16, s13, $0xb8;
	[tilespmem:$0x1E000] =	vst v63  }
0x119: {  	_ =	swait.ge @!p0 [sflag:s3], $0x3800  }
0x11a: {  	[sflag:s3] =	ssyncset.done @!p0 $0x0  }
0x11b: {  	s24 =	simm.s32 $0x300;
	[sflag:s3] =	ssyncadd.s32 @!p0 $0xFFFFC800  }
0x11c: {  	[tilespmem:s25], [sflag:$0x7] =	stream.indirect.gather [hbm4b:s4+s13], $0x80, s24, s13, $0xb8;
	[tilespmem:$0x1E000] =	vst v63  }
0x11d: {  	_ =	swait.ge [sflag:s26], $0x3800  }
0x11e: {  	s5 =	rddreg [dreg:$0x11];
	[sflag:s26] =	ssyncset.done $0x0  }
0x11f: {  	[sflag:s26] =	ssyncadd.s32 $0xFFFFC800;
	s3 =	sadd.s32 $0x0, s5;
	s5 =	simm.s32 @!p0 $0x10  }
0x120: {  	[hbm4b:s3+s2] =	stream.linear.scatter [tilespmem:s20], [sflag:$0x9], $0x3800, $0x38;
	[tilespmem:$0x1E000] =	vst v63  }
0x121: {  	_ =	swait.ge @!p0 [sflag:s5], $0x3800  }
0x122: {  	[sflag:s5] =	ssyncset.done @!p0 $0x0  }
0x123: {  	s14 =	simm.s32 $0x380;
	[sflag:s5] =	ssyncadd.s32 @!p0 $0xFFFFC800  }
0x124: {  	[tilespmem:s28], [sflag:$0x8] =	stream.indirect.gather [hbm4b:s4+s13], $0x80, s14, s13, $0xb8;
	[tilespmem:$0x1E000] =	vst v63  }
0x125: {  	_ =	swait.ge [sflag:s29], $0x3800  }
0x126: {  	s16 =	rddreg [dreg:$0x10];
	[sflag:s29] =	ssyncset.done $0x0  }
0x127: {  	[sflag:s29] =	ssyncadd.s32 $0xFFFFC800;
	s3 =	sadd.s32 $0x0, s16  }
0x128: {  	[hbm4b:s3+s2] =	stream.linear.scatter [tilespmem:s22], [sflag:$0xA], $0x3800, $0x38;
	[tilespmem:$0x1E000] =	vst v63  }
0x129: {  	p0 =	por $0x0, $0x0;
	_ =	swait.ge [sflag:s30], $0x3800  }
0x12a: {  	s5 =	simm.s32 @!p0 $0x400;
	[sflag:s30] =	ssyncset.done $0x0  }
0x12b: {  	s14 =	simm.s32 @!p0 $0x2000;
	s3 =	simm.s32 @!p0 $0x70;
	[sflag:s30] =	ssyncadd.s32 $0xFFFFC800  }
0x12c: {  	[tilespmem:s14], [sflag:$0x1] =	stream.indirect.gather @!p0 [hbm4b:s4+s3], $0x80, s5, s3, $0xb8;
	[tilespmem:$0x1E000] =	vst v63  }
0x12d: {  	_ =	swait.ge [sflag:s31], $0x3800  }
0x12e: {  	s22 =	rddreg [dreg:$0xf];
	[sflag:s31] =	ssyncset.done $0x0  }
0x12f: {  	[sflag:s31] =	ssyncadd.s32 $0xFFFFC800;
	s5 =	sadd.s32 $0x0, s22  }
0x130: {  	[hbm4b:s5+s2] =	stream.linear.scatter [tilespmem:s19], [sflag:$0xB], $0x3800, $0x38;
	[tilespmem:$0x1E000] =	vst v63  }
0x131: {  	_ =	swait.ge [sflag:s1], $0x3800  }
0x132: {  	[sflag:s1] =	ssyncset.done $0x0  }
0x133: {  	s14 =	simm.s32 @!p0 $0x5800;
	s5 =	simm.s32 @!p0 $0x480;
	[sflag:s1] =	ssyncadd.s32 $0xFFFFC800  }
0x134: {  	[tilespmem:s14], [sflag:$0x2] =	stream.indirect.gather @!p0 [hbm4b:s4+s3], $0x80, s5, s3, $0xb8;
	[tilespmem:$0x1E000] =	vst v63  }
0x135: {  	_ =	swait.ge [sflag:s0], $0x3800  }
0x136: {  	s24 =	rddreg [dreg:$0xe];
	[sflag:s0] =	ssyncset.done $0x0  }
0x137: {  	[sflag:s0] =	ssyncadd.s32 $0xFFFFC800;
	s5 =	sadd.s32 $0x0, s24  }
0x138: {  	[hbm4b:s5+s2] =	stream.linear.scatter [tilespmem:s23], [sflag:$0xC], $0x3800, $0x38;
	[tilespmem:$0x1E000] =	vst v63  }
0x139: {  	_ =	swait.ge [sflag:s8], $0x3800  }
0x13a: {  	[sflag:s8] =	ssyncset.done $0x0  }
0x13b: {  	s14 =	simm.s32 @!p0 $0x9000;
	s5 =	simm.s32 @!p0 $0x500;
	[sflag:s8] =	ssyncadd.s32 $0xFFFFC800  }
0x13c: {  	[tilespmem:s14], [sflag:$0x3] =	stream.indirect.gather @!p0 [hbm4b:s4+s3], $0x80, s5, s3, $0xb8;
	[tilespmem:$0x1E000] =	vst v63  }
0x13d: {  	_ =	swait.ge [sflag:s9], $0x3800  }
0x13e: {  	s14 =	rddreg [dreg:$0xd];
	[sflag:s9] =	ssyncset.done $0x0  }
0x13f: {  	[sflag:s9] =	ssyncadd.s32 $0xFFFFC800;
	s5 =	sadd.s32 $0x0, s14  }
0x140: {  	[hbm4b:s5+s2] =	stream.linear.scatter [tilespmem:s21], [sflag:$0xD], $0x3800, $0x38;
	[tilespmem:$0x1E000] =	vst v63  }
0x141: {  	_ =	swait.ge [sflag:s10], $0x3800  }
0x142: {  	[sflag:s10] =	ssyncset.done $0x0  }
0x143: {  	s14 =	simm.s32 @!p0 $0xC800;
	s5 =	simm.s32 @!p0 $0x580;
	[sflag:s10] =	ssyncadd.s32 $0xFFFFC800  }
0x144: {  	[tilespmem:s14], [sflag:$0x4] =	stream.indirect.gather @!p0 [hbm4b:s4+s3], $0x80, s5, s3, $0xb8;
	[tilespmem:$0x1E000] =	vst v63  }
0x145: {  	_ =	swait.ge [sflag:s11], $0x3800  }
0x146: {  	s19 =	rddreg [dreg:$0xc];
	[sflag:s11] =	ssyncset.done $0x0  }
0x147: {  	s21 =	simm.s32 $0x13800;
	[sflag:s11] =	ssyncadd.s32 $0xFFFFC800;
	s5 =	sadd.s32 $0x0, s19  }
0x148: {  	[hbm4b:s5+s2] =	stream.linear.scatter [tilespmem:s21], [sflag:$0xE], $0x3800, $0x38;
	[tilespmem:$0x1E000] =	vst v63  }
0x149: {  	_ =	swait.ge [sflag:s6], $0x3800  }
0x14a: {  	[sflag:s6] =	ssyncset.done $0x0  }
0x14b: {  	s14 =	simm.s32 @!p0 $0x10000;
	s5 =	simm.s32 @!p0 $0x600;
	[sflag:s6] =	ssyncadd.s32 $0xFFFFC800  }
0x14c: {  	[tilespmem:s14], [sflag:$0x5] =	stream.indirect.gather @!p0 [hbm4b:s4+s3], $0x80, s5, s3, $0xb8;
	[tilespmem:$0x1E000] =	vst v63  }
0x14d: {  	_ =	swait.ge [sflag:s7], $0x3800  }
0x14e: {  	s23 =	rddreg [dreg:$0xb];
	[sflag:s7] =	ssyncset.done $0x0  }
0x14f: {  	[sflag:s7] =	ssyncadd.s32 $0xFFFFC800;
	s5 =	sadd.s32 $0x0, s23  }
0x150: {  	[hbm4b:s5+s2] =	stream.linear.scatter [tilespmem:s25], [sflag:$0xF], $0x3800, $0x38;
	[tilespmem:$0x1E000] =	vst v63  }
0x151: {  	p6 =	por $0x0, $0x0;
	s16 =	simm.s32 $0xC800;
	_ =	swait.ge [sflag:s15], $0x3800  }
0x152: {  	s22 =	simm.s32 $0x10000;
	s24 =	simm.s32 $0x13800;
	[sflag:s15] =	ssyncset.done $0x0  }
0x153: {  	s14 =	simm.s32 @!p0 $0x13800;
	s5 =	simm.s32 $0x680;
	[sflag:s15] =	ssyncadd.s32 $0xFFFFC800  }
0x154: {  	[tilespmem:s14], [sflag:$0x6] =	stream.indirect.gather @!p0 [hbm4b:s4+s3], $0x80, s5, s3, $0xb8;
	[tilespmem:$0x1E000] =	vst v63  }
0x155: {  	s19 =	simm.s32 $0x3800;
	s21 =	simm.s32 $0xA80;
	_ =	swait.ge [sflag:s17], $0x3800  }
0x156: {  	s23 =	simm.s32 $0x7000;
	p0 =	por p6, p6;
	[sflag:s17] =	ssyncset.done $0x0  }
0x157: {  	s3 =	simm.s32 @!p0 $0xF;
	s5 =	rddreg [dreg:$0xa];
	[sflag:s17] =	ssyncadd.s32 $0xFFFFC800  }
.LBB2_4:
0x158: {  	s5 =	sadd.s32 s12, s5  }
0x159: {  	[hbm4b:s5+s2] =	stream.linear.scatter [tilespmem:s28], [sflag:$0x10], $0x3800, $0x38;
	[tilespmem:$0x1E000] =	vst v63  }
0x15a: {  	_ =	swait.ge @!p0 [sflag:s3], $0x3800  }
0x15b: {  	[sflag:s3] =	ssyncset.done @!p0 $0x0  }
0x15c: {  	s14 =	sadd.s32 $0xFFFFFC80, s21;
	[sflag:s3] =	ssyncadd.s32 @!p0 $0xFFFFC800  }
0x15d: {  	[tilespmem:s25], [sflag:$0x7] =	stream.indirect.gather [hbm4b:s4+s13], $0x80, s14, s13, $0xb8;
	[tilespmem:$0x1E000] =	vst v63  }
0x15e: {  	_ =	swait.ge [sflag:s26], $0x3800  }
0x15f: {  	s12 =	smov.u32 s19;
	s5 =	rddreg [dreg:$0x11];
	[sflag:s26] =	ssyncset.done $0x0  }
0x160: {  	[sflag:s26] =	ssyncadd.s32 $0xFFFFC800;
	s3 =	sadd.s32 s12, s5;
	s5 =	simm.s32 @!p0 $0x10  }
0x161: {  	[hbm4b:s3+s2] =	stream.linear.scatter [tilespmem:s20], [sflag:$0x9], $0x3800, $0x38;
	[tilespmem:$0x1E000] =	vst v63  }
0x162: {  	_ =	swait.ge @!p0 [sflag:s5], $0x3800  }
0x163: {  	[sflag:s5] =	ssyncset.done @!p0 $0x0  }
0x164: {  	s14 =	sadd.s32 $0xFFFFFD00, s21;
	[sflag:s5] =	ssyncadd.s32 @!p0 $0xFFFFC800  }
0x165: {  	[tilespmem:s28], [sflag:$0x8] =	stream.indirect.gather [hbm4b:s4+s13], $0x80, s14, s13, $0xb8;
	[tilespmem:$0x1E000] =	vst v63  }
0x166: {  	_ =	swait.ge [sflag:s29], $0x3800  }
0x167: {  	p2 =	seq.s32 s23, $0x0;
	s5 =	rddreg [dreg:$0x10];
	[sflag:s29] =	ssyncset.done $0x0  }
0x168: {  	s14 =	simm.s32 $0x5800;
	[sflag:s29] =	ssyncadd.s32 $0xFFFFC800;
	s3 =	sadd.s32 s12, s5  }
0x169: {  	[hbm4b:s3+s2] =	stream.linear.scatter [tilespmem:s14], [sflag:$0xA], $0x3800, $0x38;
	[tilespmem:$0x1E000] =	vst v63  }
0x16a: {  	p0 =	por p2, p2;
	p2 =	seq.s32 s12, $0x18800;
	_ =	swait.ge [sflag:s30], $0x3800  }
0x16b: {  	s5 =	sadd.s32 @!p2 $0xFFFFFD80, s21;
	[sflag:s30] =	ssyncset.done $0x0  }
0x16c: {  	s3 =	simm.s32 @!p2 $0x70;
	s14 =	simm.s32 @!p2 $0x2000;
	[sflag:s30] =	ssyncadd.s32 $0xFFFFC800  }
0x16d: {  	[tilespmem:s14], [sflag:$0x1] =	stream.indirect.gather @!p2 [hbm4b:s4+s3], $0x80, s5, s3, $0xb8;
	[tilespmem:$0x1E000] =	vst v63  }
0x16e: {  	_ =	swait.ge [sflag:s31], $0x3800  }
0x16f: {  	s14 =	rddreg [dreg:$0xf];
	[sflag:s31] =	ssyncset.done $0x0  }
0x170: {  	[sflag:s31] =	ssyncadd.s32 $0xFFFFC800;
	s5 =	sadd.s32 s12, s14;
	s14 =	simm.s32 $0x9000  }
0x171: {  	[hbm4b:s5+s2] =	stream.linear.scatter [tilespmem:s14], [sflag:$0xB], $0x3800, $0x38;
	[tilespmem:$0x1E000] =	vst v63  }
0x172: {  	_ =	swait.ge [sflag:s1], $0x3800  }
0x173: {  	[sflag:s1] =	ssyncset.done $0x0  }
0x174: {  	s5 =	sadd.s32 @!p2 $0xFFFFFE00, s21;
	s14 =	simm.s32 @!p2 $0x5800;
	[sflag:s1] =	ssyncadd.s32 $0xFFFFC800  }
0x175: {  	[tilespmem:s14], [sflag:$0x2] =	stream.indirect.gather @!p2 [hbm4b:s4+s3], $0x80, s5, s3, $0xb8;
	[tilespmem:$0x1E000] =	vst v63  }
0x176: {  	_ =	swait.ge [sflag:s0], $0x3800  }
0x177: {  	s14 =	rddreg [dreg:$0xe];
	[sflag:s0] =	ssyncset.done $0x0  }
0x178: {  	[sflag:s0] =	ssyncadd.s32 $0xFFFFC800;
	s5 =	sadd.s32 s12, s14  }
0x179: {  	[hbm4b:s5+s2] =	stream.linear.scatter [tilespmem:s16], [sflag:$0xC], $0x3800, $0x38;
	[tilespmem:$0x1E000] =	vst v63  }
0x17a: {  	_ =	swait.ge [sflag:s8], $0x3800  }
0x17b: {  	[sflag:s8] =	ssyncset.done $0x0  }
0x17c: {  	s14 =	simm.s32 @!p2 $0x9000;
	s5 =	sadd.s32 @!p2 $0xFFFFFE80, s21;
	[sflag:s8] =	ssyncadd.s32 $0xFFFFC800  }
0x17d: {  	[tilespmem:s14], [sflag:$0x3] =	stream.indirect.gather @!p2 [hbm4b:s4+s3], $0x80, s5, s3, $0xb8;
	[tilespmem:$0x1E000] =	vst v63  }
0x17e: {  	_ =	swait.ge [sflag:s9], $0x3800  }
0x17f: {  	s14 =	rddreg [dreg:$0xd];
	[sflag:s9] =	ssyncset.done $0x0  }
0x180: {  	[sflag:s9] =	ssyncadd.s32 $0xFFFFC800;
	s5 =	sadd.s32 s12, s14  }
0x181: {  	[hbm4b:s5+s2] =	stream.linear.scatter [tilespmem:s22], [sflag:$0xD], $0x3800, $0x38;
	[tilespmem:$0x1E000] =	vst v63  }
0x182: {  	_ =	swait.ge [sflag:s10], $0x3800  }
0x183: {  	[sflag:s10] =	ssyncset.done $0x0  }
0x184: {  	s14 =	simm.s32 @!p2 $0xC800;
	s5 =	sadd.s32 @!p2 $0xFFFFFF00, s21;
	[sflag:s10] =	ssyncadd.s32 $0xFFFFC800  }
0x185: {  	[tilespmem:s14], [sflag:$0x4] =	stream.indirect.gather @!p2 [hbm4b:s4+s3], $0x80, s5, s3, $0xb8;
	[tilespmem:$0x1E000] =	vst v63  }
0x186: {  	_ =	swait.ge [sflag:s11], $0x3800  }
0x187: {  	s14 =	rddreg [dreg:$0xc];
	[sflag:s11] =	ssyncset.done $0x0  }
0x188: {  	[sflag:s11] =	ssyncadd.s32 $0xFFFFC800;
	s5 =	sadd.s32 s12, s14  }
0x189: {  	[hbm4b:s5+s2] =	stream.linear.scatter [tilespmem:s24], [sflag:$0xE], $0x3800, $0x38;
	[tilespmem:$0x1E000] =	vst v63  }
0x18a: {  	_ =	swait.ge [sflag:s6], $0x3800  }
0x18b: {  	[sflag:s6] =	ssyncset.done $0x0  }
0x18c: {  	s14 =	simm.s32 @!p2 $0x10000;
	s5 =	sadd.s32 @!p2 $0xFFFFFF80, s21;
	[sflag:s6] =	ssyncadd.s32 $0xFFFFC800  }
0x18d: {  	[tilespmem:s14], [sflag:$0x5] =	stream.indirect.gather @!p2 [hbm4b:s4+s3], $0x80, s5, s3, $0xb8;
	[tilespmem:$0x1E000] =	vst v63  }
0x18e: {  	_ =	swait.ge [sflag:s7], $0x3800  }
0x18f: {  	s14 =	rddreg [dreg:$0xb];
	[sflag:s7] =	ssyncset.done $0x0  }
0x190: {  	[sflag:s7] =	ssyncadd.s32 $0xFFFFC800;
	s5 =	sadd.s32 s12, s14  }
0x191: {  	[hbm4b:s5+s2] =	stream.linear.scatter [tilespmem:s25], [sflag:$0xF], $0x3800, $0x38;
	[tilespmem:$0x1E000] =	vst v63  }
0x192: {  	s19 =	smov.u32 s23;
	s23 =	sadd.s32 $0x3800, s23;
	_ =	swait.ge [sflag:s15], $0x3800  }
0x193: {  	p1 =	sne.s32 s23, $0x1C000;
	[sflag:s15] =	ssyncset.done $0x0  }
.Ltmp1:
0x194: {  	s5 =	simm.s32 @!p2 $0x13800;
	[sflag:s15] =	ssyncadd.s32 $0xFFFFC800;
	(pc) =	sbr.rel @p1 .LBB2_4-.Ltmp1, $4  }
0x195: {  	[tilespmem:s5], [sflag:$0x6] =	stream.indirect.gather @!p2 [hbm4b:s4+s3], $0x80, s21, s3, $0xb8;
	[tilespmem:$0x1E000] =	vst v63  }
0x196: {  	_ =	swait.ge [sflag:s17], $0x3800  }
0x197: {  	s3 =	simm.s32 @!p0 $0xF;
	[sflag:s17] =	ssyncset.done $0x0  }
0x198: {  	s21 =	sadd.s32 $0x400, s21;
	s5 =	rddreg [dreg:$0xa];
	[sflag:s17] =	ssyncadd.s32 $0xFFFFC800  }
0x199: {  	s5 =	sadd.s32 s12, s5  }
0x19a: {  	[hbm4b:s5+s2] =	stream.linear.scatter [tilespmem:s28], [sflag:$0x10], $0x3800, $0x38;
	[tilespmem:$0x1E000] =	vst v63  }
0x19b: {  	_ =	swait.ge @!p0 [sflag:s3], $0x3800  }
0x19c: {  	[sflag:s3] =	ssyncset.done @!p0 $0x0  }
0x19d: {  	s24 =	sadd.s32 $0xFFFFFC80, s21;
	[sflag:s3] =	ssyncadd.s32 @!p0 $0xFFFFC800  }
0x19e: {  	[tilespmem:s25], [sflag:$0x7] =	stream.indirect.gather [hbm4b:s4+s13], $0x80, s24, s13, $0xb8;
	[tilespmem:$0x1E000] =	vst v63  }
0x19f: {  	_ =	swait.ge [sflag:s26], $0x3800  }
0x1a0: {  	s5 =	rddreg [dreg:$0x11];
	[sflag:s26] =	ssyncset.done $0x0  }
0x1a1: {  	[sflag:s26] =	ssyncadd.s32 $0xFFFFC800;
	s3 =	sadd.s32 s19, s5;
	s5 =	simm.s32 @!p0 $0x10  }
0x1a2: {  	[hbm4b:s3+s2] =	stream.linear.scatter [tilespmem:s20], [sflag:$0x9], $0x3800, $0x38;
	[tilespmem:$0x1E000] =	vst v63  }
0x1a3: {  	_ =	swait.ge @!p0 [sflag:s5], $0x3800  }
0x1a4: {  	[sflag:s5] =	ssyncset.done @!p0 $0x0  }
0x1a5: {  	s12 =	sadd.s32 $0xFFFFFD00, s21;
	[sflag:s5] =	ssyncadd.s32 @!p0 $0xFFFFC800  }
0x1a6: {  	[tilespmem:s28], [sflag:$0x8] =	stream.indirect.gather [hbm4b:s4+s13], $0x80, s12, s13, $0xb8;
	[tilespmem:$0x1E000] =	vst v63  }
0x1a7: {  	_ =	swait.ge [sflag:s29], $0x3800  }
0x1a8: {  	s14 =	rddreg [dreg:$0x10];
	[sflag:s29] =	ssyncset.done $0x0  }
0x1a9: {  	[sflag:s29] =	ssyncadd.s32 $0xFFFFC800;
	s3 =	sadd.s32 s19, s14;
	s14 =	simm.s32 $0x5800  }
0x1aa: {  	[hbm4b:s3+s2] =	stream.linear.scatter [tilespmem:s14], [sflag:$0xA], $0x3800, $0x38;
	[tilespmem:$0x1E000] =	vst v63  }
0x1ab: {  	p0 =	seq.s32 s19, $0x18800;
	_ =	swait.ge [sflag:s30], $0x3800  }
0x1ac: {  	s5 =	simm.s32 @!p0 $0x70;
	[sflag:s30] =	ssyncset.done $0x0  }
0x1ad: {  	s12 =	simm.s32 @!p0 $0x2000;
	s3 =	sadd.s32 @!p0 $0xFFFFFD80, s21;
	[sflag:s30] =	ssyncadd.s32 $0xFFFFC800  }
0x1ae: {  	[tilespmem:s12], [sflag:$0x1] =	stream.indirect.gather @!p0 [hbm4b:s4+s5], $0x80, s3, s5, $0xb8;
	[tilespmem:$0x1E000] =	vst v63  }
0x1af: {  	_ =	swait.ge [sflag:s31], $0x3800  }
0x1b0: {  	s16 =	rddreg [dreg:$0xf];
	[sflag:s31] =	ssyncset.done $0x0  }
0x1b1: {  	s23 =	simm.s32 $0x9000;
	[sflag:s31] =	ssyncadd.s32 $0xFFFFC800;
	s3 =	sadd.s32 s19, s16  }
0x1b2: {  	[hbm4b:s3+s2] =	stream.linear.scatter [tilespmem:s23], [sflag:$0xB], $0x3800, $0x38;
	[tilespmem:$0x1E000] =	vst v63  }
0x1b3: {  	_ =	swait.ge [sflag:s1], $0x3800  }
0x1b4: {  	[sflag:s1] =	ssyncset.done $0x0  }
0x1b5: {  	s12 =	simm.s32 @!p0 $0x5800;
	s3 =	sadd.s32 @!p0 $0xFFFFFE00, s21;
	[sflag:s1] =	ssyncadd.s32 $0xFFFFC800  }
0x1b6: {  	[tilespmem:s12], [sflag:$0x2] =	stream.indirect.gather @!p0 [hbm4b:s4+s5], $0x80, s3, s5, $0xb8;
	[tilespmem:$0x1E000] =	vst v63  }
0x1b7: {  	_ =	swait.ge [sflag:s0], $0x3800  }
0x1b8: {  	s22 =	rddreg [dreg:$0xe];
	[sflag:s0] =	ssyncset.done $0x0  }
0x1b9: {  	[sflag:s0] =	ssyncadd.s32 $0xFFFFC800;
	s3 =	sadd.s32 s19, s22;
	s22 =	simm.s32 $0xC800  }
0x1ba: {  	[hbm4b:s3+s2] =	stream.linear.scatter [tilespmem:s22], [sflag:$0xC], $0x3800, $0x38;
	[tilespmem:$0x1E000] =	vst v63  }
0x1bb: {  	_ =	swait.ge [sflag:s8], $0x3800  }
0x1bc: {  	[sflag:s8] =	ssyncset.done $0x0  }
0x1bd: {  	s12 =	simm.s32 @!p0 $0x9000;
	s3 =	sadd.s32 @!p0 $0xFFFFFE80, s21;
	[sflag:s8] =	ssyncadd.s32 $0xFFFFC800  }
0x1be: {  	[tilespmem:s12], [sflag:$0x3] =	stream.indirect.gather @!p0 [hbm4b:s4+s5], $0x80, s3, s5, $0xb8;
	[tilespmem:$0x1E000] =	vst v63  }
0x1bf: {  	_ =	swait.ge [sflag:s9], $0x3800  }
0x1c0: {  	s24 =	rddreg [dreg:$0xd];
	[sflag:s9] =	ssyncset.done $0x0  }
0x1c1: {  	[sflag:s9] =	ssyncadd.s32 $0xFFFFC800;
	s3 =	sadd.s32 s19, s24;
	s24 =	simm.s32 $0x10000  }
0x1c2: {  	[hbm4b:s3+s2] =	stream.linear.scatter [tilespmem:s24], [sflag:$0xD], $0x3800, $0x38;
	[tilespmem:$0x1E000] =	vst v63  }
0x1c3: {  	_ =	swait.ge [sflag:s10], $0x3800  }
0x1c4: {  	[sflag:s10] =	ssyncset.done $0x0  }
0x1c5: {  	s12 =	simm.s32 @!p0 $0xC800;
	s3 =	sadd.s32 @!p0 $0xFFFFFF00, s21;
	[sflag:s10] =	ssyncadd.s32 $0xFFFFC800  }
0x1c6: {  	[tilespmem:s12], [sflag:$0x4] =	stream.indirect.gather @!p0 [hbm4b:s4+s5], $0x80, s3, s5, $0xb8;
	[tilespmem:$0x1E000] =	vst v63  }
0x1c7: {  	_ =	swait.ge [sflag:s11], $0x3800  }
0x1c8: {  	s12 =	rddreg [dreg:$0xc];
	[sflag:s11] =	ssyncset.done $0x0  }
0x1c9: {  	s16 =	simm.s32 $0x13800;
	[sflag:s11] =	ssyncadd.s32 $0xFFFFC800;
	s3 =	sadd.s32 s19, s12  }
0x1ca: {  	[hbm4b:s3+s2] =	stream.linear.scatter [tilespmem:s16], [sflag:$0xE], $0x3800, $0x38;
	[tilespmem:$0x1E000] =	vst v63  }
0x1cb: {  	_ =	swait.ge [sflag:s6], $0x3800  }
0x1cc: {  	[sflag:s6] =	ssyncset.done $0x0  }
0x1cd: {  	s12 =	simm.s32 @!p0 $0x10000;
	s3 =	sadd.s32 @!p0 $0xFFFFFF80, s21;
	[sflag:s6] =	ssyncadd.s32 $0xFFFFC800  }
0x1ce: {  	[tilespmem:s12], [sflag:$0x5] =	stream.indirect.gather @!p0 [hbm4b:s4+s5], $0x80, s3, s5, $0xb8;
	[tilespmem:$0x1E000] =	vst v63  }
0x1cf: {  	_ =	swait.ge [sflag:s7], $0x3800  }
0x1d0: {  	s12 =	rddreg [dreg:$0xb];
	[sflag:s7] =	ssyncset.done $0x0  }
0x1d1: {  	[sflag:s7] =	ssyncadd.s32 $0xFFFFC800;
	s3 =	sadd.s32 s19, s12  }
0x1d2: {  	[hbm4b:s3+s2] =	stream.linear.scatter [tilespmem:s25], [sflag:$0xF], $0x3800, $0x38;
	[tilespmem:$0x1E000] =	vst v63  }
0x1d3: {  	_ =	swait.ge [sflag:s15], $0x3800  }
0x1d4: {  	[sflag:s15] =	ssyncset.done $0x0  }
0x1d5: {  	s3 =	simm.s32 @!p0 $0x13800;
	[sflag:s15] =	ssyncadd.s32 $0xFFFFC800  }
0x1d6: {  	[tilespmem:s3], [sflag:$0x6] =	stream.indirect.gather @!p0 [hbm4b:s4+s5], $0x80, s21, s5, $0xb8;
	[tilespmem:$0x1E000] =	vst v63  }
0x1d7: {  	_ =	swait.ge [sflag:s17], $0x3800  }
0x1d8: {  	s12 =	rddreg [dreg:$0xa];
	[sflag:s17] =	ssyncset.done $0x0  }
0x1d9: {  	[sflag:s17] =	ssyncadd.s32 $0xFFFFC800;
	s3 =	sadd.s32 s19, s12;
	s19 =	simm.s32 $0xF  }
0x1da: {  	[hbm4b:s3+s2] =	stream.linear.scatter [tilespmem:s28], [sflag:$0x10], $0x3800, $0x38;
	[tilespmem:$0x1E000] =	vst v63  }
0x1db: {  	_ =	swait.ge [sflag:s19], $0x3800  }
0x1dc: {  	[sflag:s19] =	ssyncset.done $0x0  }
0x1dd: {  	s21 =	simm.s32 $0x10;
	[sflag:s19] =	ssyncadd.s32 $0xFFFFC800  }
0x1de: {  	_ =	swait.ge [sflag:s21], $0x3800  }
0x1df: {  	s5 =	sld [smem:$0x7F8]  }
0x1e0: {  	[sflag:s21] =	ssyncset.done $0x0  }
0x1e1: {  	s12 =	simm.s32 $0x0;
	s19 =	simm.s32 $0x11;
	[sflag:s21] =	ssyncadd.s32 $0xFFFFC800  }
0x1e2: {  	[tilespmem:s12], [sflag:$0x11] =	stream.linear.gather [hbm4b:s5+s12], $0x2000, $0x38;
	[tilespmem:$0x1E000] =	vst v63  }
0x1e3: {  	_ =	swait.ge [sflag:s19], $0x2000  }
0x1e4: {  	[sflag:s19] =	ssyncset.done $0x0  }
0x1e5: {  	[sflag:s19] =	ssyncadd.s32 $0xFFFFE000  }
0x1e6: {  	[tilespmem:s20], [sflag:$0x1] =	stream.indirect.gather [hbm4b:s4+s13], $0x80, s12, s13, $0xb8;
	[tilespmem:$0x1E000] =	vst v63  }
0x1e7: {  	s21 =	simm.s32 $0x80  }
0x1e8: {  	[tilespmem:s14], [sflag:$0x2] =	stream.indirect.gather [hbm4b:s4+s13], $0x80, s21, s13, $0xb8;
	[tilespmem:$0x1E000] =	vst v63  }
0x1e9: {  	s5 =	simm.s32 $0x100  }
0x1ea: {  	[tilespmem:s23], [sflag:$0x3] =	stream.indirect.gather [hbm4b:s4+s13], $0x80, s5, s13, $0xb8;
	[tilespmem:$0x1E000] =	vst v63  }
0x1eb: {  	p5 =	por $0x1, $0x1;
	s19 =	simm.s32 $0x180  }
0x1ec: {  	[tilespmem:s22], [sflag:$0x4] =	stream.indirect.gather [hbm4b:s4+s13], $0x80, s19, s13, $0xb8;
	[tilespmem:$0x1E000] =	vst v63  }
0x1ed: {  	p0 =	por p5, p5;
	s21 =	simm.s32 $0x200  }
0x1ee: {  	[tilespmem:s24], [sflag:$0x5] =	stream.indirect.gather [hbm4b:s4+s13], $0x80, s21, s13, $0xb8;
	[tilespmem:$0x1E000] =	vst v63  }
0x1ef: {  	s16 =	simm.s32 $0x13800;
	s3 =	simm.s32 @!p0 $0xF;
	s5 =	simm.s32 $0x280  }
0x1f0: {  	[tilespmem:s16], [sflag:$0x6] =	stream.indirect.gather [hbm4b:s4+s13], $0x80, s5, s13, $0xb8;
	[tilespmem:$0x1E000] =	vst v63  }
0x1f1: {  	_ =	swait.ge @!p0 [sflag:s3], $0x3800  }
0x1f2: {  	[sflag:s3] =	ssyncset.done @!p0 $0x0  }
0x1f3: {  	s16 =	simm.s32 $0x300;
	[sflag:s3] =	ssyncadd.s32 @!p0 $0xFFFFC800  }
0x1f4: {  	[tilespmem:s25], [sflag:$0x7] =	stream.indirect.gather [hbm4b:s4+s13], $0x80, s16, s13, $0xb8;
	[tilespmem:$0x1E000] =	vst v63  }
0x1f5: {  	_ =	swait.ge [sflag:s26], $0x3800  }
0x1f6: {  	s21 =	rddreg [dreg:$0x19];
	[sflag:s26] =	ssyncset.done $0x0  }
0x1f7: {  	s5 =	simm.s32 @!p0 $0x10;
	[sflag:s26] =	ssyncadd.s32 $0xFFFFC800;
	s3 =	sadd.s32 $0x0, s21  }
0x1f8: {  	[hbm4b:s3+s2] =	stream.linear.scatter [tilespmem:s20], [sflag:$0x9], $0x3800, $0x38;
	[tilespmem:$0x1E000] =	vst v63  }
0x1f9: {  	_ =	swait.ge @!p0 [sflag:s5], $0x3800  }
0x1fa: {  	[sflag:s5] =	ssyncset.done @!p0 $0x0  }
0x1fb: {  	[sflag:s5] =	ssyncadd.s32 @!p0 $0xFFFFC800;
	s5 =	simm.s32 $0x380  }
0x1fc: {  	[tilespmem:s28], [sflag:$0x8] =	stream.indirect.gather [hbm4b:s4+s13], $0x80, s5, s13, $0xb8;
	[tilespmem:$0x1E000] =	vst v63  }
0x1fd: {  	_ =	swait.ge [sflag:s29], $0x3800  }
0x1fe: {  	s16 =	rddreg [dreg:$0x18];
	[sflag:s29] =	ssyncset.done $0x0  }
0x1ff: {  	[sflag:s29] =	ssyncadd.s32 $0xFFFFC800;
	s3 =	sadd.s32 $0x0, s16  }
0x200: {  	[hbm4b:s3+s2] =	stream.linear.scatter [tilespmem:s14], [sflag:$0xA], $0x3800, $0x38;
	[tilespmem:$0x1E000] =	vst v63  }
0x201: {  	p0 =	por $0x0, $0x0;
	_ =	swait.ge [sflag:s30], $0x3800  }
0x202: {  	s5 =	simm.s32 @!p0 $0x400;
	[sflag:s30] =	ssyncset.done $0x0  }
0x203: {  	s3 =	simm.s32 @!p0 $0x70;
	s14 =	simm.s32 @!p0 $0x2000;
	[sflag:s30] =	ssyncadd.s32 $0xFFFFC800  }
0x204: {  	[tilespmem:s14], [sflag:$0x1] =	stream.indirect.gather @!p0 [hbm4b:s4+s3], $0x80, s5, s3, $0xb8;
	[tilespmem:$0x1E000] =	vst v63  }
0x205: {  	_ =	swait.ge [sflag:s31], $0x3800  }
0x206: {  	s21 =	rddreg [dreg:$0x17];
	[sflag:s31] =	ssyncset.done $0x0  }
0x207: {  	[sflag:s31] =	ssyncadd.s32 $0xFFFFC800;
	s5 =	sadd.s32 $0x0, s21  }
0x208: {  	[hbm4b:s5+s2] =	stream.linear.scatter [tilespmem:s23], [sflag:$0xB], $0x3800, $0x38;
	[tilespmem:$0x1E000] =	vst v63  }
0x209: {  	_ =	swait.ge [sflag:s1], $0x3800  }
0x20a: {  	[sflag:s1] =	ssyncset.done $0x0  }
0x20b: {  	s14 =	simm.s32 @!p0 $0x5800;
	s5 =	simm.s32 @!p0 $0x480;
	[sflag:s1] =	ssyncadd.s32 $0xFFFFC800  }
0x20c: {  	[tilespmem:s14], [sflag:$0x2] =	stream.indirect.gather @!p0 [hbm4b:s4+s3], $0x80, s5, s3, $0xb8;
	[tilespmem:$0x1E000] =	vst v63  }
0x20d: {  	_ =	swait.ge [sflag:s0], $0x3800  }
0x20e: {  	s23 =	rddreg [dreg:$0x16];
	[sflag:s0] =	ssyncset.done $0x0  }
0x20f: {  	[sflag:s0] =	ssyncadd.s32 $0xFFFFC800;
	s5 =	sadd.s32 $0x0, s23  }
0x210: {  	[hbm4b:s5+s2] =	stream.linear.scatter [tilespmem:s22], [sflag:$0xC], $0x3800, $0x38;
	[tilespmem:$0x1E000] =	vst v63  }
0x211: {  	_ =	swait.ge [sflag:s8], $0x3800  }
0x212: {  	[sflag:s8] =	ssyncset.done $0x0  }
0x213: {  	s14 =	simm.s32 @!p0 $0x9000;
	s5 =	simm.s32 @!p0 $0x500;
	[sflag:s8] =	ssyncadd.s32 $0xFFFFC800  }
0x214: {  	[tilespmem:s14], [sflag:$0x3] =	stream.indirect.gather @!p0 [hbm4b:s4+s3], $0x80, s5, s3, $0xb8;
	[tilespmem:$0x1E000] =	vst v63  }
0x215: {  	_ =	swait.ge [sflag:s9], $0x3800  }
0x216: {  	s14 =	rddreg [dreg:$0x15];
	[sflag:s9] =	ssyncset.done $0x0  }
0x217: {  	[sflag:s9] =	ssyncadd.s32 $0xFFFFC800;
	s5 =	sadd.s32 $0x0, s14  }
0x218: {  	[hbm4b:s5+s2] =	stream.linear.scatter [tilespmem:s24], [sflag:$0xD], $0x3800, $0x38;
	[tilespmem:$0x1E000] =	vst v63  }
0x219: {  	_ =	swait.ge [sflag:s10], $0x3800  }
0x21a: {  	[sflag:s10] =	ssyncset.done $0x0  }
0x21b: {  	s14 =	simm.s32 @!p0 $0xC800;
	s5 =	simm.s32 @!p0 $0x580;
	[sflag:s10] =	ssyncadd.s32 $0xFFFFC800  }
0x21c: {  	[tilespmem:s14], [sflag:$0x4] =	stream.indirect.gather @!p0 [hbm4b:s4+s3], $0x80, s5, s3, $0xb8;
	[tilespmem:$0x1E000] =	vst v63  }
0x21d: {  	_ =	swait.ge [sflag:s11], $0x3800  }
0x21e: {  	s21 =	rddreg [dreg:$0x14];
	[sflag:s11] =	ssyncset.done $0x0  }
0x21f: {  	s19 =	simm.s32 $0x13800;
	[sflag:s11] =	ssyncadd.s32 $0xFFFFC800;
	s5 =	sadd.s32 $0x0, s21  }
0x220: {  	[hbm4b:s5+s2] =	stream.linear.scatter [tilespmem:s19], [sflag:$0xE], $0x3800, $0x38;
	[tilespmem:$0x1E000] =	vst v63  }
0x221: {  	_ =	swait.ge [sflag:s6], $0x3800  }
0x222: {  	[sflag:s6] =	ssyncset.done $0x0  }
0x223: {  	s14 =	simm.s32 @!p0 $0x10000;
	s5 =	simm.s32 @!p0 $0x600;
	[sflag:s6] =	ssyncadd.s32 $0xFFFFC800  }
0x224: {  	[tilespmem:s14], [sflag:$0x5] =	stream.indirect.gather @!p0 [hbm4b:s4+s3], $0x80, s5, s3, $0xb8;
	[tilespmem:$0x1E000] =	vst v63  }
0x225: {  	_ =	swait.ge [sflag:s7], $0x3800  }
0x226: {  	s23 =	rddreg [dreg:$0x13];
	[sflag:s7] =	ssyncset.done $0x0  }
0x227: {  	[sflag:s7] =	ssyncadd.s32 $0xFFFFC800;
	s5 =	sadd.s32 $0x0, s23  }
0x228: {  	[hbm4b:s5+s2] =	stream.linear.scatter [tilespmem:s25], [sflag:$0xF], $0x3800, $0x38;
	[tilespmem:$0x1E000] =	vst v63  }
0x229: {  	p6 =	por $0x0, $0x0;
	s16 =	simm.s32 $0xC800;
	_ =	swait.ge [sflag:s15], $0x3800  }
0x22a: {  	s22 =	simm.s32 $0x10000;
	s24 =	simm.s32 $0x13800;
	[sflag:s15] =	ssyncset.done $0x0  }
0x22b: {  	s14 =	simm.s32 @!p0 $0x13800;
	s5 =	simm.s32 $0x680;
	[sflag:s15] =	ssyncadd.s32 $0xFFFFC800  }
0x22c: {  	[tilespmem:s14], [sflag:$0x6] =	stream.indirect.gather @!p0 [hbm4b:s4+s3], $0x80, s5, s3, $0xb8;
	[tilespmem:$0x1E000] =	vst v63  }
0x22d: {  	s21 =	simm.s32 $0xA80;
	s19 =	simm.s32 $0x3800;
	_ =	swait.ge [sflag:s17], $0x3800  }
0x22e: {  	s23 =	simm.s32 $0x7000;
	p0 =	por p6, p6;
	[sflag:s17] =	ssyncset.done $0x0  }
0x22f: {  	s3 =	simm.s32 @!p0 $0xF;
	s5 =	rddreg [dreg:$0x12];
	[sflag:s17] =	ssyncadd.s32 $0xFFFFC800  }
.LBB2_6:
0x230: {  	s5 =	sadd.s32 s12, s5  }
0x231: {  	[hbm4b:s5+s2] =	stream.linear.scatter [tilespmem:s28], [sflag:$0x10], $0x3800, $0x38;
	[tilespmem:$0x1E000] =	vst v63  }
0x232: {  	_ =	swait.ge @!p0 [sflag:s3], $0x3800  }
0x233: {  	[sflag:s3] =	ssyncset.done @!p0 $0x0  }
0x234: {  	s14 =	sadd.s32 $0xFFFFFC80, s21;
	[sflag:s3] =	ssyncadd.s32 @!p0 $0xFFFFC800  }
0x235: {  	[tilespmem:s25], [sflag:$0x7] =	stream.indirect.gather [hbm4b:s4+s13], $0x80, s14, s13, $0xb8;
	[tilespmem:$0x1E000] =	vst v63  }
0x236: {  	_ =	swait.ge [sflag:s26], $0x3800  }
0x237: {  	s12 =	smov.u32 s19;
	s5 =	rddreg [dreg:$0x19];
	[sflag:s26] =	ssyncset.done $0x0  }
0x238: {  	[sflag:s26] =	ssyncadd.s32 $0xFFFFC800;
	s3 =	sadd.s32 s12, s5;
	s5 =	simm.s32 @!p0 $0x10  }
0x239: {  	[hbm4b:s3+s2] =	stream.linear.scatter [tilespmem:s20], [sflag:$0x9], $0x3800, $0x38;
	[tilespmem:$0x1E000] =	vst v63  }
0x23a: {  	_ =	swait.ge @!p0 [sflag:s5], $0x3800  }
0x23b: {  	[sflag:s5] =	ssyncset.done @!p0 $0x0  }
0x23c: {  	s14 =	sadd.s32 $0xFFFFFD00, s21;
	[sflag:s5] =	ssyncadd.s32 @!p0 $0xFFFFC800  }
0x23d: {  	[tilespmem:s28], [sflag:$0x8] =	stream.indirect.gather [hbm4b:s4+s13], $0x80, s14, s13, $0xb8;
	[tilespmem:$0x1E000] =	vst v63  }
0x23e: {  	_ =	swait.ge [sflag:s29], $0x3800  }
0x23f: {  	p2 =	seq.s32 s23, $0x0;
	s5 =	rddreg [dreg:$0x18];
	[sflag:s29] =	ssyncset.done $0x0  }
0x240: {  	s14 =	simm.s32 $0x5800;
	[sflag:s29] =	ssyncadd.s32 $0xFFFFC800;
	s3 =	sadd.s32 s12, s5  }
0x241: {  	[hbm4b:s3+s2] =	stream.linear.scatter [tilespmem:s14], [sflag:$0xA], $0x3800, $0x38;
	[tilespmem:$0x1E000] =	vst v63  }
0x242: {  	p0 =	por p2, p2;
	p2 =	seq.s32 s12, $0x18800;
	_ =	swait.ge [sflag:s30], $0x3800  }
0x243: {  	s5 =	sadd.s32 @!p2 $0xFFFFFD80, s21;
	[sflag:s30] =	ssyncset.done $0x0  }
0x244: {  	s3 =	simm.s32 @!p2 $0x70;
	s14 =	simm.s32 @!p2 $0x2000;
	[sflag:s30] =	ssyncadd.s32 $0xFFFFC800  }
0x245: {  	[tilespmem:s14], [sflag:$0x1] =	stream.indirect.gather @!p2 [hbm4b:s4+s3], $0x80, s5, s3, $0xb8;
	[tilespmem:$0x1E000] =	vst v63  }
0x246: {  	_ =	swait.ge [sflag:s31], $0x3800  }
0x247: {  	s14 =	rddreg [dreg:$0x17];
	[sflag:s31] =	ssyncset.done $0x0  }
0x248: {  	[sflag:s31] =	ssyncadd.s32 $0xFFFFC800;
	s5 =	sadd.s32 s12, s14;
	s14 =	simm.s32 $0x9000  }
0x249: {  	[hbm4b:s5+s2] =	stream.linear.scatter [tilespmem:s14], [sflag:$0xB], $0x3800, $0x38;
	[tilespmem:$0x1E000] =	vst v63  }
0x24a: {  	_ =	swait.ge [sflag:s1], $0x3800  }
0x24b: {  	[sflag:s1] =	ssyncset.done $0x0  }
0x24c: {  	s5 =	sadd.s32 @!p2 $0xFFFFFE00, s21;
	s14 =	simm.s32 @!p2 $0x5800;
	[sflag:s1] =	ssyncadd.s32 $0xFFFFC800  }
0x24d: {  	[tilespmem:s14], [sflag:$0x2] =	stream.indirect.gather @!p2 [hbm4b:s4+s3], $0x80, s5, s3, $0xb8;
	[tilespmem:$0x1E000] =	vst v63  }
0x24e: {  	_ =	swait.ge [sflag:s0], $0x3800  }
0x24f: {  	s14 =	rddreg [dreg:$0x16];
	[sflag:s0] =	ssyncset.done $0x0  }
0x250: {  	[sflag:s0] =	ssyncadd.s32 $0xFFFFC800;
	s5 =	sadd.s32 s12, s14  }
0x251: {  	[hbm4b:s5+s2] =	stream.linear.scatter [tilespmem:s16], [sflag:$0xC], $0x3800, $0x38;
	[tilespmem:$0x1E000] =	vst v63  }
0x252: {  	_ =	swait.ge [sflag:s8], $0x3800  }
0x253: {  	[sflag:s8] =	ssyncset.done $0x0  }
0x254: {  	s14 =	simm.s32 @!p2 $0x9000;
	s5 =	sadd.s32 @!p2 $0xFFFFFE80, s21;
	[sflag:s8] =	ssyncadd.s32 $0xFFFFC800  }
0x255: {  	[tilespmem:s14], [sflag:$0x3] =	stream.indirect.gather @!p2 [hbm4b:s4+s3], $0x80, s5, s3, $0xb8;
	[tilespmem:$0x1E000] =	vst v63  }
0x256: {  	_ =	swait.ge [sflag:s9], $0x3800  }
0x257: {  	s14 =	rddreg [dreg:$0x15];
	[sflag:s9] =	ssyncset.done $0x0  }
0x258: {  	[sflag:s9] =	ssyncadd.s32 $0xFFFFC800;
	s5 =	sadd.s32 s12, s14  }
0x259: {  	[hbm4b:s5+s2] =	stream.linear.scatter [tilespmem:s22], [sflag:$0xD], $0x3800, $0x38;
	[tilespmem:$0x1E000] =	vst v63  }
0x25a: {  	_ =	swait.ge [sflag:s10], $0x3800  }
0x25b: {  	[sflag:s10] =	ssyncset.done $0x0  }
0x25c: {  	s14 =	simm.s32 @!p2 $0xC800;
	s5 =	sadd.s32 @!p2 $0xFFFFFF00, s21;
	[sflag:s10] =	ssyncadd.s32 $0xFFFFC800  }
0x25d: {  	[tilespmem:s14], [sflag:$0x4] =	stream.indirect.gather @!p2 [hbm4b:s4+s3], $0x80, s5, s3, $0xb8;
	[tilespmem:$0x1E000] =	vst v63  }
0x25e: {  	_ =	swait.ge [sflag:s11], $0x3800  }
0x25f: {  	s14 =	rddreg [dreg:$0x14];
	[sflag:s11] =	ssyncset.done $0x0  }
0x260: {  	[sflag:s11] =	ssyncadd.s32 $0xFFFFC800;
	s5 =	sadd.s32 s12, s14  }
0x261: {  	[hbm4b:s5+s2] =	stream.linear.scatter [tilespmem:s24], [sflag:$0xE], $0x3800, $0x38;
	[tilespmem:$0x1E000] =	vst v63  }
0x262: {  	_ =	swait.ge [sflag:s6], $0x3800  }
0x263: {  	[sflag:s6] =	ssyncset.done $0x0  }
0x264: {  	s14 =	simm.s32 @!p2 $0x10000;
	s5 =	sadd.s32 @!p2 $0xFFFFFF80, s21;
	[sflag:s6] =	ssyncadd.s32 $0xFFFFC800  }
0x265: {  	[tilespmem:s14], [sflag:$0x5] =	stream.indirect.gather @!p2 [hbm4b:s4+s3], $0x80, s5, s3, $0xb8;
	[tilespmem:$0x1E000] =	vst v63  }
0x266: {  	_ =	swait.ge [sflag:s7], $0x3800  }
0x267: {  	s14 =	rddreg [dreg:$0x13];
	[sflag:s7] =	ssyncset.done $0x0  }
0x268: {  	[sflag:s7] =	ssyncadd.s32 $0xFFFFC800;
	s5 =	sadd.s32 s12, s14  }
0x269: {  	[hbm4b:s5+s2] =	stream.linear.scatter [tilespmem:s25], [sflag:$0xF], $0x3800, $0x38;
	[tilespmem:$0x1E000] =	vst v63  }
0x26a: {  	s19 =	smov.u32 s23;
	s23 =	sadd.s32 $0x3800, s23;
	_ =	swait.ge [sflag:s15], $0x3800  }
0x26b: {  	p1 =	sne.s32 s23, $0x1C000;
	[sflag:s15] =	ssyncset.done $0x0  }
.Ltmp2:
0x26c: {  	s5 =	simm.s32 @!p2 $0x13800;
	[sflag:s15] =	ssyncadd.s32 $0xFFFFC800;
	(pc) =	sbr.rel @p1 .LBB2_6-.Ltmp2, $4  }
0x26d: {  	[tilespmem:s5], [sflag:$0x6] =	stream.indirect.gather @!p2 [hbm4b:s4+s3], $0x80, s21, s3, $0xb8;
	[tilespmem:$0x1E000] =	vst v63  }
0x26e: {  	_ =	swait.ge [sflag:s17], $0x3800  }
0x26f: {  	s3 =	simm.s32 @!p0 $0xF;
	[sflag:s17] =	ssyncset.done $0x0  }
0x270: {  	s21 =	sadd.s32 $0x400, s21;
	s5 =	rddreg [dreg:$0x12];
	[sflag:s17] =	ssyncadd.s32 $0xFFFFC800  }
0x271: {  	s5 =	sadd.s32 s12, s5  }
0x272: {  	[hbm4b:s5+s2] =	stream.linear.scatter [tilespmem:s28], [sflag:$0x10], $0x3800, $0x38;
	[tilespmem:$0x1E000] =	vst v63  }
0x273: {  	_ =	swait.ge @!p0 [sflag:s3], $0x3800  }
0x274: {  	[sflag:s3] =	ssyncset.done @!p0 $0x0  }
0x275: {  	s14 =	sadd.s32 $0xFFFFFC80, s21;
	[sflag:s3] =	ssyncadd.s32 @!p0 $0xFFFFC800  }
0x276: {  	[tilespmem:s25], [sflag:$0x7] =	stream.indirect.gather [hbm4b:s4+s13], $0x80, s14, s13, $0xb8;
	[tilespmem:$0x1E000] =	vst v63  }
0x277: {  	_ =	swait.ge [sflag:s26], $0x3800  }
0x278: {  	s16 =	rddreg [dreg:$0x19];
	[sflag:s26] =	ssyncset.done $0x0  }
0x279: {  	s5 =	simm.s32 @!p0 $0x10;
	[sflag:s26] =	ssyncadd.s32 $0xFFFFC800;
	s3 =	sadd.s32 s19, s16  }
0x27a: {  	[hbm4b:s3+s2] =	stream.linear.scatter [tilespmem:s20], [sflag:$0x9], $0x3800, $0x38;
	[tilespmem:$0x1E000] =	vst v63  }
0x27b: {  	_ =	swait.ge @!p0 [sflag:s5], $0x3800  }
0x27c: {  	[sflag:s5] =	ssyncset.done @!p0 $0x0  }
0x27d: {  	s22 =	sadd.s32 $0xFFFFFD00, s21;
	[sflag:s5] =	ssyncadd.s32 @!p0 $0xFFFFC800  }
0x27e: {  	[tilespmem:s28], [sflag:$0x8] =	stream.indirect.gather [hbm4b:s4+s13], $0x80, s22, s13, $0xb8;
	[tilespmem:$0x1E000] =	vst v63  }
0x27f: {  	_ =	swait.ge [sflag:s29], $0x3800  }
0x280: {  	s23 =	rddreg [dreg:$0x18];
	[sflag:s29] =	ssyncset.done $0x0  }
0x281: {  	s14 =	simm.s32 $0x5800;
	[sflag:s29] =	ssyncadd.s32 $0xFFFFC800;
	s3 =	sadd.s32 s19, s23  }
0x282: {  	[hbm4b:s3+s2] =	stream.linear.scatter [tilespmem:s14], [sflag:$0xA], $0x3800, $0x38;
	[tilespmem:$0x1E000] =	vst v63  }
0x283: {  	p0 =	seq.s32 s19, $0x18800;
	_ =	swait.ge [sflag:s30], $0x3800  }
0x284: {  	s5 =	simm.s32 @!p0 $0x70;
	[sflag:s30] =	ssyncset.done $0x0  }
0x285: {  	s12 =	simm.s32 @!p0 $0x2000;
	s3 =	sadd.s32 @!p0 $0xFFFFFD80, s21;
	[sflag:s30] =	ssyncadd.s32 $0xFFFFC800  }
0x286: {  	[tilespmem:s12], [sflag:$0x1] =	stream.indirect.gather @!p0 [hbm4b:s4+s5], $0x80, s3, s5, $0xb8;
	[tilespmem:$0x1E000] =	vst v63  }
0x287: {  	_ =	swait.ge [sflag:s31], $0x3800  }
0x288: {  	s24 =	rddreg [dreg:$0x17];
	[sflag:s31] =	ssyncset.done $0x0  }
0x289: {  	s23 =	simm.s32 $0x9000;
	[sflag:s31] =	ssyncadd.s32 $0xFFFFC800;
	s3 =	sadd.s32 s19, s24  }
0x28a: {  	[hbm4b:s3+s2] =	stream.linear.scatter [tilespmem:s23], [sflag:$0xB], $0x3800, $0x38;
	[tilespmem:$0x1E000] =	vst v63  }
0x28b: {  	_ =	swait.ge [sflag:s1], $0x3800  }
0x28c: {  	[sflag:s1] =	ssyncset.done $0x0  }
0x28d: {  	s12 =	simm.s32 @!p0 $0x5800;
	s3 =	sadd.s32 @!p0 $0xFFFFFE00, s21;
	[sflag:s1] =	ssyncadd.s32 $0xFFFFC800  }
0x28e: {  	[tilespmem:s12], [sflag:$0x2] =	stream.indirect.gather @!p0 [hbm4b:s4+s5], $0x80, s3, s5, $0xb8;
	[tilespmem:$0x1E000] =	vst v63  }
0x28f: {  	_ =	swait.ge [sflag:s0], $0x3800  }
0x290: {  	s12 =	rddreg [dreg:$0x16];
	[sflag:s0] =	ssyncset.done $0x0  }
0x291: {  	s16 =	simm.s32 $0xC800;
	[sflag:s0] =	ssyncadd.s32 $0xFFFFC800;
	s3 =	sadd.s32 s19, s12  }
0x292: {  	[hbm4b:s3+s2] =	stream.linear.scatter [tilespmem:s16], [sflag:$0xC], $0x3800, $0x38;
	[tilespmem:$0x1E000] =	vst v63  }
0x293: {  	_ =	swait.ge [sflag:s8], $0x3800  }
0x294: {  	[sflag:s8] =	ssyncset.done $0x0  }
0x295: {  	s12 =	simm.s32 @!p0 $0x9000;
	s3 =	sadd.s32 @!p0 $0xFFFFFE80, s21;
	[sflag:s8] =	ssyncadd.s32 $0xFFFFC800  }
0x296: {  	[tilespmem:s12], [sflag:$0x3] =	stream.indirect.gather @!p0 [hbm4b:s4+s5], $0x80, s3, s5, $0xb8;
	[tilespmem:$0x1E000] =	vst v63  }
0x297: {  	_ =	swait.ge [sflag:s9], $0x3800  }
0x298: {  	s22 =	rddreg [dreg:$0x15];
	[sflag:s9] =	ssyncset.done $0x0  }
0x299: {  	s24 =	simm.s32 $0x10000;
	[sflag:s9] =	ssyncadd.s32 $0xFFFFC800;
	s3 =	sadd.s32 s19, s22  }
0x29a: {  	[hbm4b:s3+s2] =	stream.linear.scatter [tilespmem:s24], [sflag:$0xD], $0x3800, $0x38;
	[tilespmem:$0x1E000] =	vst v63  }
0x29b: {  	_ =	swait.ge [sflag:s10], $0x3800  }
0x29c: {  	[sflag:s10] =	ssyncset.done $0x0  }
0x29d: {  	s12 =	simm.s32 @!p0 $0xC800;
	s3 =	sadd.s32 @!p0 $0xFFFFFF00, s21;
	[sflag:s10] =	ssyncadd.s32 $0xFFFFC800  }
0x29e: {  	[tilespmem:s12], [sflag:$0x4] =	stream.indirect.gather @!p0 [hbm4b:s4+s5], $0x80, s3, s5, $0xb8;
	[tilespmem:$0x1E000] =	vst v63  }
0x29f: {  	_ =	swait.ge [sflag:s11], $0x3800  }
0x2a0: {  	s12 =	rddreg [dreg:$0x14];
	[sflag:s11] =	ssyncset.done $0x0  }
0x2a1: {  	s22 =	simm.s32 $0x13800;
	[sflag:s11] =	ssyncadd.s32 $0xFFFFC800;
	s3 =	sadd.s32 s19, s12  }
0x2a2: {  	[hbm4b:s3+s2] =	stream.linear.scatter [tilespmem:s22], [sflag:$0xE], $0x3800, $0x38;
	[tilespmem:$0x1E000] =	vst v63  }
0x2a3: {  	_ =	swait.ge [sflag:s6], $0x3800  }
0x2a4: {  	[sflag:s6] =	ssyncset.done $0x0  }
0x2a5: {  	s12 =	simm.s32 @!p0 $0x10000;
	s3 =	sadd.s32 @!p0 $0xFFFFFF80, s21;
	[sflag:s6] =	ssyncadd.s32 $0xFFFFC800  }
0x2a6: {  	[tilespmem:s12], [sflag:$0x5] =	stream.indirect.gather @!p0 [hbm4b:s4+s5], $0x80, s3, s5, $0xb8;
	[tilespmem:$0x1E000] =	vst v63  }
0x2a7: {  	_ =	swait.ge [sflag:s7], $0x3800  }
0x2a8: {  	s24 =	rddreg [dreg:$0x13];
	[sflag:s7] =	ssyncset.done $0x0  }
0x2a9: {  	[sflag:s7] =	ssyncadd.s32 $0xFFFFC800;
	s3 =	sadd.s32 s19, s24  }
0x2aa: {  	[hbm4b:s3+s2] =	stream.linear.scatter [tilespmem:s25], [sflag:$0xF], $0x3800, $0x38;
	[tilespmem:$0x1E000] =	vst v63  }
0x2ab: {  	_ =	swait.ge [sflag:s15], $0x3800  }
0x2ac: {  	[sflag:s15] =	ssyncset.done $0x0  }
0x2ad: {  	s3 =	simm.s32 @!p0 $0x13800;
	[sflag:s15] =	ssyncadd.s32 $0xFFFFC800  }
0x2ae: {  	[tilespmem:s3], [sflag:$0x6] =	stream.indirect.gather @!p0 [hbm4b:s4+s5], $0x80, s21, s5, $0xb8;
	[tilespmem:$0x1E000] =	vst v63  }
0x2af: {  	_ =	swait.ge [sflag:s17], $0x3800  }
0x2b0: {  	s5 =	rddreg [dreg:$0x12];
	[sflag:s17] =	ssyncset.done $0x0  }
0x2b1: {  	s12 =	simm.s32 $0xF;
	[sflag:s17] =	ssyncadd.s32 $0xFFFFC800;
	s3 =	sadd.s32 s19, s5  }
0x2b2: {  	[hbm4b:s3+s2] =	stream.linear.scatter [tilespmem:s28], [sflag:$0x10], $0x3800, $0x38;
	[tilespmem:$0x1E000] =	vst v63  }
0x2b3: {  	_ =	swait.ge [sflag:s12], $0x3800  }
0x2b4: {  	[sflag:s12] =	ssyncset.done $0x0  }
0x2b5: {  	s19 =	simm.s32 $0x10;
	[sflag:s12] =	ssyncadd.s32 $0xFFFFC800  }
0x2b6: {  	_ =	swait.ge [sflag:s19], $0x3800  }
0x2b7: {  	s21 =	sld [smem:$0x7FA]  }
0x2b8: {  	[sflag:s19] =	ssyncset.done $0x0  }
0x2b9: {  	s24 =	simm.s32 $0x11;
	s12 =	simm.s32 $0x0;
	[sflag:s19] =	ssyncadd.s32 $0xFFFFC800  }
0x2ba: {  	[tilespmem:s12], [sflag:$0x11] =	stream.linear.gather [hbm4b:s21+s12], $0x2000, $0x38;
	[tilespmem:$0x1E000] =	vst v63  }
0x2bb: {  	_ =	swait.ge [sflag:s24], $0x2000  }
0x2bc: {  	[sflag:s24] =	ssyncset.done $0x0  }
0x2bd: {  	[sflag:s24] =	ssyncadd.s32 $0xFFFFE000  }
0x2be: {  	[tilespmem:s20], [sflag:$0x1] =	stream.indirect.gather [hbm4b:s4+s13], $0x80, s12, s13, $0xb8;
	[tilespmem:$0x1E000] =	vst v63  }
0x2bf: {  	s5 =	simm.s32 $0x80  }
0x2c0: {  	[tilespmem:s14], [sflag:$0x2] =	stream.indirect.gather [hbm4b:s4+s13], $0x80, s5, s13, $0xb8;
	[tilespmem:$0x1E000] =	vst v63  }
0x2c1: {  	s19 =	simm.s32 $0x100  }
0x2c2: {  	[tilespmem:s23], [sflag:$0x3] =	stream.indirect.gather [hbm4b:s4+s13], $0x80, s19, s13, $0xb8;
	[tilespmem:$0x1E000] =	vst v63  }
0x2c3: {  	p5 =	por $0x1, $0x1;
	s21 =	simm.s32 $0x180;
	s19 =	simm.s32 $0xC800  }
0x2c4: {  	[tilespmem:s19], [sflag:$0x4] =	stream.indirect.gather [hbm4b:s4+s13], $0x80, s21, s13, $0xb8;
	[tilespmem:$0x1E000] =	vst v63  }
0x2c5: {  	s16 =	simm.s32 $0x10000;
	p0 =	por p5, p5;
	s24 =	simm.s32 $0x200  }
0x2c6: {  	[tilespmem:s16], [sflag:$0x5] =	stream.indirect.gather [hbm4b:s4+s13], $0x80, s24, s13, $0xb8;
	[tilespmem:$0x1E000] =	vst v63  }
0x2c7: {  	s22 =	simm.s32 $0x13800;
	s3 =	simm.s32 @!p0 $0xF;
	s5 =	simm.s32 $0x280  }
0x2c8: {  	[tilespmem:s22], [sflag:$0x6] =	stream.indirect.gather [hbm4b:s4+s13], $0x80, s5, s13, $0xb8;
	[tilespmem:$0x1E000] =	vst v63  }
0x2c9: {  	_ =	swait.ge @!p0 [sflag:s3], $0x3800  }
0x2ca: {  	[sflag:s3] =	ssyncset.done @!p0 $0x0  }
0x2cb: {  	s16 =	simm.s32 $0x300;
	[sflag:s3] =	ssyncadd.s32 @!p0 $0xFFFFC800  }
0x2cc: {  	[tilespmem:s25], [sflag:$0x7] =	stream.indirect.gather [hbm4b:s4+s13], $0x80, s16, s13, $0xb8;
	[tilespmem:$0x1E000] =	vst v63  }
0x2cd: {  	_ =	swait.ge [sflag:s26], $0x3800  }
0x2ce: {  	s22 =	sld [smem:$0x7FD];
	_ =	sdelay $0x1  }
0x2cf: {  	[sflag:s26] =	ssyncset.done $0x0  }
0x2d0: {  	s5 =	simm.s32 @!p0 $0x10;
	[sflag:s26] =	ssyncadd.s32 $0xFFFFC800;
	s3 =	sadd.s32 $0x0, s22  }
0x2d1: {  	[hbm4b:s3+s2] =	stream.linear.scatter [tilespmem:s20], [sflag:$0x9], $0x3800, $0x38;
	[tilespmem:$0x1E000] =	vst v63  }
0x2d2: {  	_ =	swait.ge @!p0 [sflag:s5], $0x3800  }
0x2d3: {  	[sflag:s5] =	ssyncset.done @!p0 $0x0  }
0x2d4: {  	s24 =	simm.s32 $0x380;
	[sflag:s5] =	ssyncadd.s32 @!p0 $0xFFFFC800  }
0x2d5: {  	[tilespmem:s28], [sflag:$0x8] =	stream.indirect.gather [hbm4b:s4+s13], $0x80, s24, s13, $0xb8;
	[tilespmem:$0x1E000] =	vst v63  }
0x2d6: {  	_ =	swait.ge [sflag:s29], $0x3800  }
0x2d7: {  	s5 =	sld [smem:$0x7FC];
	_ =	sdelay $0x1  }
0x2d8: {  	[sflag:s29] =	ssyncset.done $0x0  }
0x2d9: {  	[sflag:s29] =	ssyncadd.s32 $0xFFFFC800;
	s3 =	sadd.s32 $0x0, s5  }
0x2da: {  	[hbm4b:s3+s2] =	stream.linear.scatter [tilespmem:s14], [sflag:$0xA], $0x3800, $0x38;
	[tilespmem:$0x1E000] =	vst v63  }
0x2db: {  	p0 =	por $0x0, $0x0;
	_ =	swait.ge [sflag:s30], $0x3800  }
0x2dc: {  	s5 =	simm.s32 @!p0 $0x400;
	[sflag:s30] =	ssyncset.done $0x0  }
0x2dd: {  	s3 =	simm.s32 @!p0 $0x70;
	s14 =	simm.s32 @!p0 $0x2000;
	[sflag:s30] =	ssyncadd.s32 $0xFFFFC800  }
0x2de: {  	[tilespmem:s14], [sflag:$0x1] =	stream.indirect.gather @!p0 [hbm4b:s4+s3], $0x80, s5, s3, $0xb8;
	[tilespmem:$0x1E000] =	vst v63  }
0x2df: {  	_ =	swait.ge [sflag:s31], $0x3800  }
0x2e0: {  	s16 =	rddreg [dreg:$0x1f];
	[sflag:s31] =	ssyncset.done $0x0  }
0x2e1: {  	[sflag:s31] =	ssyncadd.s32 $0xFFFFC800;
	s5 =	sadd.s32 $0x0, s16  }
0x2e2: {  	[hbm4b:s5+s2] =	stream.linear.scatter [tilespmem:s23], [sflag:$0xB], $0x3800, $0x38;
	[tilespmem:$0x1E000] =	vst v63  }
0x2e3: {  	_ =	swait.ge [sflag:s1], $0x3800  }
0x2e4: {  	[sflag:s1] =	ssyncset.done $0x0  }
0x2e5: {  	s14 =	simm.s32 @!p0 $0x5800;
	s5 =	simm.s32 @!p0 $0x480;
	[sflag:s1] =	ssyncadd.s32 $0xFFFFC800  }
0x2e6: {  	[tilespmem:s14], [sflag:$0x2] =	stream.indirect.gather @!p0 [hbm4b:s4+s3], $0x80, s5, s3, $0xb8;
	[tilespmem:$0x1E000] =	vst v63  }
0x2e7: {  	_ =	swait.ge [sflag:s0], $0x3800  }
0x2e8: {  	s23 =	rddreg [dreg:$0x1e];
	[sflag:s0] =	ssyncset.done $0x0  }
0x2e9: {  	[sflag:s0] =	ssyncadd.s32 $0xFFFFC800;
	s5 =	sadd.s32 $0x0, s23  }
0x2ea: {  	[hbm4b:s5+s2] =	stream.linear.scatter [tilespmem:s19], [sflag:$0xC], $0x3800, $0x38;
	[tilespmem:$0x1E000] =	vst v63  }
0x2eb: {  	_ =	swait.ge [sflag:s8], $0x3800  }
0x2ec: {  	[sflag:s8] =	ssyncset.done $0x0  }
0x2ed: {  	s14 =	simm.s32 @!p0 $0x9000;
	s5 =	simm.s32 @!p0 $0x500;
	[sflag:s8] =	ssyncadd.s32 $0xFFFFC800  }
0x2ee: {  	[tilespmem:s14], [sflag:$0x3] =	stream.indirect.gather @!p0 [hbm4b:s4+s3], $0x80, s5, s3, $0xb8;
	[tilespmem:$0x1E000] =	vst v63  }
0x2ef: {  	_ =	swait.ge [sflag:s9], $0x3800  }
0x2f0: {  	s14 =	rddreg [dreg:$0x1d];
	[sflag:s9] =	ssyncset.done $0x0  }
0x2f1: {  	s21 =	simm.s32 $0x10000;
	[sflag:s9] =	ssyncadd.s32 $0xFFFFC800;
	s5 =	sadd.s32 $0x0, s14  }
0x2f2: {  	[hbm4b:s5+s2] =	stream.linear.scatter [tilespmem:s21], [sflag:$0xD], $0x3800, $0x38;
	[tilespmem:$0x1E000] =	vst v63  }
0x2f3: {  	_ =	swait.ge [sflag:s10], $0x3800  }
0x2f4: {  	[sflag:s10] =	ssyncset.done $0x0  }
0x2f5: {  	s14 =	simm.s32 @!p0 $0xC800;
	s5 =	simm.s32 @!p0 $0x580;
	[sflag:s10] =	ssyncadd.s32 $0xFFFFC800  }
0x2f6: {  	[tilespmem:s14], [sflag:$0x4] =	stream.indirect.gather @!p0 [hbm4b:s4+s3], $0x80, s5, s3, $0xb8;
	[tilespmem:$0x1E000] =	vst v63  }
0x2f7: {  	_ =	swait.ge [sflag:s11], $0x3800  }
0x2f8: {  	s19 =	rddreg [dreg:$0x1c];
	[sflag:s11] =	ssyncset.done $0x0  }
0x2f9: {  	s21 =	simm.s32 $0x13800;
	[sflag:s11] =	ssyncadd.s32 $0xFFFFC800;
	s5 =	sadd.s32 $0x0, s19  }
0x2fa: {  	[hbm4b:s5+s2] =	stream.linear.scatter [tilespmem:s21], [sflag:$0xE], $0x3800, $0x38;
	[tilespmem:$0x1E000] =	vst v63  }
0x2fb: {  	_ =	swait.ge [sflag:s6], $0x3800  }
0x2fc: {  	[sflag:s6] =	ssyncset.done $0x0  }
0x2fd: {  	s14 =	simm.s32 @!p0 $0x10000;
	s5 =	simm.s32 @!p0 $0x600;
	[sflag:s6] =	ssyncadd.s32 $0xFFFFC800  }
0x2fe: {  	[tilespmem:s14], [sflag:$0x5] =	stream.indirect.gather @!p0 [hbm4b:s4+s3], $0x80, s5, s3, $0xb8;
	[tilespmem:$0x1E000] =	vst v63  }
0x2ff: {  	_ =	swait.ge [sflag:s7], $0x3800  }
0x300: {  	s23 =	rddreg [dreg:$0x1b];
	[sflag:s7] =	ssyncset.done $0x0  }
0x301: {  	[sflag:s7] =	ssyncadd.s32 $0xFFFFC800;
	s5 =	sadd.s32 $0x0, s23  }
0x302: {  	[hbm4b:s5+s2] =	stream.linear.scatter [tilespmem:s25], [sflag:$0xF], $0x3800, $0x38;
	[tilespmem:$0x1E000] =	vst v63  }
0x303: {  	p6 =	por $0x0, $0x0;
	s22 =	simm.s32 $0x5800;
	_ =	swait.ge [sflag:s15], $0x3800  }
0x304: {  	s24 =	simm.s32 $0x9000;
	s16 =	simm.s32 $0xC800;
	[sflag:s15] =	ssyncset.done $0x0  }
0x305: {  	s14 =	simm.s32 @!p0 $0x13800;
	s5 =	simm.s32 $0x680;
	[sflag:s15] =	ssyncadd.s32 $0xFFFFC800  }
0x306: {  	[tilespmem:s14], [sflag:$0x6] =	stream.indirect.gather @!p0 [hbm4b:s4+s3], $0x80, s5, s3, $0xb8;
	[tilespmem:$0x1E000] =	vst v63  }
0x307: {  	s19 =	simm.s32 $0x3800;
	s21 =	simm.s32 $0xA80;
	_ =	swait.ge [sflag:s17], $0x3800  }
0x308: {  	s23 =	simm.s32 $0x7000;
	p0 =	por p6, p6;
	[sflag:s17] =	ssyncset.done $0x0  }
0x309: {  	s3 =	simm.s32 @!p0 $0xF;
	s5 =	rddreg [dreg:$0x1a];
	[sflag:s17] =	ssyncadd.s32 $0xFFFFC800  }
.LBB2_8:
0x30a: {  	s5 =	sadd.s32 s12, s5  }
0x30b: {  	[hbm4b:s5+s2] =	stream.linear.scatter [tilespmem:s28], [sflag:$0x10], $0x3800, $0x38;
	[tilespmem:$0x1E000] =	vst v63  }
0x30c: {  	_ =	swait.ge @!p0 [sflag:s3], $0x3800  }
0x30d: {  	[sflag:s3] =	ssyncset.done @!p0 $0x0  }
0x30e: {  	s14 =	sadd.s32 $0xFFFFFC80, s21;
	[sflag:s3] =	ssyncadd.s32 @!p0 $0xFFFFC800  }
0x30f: {  	[tilespmem:s25], [sflag:$0x7] =	stream.indirect.gather [hbm4b:s4+s13], $0x80, s14, s13, $0xb8;
	[tilespmem:$0x1E000] =	vst v63  }
0x310: {  	_ =	swait.ge [sflag:s26], $0x3800  }
0x311: {  	s5 =	sld [smem:$0x7FD];
	_ =	sdelay $0x1  }
0x312: {  	s12 =	smov.u32 s19;
	[sflag:s26] =	ssyncset.done $0x0  }
0x313: {  	[sflag:s26] =	ssyncadd.s32 $0xFFFFC800;
	s3 =	sadd.s32 s12, s5;
	s5 =	simm.s32 @!p0 $0x10  }
0x314: {  	[hbm4b:s3+s2] =	stream.linear.scatter [tilespmem:s20], [sflag:$0x9], $0x3800, $0x38;
	[tilespmem:$0x1E000] =	vst v63  }
0x315: {  	_ =	swait.ge @!p0 [sflag:s5], $0x3800  }
0x316: {  	[sflag:s5] =	ssyncset.done @!p0 $0x0  }
0x317: {  	s14 =	sadd.s32 $0xFFFFFD00, s21;
	[sflag:s5] =	ssyncadd.s32 @!p0 $0xFFFFC800  }
0x318: {  	[tilespmem:s28], [sflag:$0x8] =	stream.indirect.gather [hbm4b:s4+s13], $0x80, s14, s13, $0xb8;
	[tilespmem:$0x1E000] =	vst v63  }
0x319: {  	_ =	swait.ge [sflag:s29], $0x3800  }
0x31a: {  	s5 =	sld [smem:$0x7FC];
	_ =	sdelay $0x1  }
0x31b: {  	[sflag:s29] =	ssyncset.done $0x0  }
0x31c: {  	p2 =	seq.s32 s23, $0x0;
	[sflag:s29] =	ssyncadd.s32 $0xFFFFC800;
	s3 =	sadd.s32 s12, s5  }
0x31d: {  	[hbm4b:s3+s2] =	stream.linear.scatter [tilespmem:s22], [sflag:$0xA], $0x3800, $0x38;
	[tilespmem:$0x1E000] =	vst v63  }
0x31e: {  	p0 =	por p2, p2;
	p2 =	seq.s32 s12, $0x18800;
	_ =	swait.ge [sflag:s30], $0x3800  }
0x31f: {  	s14 =	simm.s32 @!p2 $0x2000;
	[sflag:s30] =	ssyncset.done $0x0  }
0x320: {  	s5 =	sadd.s32 @!p2 $0xFFFFFD80, s21;
	s3 =	simm.s32 @!p2 $0x70;
	[sflag:s30] =	ssyncadd.s32 $0xFFFFC800  }
0x321: {  	[tilespmem:s14], [sflag:$0x1] =	stream.indirect.gather @!p2 [hbm4b:s4+s3], $0x80, s5, s3, $0xb8;
	[tilespmem:$0x1E000] =	vst v63  }
0x322: {  	_ =	swait.ge [sflag:s31], $0x3800  }
0x323: {  	s14 =	rddreg [dreg:$0x1f];
	[sflag:s31] =	ssyncset.done $0x0  }
0x324: {  	[sflag:s31] =	ssyncadd.s32 $0xFFFFC800;
	s5 =	sadd.s32 s12, s14  }
0x325: {  	[hbm4b:s5+s2] =	stream.linear.scatter [tilespmem:s24], [sflag:$0xB], $0x3800, $0x38;
	[tilespmem:$0x1E000] =	vst v63  }
0x326: {  	_ =	swait.ge [sflag:s1], $0x3800  }
0x327: {  	[sflag:s1] =	ssyncset.done $0x0  }
0x328: {  	s14 =	simm.s32 @!p2 $0x5800;
	s5 =	sadd.s32 @!p2 $0xFFFFFE00, s21;
	[sflag:s1] =	ssyncadd.s32 $0xFFFFC800  }
0x329: {  	[tilespmem:s14], [sflag:$0x2] =	stream.indirect.gather @!p2 [hbm4b:s4+s3], $0x80, s5, s3, $0xb8;
	[tilespmem:$0x1E000] =	vst v63  }
0x32a: {  	_ =	swait.ge [sflag:s0], $0x3800  }
0x32b: {  	s14 =	rddreg [dreg:$0x1e];
	[sflag:s0] =	ssyncset.done $0x0  }
0x32c: {  	[sflag:s0] =	ssyncadd.s32 $0xFFFFC800;
	s5 =	sadd.s32 s12, s14  }
0x32d: {  	[hbm4b:s5+s2] =	stream.linear.scatter [tilespmem:s16], [sflag:$0xC], $0x3800, $0x38;
	[tilespmem:$0x1E000] =	vst v63  }
0x32e: {  	_ =	swait.ge [sflag:s8], $0x3800  }
0x32f: {  	[sflag:s8] =	ssyncset.done $0x0  }
0x330: {  	s14 =	simm.s32 @!p2 $0x9000;
	s5 =	sadd.s32 @!p2 $0xFFFFFE80, s21;
	[sflag:s8] =	ssyncadd.s32 $0xFFFFC800  }
0x331: {  	[tilespmem:s14], [sflag:$0x3] =	stream.indirect.gather @!p2 [hbm4b:s4+s3], $0x80, s5, s3, $0xb8;
	[tilespmem:$0x1E000] =	vst v63  }
0x332: {  	_ =	swait.ge [sflag:s9], $0x3800  }
0x333: {  	s14 =	rddreg [dreg:$0x1d];
	[sflag:s9] =	ssyncset.done $0x0  }
0x334: {  	[sflag:s9] =	ssyncadd.s32 $0xFFFFC800;
	s5 =	sadd.s32 s12, s14;
	s14 =	simm.s32 $0x10000  }
0x335: {  	[hbm4b:s5+s2] =	stream.linear.scatter [tilespmem:s14], [sflag:$0xD], $0x3800, $0x38;
	[tilespmem:$0x1E000] =	vst v63  }
0x336: {  	_ =	swait.ge [sflag:s10], $0x3800  }
0x337: {  	[sflag:s10] =	ssyncset.done $0x0  }
0x338: {  	s5 =	sadd.s32 @!p2 $0xFFFFFF00, s21;
	s14 =	simm.s32 @!p2 $0xC800;
	[sflag:s10] =	ssyncadd.s32 $0xFFFFC800  }
0x339: {  	[tilespmem:s14], [sflag:$0x4] =	stream.indirect.gather @!p2 [hbm4b:s4+s3], $0x80, s5, s3, $0xb8;
	[tilespmem:$0x1E000] =	vst v63  }
0x33a: {  	_ =	swait.ge [sflag:s11], $0x3800  }
0x33b: {  	s14 =	rddreg [dreg:$0x1c];
	[sflag:s11] =	ssyncset.done $0x0  }
0x33c: {  	[sflag:s11] =	ssyncadd.s32 $0xFFFFC800;
	s5 =	sadd.s32 s12, s14;
	s14 =	simm.s32 $0x13800  }
0x33d: {  	[hbm4b:s5+s2] =	stream.linear.scatter [tilespmem:s14], [sflag:$0xE], $0x3800, $0x38;
	[tilespmem:$0x1E000] =	vst v63  }
0x33e: {  	_ =	swait.ge [sflag:s6], $0x3800  }
0x33f: {  	[sflag:s6] =	ssyncset.done $0x0  }
0x340: {  	s5 =	sadd.s32 @!p2 $0xFFFFFF80, s21;
	s14 =	simm.s32 @!p2 $0x10000;
	[sflag:s6] =	ssyncadd.s32 $0xFFFFC800  }
0x341: {  	[tilespmem:s14], [sflag:$0x5] =	stream.indirect.gather @!p2 [hbm4b:s4+s3], $0x80, s5, s3, $0xb8;
	[tilespmem:$0x1E000] =	vst v63  }
0x342: {  	_ =	swait.ge [sflag:s7], $0x3800  }
0x343: {  	s14 =	rddreg [dreg:$0x1b];
	[sflag:s7] =	ssyncset.done $0x0  }
0x344: {  	[sflag:s7] =	ssyncadd.s32 $0xFFFFC800;
	s5 =	sadd.s32 s12, s14  }
0x345: {  	[hbm4b:s5+s2] =	stream.linear.scatter [tilespmem:s25], [sflag:$0xF], $0x3800, $0x38;
	[tilespmem:$0x1E000] =	vst v63  }
0x346: {  	s19 =	smov.u32 s23;
	s23 =	sadd.s32 $0x3800, s23;
	_ =	swait.ge [sflag:s15], $0x3800  }
0x347: {  	p1 =	sne.s32 s23, $0x1C000;
	[sflag:s15] =	ssyncset.done $0x0  }
.Ltmp3:
0x348: {  	s5 =	simm.s32 @!p2 $0x13800;
	[sflag:s15] =	ssyncadd.s32 $0xFFFFC800;
	(pc) =	sbr.rel @p1 .LBB2_8-.Ltmp3, $4  }
0x349: {  	[tilespmem:s5], [sflag:$0x6] =	stream.indirect.gather @!p2 [hbm4b:s4+s3], $0x80, s21, s3, $0xb8;
	[tilespmem:$0x1E000] =	vst v63  }
0x34a: {  	_ =	swait.ge [sflag:s17], $0x3800  }
0x34b: {  	s3 =	simm.s32 @!p0 $0xF;
	[sflag:s17] =	ssyncset.done $0x0  }
0x34c: {  	s21 =	sadd.s32 $0x400, s21;
	s5 =	rddreg [dreg:$0x1a];
	[sflag:s17] =	ssyncadd.s32 $0xFFFFC800  }
0x34d: {  	s5 =	sadd.s32 s12, s5  }
0x34e: {  	[hbm4b:s5+s2] =	stream.linear.scatter [tilespmem:s28], [sflag:$0x10], $0x3800, $0x38;
	[tilespmem:$0x1E000] =	vst v63  }
0x34f: {  	_ =	swait.ge @!p0 [sflag:s3], $0x3800  }
0x350: {  	[sflag:s3] =	ssyncset.done @!p0 $0x0  }
0x351: {  	s12 =	sadd.s32 $0xFFFFFC80, s21;
	[sflag:s3] =	ssyncadd.s32 @!p0 $0xFFFFC800  }
0x352: {  	[tilespmem:s25], [sflag:$0x7] =	stream.indirect.gather [hbm4b:s4+s13], $0x80, s12, s13, $0xb8;
	[tilespmem:$0x1E000] =	vst v63  }
0x353: {  	_ =	swait.ge [sflag:s26], $0x3800  }
0x354: {  	s14 =	sld [smem:$0x7FD];
	_ =	sdelay $0x1  }
0x355: {  	[sflag:s26] =	ssyncset.done $0x0  }
0x356: {  	s5 =	simm.s32 @!p0 $0x10;
	[sflag:s26] =	ssyncadd.s32 $0xFFFFC800;
	s3 =	sadd.s32 s19, s14  }
0x357: {  	[hbm4b:s3+s2] =	stream.linear.scatter [tilespmem:s20], [sflag:$0x9], $0x3800, $0x38;
	[tilespmem:$0x1E000] =	vst v63  }
0x358: {  	_ =	swait.ge @!p0 [sflag:s5], $0x3800  }
0x359: {  	[sflag:s5] =	ssyncset.done @!p0 $0x0  }
0x35a: {  	s23 =	sadd.s32 $0xFFFFFD00, s21;
	[sflag:s5] =	ssyncadd.s32 @!p0 $0xFFFFC800  }
0x35b: {  	[tilespmem:s28], [sflag:$0x8] =	stream.indirect.gather [hbm4b:s4+s13], $0x80, s23, s13, $0xb8;
	[tilespmem:$0x1E000] =	vst v63  }
0x35c: {  	_ =	swait.ge [sflag:s29], $0x3800  }
0x35d: {  	s5 =	sld [smem:$0x7FC];
	_ =	sdelay $0x1  }
0x35e: {  	[sflag:s29] =	ssyncset.done $0x0  }
0x35f: {  	[sflag:s29] =	ssyncadd.s32 $0xFFFFC800;
	s3 =	sadd.s32 s19, s5  }
0x360: {  	[hbm4b:s3+s2] =	stream.linear.scatter [tilespmem:s22], [sflag:$0xA], $0x3800, $0x38;
	[tilespmem:$0x1E000] =	vst v63  }
0x361: {  	p0 =	seq.s32 s19, $0x18800;
	_ =	swait.ge [sflag:s30], $0x3800  }
0x362: {  	s12 =	simm.s32 @!p0 $0x2000;
	[sflag:s30] =	ssyncset.done $0x0  }
0x363: {  	s5 =	simm.s32 @!p0 $0x70;
	s3 =	sadd.s32 @!p0 $0xFFFFFD80, s21;
	[sflag:s30] =	ssyncadd.s32 $0xFFFFC800  }
0x364: {  	[tilespmem:s12], [sflag:$0x1] =	stream.indirect.gather @!p0 [hbm4b:s4+s5], $0x80, s3, s5, $0xb8;
	[tilespmem:$0x1E000] =	vst v63  }
0x365: {  	_ =	swait.ge [sflag:s31], $0x3800  }
0x366: {  	s12 =	rddreg [dreg:$0x1f];
	[sflag:s31] =	ssyncset.done $0x0  }
0x367: {  	[sflag:s31] =	ssyncadd.s32 $0xFFFFC800;
	s3 =	sadd.s32 s19, s12  }
0x368: {  	[hbm4b:s3+s2] =	stream.linear.scatter [tilespmem:s24], [sflag:$0xB], $0x3800, $0x38;
	[tilespmem:$0x1E000] =	vst v63  }
0x369: {  	_ =	swait.ge [sflag:s1], $0x3800  }
0x36a: {  	[sflag:s1] =	ssyncset.done $0x0  }
0x36b: {  	s12 =	simm.s32 @!p0 $0x5800;
	s3 =	sadd.s32 @!p0 $0xFFFFFE00, s21;
	[sflag:s1] =	ssyncadd.s32 $0xFFFFC800  }
0x36c: {  	[tilespmem:s12], [sflag:$0x2] =	stream.indirect.gather @!p0 [hbm4b:s4+s5], $0x80, s3, s5, $0xb8;
	[tilespmem:$0x1E000] =	vst v63  }
0x36d: {  	_ =	swait.ge [sflag:s0], $0x3800  }
0x36e: {  	s14 =	rddreg [dreg:$0x1e];
	[sflag:s0] =	ssyncset.done $0x0  }
0x36f: {  	[sflag:s0] =	ssyncadd.s32 $0xFFFFC800;
	s3 =	sadd.s32 s19, s14  }
0x370: {  	[hbm4b:s3+s2] =	stream.linear.scatter [tilespmem:s16], [sflag:$0xC], $0x3800, $0x38;
	[tilespmem:$0x1E000] =	vst v63  }
0x371: {  	_ =	swait.ge [sflag:s8], $0x3800  }
0x372: {  	[sflag:s8] =	ssyncset.done $0x0  }
0x373: {  	s12 =	simm.s32 @!p0 $0x9000;
	s3 =	sadd.s32 @!p0 $0xFFFFFE80, s21;
	[sflag:s8] =	ssyncadd.s32 $0xFFFFC800  }
0x374: {  	[tilespmem:s12], [sflag:$0x3] =	stream.indirect.gather @!p0 [hbm4b:s4+s5], $0x80, s3, s5, $0xb8;
	[tilespmem:$0x1E000] =	vst v63  }
0x375: {  	_ =	swait.ge [sflag:s9], $0x3800  }
0x376: {  	s16 =	rddreg [dreg:$0x1d];
	[sflag:s9] =	ssyncset.done $0x0  }
0x377: {  	s22 =	simm.s32 $0x10000;
	[sflag:s9] =	ssyncadd.s32 $0xFFFFC800;
	s3 =	sadd.s32 s19, s16  }
0x378: {  	[hbm4b:s3+s2] =	stream.linear.scatter [tilespmem:s22], [sflag:$0xD], $0x3800, $0x38;
	[tilespmem:$0x1E000] =	vst v63  }
0x379: {  	_ =	swait.ge [sflag:s10], $0x3800  }
0x37a: {  	[sflag:s10] =	ssyncset.done $0x0  }
0x37b: {  	s12 =	simm.s32 @!p0 $0xC800;
	s3 =	sadd.s32 @!p0 $0xFFFFFF00, s21;
	[sflag:s10] =	ssyncadd.s32 $0xFFFFC800  }
0x37c: {  	[tilespmem:s12], [sflag:$0x4] =	stream.indirect.gather @!p0 [hbm4b:s4+s5], $0x80, s3, s5, $0xb8;
	[tilespmem:$0x1E000] =	vst v63  }
0x37d: {  	_ =	swait.ge [sflag:s11], $0x3800  }
0x37e: {  	s23 =	rddreg [dreg:$0x1c];
	[sflag:s11] =	ssyncset.done $0x0  }
0x37f: {  	s24 =	simm.s32 $0x13800;
	[sflag:s11] =	ssyncadd.s32 $0xFFFFC800;
	s3 =	sadd.s32 s19, s23  }
0x380: {  	[hbm4b:s3+s2] =	stream.linear.scatter [tilespmem:s24], [sflag:$0xE], $0x3800, $0x38;
	[tilespmem:$0x1E000] =	vst v63  }
0x381: {  	_ =	swait.ge [sflag:s6], $0x3800  }
0x382: {  	[sflag:s6] =	ssyncset.done $0x0  }
0x383: {  	s12 =	simm.s32 @!p0 $0x10000;
	s3 =	sadd.s32 @!p0 $0xFFFFFF80, s21;
	[sflag:s6] =	ssyncadd.s32 $0xFFFFC800  }
0x384: {  	[tilespmem:s12], [sflag:$0x5] =	stream.indirect.gather @!p0 [hbm4b:s4+s5], $0x80, s3, s5, $0xb8;
	[tilespmem:$0x1E000] =	vst v63  }
0x385: {  	_ =	swait.ge [sflag:s7], $0x3800  }
0x386: {  	s14 =	rddreg [dreg:$0x1b];
	[sflag:s7] =	ssyncset.done $0x0  }
0x387: {  	[sflag:s7] =	ssyncadd.s32 $0xFFFFC800;
	s3 =	sadd.s32 s19, s14  }
0x388: {  	[hbm4b:s3+s2] =	stream.linear.scatter [tilespmem:s25], [sflag:$0xF], $0x3800, $0x38;
	[tilespmem:$0x1E000] =	vst v63  }
0x389: {  	_ =	swait.ge [sflag:s15], $0x3800  }
0x38a: {  	[sflag:s15] =	ssyncset.done $0x0  }
0x38b: {  	s3 =	simm.s32 @!p0 $0x13800;
	[sflag:s15] =	ssyncadd.s32 $0xFFFFC800  }
0x38c: {  	[tilespmem:s3], [sflag:$0x6] =	stream.indirect.gather @!p0 [hbm4b:s4+s5], $0x80, s21, s5, $0xb8;
	[tilespmem:$0x1E000] =	vst v63  }
0x38d: {  	_ =	swait.ge [sflag:s17], $0x3800  }
0x38e: {  	s16 =	rddreg [dreg:$0x1a];
	[sflag:s17] =	ssyncset.done $0x0  }
0x38f: {  	s21 =	simm.s32 $0xF;
	s3 =	sadd.s32 s19, s16;
	[sflag:s17] =	ssyncadd.s32 $0xFFFFC800  }
0x390: {  	[hbm4b:s3+s2] =	stream.linear.scatter [tilespmem:s28], [sflag:$0x10], $0x3800, $0x38;
	[tilespmem:$0x1E000] =	vst v63  }
0x391: {  	_ =	swait.ge [sflag:s21], $0x3800  }
0x392: {  	[sflag:s21] =	ssyncset.done $0x0  }
0x393: {  	s22 =	simm.s32 $0x10;
	[sflag:s21] =	ssyncadd.s32 $0xFFFFC800  }
0x394: {  	_ =	swait.ge [sflag:s22], $0x3800  }
0x395: {  	s23 =	sld [smem:$0x7F4]  }
0x396: {  	s24 =	sld [smem:$0x7FB];
	_ =	sdelay $0x1  }
0x397: {  	s12 =	sadd.s32 $0x1, s23  }
0x398: {  	p0 =	sne.s32 s12, s24  }
.Ltmp4:
0x399: {  	_ = 	snop;
	(pc) =	sbr.rel @p0 .LBB2_1-.Ltmp4, $3  }
0x39a: {  	_ =	sdelay $0x1  }
0x39b: {  	[sflag:s22] =	ssyncset.done $0x0  }
0x39c: {  	[sflag:s22] =	ssyncadd.s32 $0xFFFFC800  }
0x39d: {  	_ =	sfence.sel $0x180000  }
0x39e: {  	[bflag:$0x0] =	sbarrier.arrive $0xFFFF  }
0x39f: {  	_ =	strace $0x90000047  }
0x3a0: {  	s0 =	stileid.u32;
	[bflag:$0x2] =	sbarrier.arrive $0xFFFF  }
0x3a1: {  	p0 =	sne.s32 s0, $0x0;
	s0 =	rddreg [dreg:$0x2]  }
0x3a2: {  	s0 =	sadd.s32 @!p0 $0x100000, s0  }
0x3a3: {  	[sflag:s0] =	ssyncadd.tile.s32 @!p0 $0x1;
	_ =	shalt  }
.Lfunc_end2:
_tile_overlayer_lowered:
.L_overlay_start_2:
0x3a4: {  	(tag) =	ssettag $0x2  }
0x3a5: {  	s0 =	rddreg [dreg:$0x0];
	s2 =	stileid.u32  }
0x3a6: {  	s1 =	rddreg [dreg:$0x1];
	p0 =	sne.s32 s2, $0x0  }
0x3a7: {  	s3 =	rddreg [dreg:$0x2];
	[bflag:$0x3] =	sbarrier.arrive $0xFFFF;
	s2 =	simm.s32 @!p0 $0x1C11  }
0x3a8: {  	[timem:s3], [sflag:s2] =	dma.local @!p0 [hbm:s0], s1  }
0x3a9: {  	s0 =	simm.s32 @!p0 $0x11  }
0x3aa: {  	_ =	swait.ge @!p0 [sflag:s0], s1  }
0x3ab: {  	s1 =	ssub.s32 @!p0 $0x0, s1;
	[sflag:s0] =	ssyncset.done @!p0 $0x0  }
0x3ac: {  	[sflag:s0] =	ssyncadd.s32 @!p0 s1  }
0x3ad: {  	[bflag:$0x3] =	sbarrier.arrive $0xFFFF  }
0x3ae: {  	_ =	shalt  }

// kernel: sparse-core-data-format-call.cloned.1.call-start
scs
called_computation_lowered:
.L_overlay_start_0:
0x0: {  	s2 =	sld [smem:$0x3FD9]  }
0x1: {  	s3 =	sld [smem:$0x3FFE];
	_ =	sdelay $0x1  }
0x2: {  	s1 =	srdreg.scid  }
0x3: {  	s0 =	sand.u32 $0x1, s1  }
0x4: {  	s18 =	sshll.u32 s0, $0xA;
	s2 =	sadd.s32 s3, s2  }
0x5: {  	s2 =	sadd.s32 s2, s18  }
0x6: {  	[smem:$0x3FC6] =	sst s2  }
0x7: {  	_ = 	snop  }
0x8: {  	s2 =	sld [smem:$0x3FD0];
	(tm) =	ssettm $0x1  }
0x9: {  	s19 =	sld [smem:$0x3FFB];
	_ =	sdelay $0x3  }
0xa: {  	_ =	strace s19  }
0xb: {  	s3 =	sld [smem:$0x3FFC];
	_ =	sdelay $0x3  }
0xc: {  	_ =	strace s3  }
0xd: {  	s3 =	sld [smem:$0x3FFD];
	_ =	sdelay $0x3  }
0xe: {  	_ =	strace s3  }
0xf: {  	_ =	strace $0x8FFFFFFF  }
0x10: {  	s20 =	sld [smem:$0x3FDB];
	_ =	sdelay $0x1  }
0x11: {  	s4 =	simm.s32 $_scs_section_size  }
0x12: {  	s5 =	simm.s32 $_size__tile_overlayer_lowered;
	s6 =	simm.s32 $_tile_overlayer_lowered  }
0x13: {  	s23 =	simm.s32 $0x1BFF;
	s22 =	sshll.u32 s6, $0x1;
	s3 =	sadd.s32 s4, s20  }
0x14: {  	s7 =	simm.s32 $0x0;
	s21 =	sshll.u32 s5, $0x1;
	s5 =	sadd.s32 s22, s3  }
0x15: {  	[timem:s7], [sflag:s23] =	dma.local [hbm:s5], s21  }
0x16: {  	_ =	swait.ge [sflag:s23], s21  }
0x17: {  	s4 =	ssub.s32 $0x0, s21;
	[sflag:s23] =	ssyncset.done $0x0  }
0x18: {  	[sflag:s23] =	ssyncadd.s32 s4;
	_ =	sdelay $0x1  }
0x19: {  	s24 =	simm.s32 $0x1B8B  }
0x1a: {  	_ =	swait.ge [sflag:s24], $0x1  }
0x1b: {  	[sflag:s24] =	ssyncset.done $0x0  }
0x1c: {  	s26 =	simm.s32 $0x1B8E;
	s25 =	sld [smem:$0x3FFE];
	[sflag:s24] =	ssyncadd.s32 $0xFFFFFFFF  }
0x1d: {  	s27 =	simm.s32 $execute0_lowered;
	[smem:$0x3FD2] =	sst s26  }
0x1e: {  	s5 =	sshll.u32 s27, $0x1;
	_ =	strace $0x80000049;
	[dreg:$0x1] =	wrdreg $0xFFFFFFFF  }
0x1f: {  	s28 =	simm.s32 $_size_execute0_lowered;
	s3 =	sadd.s32 s3, s5;
	[dreg:$0x0] =	wrdreg $0x0  }
0x20: {  	s5 =	sshll.u32 s28, $0x1;
	[dreg:$0x2] =	wrdreg s3  }
0x21: {  	[dreg:$0x3] =	wrdreg s5  }
0x22: {  	[dreg:$0x4] =	wrdreg $0xC0  }
0x23: {  	_ =	task [dreg:s7], $0x5FFFF  }
0x24: {  	[dreg:$0x1] =	wrdreg $0xFFFFFFFF  }
0x25: {  	[dreg:$0x0] =	wrdreg $0x60  }
0x26: {  	[dreg:$0x2] =	wrdreg s25  }
0x27: {  	[dreg:$0x3] =	wrdreg s2  }
0x28: {  	[dreg:$0x4] =	wrdreg $0x9  }
0x29: {  	_ =	task.clear_ibuf [dreg:s7], $0x5FFFF;
	_ =	strace $0x90000049  }
0x2a: {  	s29 =	simm.s32 $0x9;
	_ =	strace $0x8000004B  }
0x2b: {  	_ =	swait.ge [sflag:s29], $0x1  }
0x2c: {  	[sflag:s29] =	ssyncadd.s32 $0xFFFFFFFF  }
0x2d: {  	_ =	strace $0x9000004B  }
0x2e: {  	_ =	sfence  }
0x2f: {  	s30 =	sld [smem:$0x0];
	_ =	sdelay $0x2  }
0x30: {  	s31 =	sshll.u32 s1, $0xD;
	s1 =	sshrl.u32 s1, $0x2  }
0x31: {  	s3 =	sand.u32 $0x4000, s31;
	s1 =	sadd.s32 s1, s30  }
0x32: {  	s0 =	sor.u32 s3, s0;
	s1 =	sshll.u32 s1, $0x11  }
0x33: {  	s0 =	sor.u32 s1, s0  }
0x34: {  	s0 =	sadd.s32 $0x8F2B, s0  }
0x35: {  	[sflag:s0] =	ssyncadd.remote.s32 $0x1  }
0x36: {  	_ =	sfence.sel $0xFFFF  }
0x37: {  	[dreg:$0x0] =	wrdreg $0xFFFFFFFF;
	(pc) =	sbr.abs _section_cstart, $3  }
0x38: {  	[dreg:$0x1] =	wrdreg $0xFFFFFFFF  }
0x39: {  	_ =	task.clear_ibuf [dreg:s7], $0x2FFFF;
	_ =	strace $0x9FFFFFFF  }
0x3a: {  	(tm) =	ssettm $0x7FFFFFFF  }
0x3b: {  	_ =	shalt  }
tec
execute0_lowered:
.L_overlay_start_1:
0x0: {  	(tag) =	ssettag $0x1  }
0x1: {  	s0 =	srdreg.scid  }
0x2: {  	s1 =	sshll.u32 s0, $0x4  }
0x3: {  	s0 =	stileid.u32;
	s1 =	sand.u32 $0x10, s1  }
0x4: {  	s1 =	sor.u32 s0, s1  }
0x5: {  	s6 =	rddreg [dreg:$0x0];
	s4 =	simm.s32 $0x1;
	s2 =	sshll.u32 s1, $0x7  }
0x6: {  	s7 =	simm.s32 $0x2;
	s12 =	simm.s32 $0x0;
	s1 =	ssub.s32 $0x4000, s2  }
0x7: {  	s8 =	simm.s32 $0x20000;
	s13 =	simm.s32 $0x0;
	s3 =	sand.u32 $0xF80, s1  }
0x8: {  	s9 =	simm.s32 $0x0;
	s5 =	sshrl.u32 s1, $0xC;
	p0 =	sne.s32 s3, $0x0  }
.Ltmp0:
0x9: {  	s1 =	rddreg [dreg:$0x2];
	s4 =	simm.s32 @!p0 $0x0;
	(pc) =	sbr.rel .LBB1_1-.Ltmp0, $4  }
0xa: {  	s11 =	simm.s32 $0x0;
	s3 =	rddreg [dreg:$0x1];
	s5 =	sadd.s32 s4, s5  }
0xb: {  	_ =	strace $0x8000004A;
	s4 =	simm.s32 $0x1;
	s5 =	smul.u32 $0x32, s5  }
0xc: {  	s6 =	sadd.s32 $0x400, s6;
	s10 =	smov.u32 s2;
	[sflag:s4] =	ssyncpa.u1 $0x0  }
0xd: {  	p0 =	por $0x0, $0x0;
	[sflag:s7] =	ssyncpa.u1 $0x0;
	s7 =	sor.u32 $0x1, s5  }
.LBB1_4:
0xe: {  	s16 =	sshll.u32 s13, $0x3;
	s17 =	sand.u32 $0x78, s13  }
0xf: {  	s30 =	sand.u32 $0x1F800, s13;
	s12 =	sshll.u32 s12, $0x11;
	s16 =	sand.u32 $0x3C00, s16  }
0x10: {  	[tilespmem:s15+$0x810 ss:$0x81] =	vst.msk $0xffff, v2;
	s31 =	sand.u32 $0x7, s13;
	s16 =	sor.u32 s17, s16;
	s17 =	sadd.s32 s3, s30  }
0x11: {  	[tilespmem:s15+$0x1020 ss:$0x81] =	vst.msk $0xffff, v0;
	s13 =	sshll.u32 s31, $0x12;
	s12 =	sadd.s32 s12, s17;
	s16 =	sshrl.u32 s16, $0x3  }
0x12: {  	[tilespmem:s15+$0x0 ss:$0x81] =	vst.msk $0xffff, v1;
	s13 =	sor.u32 $0x400, s13;
	s12 =	sadd.s32 s16, s12  }
0x13: {  	[hbm4b:s12+s13] =	stream.strided.scatter [tilespmem:s14], [sflag:$0x2], $0x2000, s8, s13, $0x20;
	[tilespmem:$0x8080] =	vst v63  }
.LBB1_5:
0x14: {  	s14 =	sadd.s32 $0x1, s9  }
0x15: {  	s12 =	sadd.s32 $0x1000, s10;
	s16 =	smov.u32 s10;
	p2 =	sgt.s32 s14, $0x31  }
0x16: {  	s16 =	smov.u32 @p2 s12  }
0x17: {  	s14 =	simm.s32 @p2 $0x0;
	p2 =	sgt.s32 s16, $0x3FFF  }
0x18: {  	s16 =	smov.u32 @p2 s2;
	p2 =	sne.s32 s11, s7  }
.Ltmp1:
0x19: {  	p1 =	slt.u32 s11, $0x2;
	(pc) =	sbr.rel @!p2 .LBB1_6-.Ltmp1, $4  }
0x1a: {  	s15 =	simm.s32 @!p1 $0x2  }
0x1b: {  	s13 =	smov.u32 s10;
	p0 =	por !p0, !p0;
	_ =	swait.ge @!p1 [sflag:s15], $0x2000  }
0x1c: {  	s12 =	smov.u32 s9;
	[sflag:s15] =	ssyncset.done @!p1 $0x0;
	s9 =	smov.u32 s14  }
0x1d: {  	s11 =	sadd.s32 $0x1, s11;
	[sflag:s15] =	ssyncadd.s32 @!p1 $0xFFFFE000;
	s10 =	smov.u32 s16  }
.LBB1_1:
0x1e: {  	p1 =	sge.u32 s11, s5  }
0x1f: {  	s14 =	sand.u32 @!p1 $0x1FFFFFF, s9  }
0x20: {  	s15 =	smulhi.u32 @!p1 $0x4924925, s14;
	_ =	sdelay $0x1  }
0x21: {  	s15 =	smul.u32 @!p1 $0x38, s15  }
0x22: {  	s16 =	sxor.u32 @!p1 $0xFFFFFFFF, s11;
	s17 =	smul.u32 @!p1 $0x380, s10  }
0x23: {  	s31 =	sadd.s32 $0xFFFFFFFF, s11;
	s16 =	sshll.u32 @!p1 s16, $0xD;
	s14 =	ssub.s32 @!p1 s14, s15  }
0x24: {  	s15 =	sand.u32 @!p1 $0x2000, s16;
	s16 =	sadd.s32 @!p1 s6, s17;
	s14 =	sshll.u32 @!p1 s14, $0x4  }
0x25: {  	s17 =	simm.s32 @!p1 $0x1C00;
	s14 =	sadd.s32 @!p1 s14, s16;
	s16 =	simm.s32 @!p1 $0x40  }
0x26: {  	[tilespmem:s15], [sflag:$0x1] =	stream.strided.gather @!p1 [hbm4b:s14+s16], $0x2000, s17, s16, $0x38;
	[tilespmem:$0x8080] =	vst v63  }
0x27: {  	p1 =	sge.u32 s31, s5  }
.Ltmp2:
0x28: {  	_ = 	snop;
	(pc) =	sbr.rel @p1 .LBB1_5-.Ltmp2, $1  }
0x29: {  	_ =	sdelay $0x3  }
0x2a: {  	s14 =	simm.s32 $0x1  }
0x2b: {  	_ =	swait.ge [sflag:s4], $0x2000;
	s14 =	simm.s32 @!p0 $0x0  }
0x2c: {  	[sflag:s4] =	ssyncset.done $0x0;
	s15 =	sshll.u32 s14, $0xD  }
0x2d: {  	[sflag:s4] =	ssyncadd.s32 $0xFFFFE000;
	s18 =	sor.u32 $0x20, s15  }
0x2e: {  	s14 =	smul.u32 $0x8100, s14;
	v3 =	vld [tilespmem:s18+$0x10]  }
0x2f: {  	s30 =	sand.u32 $0x1, s11;
	v2 =	vld [tilespmem:s18+$0xFFFFFFF0]  }
0x30: {  	s15 =	smul.u32 $0x8100, s30;
	s14 =	sshrl.u32 s14, $0x2;
	v0 =	vld [tilespmem:s18+$0x0]  }
0x31: {  	v1 =	vld [tilespmem:s18+$0xFFFFFFE0];
	s16 =	sor.u32 $0x4000, s14  }
0x32: {  	s31 =	sshrl.u32 s15, $0x2;
	s15 =	sadd.s32 $0x0, s16  }
0x33: {  	s17 =	simm.s32 $0x4;
	s18 =	sadd.s32 $0x40, s18;
	s14 =	sor.u32 $0x4000, s31;
	[tilespmem:s15+$0x1830 ss:$0x81] =	vst.msk $0xffff, v3  }
.LBB1_3:
0x34: {  	v3 =	vld [tilespmem:s18+$0x10];
	p1 =	sne.s32 s17, $0x1FC;
	[tilespmem:s15+$0x810 ss:$0x81] =	vst.msk $0xffff, v2;
	s19 =	smov.u32 s17;
	s17 =	sadd.s32 $0x4, s17  }
.Ltmp3:
0x35: {  	v2 =	vld [tilespmem:s18+$0xFFFFFFF0];
	[tilespmem:s15+$0x1020 ss:$0x81] =	vst.msk $0xffff, v0;
	(pc) =	sbr.rel @p1 .LBB1_3-.Ltmp3, $4  }
0x36: {  	v0 =	vld [tilespmem:s18+$0x0];
	[tilespmem:s15+$0x0 ss:$0x81] =	vst.msk $0xffff, v1  }
0x37: {  	s15 =	sshra.s32 s19, $0x2;
	v1 =	vld [tilespmem:s18+$0xFFFFFFE0]  }
0x38: {  	s15 =	sadd.s32 s15, s16  }
0x39: {  	s18 =	sadd.s32 $0x40, s18;
	[tilespmem:s15+$0x1830 ss:$0x81] =	vst.msk $0xffff, v3  }
.Ltmp4:
0x3a: {  	_ = 	snop;
	(pc) =	sbr.rel .LBB1_4-.Ltmp4, $1  }
0x3b: {  	_ =	sdelay $0x3  }
.LBB1_6:
0x3c: {  	_ =	sfence.sel $0x180000  }
0x3d: {  	s2 =	simm.s32 $0x1;
	[bflag:$0x0] =	sbarrier.arrive $0xFFFF  }
0x3e: {  	s31 =	simm.s32 $0x2;
	[sflag:s2] =	ssyncpa.u1 $0x1  }
0x3f: {  	[sflag:s31] =	ssyncpa.u1 $0x1  }
0x40: {  	p0 =	sne.s32 s0, $0x0;
	_ =	strace $0x9000004A  }
0x41: {  	s0 =	sadd.s32 @!p0 $0x100000, s1;
	[bflag:$0x2] =	sbarrier.arrive $0xFFFF  }
0x42: {  	[sflag:s0] =	ssyncadd.tile.s32 @!p0 $0x1;
	_ =	shalt  }
.Lfunc_end1:
_tile_overlayer_lowered:
.L_overlay_start_2:
0x43: {  	(tag) =	ssettag $0x2  }
0x44: {  	s0 =	rddreg [dreg:$0x0];
	s2 =	stileid.u32  }
0x45: {  	s1 =	rddreg [dreg:$0x1];
	p0 =	sne.s32 s2, $0x0  }
0x46: {  	s3 =	rddreg [dreg:$0x2];
	[bflag:$0x3] =	sbarrier.arrive $0xFFFF;
	s2 =	simm.s32 @!p0 $0x1C01  }
0x47: {  	[timem:s3], [sflag:s2] =	dma.local @!p0 [hbm:s0], s1  }
0x48: {  	s0 =	simm.s32 @!p0 $0x1  }
0x49: {  	_ =	swait.ge @!p0 [sflag:s0], s1  }
0x4a: {  	s1 =	ssub.s32 @!p0 $0x0, s1;
	[sflag:s0] =	ssyncset.done @!p0 $0x0  }
0x4b: {  	[sflag:s0] =	ssyncadd.s32 @!p0 s1  }
0x4c: {  	[bflag:$0x3] =	sbarrier.arrive $0xFFFF  }
0x4d: {  	_ =	shalt  }

</sc_bundles>
